<compile_context>
chip_gen: v7x
topology: tpu7x:2x2x1
jax: 0.10.2.dev20260603
libtpu: 0.0.44.dev20260713+nightly
codegen_flags: <defaults>
</compile_context>

<pallas_src>
import functools

import jax
import jax.numpy as jnp
from jax import lax
from jax.experimental import pallas as pl
from jax.experimental.pallas import tpu as pltpu
from jax.experimental.pallas import tpu_sc as plsc

_ACTION_DIM = 7
_BATCH = 16384
_LANES = 16
_NC = 2
_NS = 16
_NW = _NC * _NS
_RPW = _BATCH // _NW


def _sanitize(x):
    return jnp.where(jnp.abs(x) < jnp.inf, x, jnp.float32(0.0))


def _mask_sc_kernel(cols_hbm, out_hbm, p0_vm, p4_vm, ex_vm, obuf, mbuf,
                    red_vm, shared, parts_vm):
    cid = lax.axis_index("c")
    sid = lax.axis_index("s")
    wid = cid * _NS + sid
    base = wid * _RPW
    red_rows = _BATCH // _NS
    red_base = sid * red_rows

    pltpu.sync_copy(cols_hbm.at[pl.ds(red_base, red_rows)], red_vm)
    pltpu.sync_copy(cols_hbm.at[pl.ds(base, _RPW)], p0_vm)
    pltpu.sync_copy(cols_hbm.at[pl.ds(_BATCH + base, _RPW)], p4_vm)
    pltpu.sync_copy(cols_hbm.at[pl.ds(2 * _BATCH + base, _RPW)], ex_vm)

    m = _sanitize(red_vm[pl.ds(0, _LANES)])
    for i in range(1, red_rows // _LANES):
        m = jnp.minimum(m, _sanitize(red_vm[pl.ds(i * _LANES, _LANES)]))

    mbuf[pl.ds(0, _LANES)] = m
    pltpu.sync_copy(mbuf.at[pl.ds(0, _LANES)], shared.at[sid])
    plsc.subcore_barrier()
    pltpu.sync_copy(shared, parts_vm)
    m = parts_vm[0, pl.ds(0, _LANES)]
    for i in range(1, _NS):
        m = jnp.minimum(m, parts_vm[i, pl.ds(0, _LANES)])

    mbuf[pl.ds(0, _LANES)] = m
    mbuf[pl.ds(_LANES, _LANES)] = m
    for s in (8, 4, 2, 1):
        v = jnp.minimum(mbuf[pl.ds(0, _LANES)], mbuf[pl.ds(s, _LANES)])
        mbuf[pl.ds(0, _LANES)] = v
        mbuf[pl.ds(_LANES, _LANES)] = v
    ones = jnp.ones((_LANES,), dtype=jnp.int32)
    zeros = jnp.zeros((_LANES,), dtype=jnp.int32)

    allhas32 = jnp.where(mbuf[pl.ds(0, _LANES)] > 0.5, ones, zeros)

    for j in range(_RPW // _LANES):
        o = j * _LANES
        p0 = _sanitize(p0_vm[pl.ds(o, _LANES)])
        p4 = _sanitize(p4_vm[pl.ds(o, _LANES)])
        ex = _sanitize(ex_vm[pl.ds(o, _LANES)])

        has32 = jnp.where(p0 > 0.5, ones, zeros)
        nothx32 = jnp.where(ex < 0.9, ones, zeros)
        asl32 = jnp.where(p4 >= 0.9, ones, zeros)

        buy32 = (ones - has32) * nothx32
        c632 = has32 * nothx32 * (ones - asl32 * allhas32)

        obuf[0, pl.ds(o, _LANES)] = ones
        obuf[1, pl.ds(o, _LANES)] = buy32
        obuf[2, pl.ds(o, _LANES)] = buy32
        obuf[3, pl.ds(o, _LANES)] = buy32
        obuf[4, pl.ds(o, _LANES)] = has32
        obuf[5, pl.ds(o, _LANES)] = has32
        obuf[6, pl.ds(o, _LANES)] = c632

    for c in range(_ACTION_DIM):
        pltpu.sync_copy(obuf.at[pl.ds(c, 1)],
                        out_hbm.at[pl.ds(c, 1), pl.ds(base, _RPW)])


@jax.jit
def kernel(position, portfolio):
    position = position.astype(jnp.float32)
    portfolio = portfolio.astype(jnp.float32)
    cols = jnp.concatenate(
        [position[:, 0], position[:, 4], portfolio[:, 2]], axis=0
    )
    mesh = plsc.VectorSubcoreMesh(core_axis_name="c", subcore_axis_name="s")
    sc_call = functools.partial(
        pl.kernel,
        mesh=mesh,
        out_type=jax.ShapeDtypeStruct((_ACTION_DIM, _BATCH), jnp.int32),
        scratch_types=[
            pltpu.VMEM((_RPW,), jnp.float32),
            pltpu.VMEM((_RPW,), jnp.float32),
            pltpu.VMEM((_RPW,), jnp.float32),
            pltpu.VMEM((_ACTION_DIM, _RPW), jnp.int32),
            pltpu.VMEM((2 * _LANES,), jnp.float32),
            pltpu.VMEM((_BATCH // _NS,), jnp.float32),
            pltpu.VMEM_SHARED((_NS, _LANES), jnp.float32),
            pltpu.VMEM((_NS, _LANES), jnp.float32),
        ],
    )(_mask_sc_kernel)
    raw = sc_call(cols)
    return raw.T.astype(jnp.bool_)

# --- scband reference (transcript-rebuilt; emitter-appended) ---
"""Pipeline reference for scband-action-masker-82033875353606 (READ-ONLY COPY).

The authoritative reference and input builder live on the scoring server;
editing this copy changes nothing except your own understanding.
"""

import jax, jax.numpy as jnp
import numpy as np

ACTION_DIM = 7
EXPOSURE_THRESHOLD = 0.9
BUY_INDICES = [1, 2, 3]
SELL_INDICES = [4, 5, 6]
INCREASE_INDICES = [1, 2, 3, 6]
BATCH = 16384


def setup_inputs(seed: int = 0) -> dict:
    key = jax.random.key(seed)
    k1, k2 = jax.random.split(key)
    position = jax.random.uniform(k1, (BATCH, 5), dtype=jnp.float32)
    portfolio = jax.random.uniform(k2, (BATCH, 8), dtype=jnp.float32)
    return {"position": position, "portfolio": portfolio}


def _set_col(mask, idx, cond, value):
    # mask[cond, idx] = value  (row-conditional column write)
    return mask.at[:, idx].set(jnp.where(cond, value, mask[:, idx]))


def reference(position, portfolio):
    position = jnp.nan_to_num(position.astype(jnp.float32), nan=0.0, posinf=0.0, neginf=0.0)
    portfolio = jnp.nan_to_num(portfolio.astype(jnp.float32), nan=0.0, posinf=0.0, neginf=0.0)
    batch_size = position.shape[0]

    indicator = position[:, 0]
    size_pct = position[:, 4] if position.shape[1] > 4 else jnp.zeros_like(indicator)
    has_position = indicator > 0.5
    no_position = ~has_position
    exposure = portfolio[:, 2] if portfolio.shape[1] > 2 else jnp.zeros_like(indicator)
    high_exposure = exposure >= EXPOSURE_THRESHOLD

    mask = jnp.ones((batch_size, ACTION_DIM), dtype=bool)

    for idx in SELL_INDICES:
        mask = _set_col(mask, idx, no_position, False)
    for idx in BUY_INDICES:
        mask = _set_col(mask, idx, has_position, False)
    for idx in SELL_INDICES:
        mask = _set_col(mask, idx, has_position, True)
    for idx in INCREASE_INDICES:
        mask = _set_col(mask, idx, high_exposure, False)

    add_index = INCREASE_INDICES[-1]
    any_no_position = jnp.any(no_position)
    mask = _set_col(mask, add_index, no_position, False)
    at_size_limit = size_pct >= EXPOSURE_THRESHOLD
    mask = _set_col(mask, add_index, (~any_no_position) & at_size_limit, False)

    mask = mask.at[:, 0].set(True)

    sell_matrix = mask[:, jnp.array(SELL_INDICES)]
    sells_available = jnp.any(sell_matrix, axis=1)
    missing = has_position & (~sells_available)
    mask = _set_col(mask, SELL_INDICES[0], missing, True)

    return mask

if __name__ == "__main__":
    import jax
    _d = setup_inputs()
    print(jax.jit(kernel)(*tuple(_d.values())))

</pallas_src>

<mosaic_0001>
#map = affine_map<(d0, d1) -> (0)>
#map1 = affine_map<(d0, d1) -> (0, 0)>
module attributes {stable_mosaic.version = 14 : i64} {
  func.func @_mask_sc_kernel(%arg0: i32, %arg1: i32, %arg2: memref<49152xf32, #tpu.memory_space<hbm>>, %arg3: memref<7x16384xi32, #tpu.memory_space<hbm>>, %arg4: memref<512xf32, #tpu.memory_space<vmem>>, %arg5: memref<512xf32, #tpu.memory_space<vmem>>, %arg6: memref<512xf32, #tpu.memory_space<vmem>>, %arg7: memref<7x512xi32, #tpu.memory_space<vmem>>, %arg8: memref<32xf32, #tpu.memory_space<vmem>>, %arg9: memref<1024xf32, #tpu.memory_space<vmem>>, %arg10: memref<16x16xf32, #tpu.memory_space<vmem_shared>>, %arg11: memref<16x16xf32, #tpu.memory_space<vmem>>) attributes {dimension_semantics = [#tpu.dimension_semantics<core_parallel>, #tpu.dimension_semantics<subcore_parallel>], iteration_bounds = array<i64: 2, 16>, scalar_prefetch = 0 : i64, scratch_operands = 8 : i64, tpu.core_type = #tpu.core_type<sc_vector_subcore>, window_params = [{transform_indices = #map}, {transform_indices = #map1}]} {
    %mul3A = arith.constant 16 : i32
    %mul3A_0 = arith.muli %arg0, %mul3A : i32
    %add3A = arith.addi %mul3A_0, %arg1 : i32
    %mul3A_1 = arith.constant 512 : i32
    %mul3A_2 = arith.muli %add3A, %mul3A_1 : i32
    %mul3A_3 = arith.constant 1024 : i32
    %mul3A_4 = arith.muli %arg1, %mul3A_3 : i32
    "tpu.region"() ({
      %run_scoped3A = tpu.sem_alloc : memref<!tpu.dma_semaphore, #tpu.memory_space<semaphore_mem>>
      %dma_start3A = tpu.memref_slice %arg2[%mul3A_4] : memref<49152xf32, #tpu.memory_space<hbm>> -> memref<1024xf32, #tpu.memory_space<hbm>>
      %dma_start3A_3759 = tpu.memref_slice %arg2[%mul3A_4] : memref<49152xf32, #tpu.memory_space<hbm>> -> memref<1024xf32, #tpu.memory_space<hbm>>
      tpu.enqueue_dma source(%dma_start3A_3759 : memref<1024xf32, #tpu.memory_space<hbm>>) target(%arg9 : memref<1024xf32, #tpu.memory_space<vmem>>) target_semaphore(%run_scoped3A : memref<!tpu.dma_semaphore, #tpu.memory_space<semaphore_mem>>)
      %dma_wait3A = tpu.memref_slice %arg2[%mul3A_4] : memref<49152xf32, #tpu.memory_space<hbm>> -> memref<1024xf32, #tpu.memory_space<hbm>>
      %dma_wait3A_3760 = tpu.memref_slice %arg2[%mul3A_4] : memref<49152xf32, #tpu.memory_space<hbm>> -> memref<1024xf32, #tpu.memory_space<hbm>>
      tpu.wait_dma2 semaphore(%run_scoped3A : memref<!tpu.dma_semaphore, #tpu.memory_space<semaphore_mem>>) src(%dma_wait3A_3760 : memref<1024xf32, #tpu.memory_space<hbm>>) dst(%arg9 : memref<1024xf32, #tpu.memory_space<vmem>>)
      tpu.yield
    }) : () -> ()
    "tpu.region"() ({
      %run_scoped3A = tpu.sem_alloc : memref<!tpu.dma_semaphore, #tpu.memory_space<semaphore_mem>>
      %dma_start3A = tpu.memref_slice %arg2[%mul3A_2] : memref<49152xf32, #tpu.memory_space<hbm>> -> memref<512xf32, #tpu.memory_space<hbm>>
      %dma_start3A_3759 = tpu.memref_slice %arg2[%mul3A_2] : memref<49152xf32, #tpu.memory_space<hbm>> -> memref<512xf32, #tpu.memory_space<hbm>>
      tpu.enqueue_dma source(%dma_start3A_3759 : memref<512xf32, #tpu.memory_space<hbm>>) target(%arg4 : memref<512xf32, #tpu.memory_space<vmem>>) target_semaphore(%run_scoped3A : memref<!tpu.dma_semaphore, #tpu.memory_space<semaphore_mem>>)
      %dma_wait3A = tpu.memref_slice %arg2[%mul3A_2] : memref<49152xf32, #tpu.memory_space<hbm>> -> memref<512xf32, #tpu.memory_space<hbm>>
      %dma_wait3A_3760 = tpu.memref_slice %arg2[%mul3A_2] : memref<49152xf32, #tpu.memory_space<hbm>> -> memref<512xf32, #tpu.memory_space<hbm>>
      tpu.wait_dma2 semaphore(%run_scoped3A : memref<!tpu.dma_semaphore, #tpu.memory_space<semaphore_mem>>) src(%dma_wait3A_3760 : memref<512xf32, #tpu.memory_space<hbm>>) dst(%arg4 : memref<512xf32, #tpu.memory_space<vmem>>)
      tpu.yield
    }) : () -> ()
    %add3A_5 = arith.constant 16384 : i32
    %add3A_6 = arith.addi %add3A_5, %mul3A_2 : i32
    "tpu.region"() ({
      %run_scoped3A = tpu.sem_alloc : memref<!tpu.dma_semaphore, #tpu.memory_space<semaphore_mem>>
      %dma_start3A = tpu.memref_slice %arg2[%add3A_6] : memref<49152xf32, #tpu.memory_space<hbm>> -> memref<512xf32, #tpu.memory_space<hbm>>
      %dma_start3A_3759 = tpu.memref_slice %arg2[%add3A_6] : memref<49152xf32, #tpu.memory_space<hbm>> -> memref<512xf32, #tpu.memory_space<hbm>>
      tpu.enqueue_dma source(%dma_start3A_3759 : memref<512xf32, #tpu.memory_space<hbm>>) target(%arg5 : memref<512xf32, #tpu.memory_space<vmem>>) target_semaphore(%run_scoped3A : memref<!tpu.dma_semaphore, #tpu.memory_space<semaphore_mem>>)
      %dma_wait3A = tpu.memref_slice %arg2[%add3A_6] : memref<49152xf32, #tpu.memory_space<hbm>> -> memref<512xf32, #tpu.memory_space<hbm>>
      %dma_wait3A_3760 = tpu.memref_slice %arg2[%add3A_6] : memref<49152xf32, #tpu.memory_space<hbm>> -> memref<512xf32, #tpu.memory_space<hbm>>
      tpu.wait_dma2 semaphore(%run_scoped3A : memref<!tpu.dma_semaphore, #tpu.memory_space<semaphore_mem>>) src(%dma_wait3A_3760 : memref<512xf32, #tpu.memory_space<hbm>>) dst(%arg5 : memref<512xf32, #tpu.memory_space<vmem>>)
      tpu.yield
    }) : () -> ()
    %add3A_7 = arith.constant 32768 : i32
    %add3A_8 = arith.addi %add3A_7, %mul3A_2 : i32
    "tpu.region"() ({
      %run_scoped3A = tpu.sem_alloc : memref<!tpu.dma_semaphore, #tpu.memory_space<semaphore_mem>>
      %dma_start3A = tpu.memref_slice %arg2[%add3A_8] : memref<49152xf32, #tpu.memory_space<hbm>> -> memref<512xf32, #tpu.memory_space<hbm>>
      %dma_start3A_3759 = tpu.memref_slice %arg2[%add3A_8] : memref<49152xf32, #tpu.memory_space<hbm>> -> memref<512xf32, #tpu.memory_space<hbm>>
      tpu.enqueue_dma source(%dma_start3A_3759 : memref<512xf32, #tpu.memory_space<hbm>>) target(%arg6 : memref<512xf32, #tpu.memory_space<vmem>>) target_semaphore(%run_scoped3A : memref<!tpu.dma_semaphore, #tpu.memory_space<semaphore_mem>>)
      %dma_wait3A = tpu.memref_slice %arg2[%add3A_8] : memref<49152xf32, #tpu.memory_space<hbm>> -> memref<512xf32, #tpu.memory_space<hbm>>
      %dma_wait3A_3760 = tpu.memref_slice %arg2[%add3A_8] : memref<49152xf32, #tpu.memory_space<hbm>> -> memref<512xf32, #tpu.memory_space<hbm>>
      tpu.wait_dma2 semaphore(%run_scoped3A : memref<!tpu.dma_semaphore, #tpu.memory_space<semaphore_mem>>) src(%dma_wait3A_3760 : memref<512xf32, #tpu.memory_space<hbm>>) dst(%arg6 : memref<512xf32, #tpu.memory_space<vmem>>)
      tpu.yield
    }) : () -> ()
    %get3A = arith.constant 0 : index
    %get3A_9 = tpu.vector_load %arg9[%get3A] {strides = array<i32>} : memref<1024xf32, #tpu.memory_space<vmem>>, vector<16xf32>,
    %get3A_10 = vector.shape_cast %get3A_9 : vector<16xf32> to vector<16xf32>
    %abs3A = math.absf %get3A_10 : vector<16xf32>
    %lt3A = arith.constant 0x7F800000 : f32
    %lt3A_11 = vector.broadcast %lt3A : f32 to vector<16xf32>
    %lt3A_12 = arith.cmpf olt, %abs3A, %lt3A_11 : vector<16xf32>
    %jit3A = arith.constant 0.000000e+00 : f32
    %broadcast_in_dim3A = vector.broadcast %jit3A : f32 to vector<16xf32>
    %select_n3A = arith.select %lt3A_12, %get3A_10, %broadcast_in_dim3A : vector<16xi1>, vector<16xf32>
    %get3A_13 = arith.constant 16 : index
    %get3A_14 = tpu.vector_load %arg9[%get3A_13] {strides = array<i32>} : memref<1024xf32, #tpu.memory_space<vmem>>, vector<16xf32>,
    %get3A_15 = vector.shape_cast %get3A_14 : vector<16xf32> to vector<16xf32>
    %abs3A_16 = math.absf %get3A_15 : vector<16xf32>
    %lt3A_17 = arith.constant 0x7F800000 : f32
    %lt3A_18 = vector.broadcast %lt3A_17 : f32 to vector<16xf32>
    %lt3A_19 = arith.cmpf olt, %abs3A_16, %lt3A_18 : vector<16xf32>
    %jit3A_20 = arith.constant 0.000000e+00 : f32
    %broadcast_in_dim3A_21 = vector.broadcast %jit3A_20 : f32 to vector<16xf32>
    %select_n3A_22 = arith.select %lt3A_19, %get3A_15, %broadcast_in_dim3A_21 : vector<16xi1>, vector<16xf32>
    %min3A = arith.minimumf %select_n3A, %select_n3A_22 : vector<16xf32>
    %get3A_23 = arith.constant 32 : index
    %get3A_24 = tpu.vector_load %arg9[%get3A_23] {strides = array<i32>} : memref<1024xf32, #tpu.memory_space<vmem>>, vector<16xf32>,
    %get3A_25 = vector.shape_cast %get3A_24 : vector<16xf32> to vector<16xf32>
    %abs3A_26 = math.absf %get3A_25 : vector<16xf32>
    %lt3A_27 = arith.constant 0x7F800000 : f32
    %lt3A_28 = vector.broadcast %lt3A_27 : f32 to vector<16xf32>
    %lt3A_29 = arith.cmpf olt, %abs3A_26, %lt3A_28 : vector<16xf32>
    %jit3A_30 = arith.constant 0.000000e+00 : f32
    %broadcast_in_dim3A_31 = vector.broadcast %jit3A_30 : f32 to vector<16xf32>
    %select_n3A_32 = arith.select %lt3A_29, %get3A_25, %broadcast_in_dim3A_31 : vector<16xi1>, vector<16xf32>
    %min3A_33 = arith.minimumf %min3A, %select_n3A_32 : vector<16xf32>
    %get3A_34 = arith.constant 48 : index
    %get3A_35 = tpu.vector_load %arg9[%get3A_34] {strides = array<i32>} : memref<1024xf32, #tpu.memory_space<vmem>>, vector<16xf32>,
    %get3A_36 = vector.shape_cast %get3A_35 : vector<16xf32> to vector<16xf32>
    %abs3A_37 = math.absf %get3A_36 : vector<16xf32>
    %lt3A_38 = arith.constant 0x7F800000 : f32
    %lt3A_39 = vector.broadcast %lt3A_38 : f32 to vector<16xf32>
    %lt3A_40 = arith.cmpf olt, %abs3A_37, %lt3A_39 : vector<16xf32>
    %jit3A_41 = arith.constant 0.000000e+00 : f32
    %broadcast_in_dim3A_42 = vector.broadcast %jit3A_41 : f32 to vector<16xf32>
    %select_n3A_43 = arith.select %lt3A_40, %get3A_36, %broadcast_in_dim3A_42 : vector<16xi1>, vector<16xf32>
    %min3A_44 = arith.minimumf %min3A_33, %select_n3A_43 : vector<16xf32>
    %get3A_45 = arith.constant 64 : index
    %get3A_46 = tpu.vector_load %arg9[%get3A_45] {strides = array<i32>} : memref<1024xf32, #tpu.memory_space<vmem>>, vector<16xf32>,
    %get3A_47 = vector.shape_cast %get3A_46 : vector<16xf32> to vector<16xf32>
    %abs3A_48 = math.absf %get3A_47 : vector<16xf32>
    %lt3A_49 = arith.constant 0x7F800000 : f32
    %lt3A_50 = vector.broadcast %lt3A_49 : f32 to vector<16xf32>
    %lt3A_51 = arith.cmpf olt, %abs3A_48, %lt3A_50 : vector<16xf32>
    %jit3A_52 = arith.constant 0.000000e+00 : f32
    %broadcast_in_dim3A_53 = vector.broadcast %jit3A_52 : f32 to vector<16xf32>
    %select_n3A_54 = arith.select %lt3A_51, %get3A_47, %broadcast_in_dim3A_53 : vector<16xi1>, vector<16xf32>
    %min3A_55 = arith.minimumf %min3A_44, %select_n3A_54 : vector<16xf32>
    %get3A_56 = arith.constant 80 : index
    %get3A_57 = tpu.vector_load %arg9[%get3A_56] {strides = array<i32>} : memref<1024xf32, #tpu.memory_space<vmem>>, vector<16xf32>,
    %get3A_58 = vector.shape_cast %get3A_57 : vector<16xf32> to vector<16xf32>
    %abs3A_59 = math.absf %get3A_58 : vector<16xf32>
    %lt3A_60 = arith.constant 0x7F800000 : f32
    %lt3A_61 = vector.broadcast %lt3A_60 : f32 to vector<16xf32>
    %lt3A_62 = arith.cmpf olt, %abs3A_59, %lt3A_61 : vector<16xf32>
    %jit3A_63 = arith.constant 0.000000e+00 : f32
    %broadcast_in_dim3A_64 = vector.broadcast %jit3A_63 : f32 to vector<16xf32>
    %select_n3A_65 = arith.select %lt3A_62, %get3A_58, %broadcast_in_dim3A_64 : vector<16xi1>, vector<16xf32>
    %min3A_66 = arith.minimumf %min3A_55, %select_n3A_65 : vector<16xf32>
    %get3A_67 = arith.constant 96 : index
    %get3A_68 = tpu.vector_load %arg9[%get3A_67] {strides = array<i32>} : memref<1024xf32, #tpu.memory_space<vmem>>, vector<16xf32>,
    %get3A_69 = vector.shape_cast %get3A_68 : vector<16xf32> to vector<16xf32>
    %abs3A_70 = math.absf %get3A_69 : vector<16xf32>
    %lt3A_71 = arith.constant 0x7F800000 : f32
    %lt3A_72 = vector.broadcast %lt3A_71 : f32 to vector<16xf32>
    %lt3A_73 = arith.cmpf olt, %abs3A_70, %lt3A_72 : vector<16xf32>
    %jit3A_74 = arith.constant 0.000000e+00 : f32
    %broadcast_in_dim3A_75 = vector.broadcast %jit3A_74 : f32 to vector<16xf32>
    %select_n3A_76 = arith.select %lt3A_73, %get3A_69, %broadcast_in_dim3A_75 : vector<16xi1>, vector<16xf32>
    %min3A_77 = arith.minimumf %min3A_66, %select_n3A_76 : vector<16xf32>
    %get3A_78 = arith.constant 112 : index
    %get3A_79 = tpu.vector_load %arg9[%get3A_78] {strides = array<i32>} : memref<1024xf32, #tpu.memory_space<vmem>>, vector<16xf32>,
    %get3A_80 = vector.shape_cast %get3A_79 : vector<16xf32> to vector<16xf32>
    %abs3A_81 = math.absf %get3A_80 : vector<16xf32>
    %lt3A_82 = arith.constant 0x7F800000 : f32
    %lt3A_83 = vector.broadcast %lt3A_82 : f32 to vector<16xf32>
    %lt3A_84 = arith.cmpf olt, %abs3A_81, %lt3A_83 : vector<16xf32>
    %jit3A_85 = arith.constant 0.000000e+00 : f32
    %broadcast_in_dim3A_86 = vector.broadcast %jit3A_85 : f32 to vector<16xf32>
    %select_n3A_87 = arith.select %lt3A_84, %get3A_80, %broadcast_in_dim3A_86 : vector<16xi1>, vector<16xf32>
    %min3A_88 = arith.minimumf %min3A_77, %select_n3A_87 : vector<16xf32>
    %get3A_89 = arith.constant 128 : index
    %get3A_90 = tpu.vector_load %arg9[%get3A_89] {strides = array<i32>} : memref<1024xf32, #tpu.memory_space<vmem>>, vector<16xf32>,
    %get3A_91 = vector.shape_cast %get3A_90 : vector<16xf32> to vector<16xf32>
    %abs3A_92 = math.absf %get3A_91 : vector<16xf32>
    %lt3A_93 = arith.constant 0x7F800000 : f32
    %lt3A_94 = vector.broadcast %lt3A_93 : f32 to vector<16xf32>
    %lt3A_95 = arith.cmpf olt, %abs3A_92, %lt3A_94 : vector<16xf32>
    %jit3A_96 = arith.constant 0.000000e+00 : f32
    %broadcast_in_dim3A_97 = vector.broadcast %jit3A_96 : f32 to vector<16xf32>
    %select_n3A_98 = arith.select %lt3A_95, %get3A_91, %broadcast_in_dim3A_97 : vector<16xi1>, vector<16xf32>
    %min3A_99 = arith.minimumf %min3A_88, %select_n3A_98 : vector<16xf32>
    %get3A_100 = arith.constant 144 : index
    %get3A_101 = tpu.vector_load %arg9[%get3A_100] {strides = array<i32>} : memref<1024xf32, #tpu.memory_space<vmem>>, vector<16xf32>,
    %get3A_102 = vector.shape_cast %get3A_101 : vector<16xf32> to vector<16xf32>
    %abs3A_103 = math.absf %get3A_102 : vector<16xf32>
    %lt3A_104 = arith.constant 0x7F800000 : f32
    %lt3A_105 = vector.broadcast %lt3A_104 : f32 to vector<16xf32>
    %lt3A_106 = arith.cmpf olt, %abs3A_103, %lt3A_105 : vector<16xf32>
    %jit3A_107 = arith.constant 0.000000e+00 : f32
    %broadcast_in_dim3A_108 = vector.broadcast %jit3A_107 : f32 to vector<16xf32>
    %select_n3A_109 = arith.select %lt3A_106, %get3A_102, %broadcast_in_dim3A_108 : vector<16xi1>, vector<16xf32>
    %min3A_110 = arith.minimumf %min3A_99, %select_n3A_109 : vector<16xf32>
    %get3A_111 = arith.constant 160 : index
    %get3A_112 = tpu.vector_load %arg9[%get3A_111] {strides = array<i32>} : memref<1024xf32, #tpu.memory_space<vmem>>, vector<16xf32>,
    %get3A_113 = vector.shape_cast %get3A_112 : vector<16xf32> to vector<16xf32>
    %abs3A_114 = math.absf %get3A_113 : vector<16xf32>
    %lt3A_115 = arith.constant 0x7F800000 : f32
    %lt3A_116 = vector.broadcast %lt3A_115 : f32 to vector<16xf32>
    %lt3A_117 = arith.cmpf olt, %abs3A_114, %lt3A_116 : vector<16xf32>
    %jit3A_118 = arith.constant 0.000000e+00 : f32
    %broadcast_in_dim3A_119 = vector.broadcast %jit3A_118 : f32 to vector<16xf32>
    %select_n3A_120 = arith.select %lt3A_117, %get3A_113, %broadcast_in_dim3A_119 : vector<16xi1>, vector<16xf32>
    %min3A_121 = arith.minimumf %min3A_110, %select_n3A_120 : vector<16xf32>
    %get3A_122 = arith.constant 176 : index
    %get3A_123 = tpu.vector_load %arg9[%get3A_122] {strides = array<i32>} : memref<1024xf32, #tpu.memory_space<vmem>>, vector<16xf32>,
    %get3A_124 = vector.shape_cast %get3A_123 : vector<16xf32> to vector<16xf32>
    %abs3A_125 = math.absf %get3A_124 : vector<16xf32>
    %lt3A_126 = arith.constant 0x7F800000 : f32
    %lt3A_127 = vector.broadcast %lt3A_126 : f32 to vector<16xf32>
    %lt3A_128 = arith.cmpf olt, %abs3A_125, %lt3A_127 : vector<16xf32>
    %jit3A_129 = arith.constant 0.000000e+00 : f32
    %broadcast_in_dim3A_130 = vector.broadcast %jit3A_129 : f32 to vector<16xf32>
    %select_n3A_131 = arith.select %lt3A_128, %get3A_124, %broadcast_in_dim3A_130 : vector<16xi1>, vector<16xf32>
    %min3A_132 = arith.minimumf %min3A_121, %select_n3A_131 : vector<16xf32>
    %get3A_133 = arith.constant 192 : index
    %get3A_134 = tpu.vector_load %arg9[%get3A_133] {strides = array<i32>} : memref<1024xf32, #tpu.memory_space<vmem>>, vector<16xf32>,
    %get3A_135 = vector.shape_cast %get3A_134 : vector<16xf32> to vector<16xf32>
    %abs3A_136 = math.absf %get3A_135 : vector<16xf32>
    %lt3A_137 = arith.constant 0x7F800000 : f32
    %lt3A_138 = vector.broadcast %lt3A_137 : f32 to vector<16xf32>
    %lt3A_139 = arith.cmpf olt, %abs3A_136, %lt3A_138 : vector<16xf32>
    %jit3A_140 = arith.constant 0.000000e+00 : f32
    %broadcast_in_dim3A_141 = vector.broadcast %jit3A_140 : f32 to vector<16xf32>
    %select_n3A_142 = arith.select %lt3A_139, %get3A_135, %broadcast_in_dim3A_141 : vector<16xi1>, vector<16xf32>
    %min3A_143 = arith.minimumf %min3A_132, %select_n3A_142 : vector<16xf32>
    %get3A_144 = arith.constant 208 : index
    %get3A_145 = tpu.vector_load %arg9[%get3A_144] {strides = array<i32>} : memref<1024xf32, #tpu.memory_space<vmem>>, vector<16xf32>,
    %get3A_146 = vector.shape_cast %get3A_145 : vector<16xf32> to vector<16xf32>
    %abs3A_147 = math.absf %get3A_146 : vector<16xf32>
    %lt3A_148 = arith.constant 0x7F800000 : f32
    %lt3A_149 = vector.broadcast %lt3A_148 : f32 to vector<16xf32>
    %lt3A_150 = arith.cmpf olt, %abs3A_147, %lt3A_149 : vector<16xf32>
    %jit3A_151 = arith.constant 0.000000e+00 : f32
    %broadcast_in_dim3A_152 = vector.broadcast %jit3A_151 : f32 to vector<16xf32>
    %select_n3A_153 = arith.select %lt3A_150, %get3A_146, %broadcast_in_dim3A_152 : vector<16xi1>, vector<16xf32>
    %min3A_154 = arith.minimumf %min3A_143, %select_n3A_153 : vector<16xf32>
    %get3A_155 = arith.constant 224 : index
    %get3A_156 = tpu.vector_load %arg9[%get3A_155] {strides = array<i32>} : memref<1024xf32, #tpu.memory_space<vmem>>, vector<16xf32>,
    %get3A_157 = vector.shape_cast %get3A_156 : vector<16xf32> to vector<16xf32>
    %abs3A_158 = math.absf %get3A_157 : vector<16xf32>
    %lt3A_159 = arith.constant 0x7F800000 : f32
    %lt3A_160 = vector.broadcast %lt3A_159 : f32 to vector<16xf32>
    %lt3A_161 = arith.cmpf olt, %abs3A_158, %lt3A_160 : vector<16xf32>
    %jit3A_162 = arith.constant 0.000000e+00 : f32
    %broadcast_in_dim3A_163 = vector.broadcast %jit3A_162 : f32 to vector<16xf32>
    %select_n3A_164 = arith.select %lt3A_161, %get3A_157, %broadcast_in_dim3A_163 : vector<16xi1>, vector<16xf32>
    %min3A_165 = arith.minimumf %min3A_154, %select_n3A_164 : vector<16xf32>
    %get3A_166 = arith.constant 240 : index
    %get3A_167 = tpu.vector_load %arg9[%get3A_166] {strides = array<i32>} : memref<1024xf32, #tpu.memory_space<vmem>>, vector<16xf32>,
    %get3A_168 = vector.shape_cast %get3A_167 : vector<16xf32> to vector<16xf32>
    %abs3A_169 = math.absf %get3A_168 : vector<16xf32>
    %lt3A_170 = arith.constant 0x7F800000 : f32
    %lt3A_171 = vector.broadcast %lt3A_170 : f32 to vector<16xf32>
    %lt3A_172 = arith.cmpf olt, %abs3A_169, %lt3A_171 : vector<16xf32>
    %jit3A_173 = arith.constant 0.000000e+00 : f32
    %broadcast_in_dim3A_174 = vector.broadcast %jit3A_173 : f32 to vector<16xf32>
    %select_n3A_175 = arith.select %lt3A_172, %get3A_168, %broadcast_in_dim3A_174 : vector<16xi1>, vector<16xf32>
    %min3A_176 = arith.minimumf %min3A_165, %select_n3A_175 : vector<16xf32>
    %get3A_177 = arith.constant 256 : index
    %get3A_178 = tpu.vector_load %arg9[%get3A_177] {strides = array<i32>} : memref<1024xf32, #tpu.memory_space<vmem>>, vector<16xf32>,
    %get3A_179 = vector.shape_cast %get3A_178 : vector<16xf32> to vector<16xf32>
    %abs3A_180 = math.absf %get3A_179 : vector<16xf32>
    %lt3A_181 = arith.constant 0x7F800000 : f32
    %lt3A_182 = vector.broadcast %lt3A_181 : f32 to vector<16xf32>
    %lt3A_183 = arith.cmpf olt, %abs3A_180, %lt3A_182 : vector<16xf32>
    %jit3A_184 = arith.constant 0.000000e+00 : f32
    %broadcast_in_dim3A_185 = vector.broadcast %jit3A_184 : f32 to vector<16xf32>
    %select_n3A_186 = arith.select %lt3A_183, %get3A_179, %broadcast_in_dim3A_185 : vector<16xi1>, vector<16xf32>
    %min3A_187 = arith.minimumf %min3A_176, %select_n3A_186 : vector<16xf32>
    %get3A_188 = arith.constant 272 : index
    %get3A_189 = tpu.vector_load %arg9[%get3A_188] {strides = array<i32>} : memref<1024xf32, #tpu.memory_space<vmem>>, vector<16xf32>,
    %get3A_190 = vector.shape_cast %get3A_189 : vector<16xf32> to vector<16xf32>
    %abs3A_191 = math.absf %get3A_190 : vector<16xf32>
    %lt3A_192 = arith.constant 0x7F800000 : f32
    %lt3A_193 = vector.broadcast %lt3A_192 : f32 to vector<16xf32>
    %lt3A_194 = arith.cmpf olt, %abs3A_191, %lt3A_193 : vector<16xf32>
    %jit3A_195 = arith.constant 0.000000e+00 : f32
    %broadcast_in_dim3A_196 = vector.broadcast %jit3A_195 : f32 to vector<16xf32>
    %select_n3A_197 = arith.select %lt3A_194, %get3A_190, %broadcast_in_dim3A_196 : vector<16xi1>, vector<16xf32>
    %min3A_198 = arith.minimumf %min3A_187, %select_n3A_197 : vector<16xf32>
    %get3A_199 = arith.constant 288 : index
    %get3A_200 = tpu.vector_load %arg9[%get3A_199] {strides = array<i32>} : memref<1024xf32, #tpu.memory_space<vmem>>, vector<16xf32>,
    %get3A_201 = vector.shape_cast %get3A_200 : vector<16xf32> to vector<16xf32>
    %abs3A_202 = math.absf %get3A_201 : vector<16xf32>
    %lt3A_203 = arith.constant 0x7F800000 : f32
    %lt3A_204 = vector.broadcast %lt3A_203 : f32 to vector<16xf32>
    %lt3A_205 = arith.cmpf olt, %abs3A_202, %lt3A_204 : vector<16xf32>
    %jit3A_206 = arith.constant 0.000000e+00 : f32
    %broadcast_in_dim3A_207 = vector.broadcast %jit3A_206 : f32 to vector<16xf32>
    %select_n3A_208 = arith.select %lt3A_205, %get3A_201, %broadcast_in_dim3A_207 : vector<16xi1>, vector<16xf32>
    %min3A_209 = arith.minimumf %min3A_198, %select_n3A_208 : vector<16xf32>
    %get3A_210 = arith.constant 304 : index
    %get3A_211 = tpu.vector_load %arg9[%get3A_210] {strides = array<i32>} : memref<1024xf32, #tpu.memory_space<vmem>>, vector<16xf32>,
    %get3A_212 = vector.shape_cast %get3A_211 : vector<16xf32> to vector<16xf32>
    %abs3A_213 = math.absf %get3A_212 : vector<16xf32>
    %lt3A_214 = arith.constant 0x7F800000 : f32
    %lt3A_215 = vector.broadcast %lt3A_214 : f32 to vector<16xf32>
    %lt3A_216 = arith.cmpf olt, %abs3A_213, %lt3A_215 : vector<16xf32>
    %jit3A_217 = arith.constant 0.000000e+00 : f32
    %broadcast_in_dim3A_218 = vector.broadcast %jit3A_217 : f32 to vector<16xf32>
    %select_n3A_219 = arith.select %lt3A_216, %get3A_212, %broadcast_in_dim3A_218 : vector<16xi1>, vector<16xf32>
    %min3A_220 = arith.minimumf %min3A_209, %select_n3A_219 : vector<16xf32>
    %get3A_221 = arith.constant 320 : index
    %get3A_222 = tpu.vector_load %arg9[%get3A_221] {strides = array<i32>} : memref<1024xf32, #tpu.memory_space<vmem>>, vector<16xf32>,
    %get3A_223 = vector.shape_cast %get3A_222 : vector<16xf32> to vector<16xf32>
    %abs3A_224 = math.absf %get3A_223 : vector<16xf32>
    %lt3A_225 = arith.constant 0x7F800000 : f32
    %lt3A_226 = vector.broadcast %lt3A_225 : f32 to vector<16xf32>
    %lt3A_227 = arith.cmpf olt, %abs3A_224, %lt3A_226 : vector<16xf32>
    %jit3A_228 = arith.constant 0.000000e+00 : f32
    %broadcast_in_dim3A_229 = vector.broadcast %jit3A_228 : f32 to vector<16xf32>
    %select_n3A_230 = arith.select %lt3A_227, %get3A_223, %broadcast_in_dim3A_229 : vector<16xi1>, vector<16xf32>
    %min3A_231 = arith.minimumf %min3A_220, %select_n3A_230 : vector<16xf32>
    %get3A_232 = arith.constant 336 : index
    %get3A_233 = tpu.vector_load %arg9[%get3A_232] {strides = array<i32>} : memref<1024xf32, #tpu.memory_space<vmem>>, vector<16xf32>,
    %get3A_234 = vector.shape_cast %get3A_233 : vector<16xf32> to vector<16xf32>
    %abs3A_235 = math.absf %get3A_234 : vector<16xf32>
    %lt3A_236 = arith.constant 0x7F800000 : f32
    %lt3A_237 = vector.broadcast %lt3A_236 : f32 to vector<16xf32>
    %lt3A_238 = arith.cmpf olt, %abs3A_235, %lt3A_237 : vector<16xf32>
    %jit3A_239 = arith.constant 0.000000e+00 : f32
    %broadcast_in_dim3A_240 = vector.broadcast %jit3A_239 : f32 to vector<16xf32>
    %select_n3A_241 = arith.select %lt3A_238, %get3A_234, %broadcast_in_dim3A_240 : vector<16xi1>, vector<16xf32>
    %min3A_242 = arith.minimumf %min3A_231, %select_n3A_241 : vector<16xf32>
    %get3A_243 = arith.constant 352 : index
    %get3A_244 = tpu.vector_load %arg9[%get3A_243] {strides = array<i32>} : memref<1024xf32, #tpu.memory_space<vmem>>, vector<16xf32>,
    %get3A_245 = vector.shape_cast %get3A_244 : vector<16xf32> to vector<16xf32>
    %abs3A_246 = math.absf %get3A_245 : vector<16xf32>
    %lt3A_247 = arith.constant 0x7F800000 : f32
    %lt3A_248 = vector.broadcast %lt3A_247 : f32 to vector<16xf32>
    %lt3A_249 = arith.cmpf olt, %abs3A_246, %lt3A_248 : vector<16xf32>
    %jit3A_250 = arith.constant 0.000000e+00 : f32
    %broadcast_in_dim3A_251 = vector.broadcast %jit3A_250 : f32 to vector<16xf32>
    %select_n3A_252 = arith.select %lt3A_249, %get3A_245, %broadcast_in_dim3A_251 : vector<16xi1>, vector<16xf32>
    %min3A_253 = arith.minimumf %min3A_242, %select_n3A_252 : vector<16xf32>
    %get3A_254 = arith.constant 368 : index
    %get3A_255 = tpu.vector_load %arg9[%get3A_254] {strides = array<i32>} : memref<1024xf32, #tpu.memory_space<vmem>>, vector<16xf32>,
    %get3A_256 = vector.shape_cast %get3A_255 : vector<16xf32> to vector<16xf32>
    %abs3A_257 = math.absf %get3A_256 : vector<16xf32>
    %lt3A_258 = arith.constant 0x7F800000 : f32
    %lt3A_259 = vector.broadcast %lt3A_258 : f32 to vector<16xf32>
    %lt3A_260 = arith.cmpf olt, %abs3A_257, %lt3A_259 : vector<16xf32>
    %jit3A_261 = arith.constant 0.000000e+00 : f32
    %broadcast_in_dim3A_262 = vector.broadcast %jit3A_261 : f32 to vector<16xf32>
    %select_n3A_263 = arith.select %lt3A_260, %get3A_256, %broadcast_in_dim3A_262 : vector<16xi1>, vector<16xf32>
    %min3A_264 = arith.minimumf %min3A_253, %select_n3A_263 : vector<16xf32>
    %get3A_265 = arith.constant 384 : index
    %get3A_266 = tpu.vector_load %arg9[%get3A_265] {strides = array<i32>} : memref<1024xf32, #tpu.memory_space<vmem>>, vector<16xf32>,
    %get3A_267 = vector.shape_cast %get3A_266 : vector<16xf32> to vector<16xf32>
    %abs3A_268 = math.absf %get3A_267 : vector<16xf32>
    %lt3A_269 = arith.constant 0x7F800000 : f32
    %lt3A_270 = vector.broadcast %lt3A_269 : f32 to vector<16xf32>
    %lt3A_271 = arith.cmpf olt, %abs3A_268, %lt3A_270 : vector<16xf32>
    %jit3A_272 = arith.constant 0.000000e+00 : f32
    %broadcast_in_dim3A_273 = vector.broadcast %jit3A_272 : f32 to vector<16xf32>
    %select_n3A_274 = arith.select %lt3A_271, %get3A_267, %broadcast_in_dim3A_273 : vector<16xi1>, vector<16xf32>
    %min3A_275 = arith.minimumf %min3A_264, %select_n3A_274 : vector<16xf32>
    %get3A_276 = arith.constant 400 : index
    %get3A_277 = tpu.vector_load %arg9[%get3A_276] {strides = array<i32>} : memref<1024xf32, #tpu.memory_space<vmem>>, vector<16xf32>,
    %get3A_278 = vector.shape_cast %get3A_277 : vector<16xf32> to vector<16xf32>
    %abs3A_279 = math.absf %get3A_278 : vector<16xf32>
    %lt3A_280 = arith.constant 0x7F800000 : f32
    %lt3A_281 = vector.broadcast %lt3A_280 : f32 to vector<16xf32>
    %lt3A_282 = arith.cmpf olt, %abs3A_279, %lt3A_281 : vector<16xf32>
    %jit3A_283 = arith.constant 0.000000e+00 : f32
    %broadcast_in_dim3A_284 = vector.broadcast %jit3A_283 : f32 to vector<16xf32>
    %select_n3A_285 = arith.select %lt3A_282, %get3A_278, %broadcast_in_dim3A_284 : vector<16xi1>, vector<16xf32>
    %min3A_286 = arith.minimumf %min3A_275, %select_n3A_285 : vector<16xf32>
    %get3A_287 = arith.constant 416 : index
    %get3A_288 = tpu.vector_load %arg9[%get3A_287] {strides = array<i32>} : memref<1024xf32, #tpu.memory_space<vmem>>, vector<16xf32>,
    %get3A_289 = vector.shape_cast %get3A_288 : vector<16xf32> to vector<16xf32>
    %abs3A_290 = math.absf %get3A_289 : vector<16xf32>
    %lt3A_291 = arith.constant 0x7F800000 : f32
    %lt3A_292 = vector.broadcast %lt3A_291 : f32 to vector<16xf32>
    %lt3A_293 = arith.cmpf olt, %abs3A_290, %lt3A_292 : vector<16xf32>
    %jit3A_294 = arith.constant 0.000000e+00 : f32
    %broadcast_in_dim3A_295 = vector.broadcast %jit3A_294 : f32 to vector<16xf32>
    %select_n3A_296 = arith.select %lt3A_293, %get3A_289, %broadcast_in_dim3A_295 : vector<16xi1>, vector<16xf32>
    %min3A_297 = arith.minimumf %min3A_286, %select_n3A_296 : vector<16xf32>
    %get3A_298 = arith.constant 432 : index
    %get3A_299 = tpu.vector_load %arg9[%get3A_298] {strides = array<i32>} : memref<1024xf32, #tpu.memory_space<vmem>>, vector<16xf32>,
    %get3A_300 = vector.shape_cast %get3A_299 : vector<16xf32> to vector<16xf32>
    %abs3A_301 = math.absf %get3A_300 : vector<16xf32>
    %lt3A_302 = arith.constant 0x7F800000 : f32
    %lt3A_303 = vector.broadcast %lt3A_302 : f32 to vector<16xf32>
    %lt3A_304 = arith.cmpf olt, %abs3A_301, %lt3A_303 : vector<16xf32>
    %jit3A_305 = arith.constant 0.000000e+00 : f32
    %broadcast_in_dim3A_306 = vector.broadcast %jit3A_305 : f32 to vector<16xf32>
    %select_n3A_307 = arith.select %lt3A_304, %get3A_300, %broadcast_in_dim3A_306 : vector<16xi1>, vector<16xf32>
    %min3A_308 = arith.minimumf %min3A_297, %select_n3A_307 : vector<16xf32>
    %get3A_309 = arith.constant 448 : index
    %get3A_310 = tpu.vector_load %arg9[%get3A_309] {strides = array<i32>} : memref<1024xf32, #tpu.memory_space<vmem>>, vector<16xf32>,
    %get3A_311 = vector.shape_cast %get3A_310 : vector<16xf32> to vector<16xf32>
    %abs3A_312 = math.absf %get3A_311 : vector<16xf32>
    %lt3A_313 = arith.constant 0x7F800000 : f32
    %lt3A_314 = vector.broadcast %lt3A_313 : f32 to vector<16xf32>
    %lt3A_315 = arith.cmpf olt, %abs3A_312, %lt3A_314 : vector<16xf32>
    %jit3A_316 = arith.constant 0.000000e+00 : f32
    %broadcast_in_dim3A_317 = vector.broadcast %jit3A_316 : f32 to vector<16xf32>
    %select_n3A_318 = arith.select %lt3A_315, %get3A_311, %broadcast_in_dim3A_317 : vector<16xi1>, vector<16xf32>
    %min3A_319 = arith.minimumf %min3A_308, %select_n3A_318 : vector<16xf32>
    %get3A_320 = arith.constant 464 : index
    %get3A_321 = tpu.vector_load %arg9[%get3A_320] {strides = array<i32>} : memref<1024xf32, #tpu.memory_space<vmem>>, vector<16xf32>,
    %get3A_322 = vector.shape_cast %get3A_321 : vector<16xf32> to vector<16xf32>
    %abs3A_323 = math.absf %get3A_322 : vector<16xf32>
    %lt3A_324 = arith.constant 0x7F800000 : f32
    %lt3A_325 = vector.broadcast %lt3A_324 : f32 to vector<16xf32>
    %lt3A_326 = arith.cmpf olt, %abs3A_323, %lt3A_325 : vector<16xf32>
    %jit3A_327 = arith.constant 0.000000e+00 : f32
    %broadcast_in_dim3A_328 = vector.broadcast %jit3A_327 : f32 to vector<16xf32>
    %select_n3A_329 = arith.select %lt3A_326, %get3A_322, %broadcast_in_dim3A_328 : vector<16xi1>, vector<16xf32>
    %min3A_330 = arith.minimumf %min3A_319, %select_n3A_329 : vector<16xf32>
    %get3A_331 = arith.constant 480 : index
    %get3A_332 = tpu.vector_load %arg9[%get3A_331] {strides = array<i32>} : memref<1024xf32, #tpu.memory_space<vmem>>, vector<16xf32>,
    %get3A_333 = vector.shape_cast %get3A_332 : vector<16xf32> to vector<16xf32>
    %abs3A_334 = math.absf %get3A_333 : vector<16xf32>
    %lt3A_335 = arith.constant 0x7F800000 : f32
    %lt3A_336 = vector.broadcast %lt3A_335 : f32 to vector<16xf32>
    %lt3A_337 = arith.cmpf olt, %abs3A_334, %lt3A_336 : vector<16xf32>
    %jit3A_338 = arith.constant 0.000000e+00 : f32
    %broadcast_in_dim3A_339 = vector.broadcast %jit3A_338 : f32 to vector<16xf32>
    %select_n3A_340 = arith.select %lt3A_337, %get3A_333, %broadcast_in_dim3A_339 : vector<16xi1>, vector<16xf32>
    %min3A_341 = arith.minimumf %min3A_330, %select_n3A_340 : vector<16xf32>
    %get3A_342 = arith.constant 496 : index
    %get3A_343 = tpu.vector_load %arg9[%get3A_342] {strides = array<i32>} : memref<1024xf32, #tpu.memory_space<vmem>>, vector<16xf32>,
    %get3A_344 = vector.shape_cast %get3A_343 : vector<16xf32> to vector<16xf32>
    %abs3A_345 = math.absf %get3A_344 : vector<16xf32>
    %lt3A_346 = arith.constant 0x7F800000 : f32
    %lt3A_347 = vector.broadcast %lt3A_346 : f32 to vector<16xf32>
    %lt3A_348 = arith.cmpf olt, %abs3A_345, %lt3A_347 : vector<16xf32>
    %jit3A_349 = arith.constant 0.000000e+00 : f32
    %broadcast_in_dim3A_350 = vector.broadcast %jit3A_349 : f32 to vector<16xf32>
    %select_n3A_351 = arith.select %lt3A_348, %get3A_344, %broadcast_in_dim3A_350 : vector<16xi1>, vector<16xf32>
    %min3A_352 = arith.minimumf %min3A_341, %select_n3A_351 : vector<16xf32>
    %get3A_353 = arith.constant 512 : index
    %get3A_354 = tpu.vector_load %arg9[%get3A_353] {strides = array<i32>} : memref<1024xf32, #tpu.memory_space<vmem>>, vector<16xf32>,
    %get3A_355 = vector.shape_cast %get3A_354 : vector<16xf32> to vector<16xf32>
    %abs3A_356 = math.absf %get3A_355 : vector<16xf32>
    %lt3A_357 = arith.constant 0x7F800000 : f32
    %lt3A_358 = vector.broadcast %lt3A_357 : f32 to vector<16xf32>
    %lt3A_359 = arith.cmpf olt, %abs3A_356, %lt3A_358 : vector<16xf32>
    %jit3A_360 = arith.constant 0.000000e+00 : f32
    %broadcast_in_dim3A_361 = vector.broadcast %jit3A_360 : f32 to vector<16xf32>
    %select_n3A_362 = arith.select %lt3A_359, %get3A_355, %broadcast_in_dim3A_361 : vector<16xi1>, vector<16xf32>
    %min3A_363 = arith.minimumf %min3A_352, %select_n3A_362 : vector<16xf32>
    %get3A_364 = arith.constant 528 : index
    %get3A_365 = tpu.vector_load %arg9[%get3A_364] {strides = array<i32>} : memref<1024xf32, #tpu.memory_space<vmem>>, vector<16xf32>,
    %get3A_366 = vector.shape_cast %get3A_365 : vector<16xf32> to vector<16xf32>
    %abs3A_367 = math.absf %get3A_366 : vector<16xf32>
    %lt3A_368 = arith.constant 0x7F800000 : f32
    %lt3A_369 = vector.broadcast %lt3A_368 : f32 to vector<16xf32>
    %lt3A_370 = arith.cmpf olt, %abs3A_367, %lt3A_369 : vector<16xf32>
    %jit3A_371 = arith.constant 0.000000e+00 : f32
    %broadcast_in_dim3A_372 = vector.broadcast %jit3A_371 : f32 to vector<16xf32>
    %select_n3A_373 = arith.select %lt3A_370, %get3A_366, %broadcast_in_dim3A_372 : vector<16xi1>, vector<16xf32>
    %min3A_374 = arith.minimumf %min3A_363, %select_n3A_373 : vector<16xf32>
    %get3A_375 = arith.constant 544 : index
    %get3A_376 = tpu.vector_load %arg9[%get3A_375] {strides = array<i32>} : memref<1024xf32, #tpu.memory_space<vmem>>, vector<16xf32>,
    %get3A_377 = vector.shape_cast %get3A_376 : vector<16xf32> to vector<16xf32>
    %abs3A_378 = math.absf %get3A_377 : vector<16xf32>
    %lt3A_379 = arith.constant 0x7F800000 : f32
    %lt3A_380 = vector.broadcast %lt3A_379 : f32 to vector<16xf32>
    %lt3A_381 = arith.cmpf olt, %abs3A_378, %lt3A_380 : vector<16xf32>
    %jit3A_382 = arith.constant 0.000000e+00 : f32
    %broadcast_in_dim3A_383 = vector.broadcast %jit3A_382 : f32 to vector<16xf32>
    %select_n3A_384 = arith.select %lt3A_381, %get3A_377, %broadcast_in_dim3A_383 : vector<16xi1>, vector<16xf32>
    %min3A_385 = arith.minimumf %min3A_374, %select_n3A_384 : vector<16xf32>
    %get3A_386 = arith.constant 560 : index
    %get3A_387 = tpu.vector_load %arg9[%get3A_386] {strides = array<i32>} : memref<1024xf32, #tpu.memory_space<vmem>>, vector<16xf32>,
    %get3A_388 = vector.shape_cast %get3A_387 : vector<16xf32> to vector<16xf32>
    %abs3A_389 = math.absf %get3A_388 : vector<16xf32>
    %lt3A_390 = arith.constant 0x7F800000 : f32
    %lt3A_391 = vector.broadcast %lt3A_390 : f32 to vector<16xf32>
    %lt3A_392 = arith.cmpf olt, %abs3A_389, %lt3A_391 : vector<16xf32>
    %jit3A_393 = arith.constant 0.000000e+00 : f32
    %broadcast_in_dim3A_394 = vector.broadcast %jit3A_393 : f32 to vector<16xf32>
    %select_n3A_395 = arith.select %lt3A_392, %get3A_388, %broadcast_in_dim3A_394 : vector<16xi1>, vector<16xf32>
    %min3A_396 = arith.minimumf %min3A_385, %select_n3A_395 : vector<16xf32>
    %get3A_397 = arith.constant 576 : index
    %get3A_398 = tpu.vector_load %arg9[%get3A_397] {strides = array<i32>} : memref<1024xf32, #tpu.memory_space<vmem>>, vector<16xf32>,
    %get3A_399 = vector.shape_cast %get3A_398 : vector<16xf32> to vector<16xf32>
    %abs3A_400 = math.absf %get3A_399 : vector<16xf32>
    %lt3A_401 = arith.constant 0x7F800000 : f32
    %lt3A_402 = vector.broadcast %lt3A_401 : f32 to vector<16xf32>
    %lt3A_403 = arith.cmpf olt, %abs3A_400, %lt3A_402 : vector<16xf32>
    %jit3A_404 = arith.constant 0.000000e+00 : f32
    %broadcast_in_dim3A_405 = vector.broadcast %jit3A_404 : f32 to vector<16xf32>
    %select_n3A_406 = arith.select %lt3A_403, %get3A_399, %broadcast_in_dim3A_405 : vector<16xi1>, vector<16xf32>
    %min3A_407 = arith.minimumf %min3A_396, %select_n3A_406 : vector<16xf32>
    %get3A_408 = arith.constant 592 : index
    %get3A_409 = tpu.vector_load %arg9[%get3A_408] {strides = array<i32>} : memref<1024xf32, #tpu.memory_space<vmem>>, vector<16xf32>,
    %get3A_410 = vector.shape_cast %get3A_409 : vector<16xf32> to vector<16xf32>
    %abs3A_411 = math.absf %get3A_410 : vector<16xf32>
    %lt3A_412 = arith.constant 0x7F800000 : f32
    %lt3A_413 = vector.broadcast %lt3A_412 : f32 to vector<16xf32>
    %lt3A_414 = arith.cmpf olt, %abs3A_411, %lt3A_413 : vector<16xf32>
    %jit3A_415 = arith.constant 0.000000e+00 : f32
    %broadcast_in_dim3A_416 = vector.broadcast %jit3A_415 : f32 to vector<16xf32>
    %select_n3A_417 = arith.select %lt3A_414, %get3A_410, %broadcast_in_dim3A_416 : vector<16xi1>, vector<16xf32>
    %min3A_418 = arith.minimumf %min3A_407, %select_n3A_417 : vector<16xf32>
    %get3A_419 = arith.constant 608 : index
    %get3A_420 = tpu.vector_load %arg9[%get3A_419] {strides = array<i32>} : memref<1024xf32, #tpu.memory_space<vmem>>, vector<16xf32>,
    %get3A_421 = vector.shape_cast %get3A_420 : vector<16xf32> to vector<16xf32>
    %abs3A_422 = math.absf %get3A_421 : vector<16xf32>
    %lt3A_423 = arith.constant 0x7F800000 : f32
    %lt3A_424 = vector.broadcast %lt3A_423 : f32 to vector<16xf32>
    %lt3A_425 = arith.cmpf olt, %abs3A_422, %lt3A_424 : vector<16xf32>
    %jit3A_426 = arith.constant 0.000000e+00 : f32
    %broadcast_in_dim3A_427 = vector.broadcast %jit3A_426 : f32 to vector<16xf32>
    %select_n3A_428 = arith.select %lt3A_425, %get3A_421, %broadcast_in_dim3A_427 : vector<16xi1>, vector<16xf32>
    %min3A_429 = arith.minimumf %min3A_418, %select_n3A_428 : vector<16xf32>
    %get3A_430 = arith.constant 624 : index
    %get3A_431 = tpu.vector_load %arg9[%get3A_430] {strides = array<i32>} : memref<1024xf32, #tpu.memory_space<vmem>>, vector<16xf32>,
    %get3A_432 = vector.shape_cast %get3A_431 : vector<16xf32> to vector<16xf32>
    %abs3A_433 = math.absf %get3A_432 : vector<16xf32>
    %lt3A_434 = arith.constant 0x7F800000 : f32
    %lt3A_435 = vector.broadcast %lt3A_434 : f32 to vector<16xf32>
    %lt3A_436 = arith.cmpf olt, %abs3A_433, %lt3A_435 : vector<16xf32>
    %jit3A_437 = arith.constant 0.000000e+00 : f32
    %broadcast_in_dim3A_438 = vector.broadcast %jit3A_437 : f32 to vector<16xf32>
    %select_n3A_439 = arith.select %lt3A_436, %get3A_432, %broadcast_in_dim3A_438 : vector<16xi1>, vector<16xf32>
    %min3A_440 = arith.minimumf %min3A_429, %select_n3A_439 : vector<16xf32>
    %get3A_441 = arith.constant 640 : index
    %get3A_442 = tpu.vector_load %arg9[%get3A_441] {strides = array<i32>} : memref<1024xf32, #tpu.memory_space<vmem>>, vector<16xf32>,
    %get3A_443 = vector.shape_cast %get3A_442 : vector<16xf32> to vector<16xf32>
    %abs3A_444 = math.absf %get3A_443 : vector<16xf32>
    %lt3A_445 = arith.constant 0x7F800000 : f32
    %lt3A_446 = vector.broadcast %lt3A_445 : f32 to vector<16xf32>
    %lt3A_447 = arith.cmpf olt, %abs3A_444, %lt3A_446 : vector<16xf32>
    %jit3A_448 = arith.constant 0.000000e+00 : f32
    %broadcast_in_dim3A_449 = vector.broadcast %jit3A_448 : f32 to vector<16xf32>
    %select_n3A_450 = arith.select %lt3A_447, %get3A_443, %broadcast_in_dim3A_449 : vector<16xi1>, vector<16xf32>
    %min3A_451 = arith.minimumf %min3A_440, %select_n3A_450 : vector<16xf32>
    %get3A_452 = arith.constant 656 : index
    %get3A_453 = tpu.vector_load %arg9[%get3A_452] {strides = array<i32>} : memref<1024xf32, #tpu.memory_space<vmem>>, vector<16xf32>,
    %get3A_454 = vector.shape_cast %get3A_453 : vector<16xf32> to vector<16xf32>
    %abs3A_455 = math.absf %get3A_454 : vector<16xf32>
    %lt3A_456 = arith.constant 0x7F800000 : f32
    %lt3A_457 = vector.broadcast %lt3A_456 : f32 to vector<16xf32>
    %lt3A_458 = arith.cmpf olt, %abs3A_455, %lt3A_457 : vector<16xf32>
    %jit3A_459 = arith.constant 0.000000e+00 : f32
    %broadcast_in_dim3A_460 = vector.broadcast %jit3A_459 : f32 to vector<16xf32>
    %select_n3A_461 = arith.select %lt3A_458, %get3A_454, %broadcast_in_dim3A_460 : vector<16xi1>, vector<16xf32>
    %min3A_462 = arith.minimumf %min3A_451, %select_n3A_461 : vector<16xf32>
    %get3A_463 = arith.constant 672 : index
    %get3A_464 = tpu.vector_load %arg9[%get3A_463] {strides = array<i32>} : memref<1024xf32, #tpu.memory_space<vmem>>, vector<16xf32>,
    %get3A_465 = vector.shape_cast %get3A_464 : vector<16xf32> to vector<16xf32>
    %abs3A_466 = math.absf %get3A_465 : vector<16xf32>
    %lt3A_467 = arith.constant 0x7F800000 : f32
    %lt3A_468 = vector.broadcast %lt3A_467 : f32 to vector<16xf32>
    %lt3A_469 = arith.cmpf olt, %abs3A_466, %lt3A_468 : vector<16xf32>
    %jit3A_470 = arith.constant 0.000000e+00 : f32
    %broadcast_in_dim3A_471 = vector.broadcast %jit3A_470 : f32 to vector<16xf32>
    %select_n3A_472 = arith.select %lt3A_469, %get3A_465, %broadcast_in_dim3A_471 : vector<16xi1>, vector<16xf32>
    %min3A_473 = arith.minimumf %min3A_462, %select_n3A_472 : vector<16xf32>
    %get3A_474 = arith.constant 688 : index
    %get3A_475 = tpu.vector_load %arg9[%get3A_474] {strides = array<i32>} : memref<1024xf32, #tpu.memory_space<vmem>>, vector<16xf32>,
    %get3A_476 = vector.shape_cast %get3A_475 : vector<16xf32> to vector<16xf32>
    %abs3A_477 = math.absf %get3A_476 : vector<16xf32>
    %lt3A_478 = arith.constant 0x7F800000 : f32
    %lt3A_479 = vector.broadcast %lt3A_478 : f32 to vector<16xf32>
    %lt3A_480 = arith.cmpf olt, %abs3A_477, %lt3A_479 : vector<16xf32>
    %jit3A_481 = arith.constant 0.000000e+00 : f32
    %broadcast_in_dim3A_482 = vector.broadcast %jit3A_481 : f32 to vector<16xf32>
    %select_n3A_483 = arith.select %lt3A_480, %get3A_476, %broadcast_in_dim3A_482 : vector<16xi1>, vector<16xf32>
    %min3A_484 = arith.minimumf %min3A_473, %select_n3A_483 : vector<16xf32>
    %get3A_485 = arith.constant 704 : index
    %get3A_486 = tpu.vector_load %arg9[%get3A_485] {strides = array<i32>} : memref<1024xf32, #tpu.memory_space<vmem>>, vector<16xf32>,
    %get3A_487 = vector.shape_cast %get3A_486 : vector<16xf32> to vector<16xf32>
    %abs3A_488 = math.absf %get3A_487 : vector<16xf32>
    %lt3A_489 = arith.constant 0x7F800000 : f32
    %lt3A_490 = vector.broadcast %lt3A_489 : f32 to vector<16xf32>
    %lt3A_491 = arith.cmpf olt, %abs3A_488, %lt3A_490 : vector<16xf32>
    %jit3A_492 = arith.constant 0.000000e+00 : f32
    %broadcast_in_dim3A_493 = vector.broadcast %jit3A_492 : f32 to vector<16xf32>
    %select_n3A_494 = arith.select %lt3A_491, %get3A_487, %broadcast_in_dim3A_493 : vector<16xi1>, vector<16xf32>
    %min3A_495 = arith.minimumf %min3A_484, %select_n3A_494 : vector<16xf32>
    %get3A_496 = arith.constant 720 : index
    %get3A_497 = tpu.vector_load %arg9[%get3A_496] {strides = array<i32>} : memref<1024xf32, #tpu.memory_space<vmem>>, vector<16xf32>,
    %get3A_498 = vector.shape_cast %get3A_497 : vector<16xf32> to vector<16xf32>
    %abs3A_499 = math.absf %get3A_498 : vector<16xf32>
    %lt3A_500 = arith.constant 0x7F800000 : f32
    %lt3A_501 = vector.broadcast %lt3A_500 : f32 to vector<16xf32>
    %lt3A_502 = arith.cmpf olt, %abs3A_499, %lt3A_501 : vector<16xf32>
    %jit3A_503 = arith.constant 0.000000e+00 : f32
    %broadcast_in_dim3A_504 = vector.broadcast %jit3A_503 : f32 to vector<16xf32>
    %select_n3A_505 = arith.select %lt3A_502, %get3A_498, %broadcast_in_dim3A_504 : vector<16xi1>, vector<16xf32>
    %min3A_506 = arith.minimumf %min3A_495, %select_n3A_505 : vector<16xf32>
    %get3A_507 = arith.constant 736 : index
    %get3A_508 = tpu.vector_load %arg9[%get3A_507] {strides = array<i32>} : memref<1024xf32, #tpu.memory_space<vmem>>, vector<16xf32>,
    %get3A_509 = vector.shape_cast %get3A_508 : vector<16xf32> to vector<16xf32>
    %abs3A_510 = math.absf %get3A_509 : vector<16xf32>
    %lt3A_511 = arith.constant 0x7F800000 : f32
    %lt3A_512 = vector.broadcast %lt3A_511 : f32 to vector<16xf32>
    %lt3A_513 = arith.cmpf olt, %abs3A_510, %lt3A_512 : vector<16xf32>
    %jit3A_514 = arith.constant 0.000000e+00 : f32
    %broadcast_in_dim3A_515 = vector.broadcast %jit3A_514 : f32 to vector<16xf32>
    %select_n3A_516 = arith.select %lt3A_513, %get3A_509, %broadcast_in_dim3A_515 : vector<16xi1>, vector<16xf32>
    %min3A_517 = arith.minimumf %min3A_506, %select_n3A_516 : vector<16xf32>
    %get3A_518 = arith.constant 752 : index
    %get3A_519 = tpu.vector_load %arg9[%get3A_518] {strides = array<i32>} : memref<1024xf32, #tpu.memory_space<vmem>>, vector<16xf32>,
    %get3A_520 = vector.shape_cast %get3A_519 : vector<16xf32> to vector<16xf32>
    %abs3A_521 = math.absf %get3A_520 : vector<16xf32>
    %lt3A_522 = arith.constant 0x7F800000 : f32
    %lt3A_523 = vector.broadcast %lt3A_522 : f32 to vector<16xf32>
    %lt3A_524 = arith.cmpf olt, %abs3A_521, %lt3A_523 : vector<16xf32>
    %jit3A_525 = arith.constant 0.000000e+00 : f32
    %broadcast_in_dim3A_526 = vector.broadcast %jit3A_525 : f32 to vector<16xf32>
    %select_n3A_527 = arith.select %lt3A_524, %get3A_520, %broadcast_in_dim3A_526 : vector<16xi1>, vector<16xf32>
    %min3A_528 = arith.minimumf %min3A_517, %select_n3A_527 : vector<16xf32>
    %get3A_529 = arith.constant 768 : index
    %get3A_530 = tpu.vector_load %arg9[%get3A_529] {strides = array<i32>} : memref<1024xf32, #tpu.memory_space<vmem>>, vector<16xf32>,
    %get3A_531 = vector.shape_cast %get3A_530 : vector<16xf32> to vector<16xf32>
    %abs3A_532 = math.absf %get3A_531 : vector<16xf32>
    %lt3A_533 = arith.constant 0x7F800000 : f32
    %lt3A_534 = vector.broadcast %lt3A_533 : f32 to vector<16xf32>
    %lt3A_535 = arith.cmpf olt, %abs3A_532, %lt3A_534 : vector<16xf32>
    %jit3A_536 = arith.constant 0.000000e+00 : f32
    %broadcast_in_dim3A_537 = vector.broadcast %jit3A_536 : f32 to vector<16xf32>
    %select_n3A_538 = arith.select %lt3A_535, %get3A_531, %broadcast_in_dim3A_537 : vector<16xi1>, vector<16xf32>
    %min3A_539 = arith.minimumf %min3A_528, %select_n3A_538 : vector<16xf32>
    %get3A_540 = arith.constant 784 : index
    %get3A_541 = tpu.vector_load %arg9[%get3A_540] {strides = array<i32>} : memref<1024xf32, #tpu.memory_space<vmem>>, vector<16xf32>,
    %get3A_542 = vector.shape_cast %get3A_541 : vector<16xf32> to vector<16xf32>
    %abs3A_543 = math.absf %get3A_542 : vector<16xf32>
    %lt3A_544 = arith.constant 0x7F800000 : f32
    %lt3A_545 = vector.broadcast %lt3A_544 : f32 to vector<16xf32>
    %lt3A_546 = arith.cmpf olt, %abs3A_543, %lt3A_545 : vector<16xf32>
    %jit3A_547 = arith.constant 0.000000e+00 : f32
    %broadcast_in_dim3A_548 = vector.broadcast %jit3A_547 : f32 to vector<16xf32>
    %select_n3A_549 = arith.select %lt3A_546, %get3A_542, %broadcast_in_dim3A_548 : vector<16xi1>, vector<16xf32>
    %min3A_550 = arith.minimumf %min3A_539, %select_n3A_549 : vector<16xf32>
    %get3A_551 = arith.constant 800 : index
    %get3A_552 = tpu.vector_load %arg9[%get3A_551] {strides = array<i32>} : memref<1024xf32, #tpu.memory_space<vmem>>, vector<16xf32>,
    %get3A_553 = vector.shape_cast %get3A_552 : vector<16xf32> to vector<16xf32>
    %abs3A_554 = math.absf %get3A_553 : vector<16xf32>
    %lt3A_555 = arith.constant 0x7F800000 : f32
    %lt3A_556 = vector.broadcast %lt3A_555 : f32 to vector<16xf32>
    %lt3A_557 = arith.cmpf olt, %abs3A_554, %lt3A_556 : vector<16xf32>
    %jit3A_558 = arith.constant 0.000000e+00 : f32
    %broadcast_in_dim3A_559 = vector.broadcast %jit3A_558 : f32 to vector<16xf32>
    %select_n3A_560 = arith.select %lt3A_557, %get3A_553, %broadcast_in_dim3A_559 : vector<16xi1>, vector<16xf32>
    %min3A_561 = arith.minimumf %min3A_550, %select_n3A_560 : vector<16xf32>
    %get3A_562 = arith.constant 816 : index
    %get3A_563 = tpu.vector_load %arg9[%get3A_562] {strides = array<i32>} : memref<1024xf32, #tpu.memory_space<vmem>>, vector<16xf32>,
    %get3A_564 = vector.shape_cast %get3A_563 : vector<16xf32> to vector<16xf32>
    %abs3A_565 = math.absf %get3A_564 : vector<16xf32>
    %lt3A_566 = arith.constant 0x7F800000 : f32
    %lt3A_567 = vector.broadcast %lt3A_566 : f32 to vector<16xf32>
    %lt3A_568 = arith.cmpf olt, %abs3A_565, %lt3A_567 : vector<16xf32>
    %jit3A_569 = arith.constant 0.000000e+00 : f32
    %broadcast_in_dim3A_570 = vector.broadcast %jit3A_569 : f32 to vector<16xf32>
    %select_n3A_571 = arith.select %lt3A_568, %get3A_564, %broadcast_in_dim3A_570 : vector<16xi1>, vector<16xf32>
    %min3A_572 = arith.minimumf %min3A_561, %select_n3A_571 : vector<16xf32>
    %get3A_573 = arith.constant 832 : index
    %get3A_574 = tpu.vector_load %arg9[%get3A_573] {strides = array<i32>} : memref<1024xf32, #tpu.memory_space<vmem>>, vector<16xf32>,
    %get3A_575 = vector.shape_cast %get3A_574 : vector<16xf32> to vector<16xf32>
    %abs3A_576 = math.absf %get3A_575 : vector<16xf32>
    %lt3A_577 = arith.constant 0x7F800000 : f32
    %lt3A_578 = vector.broadcast %lt3A_577 : f32 to vector<16xf32>
    %lt3A_579 = arith.cmpf olt, %abs3A_576, %lt3A_578 : vector<16xf32>
    %jit3A_580 = arith.constant 0.000000e+00 : f32
    %broadcast_in_dim3A_581 = vector.broadcast %jit3A_580 : f32 to vector<16xf32>
    %select_n3A_582 = arith.select %lt3A_579, %get3A_575, %broadcast_in_dim3A_581 : vector<16xi1>, vector<16xf32>
    %min3A_583 = arith.minimumf %min3A_572, %select_n3A_582 : vector<16xf32>
    %get3A_584 = arith.constant 848 : index
    %get3A_585 = tpu.vector_load %arg9[%get3A_584] {strides = array<i32>} : memref<1024xf32, #tpu.memory_space<vmem>>, vector<16xf32>,
    %get3A_586 = vector.shape_cast %get3A_585 : vector<16xf32> to vector<16xf32>
    %abs3A_587 = math.absf %get3A_586 : vector<16xf32>
    %lt3A_588 = arith.constant 0x7F800000 : f32
    %lt3A_589 = vector.broadcast %lt3A_588 : f32 to vector<16xf32>
    %lt3A_590 = arith.cmpf olt, %abs3A_587, %lt3A_589 : vector<16xf32>
    %jit3A_591 = arith.constant 0.000000e+00 : f32
    %broadcast_in_dim3A_592 = vector.broadcast %jit3A_591 : f32 to vector<16xf32>
    %select_n3A_593 = arith.select %lt3A_590, %get3A_586, %broadcast_in_dim3A_592 : vector<16xi1>, vector<16xf32>
    %min3A_594 = arith.minimumf %min3A_583, %select_n3A_593 : vector<16xf32>
    %get3A_595 = arith.constant 864 : index
    %get3A_596 = tpu.vector_load %arg9[%get3A_595] {strides = array<i32>} : memref<1024xf32, #tpu.memory_space<vmem>>, vector<16xf32>,
    %get3A_597 = vector.shape_cast %get3A_596 : vector<16xf32> to vector<16xf32>
    %abs3A_598 = math.absf %get3A_597 : vector<16xf32>
    %lt3A_599 = arith.constant 0x7F800000 : f32
    %lt3A_600 = vector.broadcast %lt3A_599 : f32 to vector<16xf32>
    %lt3A_601 = arith.cmpf olt, %abs3A_598, %lt3A_600 : vector<16xf32>
    %jit3A_602 = arith.constant 0.000000e+00 : f32
    %broadcast_in_dim3A_603 = vector.broadcast %jit3A_602 : f32 to vector<16xf32>
    %select_n3A_604 = arith.select %lt3A_601, %get3A_597, %broadcast_in_dim3A_603 : vector<16xi1>, vector<16xf32>
    %min3A_605 = arith.minimumf %min3A_594, %select_n3A_604 : vector<16xf32>
    %get3A_606 = arith.constant 880 : index
    %get3A_607 = tpu.vector_load %arg9[%get3A_606] {strides = array<i32>} : memref<1024xf32, #tpu.memory_space<vmem>>, vector<16xf32>,
    %get3A_608 = vector.shape_cast %get3A_607 : vector<16xf32> to vector<16xf32>
    %abs3A_609 = math.absf %get3A_608 : vector<16xf32>
    %lt3A_610 = arith.constant 0x7F800000 : f32
    %lt3A_611 = vector.broadcast %lt3A_610 : f32 to vector<16xf32>
    %lt3A_612 = arith.cmpf olt, %abs3A_609, %lt3A_611 : vector<16xf32>
    %jit3A_613 = arith.constant 0.000000e+00 : f32
    %broadcast_in_dim3A_614 = vector.broadcast %jit3A_613 : f32 to vector<16xf32>
    %select_n3A_615 = arith.select %lt3A_612, %get3A_608, %broadcast_in_dim3A_614 : vector<16xi1>, vector<16xf32>
    %min3A_616 = arith.minimumf %min3A_605, %select_n3A_615 : vector<16xf32>
    %get3A_617 = arith.constant 896 : index
    %get3A_618 = tpu.vector_load %arg9[%get3A_617] {strides = array<i32>} : memref<1024xf32, #tpu.memory_space<vmem>>, vector<16xf32>,
    %get3A_619 = vector.shape_cast %get3A_618 : vector<16xf32> to vector<16xf32>
    %abs3A_620 = math.absf %get3A_619 : vector<16xf32>
    %lt3A_621 = arith.constant 0x7F800000 : f32
    %lt3A_622 = vector.broadcast %lt3A_621 : f32 to vector<16xf32>
    %lt3A_623 = arith.cmpf olt, %abs3A_620, %lt3A_622 : vector<16xf32>
    %jit3A_624 = arith.constant 0.000000e+00 : f32
    %broadcast_in_dim3A_625 = vector.broadcast %jit3A_624 : f32 to vector<16xf32>
    %select_n3A_626 = arith.select %lt3A_623, %get3A_619, %broadcast_in_dim3A_625 : vector<16xi1>, vector<16xf32>
    %min3A_627 = arith.minimumf %min3A_616, %select_n3A_626 : vector<16xf32>
    %get3A_628 = arith.constant 912 : index
    %get3A_629 = tpu.vector_load %arg9[%get3A_628] {strides = array<i32>} : memref<1024xf32, #tpu.memory_space<vmem>>, vector<16xf32>,
    %get3A_630 = vector.shape_cast %get3A_629 : vector<16xf32> to vector<16xf32>
    %abs3A_631 = math.absf %get3A_630 : vector<16xf32>
    %lt3A_632 = arith.constant 0x7F800000 : f32
    %lt3A_633 = vector.broadcast %lt3A_632 : f32 to vector<16xf32>
    %lt3A_634 = arith.cmpf olt, %abs3A_631, %lt3A_633 : vector<16xf32>
    %jit3A_635 = arith.constant 0.000000e+00 : f32
    %broadcast_in_dim3A_636 = vector.broadcast %jit3A_635 : f32 to vector<16xf32>
    %select_n3A_637 = arith.select %lt3A_634, %get3A_630, %broadcast_in_dim3A_636 : vector<16xi1>, vector<16xf32>
    %min3A_638 = arith.minimumf %min3A_627, %select_n3A_637 : vector<16xf32>
    %get3A_639 = arith.constant 928 : index
    %get3A_640 = tpu.vector_load %arg9[%get3A_639] {strides = array<i32>} : memref<1024xf32, #tpu.memory_space<vmem>>, vector<16xf32>,
    %get3A_641 = vector.shape_cast %get3A_640 : vector<16xf32> to vector<16xf32>
    %abs3A_642 = math.absf %get3A_641 : vector<16xf32>
    %lt3A_643 = arith.constant 0x7F800000 : f32
    %lt3A_644 = vector.broadcast %lt3A_643 : f32 to vector<16xf32>
    %lt3A_645 = arith.cmpf olt, %abs3A_642, %lt3A_644 : vector<16xf32>
    %jit3A_646 = arith.constant 0.000000e+00 : f32
    %broadcast_in_dim3A_647 = vector.broadcast %jit3A_646 : f32 to vector<16xf32>
    %select_n3A_648 = arith.select %lt3A_645, %get3A_641, %broadcast_in_dim3A_647 : vector<16xi1>, vector<16xf32>
    %min3A_649 = arith.minimumf %min3A_638, %select_n3A_648 : vector<16xf32>
    %get3A_650 = arith.constant 944 : index
    %get3A_651 = tpu.vector_load %arg9[%get3A_650] {strides = array<i32>} : memref<1024xf32, #tpu.memory_space<vmem>>, vector<16xf32>,
    %get3A_652 = vector.shape_cast %get3A_651 : vector<16xf32> to vector<16xf32>
    %abs3A_653 = math.absf %get3A_652 : vector<16xf32>
    %lt3A_654 = arith.constant 0x7F800000 : f32
    %lt3A_655 = vector.broadcast %lt3A_654 : f32 to vector<16xf32>
    %lt3A_656 = arith.cmpf olt, %abs3A_653, %lt3A_655 : vector<16xf32>
    %jit3A_657 = arith.constant 0.000000e+00 : f32
    %broadcast_in_dim3A_658 = vector.broadcast %jit3A_657 : f32 to vector<16xf32>
    %select_n3A_659 = arith.select %lt3A_656, %get3A_652, %broadcast_in_dim3A_658 : vector<16xi1>, vector<16xf32>
    %min3A_660 = arith.minimumf %min3A_649, %select_n3A_659 : vector<16xf32>
    %get3A_661 = arith.constant 960 : index
    %get3A_662 = tpu.vector_load %arg9[%get3A_661] {strides = array<i32>} : memref<1024xf32, #tpu.memory_space<vmem>>, vector<16xf32>,
    %get3A_663 = vector.shape_cast %get3A_662 : vector<16xf32> to vector<16xf32>
    %abs3A_664 = math.absf %get3A_663 : vector<16xf32>
    %lt3A_665 = arith.constant 0x7F800000 : f32
    %lt3A_666 = vector.broadcast %lt3A_665 : f32 to vector<16xf32>
    %lt3A_667 = arith.cmpf olt, %abs3A_664, %lt3A_666 : vector<16xf32>
    %jit3A_668 = arith.constant 0.000000e+00 : f32
    %broadcast_in_dim3A_669 = vector.broadcast %jit3A_668 : f32 to vector<16xf32>
    %select_n3A_670 = arith.select %lt3A_667, %get3A_663, %broadcast_in_dim3A_669 : vector<16xi1>, vector<16xf32>
    %min3A_671 = arith.minimumf %min3A_660, %select_n3A_670 : vector<16xf32>
    %get3A_672 = arith.constant 976 : index
    %get3A_673 = tpu.vector_load %arg9[%get3A_672] {strides = array<i32>} : memref<1024xf32, #tpu.memory_space<vmem>>, vector<16xf32>,
    %get3A_674 = vector.shape_cast %get3A_673 : vector<16xf32> to vector<16xf32>
    %abs3A_675 = math.absf %get3A_674 : vector<16xf32>
    %lt3A_676 = arith.constant 0x7F800000 : f32
    %lt3A_677 = vector.broadcast %lt3A_676 : f32 to vector<16xf32>
    %lt3A_678 = arith.cmpf olt, %abs3A_675, %lt3A_677 : vector<16xf32>
    %jit3A_679 = arith.constant 0.000000e+00 : f32
    %broadcast_in_dim3A_680 = vector.broadcast %jit3A_679 : f32 to vector<16xf32>
    %select_n3A_681 = arith.select %lt3A_678, %get3A_674, %broadcast_in_dim3A_680 : vector<16xi1>, vector<16xf32>
    %min3A_682 = arith.minimumf %min3A_671, %select_n3A_681 : vector<16xf32>
    %get3A_683 = arith.constant 992 : index
    %get3A_684 = tpu.vector_load %arg9[%get3A_683] {strides = array<i32>} : memref<1024xf32, #tpu.memory_space<vmem>>, vector<16xf32>,
    %get3A_685 = vector.shape_cast %get3A_684 : vector<16xf32> to vector<16xf32>
    %abs3A_686 = math.absf %get3A_685 : vector<16xf32>
    %lt3A_687 = arith.constant 0x7F800000 : f32
    %lt3A_688 = vector.broadcast %lt3A_687 : f32 to vector<16xf32>
    %lt3A_689 = arith.cmpf olt, %abs3A_686, %lt3A_688 : vector<16xf32>
    %jit3A_690 = arith.constant 0.000000e+00 : f32
    %broadcast_in_dim3A_691 = vector.broadcast %jit3A_690 : f32 to vector<16xf32>
    %select_n3A_692 = arith.select %lt3A_689, %get3A_685, %broadcast_in_dim3A_691 : vector<16xi1>, vector<16xf32>
    %min3A_693 = arith.minimumf %min3A_682, %select_n3A_692 : vector<16xf32>
    %get3A_694 = arith.constant 1008 : index
    %get3A_695 = tpu.vector_load %arg9[%get3A_694] {strides = array<i32>} : memref<1024xf32, #tpu.memory_space<vmem>>, vector<16xf32>,
    %get3A_696 = vector.shape_cast %get3A_695 : vector<16xf32> to vector<16xf32>
    %abs3A_697 = math.absf %get3A_696 : vector<16xf32>
    %lt3A_698 = arith.constant 0x7F800000 : f32
    %lt3A_699 = vector.broadcast %lt3A_698 : f32 to vector<16xf32>
    %lt3A_700 = arith.cmpf olt, %abs3A_697, %lt3A_699 : vector<16xf32>
    %jit3A_701 = arith.constant 0.000000e+00 : f32
    %broadcast_in_dim3A_702 = vector.broadcast %jit3A_701 : f32 to vector<16xf32>
    %select_n3A_703 = arith.select %lt3A_700, %get3A_696, %broadcast_in_dim3A_702 : vector<16xi1>, vector<16xf32>
    %min3A_704 = arith.minimumf %min3A_693, %select_n3A_703 : vector<16xf32>
    %swap3A = arith.constant 0 : index
    %swap3A_705 = tpu.vector_load %arg8[%swap3A] {strides = array<i32>} : memref<32xf32, #tpu.memory_space<vmem>>, vector<16xf32>,
    %swap3A_706 = vector.shape_cast %swap3A_705 : vector<16xf32> to vector<16xf32>
    %swap3A_707 = vector.shape_cast %min3A_704 : vector<16xf32> to vector<16xf32>
    tpu.vector_store %arg8[%swap3A], %swap3A_707 {strides = array<i32>} : memref<32xf32, #tpu.memory_space<vmem>>, vector<16xf32>,
    "tpu.region"() ({
      %run_scoped3A = tpu.sem_alloc : memref<!tpu.dma_semaphore, #tpu.memory_space<semaphore_mem>>
      %dma_start3A = arith.constant 0 : i32
      %dma_start3A_3759 = tpu.memref_slice %arg8[%dma_start3A] : memref<32xf32, #tpu.memory_space<vmem>> -> memref<16xf32, #tpu.memory_space<vmem>>
      %dma_start3A_3760 = arith.constant 0 : i32
      %dma_start3A_3761 = tpu.memref_slice %arg10[%arg1, %dma_start3A_3760] : memref<16x16xf32, #tpu.memory_space<vmem_shared>> -> memref<1x16xf32, #tpu.memory_space<vmem_shared>>
      %dma_start3A_3762 = tpu.memref_squeeze %dma_start3A_3761 : memref<1x16xf32, #tpu.memory_space<vmem_shared>> -> memref<16xf32, #tpu.memory_space<vmem_shared>>
      %dma_start3A_3763 = arith.constant 0 : i32
      %dma_start3A_3764 = tpu.memref_slice %arg10[%arg1, %dma_start3A_3763] : memref<16x16xf32, #tpu.memory_space<vmem_shared>> -> memref<1x16xf32, #tpu.memory_space<vmem_shared>>
      %dma_start3A_3765 = tpu.memref_squeeze %dma_start3A_3764 : memref<1x16xf32, #tpu.memory_space<vmem_shared>> -> memref<16xf32, #tpu.memory_space<vmem_shared>>
      %dma_start3A_3766 = arith.constant 0 : i32
      %dma_start3A_3767 = tpu.memref_slice %arg8[%dma_start3A_3766] : memref<32xf32, #tpu.memory_space<vmem>> -> memref<16xf32, #tpu.memory_space<vmem>>
      tpu.enqueue_dma source(%dma_start3A_3767 : memref<16xf32, #tpu.memory_space<vmem>>) target(%dma_start3A_3765 : memref<16xf32, #tpu.memory_space<vmem_shared>>) target_semaphore(%run_scoped3A : memref<!tpu.dma_semaphore, #tpu.memory_space<semaphore_mem>>)
      %dma_wait3A = arith.constant 0 : i32
      %dma_wait3A_3768 = tpu.memref_slice %arg8[%dma_wait3A] : memref<32xf32, #tpu.memory_space<vmem>> -> memref<16xf32, #tpu.memory_space<vmem>>
      %dma_wait3A_3769 = arith.constant 0 : i32
      %dma_wait3A_3770 = tpu.memref_slice %arg10[%arg1, %dma_wait3A_3769] : memref<16x16xf32, #tpu.memory_space<vmem_shared>> -> memref<1x16xf32, #tpu.memory_space<vmem_shared>>
      %dma_wait3A_3771 = tpu.memref_squeeze %dma_wait3A_3770 : memref<1x16xf32, #tpu.memory_space<vmem_shared>> -> memref<16xf32, #tpu.memory_space<vmem_shared>>
      %dma_wait3A_3772 = arith.constant 0 : i32
      %dma_wait3A_3773 = tpu.memref_slice %arg10[%arg1, %dma_wait3A_3772] : memref<16x16xf32, #tpu.memory_space<vmem_shared>> -> memref<1x16xf32, #tpu.memory_space<vmem_shared>>
      %dma_wait3A_3774 = tpu.memref_squeeze %dma_wait3A_3773 : memref<1x16xf32, #tpu.memory_space<vmem_shared>> -> memref<16xf32, #tpu.memory_space<vmem_shared>>
      %dma_wait3A_3775 = arith.constant 0 : i32
      %dma_wait3A_3776 = tpu.memref_slice %arg8[%dma_wait3A_3775] : memref<32xf32, #tpu.memory_space<vmem>> -> memref<16xf32, #tpu.memory_space<vmem>>
      tpu.wait_dma2 semaphore(%run_scoped3A : memref<!tpu.dma_semaphore, #tpu.memory_space<semaphore_mem>>) src(%dma_wait3A_3776 : memref<16xf32, #tpu.memory_space<vmem>>) dst(%dma_wait3A_3774 : memref<16xf32, #tpu.memory_space<vmem_shared>>)
      tpu.yield
    }) : () -> ()
    %barrier3A = arith.constant 0 : index
    tpu.barrier barrier_id(%barrier3A)
    "tpu.region"() ({
      %run_scoped3A = tpu.sem_alloc : memref<!tpu.dma_semaphore, #tpu.memory_space<semaphore_mem>>
      tpu.enqueue_dma source(%arg10 : memref<16x16xf32, #tpu.memory_space<vmem_shared>>) target(%arg11 : memref<16x16xf32, #tpu.memory_space<vmem>>) target_semaphore(%run_scoped3A : memref<!tpu.dma_semaphore, #tpu.memory_space<semaphore_mem>>)
      tpu.wait_dma2 semaphore(%run_scoped3A : memref<!tpu.dma_semaphore, #tpu.memory_space<semaphore_mem>>) src(%arg10 : memref<16x16xf32, #tpu.memory_space<vmem_shared>>) dst(%arg11 : memref<16x16xf32, #tpu.memory_space<vmem>>)
      tpu.yield
    }) : () -> ()
    %get3A_708 = arith.constant 0 : i32
    %get3A_709 = arith.index_cast %get3A_708 : i32 to index
    %get3A_710 = arith.constant 0 : index
    %get3A_711 = tpu.vector_load %arg11[%get3A_709, %get3A_710] {strides = array<i32>} : memref<16x16xf32, #tpu.memory_space<vmem>>, vector<1x16xf32>,
    %get3A_712 = vector.shape_cast %get3A_711 : vector<1x16xf32> to vector<16xf32>
    %get3A_713 = arith.constant 1 : i32
    %get3A_714 = arith.index_cast %get3A_713 : i32 to index
    %get3A_715 = arith.constant 0 : index
    %get3A_716 = tpu.vector_load %arg11[%get3A_714, %get3A_715] {strides = array<i32>} : memref<16x16xf32, #tpu.memory_space<vmem>>, vector<1x16xf32>,
    %get3A_717 = vector.shape_cast %get3A_716 : vector<1x16xf32> to vector<16xf32>
    %min3A_718 = arith.minimumf %get3A_712, %get3A_717 : vector<16xf32>
    %get3A_719 = arith.constant 2 : i32
    %get3A_720 = arith.index_cast %get3A_719 : i32 to index
    %get3A_721 = arith.constant 0 : index
    %get3A_722 = tpu.vector_load %arg11[%get3A_720, %get3A_721] {strides = array<i32>} : memref<16x16xf32, #tpu.memory_space<vmem>>, vector<1x16xf32>,
    %get3A_723 = vector.shape_cast %get3A_722 : vector<1x16xf32> to vector<16xf32>
    %min3A_724 = arith.minimumf %min3A_718, %get3A_723 : vector<16xf32>
    %get3A_725 = arith.constant 3 : i32
    %get3A_726 = arith.index_cast %get3A_725 : i32 to index
    %get3A_727 = arith.constant 0 : index
    %get3A_728 = tpu.vector_load %arg11[%get3A_726, %get3A_727] {strides = array<i32>} : memref<16x16xf32, #tpu.memory_space<vmem>>, vector<1x16xf32>,
    %get3A_729 = vector.shape_cast %get3A_728 : vector<1x16xf32> to vector<16xf32>
    %min3A_730 = arith.minimumf %min3A_724, %get3A_729 : vector<16xf32>
    %get3A_731 = arith.constant 4 : i32
    %get3A_732 = arith.index_cast %get3A_731 : i32 to index
    %get3A_733 = arith.constant 0 : index
    %get3A_734 = tpu.vector_load %arg11[%get3A_732, %get3A_733] {strides = array<i32>} : memref<16x16xf32, #tpu.memory_space<vmem>>, vector<1x16xf32>,
    %get3A_735 = vector.shape_cast %get3A_734 : vector<1x16xf32> to vector<16xf32>
    %min3A_736 = arith.minimumf %min3A_730, %get3A_735 : vector<16xf32>
    %get3A_737 = arith.constant 5 : i32
    %get3A_738 = arith.index_cast %get3A_737 : i32 to index
    %get3A_739 = arith.constant 0 : index
    %get3A_740 = tpu.vector_load %arg11[%get3A_738, %get3A_739] {strides = array<i32>} : memref<16x16xf32, #tpu.memory_space<vmem>>, vector<1x16xf32>,
    %get3A_741 = vector.shape_cast %get3A_740 : vector<1x16xf32> to vector<16xf32>
    %min3A_742 = arith.minimumf %min3A_736, %get3A_741 : vector<16xf32>
    %get3A_743 = arith.constant 6 : i32
    %get3A_744 = arith.index_cast %get3A_743 : i32 to index
    %get3A_745 = arith.constant 0 : index
    %get3A_746 = tpu.vector_load %arg11[%get3A_744, %get3A_745] {strides = array<i32>} : memref<16x16xf32, #tpu.memory_space<vmem>>, vector<1x16xf32>,
    %get3A_747 = vector.shape_cast %get3A_746 : vector<1x16xf32> to vector<16xf32>
    %min3A_748 = arith.minimumf %min3A_742, %get3A_747 : vector<16xf32>
    %get3A_749 = arith.constant 7 : i32
    %get3A_750 = arith.index_cast %get3A_749 : i32 to index
    %get3A_751 = arith.constant 0 : index
    %get3A_752 = tpu.vector_load %arg11[%get3A_750, %get3A_751] {strides = array<i32>} : memref<16x16xf32, #tpu.memory_space<vmem>>, vector<1x16xf32>,
    %get3A_753 = vector.shape_cast %get3A_752 : vector<1x16xf32> to vector<16xf32>
    %min3A_754 = arith.minimumf %min3A_748, %get3A_753 : vector<16xf32>
    %get3A_755 = arith.constant 8 : i32
    %get3A_756 = arith.index_cast %get3A_755 : i32 to index
    %get3A_757 = arith.constant 0 : index
    %get3A_758 = tpu.vector_load %arg11[%get3A_756, %get3A_757] {strides = array<i32>} : memref<16x16xf32, #tpu.memory_space<vmem>>, vector<1x16xf32>,
    %get3A_759 = vector.shape_cast %get3A_758 : vector<1x16xf32> to vector<16xf32>
    %min3A_760 = arith.minimumf %min3A_754, %get3A_759 : vector<16xf32>
    %get3A_761 = arith.constant 9 : i32
    %get3A_762 = arith.index_cast %get3A_761 : i32 to index
    %get3A_763 = arith.constant 0 : index
    %get3A_764 = tpu.vector_load %arg11[%get3A_762, %get3A_763] {strides = array<i32>} : memref<16x16xf32, #tpu.memory_space<vmem>>, vector<1x16xf32>,
    %get3A_765 = vector.shape_cast %get3A_764 : vector<1x16xf32> to vector<16xf32>
    %min3A_766 = arith.minimumf %min3A_760, %get3A_765 : vector<16xf32>
    %get3A_767 = arith.constant 10 : i32
    %get3A_768 = arith.index_cast %get3A_767 : i32 to index
    %get3A_769 = arith.constant 0 : index
    %get3A_770 = tpu.vector_load %arg11[%get3A_768, %get3A_769] {strides = array<i32>} : memref<16x16xf32, #tpu.memory_space<vmem>>, vector<1x16xf32>,
    %get3A_771 = vector.shape_cast %get3A_770 : vector<1x16xf32> to vector<16xf32>
    %min3A_772 = arith.minimumf %min3A_766, %get3A_771 : vector<16xf32>
    %get3A_773 = arith.constant 11 : i32
    %get3A_774 = arith.index_cast %get3A_773 : i32 to index
    %get3A_775 = arith.constant 0 : index
    %get3A_776 = tpu.vector_load %arg11[%get3A_774, %get3A_775] {strides = array<i32>} : memref<16x16xf32, #tpu.memory_space<vmem>>, vector<1x16xf32>,
    %get3A_777 = vector.shape_cast %get3A_776 : vector<1x16xf32> to vector<16xf32>
    %min3A_778 = arith.minimumf %min3A_772, %get3A_777 : vector<16xf32>
    %get3A_779 = arith.constant 12 : i32
    %get3A_780 = arith.index_cast %get3A_779 : i32 to index
    %get3A_781 = arith.constant 0 : index
    %get3A_782 = tpu.vector_load %arg11[%get3A_780, %get3A_781] {strides = array<i32>} : memref<16x16xf32, #tpu.memory_space<vmem>>, vector<1x16xf32>,
    %get3A_783 = vector.shape_cast %get3A_782 : vector<1x16xf32> to vector<16xf32>
    %min3A_784 = arith.minimumf %min3A_778, %get3A_783 : vector<16xf32>
    %get3A_785 = arith.constant 13 : i32
    %get3A_786 = arith.index_cast %get3A_785 : i32 to index
    %get3A_787 = arith.constant 0 : index
    %get3A_788 = tpu.vector_load %arg11[%get3A_786, %get3A_787] {strides = array<i32>} : memref<16x16xf32, #tpu.memory_space<vmem>>, vector<1x16xf32>,
    %get3A_789 = vector.shape_cast %get3A_788 : vector<1x16xf32> to vector<16xf32>
    %min3A_790 = arith.minimumf %min3A_784, %get3A_789 : vector<16xf32>
    %get3A_791 = arith.constant 14 : i32
    %get3A_792 = arith.index_cast %get3A_791 : i32 to index
    %get3A_793 = arith.constant 0 : index
    %get3A_794 = tpu.vector_load %arg11[%get3A_792, %get3A_793] {strides = array<i32>} : memref<16x16xf32, #tpu.memory_space<vmem>>, vector<1x16xf32>,
    %get3A_795 = vector.shape_cast %get3A_794 : vector<1x16xf32> to vector<16xf32>
    %min3A_796 = arith.minimumf %min3A_790, %get3A_795 : vector<16xf32>
    %get3A_797 = arith.constant 15 : i32
    %get3A_798 = arith.index_cast %get3A_797 : i32 to index
    %get3A_799 = arith.constant 0 : index
    %get3A_800 = tpu.vector_load %arg11[%get3A_798, %get3A_799] {strides = array<i32>} : memref<16x16xf32, #tpu.memory_space<vmem>>, vector<1x16xf32>,
    %get3A_801 = vector.shape_cast %get3A_800 : vector<1x16xf32> to vector<16xf32>
    %min3A_802 = arith.minimumf %min3A_796, %get3A_801 : vector<16xf32>
    %swap3A_803 = arith.constant 0 : index
    %swap3A_804 = tpu.vector_load %arg8[%swap3A_803] {strides = array<i32>} : memref<32xf32, #tpu.memory_space<vmem>>, vector<16xf32>,
    %swap3A_805 = vector.shape_cast %swap3A_804 : vector<16xf32> to vector<16xf32>
    %swap3A_806 = vector.shape_cast %min3A_802 : vector<16xf32> to vector<16xf32>
    tpu.vector_store %arg8[%swap3A_803], %swap3A_806 {strides = array<i32>} : memref<32xf32, #tpu.memory_space<vmem>>, vector<16xf32>,
    %swap3A_807 = arith.constant 16 : index
    %swap3A_808 = tpu.vector_load %arg8[%swap3A_807] {strides = array<i32>} : memref<32xf32, #tpu.memory_space<vmem>>, vector<16xf32>,
    %swap3A_809 = vector.shape_cast %swap3A_808 : vector<16xf32> to vector<16xf32>
    %swap3A_810 = vector.shape_cast %min3A_802 : vector<16xf32> to vector<16xf32>
    tpu.vector_store %arg8[%swap3A_807], %swap3A_810 {strides = array<i32>} : memref<32xf32, #tpu.memory_space<vmem>>, vector<16xf32>,
    %get3A_811 = arith.constant 0 : index
    %get3A_812 = tpu.vector_load %arg8[%get3A_811] {strides = array<i32>} : memref<32xf32, #tpu.memory_space<vmem>>, vector<16xf32>,
    %get3A_813 = vector.shape_cast %get3A_812 : vector<16xf32> to vector<16xf32>
    %get3A_814 = arith.constant 8 : index
    %get3A_815 = tpu.vector_load %arg8[%get3A_814] {strides = array<i32>} : memref<32xf32, #tpu.memory_space<vmem>>, vector<16xf32>,
    %get3A_816 = vector.shape_cast %get3A_815 : vector<16xf32> to vector<16xf32>
    %min3A_817 = arith.minimumf %get3A_813, %get3A_816 : vector<16xf32>
    %swap3A_818 = arith.constant 0 : index
    %swap3A_819 = tpu.vector_load %arg8[%swap3A_818] {strides = array<i32>} : memref<32xf32, #tpu.memory_space<vmem>>, vector<16xf32>,
    %swap3A_820 = vector.shape_cast %swap3A_819 : vector<16xf32> to vector<16xf32>
    %swap3A_821 = vector.shape_cast %min3A_817 : vector<16xf32> to vector<16xf32>
    tpu.vector_store %arg8[%swap3A_818], %swap3A_821 {strides = array<i32>} : memref<32xf32, #tpu.memory_space<vmem>>, vector<16xf32>,
    %swap3A_822 = arith.constant 16 : index
    %swap3A_823 = tpu.vector_load %arg8[%swap3A_822] {strides = array<i32>} : memref<32xf32, #tpu.memory_space<vmem>>, vector<16xf32>,
    %swap3A_824 = vector.shape_cast %swap3A_823 : vector<16xf32> to vector<16xf32>
    %swap3A_825 = vector.shape_cast %min3A_817 : vector<16xf32> to vector<16xf32>
    tpu.vector_store %arg8[%swap3A_822], %swap3A_825 {strides = array<i32>} : memref<32xf32, #tpu.memory_space<vmem>>, vector<16xf32>,
    %get3A_826 = arith.constant 0 : index
    %get3A_827 = tpu.vector_load %arg8[%get3A_826] {strides = array<i32>} : memref<32xf32, #tpu.memory_space<vmem>>, vector<16xf32>,
    %get3A_828 = vector.shape_cast %get3A_827 : vector<16xf32> to vector<16xf32>
    %get3A_829 = arith.constant 4 : index
    %get3A_830 = tpu.vector_load %arg8[%get3A_829] {strides = array<i32>} : memref<32xf32, #tpu.memory_space<vmem>>, vector<16xf32>,
    %get3A_831 = vector.shape_cast %get3A_830 : vector<16xf32> to vector<16xf32>
    %min3A_832 = arith.minimumf %get3A_828, %get3A_831 : vector<16xf32>
    %swap3A_833 = arith.constant 0 : index
    %swap3A_834 = tpu.vector_load %arg8[%swap3A_833] {strides = array<i32>} : memref<32xf32, #tpu.memory_space<vmem>>, vector<16xf32>,
    %swap3A_835 = vector.shape_cast %swap3A_834 : vector<16xf32> to vector<16xf32>
    %swap3A_836 = vector.shape_cast %min3A_832 : vector<16xf32> to vector<16xf32>
    tpu.vector_store %arg8[%swap3A_833], %swap3A_836 {strides = array<i32>} : memref<32xf32, #tpu.memory_space<vmem>>, vector<16xf32>,
    %swap3A_837 = arith.constant 16 : index
    %swap3A_838 = tpu.vector_load %arg8[%swap3A_837] {strides = array<i32>} : memref<32xf32, #tpu.memory_space<vmem>>, vector<16xf32>,
    %swap3A_839 = vector.shape_cast %swap3A_838 : vector<16xf32> to vector<16xf32>
    %swap3A_840 = vector.shape_cast %min3A_832 : vector<16xf32> to vector<16xf32>
    tpu.vector_store %arg8[%swap3A_837], %swap3A_840 {strides = array<i32>} : memref<32xf32, #tpu.memory_space<vmem>>, vector<16xf32>,
    %get3A_841 = arith.constant 0 : index
    %get3A_842 = tpu.vector_load %arg8[%get3A_841] {strides = array<i32>} : memref<32xf32, #tpu.memory_space<vmem>>, vector<16xf32>,
    %get3A_843 = vector.shape_cast %get3A_842 : vector<16xf32> to vector<16xf32>
    %get3A_844 = arith.constant 2 : index
    %get3A_845 = tpu.vector_load %arg8[%get3A_844] {strides = array<i32>} : memref<32xf32, #tpu.memory_space<vmem>>, vector<16xf32>,
    %get3A_846 = vector.shape_cast %get3A_845 : vector<16xf32> to vector<16xf32>
    %min3A_847 = arith.minimumf %get3A_843, %get3A_846 : vector<16xf32>
    %swap3A_848 = arith.constant 0 : index
    %swap3A_849 = tpu.vector_load %arg8[%swap3A_848] {strides = array<i32>} : memref<32xf32, #tpu.memory_space<vmem>>, vector<16xf32>,
    %swap3A_850 = vector.shape_cast %swap3A_849 : vector<16xf32> to vector<16xf32>
    %swap3A_851 = vector.shape_cast %min3A_847 : vector<16xf32> to vector<16xf32>
    tpu.vector_store %arg8[%swap3A_848], %swap3A_851 {strides = array<i32>} : memref<32xf32, #tpu.memory_space<vmem>>, vector<16xf32>,
    %swap3A_852 = arith.constant 16 : index
    %swap3A_853 = tpu.vector_load %arg8[%swap3A_852] {strides = array<i32>} : memref<32xf32, #tpu.memory_space<vmem>>, vector<16xf32>,
    %swap3A_854 = vector.shape_cast %swap3A_853 : vector<16xf32> to vector<16xf32>
    %swap3A_855 = vector.shape_cast %min3A_847 : vector<16xf32> to vector<16xf32>
    tpu.vector_store %arg8[%swap3A_852], %swap3A_855 {strides = array<i32>} : memref<32xf32, #tpu.memory_space<vmem>>, vector<16xf32>,
    %get3A_856 = arith.constant 0 : index
    %get3A_857 = tpu.vector_load %arg8[%get3A_856] {strides = array<i32>} : memref<32xf32, #tpu.memory_space<vmem>>, vector<16xf32>,
    %get3A_858 = vector.shape_cast %get3A_857 : vector<16xf32> to vector<16xf32>
    %get3A_859 = arith.constant 1 : index
    %get3A_860 = tpu.vector_load %arg8[%get3A_859] {strides = array<i32>} : memref<32xf32, #tpu.memory_space<vmem>>, vector<16xf32>,
    %get3A_861 = vector.shape_cast %get3A_860 : vector<16xf32> to vector<16xf32>
    %min3A_862 = arith.minimumf %get3A_858, %get3A_861 : vector<16xf32>
    %swap3A_863 = arith.constant 0 : index
    %swap3A_864 = tpu.vector_load %arg8[%swap3A_863] {strides = array<i32>} : memref<32xf32, #tpu.memory_space<vmem>>, vector<16xf32>,
    %swap3A_865 = vector.shape_cast %swap3A_864 : vector<16xf32> to vector<16xf32>
    %swap3A_866 = vector.shape_cast %min3A_862 : vector<16xf32> to vector<16xf32>
    tpu.vector_store %arg8[%swap3A_863], %swap3A_866 {strides = array<i32>} : memref<32xf32, #tpu.memory_space<vmem>>, vector<16xf32>,
    %swap3A_867 = arith.constant 16 : index
    %swap3A_868 = tpu.vector_load %arg8[%swap3A_867] {strides = array<i32>} : memref<32xf32, #tpu.memory_space<vmem>>, vector<16xf32>,
    %swap3A_869 = vector.shape_cast %swap3A_868 : vector<16xf32> to vector<16xf32>
    %swap3A_870 = vector.shape_cast %min3A_862 : vector<16xf32> to vector<16xf32>
    tpu.vector_store %arg8[%swap3A_867], %swap3A_870 {strides = array<i32>} : memref<32xf32, #tpu.memory_space<vmem>>, vector<16xf32>,
    %broadcast_in_dim3A_871 = arith.constant 1 : i32
    %broadcast_in_dim3A_872 = vector.broadcast %broadcast_in_dim3A_871 : i32 to vector<16xi32>
    %broadcast_in_dim3A_873 = arith.constant 0 : i32
    %broadcast_in_dim3A_874 = vector.broadcast %broadcast_in_dim3A_873 : i32 to vector<16xi32>
    %get3A_875 = arith.constant 0 : index
    %get3A_876 = tpu.vector_load %arg8[%get3A_875] {strides = array<i32>} : memref<32xf32, #tpu.memory_space<vmem>>, vector<16xf32>,
    %get3A_877 = vector.shape_cast %get3A_876 : vector<16xf32> to vector<16xf32>
    %gt3A = arith.constant 5.000000e-01 : f32
    %gt3A_878 = vector.broadcast %gt3A : f32 to vector<16xf32>
    %gt3A_879 = arith.cmpf ogt, %get3A_877, %gt3A_878 : vector<16xf32>
    %select_n3A_880 = arith.select %gt3A_879, %broadcast_in_dim3A_872, %broadcast_in_dim3A_874 : vector<16xi1>, vector<16xi32>
    %get3A_881 = arith.constant 0 : index
    %get3A_882 = tpu.vector_load %arg4[%get3A_881] {strides = array<i32>} : memref<512xf32, #tpu.memory_space<vmem>>, vector<16xf32>,
    %get3A_883 = vector.shape_cast %get3A_882 : vector<16xf32> to vector<16xf32>
    %abs3A_884 = math.absf %get3A_883 : vector<16xf32>
    %lt3A_885 = arith.constant 0x7F800000 : f32
    %lt3A_886 = vector.broadcast %lt3A_885 : f32 to vector<16xf32>
    %lt3A_887 = arith.cmpf olt, %abs3A_884, %lt3A_886 : vector<16xf32>
    %jit3A_888 = arith.constant 0.000000e+00 : f32
    %broadcast_in_dim3A_889 = vector.broadcast %jit3A_888 : f32 to vector<16xf32>
    %select_n3A_890 = arith.select %lt3A_887, %get3A_883, %broadcast_in_dim3A_889 : vector<16xi1>, vector<16xf32>
    %get3A_891 = arith.constant 0 : index
    %get3A_892 = tpu.vector_load %arg5[%get3A_891] {strides = array<i32>} : memref<512xf32, #tpu.memory_space<vmem>>, vector<16xf32>,
    %get3A_893 = vector.shape_cast %get3A_892 : vector<16xf32> to vector<16xf32>
    %abs3A_894 = math.absf %get3A_893 : vector<16xf32>
    %lt3A_895 = arith.constant 0x7F800000 : f32
    %lt3A_896 = vector.broadcast %lt3A_895 : f32 to vector<16xf32>
    %lt3A_897 = arith.cmpf olt, %abs3A_894, %lt3A_896 : vector<16xf32>
    %jit3A_898 = arith.constant 0.000000e+00 : f32
    %broadcast_in_dim3A_899 = vector.broadcast %jit3A_898 : f32 to vector<16xf32>
    %select_n3A_900 = arith.select %lt3A_897, %get3A_893, %broadcast_in_dim3A_899 : vector<16xi1>, vector<16xf32>
    %get3A_901 = arith.constant 0 : index
    %get3A_902 = tpu.vector_load %arg6[%get3A_901] {strides = array<i32>} : memref<512xf32, #tpu.memory_space<vmem>>, vector<16xf32>,
    %get3A_903 = vector.shape_cast %get3A_902 : vector<16xf32> to vector<16xf32>
    %abs3A_904 = math.absf %get3A_903 : vector<16xf32>
    %lt3A_905 = arith.constant 0x7F800000 : f32
    %lt3A_906 = vector.broadcast %lt3A_905 : f32 to vector<16xf32>
    %lt3A_907 = arith.cmpf olt, %abs3A_904, %lt3A_906 : vector<16xf32>
    %jit3A_908 = arith.constant 0.000000e+00 : f32
    %broadcast_in_dim3A_909 = vector.broadcast %jit3A_908 : f32 to vector<16xf32>
    %select_n3A_910 = arith.select %lt3A_907, %get3A_903, %broadcast_in_dim3A_909 : vector<16xi1>, vector<16xf32>
    %gt3A_911 = arith.constant 5.000000e-01 : f32
    %gt3A_912 = vector.broadcast %gt3A_911 : f32 to vector<16xf32>
    %gt3A_913 = arith.cmpf ogt, %select_n3A_890, %gt3A_912 : vector<16xf32>
    %select_n3A_914 = arith.select %gt3A_913, %broadcast_in_dim3A_872, %broadcast_in_dim3A_874 : vector<16xi1>, vector<16xi32>
    %lt3A_915 = arith.constant 0.899999976 : f32
    %lt3A_916 = vector.broadcast %lt3A_915 : f32 to vector<16xf32>
    %lt3A_917 = arith.cmpf olt, %select_n3A_910, %lt3A_916 : vector<16xf32>
    %select_n3A_918 = arith.select %lt3A_917, %broadcast_in_dim3A_872, %broadcast_in_dim3A_874 : vector<16xi1>, vector<16xi32>
    %ge3A = arith.constant 0.899999976 : f32
    %ge3A_919 = vector.broadcast %ge3A : f32 to vector<16xf32>
    %ge3A_920 = arith.cmpf oge, %select_n3A_900, %ge3A_919 : vector<16xf32>
    %select_n3A_921 = arith.select %ge3A_920, %broadcast_in_dim3A_872, %broadcast_in_dim3A_874 : vector<16xi1>, vector<16xi32>
    %sub3A = arith.subi %broadcast_in_dim3A_872, %select_n3A_914 : vector<16xi32>
    %mul3A_922 = arith.muli %sub3A, %select_n3A_918 : vector<16xi32>
    %mul3A_923 = arith.muli %select_n3A_914, %select_n3A_918 : vector<16xi32>
    %mul3A_924 = arith.muli %select_n3A_921, %select_n3A_880 : vector<16xi32>
    %sub3A_925 = arith.subi %broadcast_in_dim3A_872, %mul3A_924 : vector<16xi32>
    %mul3A_926 = arith.muli %mul3A_923, %sub3A_925 : vector<16xi32>
    %swap3A_927 = arith.constant 0 : i32
    %swap3A_928 = arith.index_cast %swap3A_927 : i32 to index
    %swap3A_929 = arith.constant 0 : index
    %swap3A_930 = tpu.vector_load %arg7[%swap3A_928, %swap3A_929] {strides = array<i32>} : memref<7x512xi32, #tpu.memory_space<vmem>>, vector<1x16xi32>,
    %swap3A_931 = vector.shape_cast %swap3A_930 : vector<1x16xi32> to vector<16xi32>
    %swap3A_932 = vector.shape_cast %broadcast_in_dim3A_872 : vector<16xi32> to vector<1x16xi32>
    tpu.vector_store %arg7[%swap3A_928, %swap3A_929], %swap3A_932 {strides = array<i32>} : memref<7x512xi32, #tpu.memory_space<vmem>>, vector<1x16xi32>,
    %swap3A_933 = arith.constant 1 : i32
    %swap3A_934 = arith.index_cast %swap3A_933 : i32 to index
    %swap3A_935 = arith.constant 0 : index
    %swap3A_936 = tpu.vector_load %arg7[%swap3A_934, %swap3A_935] {strides = array<i32>} : memref<7x512xi32, #tpu.memory_space<vmem>>, vector<1x16xi32>,
    %swap3A_937 = vector.shape_cast %swap3A_936 : vector<1x16xi32> to vector<16xi32>
    %swap3A_938 = vector.shape_cast %mul3A_922 : vector<16xi32> to vector<1x16xi32>
    tpu.vector_store %arg7[%swap3A_934, %swap3A_935], %swap3A_938 {strides = array<i32>} : memref<7x512xi32, #tpu.memory_space<vmem>>, vector<1x16xi32>,
    %swap3A_939 = arith.constant 2 : i32
    %swap3A_940 = arith.index_cast %swap3A_939 : i32 to index
    %swap3A_941 = arith.constant 0 : index
    %swap3A_942 = tpu.vector_load %arg7[%swap3A_940, %swap3A_941] {strides = array<i32>} : memref<7x512xi32, #tpu.memory_space<vmem>>, vector<1x16xi32>,
    %swap3A_943 = vector.shape_cast %swap3A_942 : vector<1x16xi32> to vector<16xi32>
    %swap3A_944 = vector.shape_cast %mul3A_922 : vector<16xi32> to vector<1x16xi32>
    tpu.vector_store %arg7[%swap3A_940, %swap3A_941], %swap3A_944 {strides = array<i32>} : memref<7x512xi32, #tpu.memory_space<vmem>>, vector<1x16xi32>,
    %swap3A_945 = arith.constant 3 : i32
    %swap3A_946 = arith.index_cast %swap3A_945 : i32 to index
    %swap3A_947 = arith.constant 0 : index
    %swap3A_948 = tpu.vector_load %arg7[%swap3A_946, %swap3A_947] {strides = array<i32>} : memref<7x512xi32, #tpu.memory_space<vmem>>, vector<1x16xi32>,
    %swap3A_949 = vector.shape_cast %swap3A_948 : vector<1x16xi32> to vector<16xi32>
    %swap3A_950 = vector.shape_cast %mul3A_922 : vector<16xi32> to vector<1x16xi32>
    tpu.vector_store %arg7[%swap3A_946, %swap3A_947], %swap3A_950 {strides = array<i32>} : memref<7x512xi32, #tpu.memory_space<vmem>>, vector<1x16xi32>,
    %swap3A_951 = arith.constant 4 : i32
    %swap3A_952 = arith.index_cast %swap3A_951 : i32 to index
    %swap3A_953 = arith.constant 0 : index
    %swap3A_954 = tpu.vector_load %arg7[%swap3A_952, %swap3A_953] {strides = array<i32>} : memref<7x512xi32, #tpu.memory_space<vmem>>, vector<1x16xi32>,
    %swap3A_955 = vector.shape_cast %swap3A_954 : vector<1x16xi32> to vector<16xi32>
    %swap3A_956 = vector.shape_cast %select_n3A_914 : vector<16xi32> to vector<1x16xi32>
    tpu.vector_store %arg7[%swap3A_952, %swap3A_953], %swap3A_956 {strides = array<i32>} : memref<7x512xi32, #tpu.memory_space<vmem>>, vector<1x16xi32>,
    %swap3A_957 = arith.constant 5 : i32
    %swap3A_958 = arith.index_cast %swap3A_957 : i32 to index
    %swap3A_959 = arith.constant 0 : index
    %swap3A_960 = tpu.vector_load %arg7[%swap3A_958, %swap3A_959] {strides = array<i32>} : memref<7x512xi32, #tpu.memory_space<vmem>>, vector<1x16xi32>,
    %swap3A_961 = vector.shape_cast %swap3A_960 : vector<1x16xi32> to vector<16xi32>
    %swap3A_962 = vector.shape_cast %select_n3A_914 : vector<16xi32> to vector<1x16xi32>
    tpu.vector_store %arg7[%swap3A_958, %swap3A_959], %swap3A_962 {strides = array<i32>} : memref<7x512xi32, #tpu.memory_space<vmem>>, vector<1x16xi32>,
    %swap3A_963 = arith.constant 6 : i32
    %swap3A_964 = arith.index_cast %swap3A_963 : i32 to index
    %swap3A_965 = arith.constant 0 : index
    %swap3A_966 = tpu.vector_load %arg7[%swap3A_964, %swap3A_965] {strides = array<i32>} : memref<7x512xi32, #tpu.memory_space<vmem>>, vector<1x16xi32>,
    %swap3A_967 = vector.shape_cast %swap3A_966 : vector<1x16xi32> to vector<16xi32>
    %swap3A_968 = vector.shape_cast %mul3A_926 : vector<16xi32> to vector<1x16xi32>
    tpu.vector_store %arg7[%swap3A_964, %swap3A_965], %swap3A_968 {strides = array<i32>} : memref<7x512xi32, #tpu.memory_space<vmem>>, vector<1x16xi32>,
    %get3A_969 = arith.constant 16 : index
    %get3A_970 = tpu.vector_load %arg4[%get3A_969] {strides = array<i32>} : memref<512xf32, #tpu.memory_space<vmem>>, vector<16xf32>,
    %get3A_971 = vector.shape_cast %get3A_970 : vector<16xf32> to vector<16xf32>
    %abs3A_972 = math.absf %get3A_971 : vector<16xf32>
    %lt3A_973 = arith.constant 0x7F800000 : f32
    %lt3A_974 = vector.broadcast %lt3A_973 : f32 to vector<16xf32>
    %lt3A_975 = arith.cmpf olt, %abs3A_972, %lt3A_974 : vector<16xf32>
    %jit3A_976 = arith.constant 0.000000e+00 : f32
    %broadcast_in_dim3A_977 = vector.broadcast %jit3A_976 : f32 to vector<16xf32>
    %select_n3A_978 = arith.select %lt3A_975, %get3A_971, %broadcast_in_dim3A_977 : vector<16xi1>, vector<16xf32>
    %get3A_979 = arith.constant 16 : index
    %get3A_980 = tpu.vector_load %arg5[%get3A_979] {strides = array<i32>} : memref<512xf32, #tpu.memory_space<vmem>>, vector<16xf32>,
    %get3A_981 = vector.shape_cast %get3A_980 : vector<16xf32> to vector<16xf32>
    %abs3A_982 = math.absf %get3A_981 : vector<16xf32>
    %lt3A_983 = arith.constant 0x7F800000 : f32
    %lt3A_984 = vector.broadcast %lt3A_983 : f32 to vector<16xf32>
    %lt3A_985 = arith.cmpf olt, %abs3A_982, %lt3A_984 : vector<16xf32>
    %jit3A_986 = arith.constant 0.000000e+00 : f32
    %broadcast_in_dim3A_987 = vector.broadcast %jit3A_986 : f32 to vector<16xf32>
    %select_n3A_988 = arith.select %lt3A_985, %get3A_981, %broadcast_in_dim3A_987 : vector<16xi1>, vector<16xf32>
    %get3A_989 = arith.constant 16 : index
    %get3A_990 = tpu.vector_load %arg6[%get3A_989] {strides = array<i32>} : memref<512xf32, #tpu.memory_space<vmem>>, vector<16xf32>,
    %get3A_991 = vector.shape_cast %get3A_990 : vector<16xf32> to vector<16xf32>
    %abs3A_992 = math.absf %get3A_991 : vector<16xf32>
    %lt3A_993 = arith.constant 0x7F800000 : f32
    %lt3A_994 = vector.broadcast %lt3A_993 : f32 to vector<16xf32>
    %lt3A_995 = arith.cmpf olt, %abs3A_992, %lt3A_994 : vector<16xf32>
    %jit3A_996 = arith.constant 0.000000e+00 : f32
    %broadcast_in_dim3A_997 = vector.broadcast %jit3A_996 : f32 to vector<16xf32>
    %select_n3A_998 = arith.select %lt3A_995, %get3A_991, %broadcast_in_dim3A_997 : vector<16xi1>, vector<16xf32>
    %gt3A_999 = arith.constant 5.000000e-01 : f32
    %gt3A_1000 = vector.broadcast %gt3A_999 : f32 to vector<16xf32>
    %gt3A_1001 = arith.cmpf ogt, %select_n3A_978, %gt3A_1000 : vector<16xf32>
    %select_n3A_1002 = arith.select %gt3A_1001, %broadcast_in_dim3A_872, %broadcast_in_dim3A_874 : vector<16xi1>, vector<16xi32>
    %lt3A_1003 = arith.constant 0.899999976 : f32
    %lt3A_1004 = vector.broadcast %lt3A_1003 : f32 to vector<16xf32>
    %lt3A_1005 = arith.cmpf olt, %select_n3A_998, %lt3A_1004 : vector<16xf32>
    %select_n3A_1006 = arith.select %lt3A_1005, %broadcast_in_dim3A_872, %broadcast_in_dim3A_874 : vector<16xi1>, vector<16xi32>
    %ge3A_1007 = arith.constant 0.899999976 : f32
    %ge3A_1008 = vector.broadcast %ge3A_1007 : f32 to vector<16xf32>
    %ge3A_1009 = arith.cmpf oge, %select_n3A_988, %ge3A_1008 : vector<16xf32>
    %select_n3A_1010 = arith.select %ge3A_1009, %broadcast_in_dim3A_872, %broadcast_in_dim3A_874 : vector<16xi1>, vector<16xi32>
    %sub3A_1011 = arith.subi %broadcast_in_dim3A_872, %select_n3A_1002 : vector<16xi32>
    %mul3A_1012 = arith.muli %sub3A_1011, %select_n3A_1006 : vector<16xi32>
    %mul3A_1013 = arith.muli %select_n3A_1002, %select_n3A_1006 : vector<16xi32>
    %mul3A_1014 = arith.muli %select_n3A_1010, %select_n3A_880 : vector<16xi32>
    %sub3A_1015 = arith.subi %broadcast_in_dim3A_872, %mul3A_1014 : vector<16xi32>
    %mul3A_1016 = arith.muli %mul3A_1013, %sub3A_1015 : vector<16xi32>
    %swap3A_1017 = arith.constant 0 : i32
    %swap3A_1018 = arith.index_cast %swap3A_1017 : i32 to index
    %swap3A_1019 = arith.constant 16 : index
    %swap3A_1020 = tpu.vector_load %arg7[%swap3A_1018, %swap3A_1019] {strides = array<i32>} : memref<7x512xi32, #tpu.memory_space<vmem>>, vector<1x16xi32>,
    %swap3A_1021 = vector.shape_cast %swap3A_1020 : vector<1x16xi32> to vector<16xi32>
    %swap3A_1022 = vector.shape_cast %broadcast_in_dim3A_872 : vector<16xi32> to vector<1x16xi32>
    tpu.vector_store %arg7[%swap3A_1018, %swap3A_1019], %swap3A_1022 {strides = array<i32>} : memref<7x512xi32, #tpu.memory_space<vmem>>, vector<1x16xi32>,
    %swap3A_1023 = arith.constant 1 : i32
    %swap3A_1024 = arith.index_cast %swap3A_1023 : i32 to index
    %swap3A_1025 = arith.constant 16 : index
    %swap3A_1026 = tpu.vector_load %arg7[%swap3A_1024, %swap3A_1025] {strides = array<i32>} : memref<7x512xi32, #tpu.memory_space<vmem>>, vector<1x16xi32>,
    %swap3A_1027 = vector.shape_cast %swap3A_1026 : vector<1x16xi32> to vector<16xi32>
    %swap3A_1028 = vector.shape_cast %mul3A_1012 : vector<16xi32> to vector<1x16xi32>
    tpu.vector_store %arg7[%swap3A_1024, %swap3A_1025], %swap3A_1028 {strides = array<i32>} : memref<7x512xi32, #tpu.memory_space<vmem>>, vector<1x16xi32>,
    %swap3A_1029 = arith.constant 2 : i32
    %swap3A_1030 = arith.index_cast %swap3A_1029 : i32 to index
    %swap3A_1031 = arith.constant 16 : index
    %swap3A_1032 = tpu.vector_load %arg7[%swap3A_1030, %swap3A_1031] {strides = array<i32>} : memref<7x512xi32, #tpu.memory_space<vmem>>, vector<1x16xi32>,
    %swap3A_1033 = vector.shape_cast %swap3A_1032 : vector<1x16xi32> to vector<16xi32>
    %swap3A_1034 = vector.shape_cast %mul3A_1012 : vector<16xi32> to vector<1x16xi32>
    tpu.vector_store %arg7[%swap3A_1030, %swap3A_1031], %swap3A_1034 {strides = array<i32>} : memref<7x512xi32, #tpu.memory_space<vmem>>, vector<1x16xi32>,
    %swap3A_1035 = arith.constant 3 : i32
    %swap3A_1036 = arith.index_cast %swap3A_1035 : i32 to index
    %swap3A_1037 = arith.constant 16 : index
    %swap3A_1038 = tpu.vector_load %arg7[%swap3A_1036, %swap3A_1037] {strides = array<i32>} : memref<7x512xi32, #tpu.memory_space<vmem>>, vector<1x16xi32>,
    %swap3A_1039 = vector.shape_cast %swap3A_1038 : vector<1x16xi32> to vector<16xi32>
    %swap3A_1040 = vector.shape_cast %mul3A_1012 : vector<16xi32> to vector<1x16xi32>
    tpu.vector_store %arg7[%swap3A_1036, %swap3A_1037], %swap3A_1040 {strides = array<i32>} : memref<7x512xi32, #tpu.memory_space<vmem>>, vector<1x16xi32>,
    %swap3A_1041 = arith.constant 4 : i32
    %swap3A_1042 = arith.index_cast %swap3A_1041 : i32 to index
    %swap3A_1043 = arith.constant 16 : index
    %swap3A_1044 = tpu.vector_load %arg7[%swap3A_1042, %swap3A_1043] {strides = array<i32>} : memref<7x512xi32, #tpu.memory_space<vmem>>, vector<1x16xi32>,
    %swap3A_1045 = vector.shape_cast %swap3A_1044 : vector<1x16xi32> to vector<16xi32>
    %swap3A_1046 = vector.shape_cast %select_n3A_1002 : vector<16xi32> to vector<1x16xi32>
    tpu.vector_store %arg7[%swap3A_1042, %swap3A_1043], %swap3A_1046 {strides = array<i32>} : memref<7x512xi32, #tpu.memory_space<vmem>>, vector<1x16xi32>,
    %swap3A_1047 = arith.constant 5 : i32
    %swap3A_1048 = arith.index_cast %swap3A_1047 : i32 to index
    %swap3A_1049 = arith.constant 16 : index
    %swap3A_1050 = tpu.vector_load %arg7[%swap3A_1048, %swap3A_1049] {strides = array<i32>} : memref<7x512xi32, #tpu.memory_space<vmem>>, vector<1x16xi32>,
    %swap3A_1051 = vector.shape_cast %swap3A_1050 : vector<1x16xi32> to vector<16xi32>
    %swap3A_1052 = vector.shape_cast %select_n3A_1002 : vector<16xi32> to vector<1x16xi32>
    tpu.vector_store %arg7[%swap3A_1048, %swap3A_1049], %swap3A_1052 {strides = array<i32>} : memref<7x512xi32, #tpu.memory_space<vmem>>, vector<1x16xi32>,
    %swap3A_1053 = arith.constant 6 : i32
    %swap3A_1054 = arith.index_cast %swap3A_1053 : i32 to index
    %swap3A_1055 = arith.constant 16 : index
    %swap3A_1056 = tpu.vector_load %arg7[%swap3A_1054, %swap3A_1055] {strides = array<i32>} : memref<7x512xi32, #tpu.memory_space<vmem>>, vector<1x16xi32>,
    %swap3A_1057 = vector.shape_cast %swap3A_1056 : vector<1x16xi32> to vector<16xi32>
    %swap3A_1058 = vector.shape_cast %mul3A_1016 : vector<16xi32> to vector<1x16xi32>
    tpu.vector_store %arg7[%swap3A_1054, %swap3A_1055], %swap3A_1058 {strides = array<i32>} : memref<7x512xi32, #tpu.memory_space<vmem>>, vector<1x16xi32>,
    %get3A_1059 = arith.constant 32 : index
    %get3A_1060 = tpu.vector_load %arg4[%get3A_1059] {strides = array<i32>} : memref<512xf32, #tpu.memory_space<vmem>>, vector<16xf32>,
    %get3A_1061 = vector.shape_cast %get3A_1060 : vector<16xf32> to vector<16xf32>
    %abs3A_1062 = math.absf %get3A_1061 : vector<16xf32>
    %lt3A_1063 = arith.constant 0x7F800000 : f32
    %lt3A_1064 = vector.broadcast %lt3A_1063 : f32 to vector<16xf32>
    %lt3A_1065 = arith.cmpf olt, %abs3A_1062, %lt3A_1064 : vector<16xf32>
    %jit3A_1066 = arith.constant 0.000000e+00 : f32
    %broadcast_in_dim3A_1067 = vector.broadcast %jit3A_1066 : f32 to vector<16xf32>
    %select_n3A_1068 = arith.select %lt3A_1065, %get3A_1061, %broadcast_in_dim3A_1067 : vector<16xi1>, vector<16xf32>
    %get3A_1069 = arith.constant 32 : index
    %get3A_1070 = tpu.vector_load %arg5[%get3A_1069] {strides = array<i32>} : memref<512xf32, #tpu.memory_space<vmem>>, vector<16xf32>,
    %get3A_1071 = vector.shape_cast %get3A_1070 : vector<16xf32> to vector<16xf32>
    %abs3A_1072 = math.absf %get3A_1071 : vector<16xf32>
    %lt3A_1073 = arith.constant 0x7F800000 : f32
    %lt3A_1074 = vector.broadcast %lt3A_1073 : f32 to vector<16xf32>
    %lt3A_1075 = arith.cmpf olt, %abs3A_1072, %lt3A_1074 : vector<16xf32>
    %jit3A_1076 = arith.constant 0.000000e+00 : f32
    %broadcast_in_dim3A_1077 = vector.broadcast %jit3A_1076 : f32 to vector<16xf32>
    %select_n3A_1078 = arith.select %lt3A_1075, %get3A_1071, %broadcast_in_dim3A_1077 : vector<16xi1>, vector<16xf32>
    %get3A_1079 = arith.constant 32 : index
    %get3A_1080 = tpu.vector_load %arg6[%get3A_1079] {strides = array<i32>} : memref<512xf32, #tpu.memory_space<vmem>>, vector<16xf32>,
    %get3A_1081 = vector.shape_cast %get3A_1080 : vector<16xf32> to vector<16xf32>
    %abs3A_1082 = math.absf %get3A_1081 : vector<16xf32>
    %lt3A_1083 = arith.constant 0x7F800000 : f32
    %lt3A_1084 = vector.broadcast %lt3A_1083 : f32 to vector<16xf32>
    %lt3A_1085 = arith.cmpf olt, %abs3A_1082, %lt3A_1084 : vector<16xf32>
    %jit3A_1086 = arith.constant 0.000000e+00 : f32
    %broadcast_in_dim3A_1087 = vector.broadcast %jit3A_1086 : f32 to vector<16xf32>
    %select_n3A_1088 = arith.select %lt3A_1085, %get3A_1081, %broadcast_in_dim3A_1087 : vector<16xi1>, vector<16xf32>
    %gt3A_1089 = arith.constant 5.000000e-01 : f32
    %gt3A_1090 = vector.broadcast %gt3A_1089 : f32 to vector<16xf32>
    %gt3A_1091 = arith.cmpf ogt, %select_n3A_1068, %gt3A_1090 : vector<16xf32>
    %select_n3A_1092 = arith.select %gt3A_1091, %broadcast_in_dim3A_872, %broadcast_in_dim3A_874 : vector<16xi1>, vector<16xi32>
    %lt3A_1093 = arith.constant 0.899999976 : f32
    %lt3A_1094 = vector.broadcast %lt3A_1093 : f32 to vector<16xf32>
    %lt3A_1095 = arith.cmpf olt, %select_n3A_1088, %lt3A_1094 : vector<16xf32>
    %select_n3A_1096 = arith.select %lt3A_1095, %broadcast_in_dim3A_872, %broadcast_in_dim3A_874 : vector<16xi1>, vector<16xi32>
    %ge3A_1097 = arith.constant 0.899999976 : f32
    %ge3A_1098 = vector.broadcast %ge3A_1097 : f32 to vector<16xf32>
    %ge3A_1099 = arith.cmpf oge, %select_n3A_1078, %ge3A_1098 : vector<16xf32>
    %select_n3A_1100 = arith.select %ge3A_1099, %broadcast_in_dim3A_872, %broadcast_in_dim3A_874 : vector<16xi1>, vector<16xi32>
    %sub3A_1101 = arith.subi %broadcast_in_dim3A_872, %select_n3A_1092 : vector<16xi32>
    %mul3A_1102 = arith.muli %sub3A_1101, %select_n3A_1096 : vector<16xi32>
    %mul3A_1103 = arith.muli %select_n3A_1092, %select_n3A_1096 : vector<16xi32>
    %mul3A_1104 = arith.muli %select_n3A_1100, %select_n3A_880 : vector<16xi32>
    %sub3A_1105 = arith.subi %broadcast_in_dim3A_872, %mul3A_1104 : vector<16xi32>
    %mul3A_1106 = arith.muli %mul3A_1103, %sub3A_1105 : vector<16xi32>
    %swap3A_1107 = arith.constant 0 : i32
    %swap3A_1108 = arith.index_cast %swap3A_1107 : i32 to index
    %swap3A_1109 = arith.constant 32 : index
    %swap3A_1110 = tpu.vector_load %arg7[%swap3A_1108, %swap3A_1109] {strides = array<i32>} : memref<7x512xi32, #tpu.memory_space<vmem>>, vector<1x16xi32>,
    %swap3A_1111 = vector.shape_cast %swap3A_1110 : vector<1x16xi32> to vector<16xi32>
    %swap3A_1112 = vector.shape_cast %broadcast_in_dim3A_872 : vector<16xi32> to vector<1x16xi32>
    tpu.vector_store %arg7[%swap3A_1108, %swap3A_1109], %swap3A_1112 {strides = array<i32>} : memref<7x512xi32, #tpu.memory_space<vmem>>, vector<1x16xi32>,
    %swap3A_1113 = arith.constant 1 : i32
    %swap3A_1114 = arith.index_cast %swap3A_1113 : i32 to index
    %swap3A_1115 = arith.constant 32 : index
    %swap3A_1116 = tpu.vector_load %arg7[%swap3A_1114, %swap3A_1115] {strides = array<i32>} : memref<7x512xi32, #tpu.memory_space<vmem>>, vector<1x16xi32>,
    %swap3A_1117 = vector.shape_cast %swap3A_1116 : vector<1x16xi32> to vector<16xi32>
    %swap3A_1118 = vector.shape_cast %mul3A_1102 : vector<16xi32> to vector<1x16xi32>
    tpu.vector_store %arg7[%swap3A_1114, %swap3A_1115], %swap3A_1118 {strides = array<i32>} : memref<7x512xi32, #tpu.memory_space<vmem>>, vector<1x16xi32>,
    %swap3A_1119 = arith.constant 2 : i32
    %swap3A_1120 = arith.index_cast %swap3A_1119 : i32 to index
    %swap3A_1121 = arith.constant 32 : index
    %swap3A_1122 = tpu.vector_load %arg7[%swap3A_1120, %swap3A_1121] {strides = array<i32>} : memref<7x512xi32, #tpu.memory_space<vmem>>, vector<1x16xi32>,
    %swap3A_1123 = vector.shape_cast %swap3A_1122 : vector<1x16xi32> to vector<16xi32>
    %swap3A_1124 = vector.shape_cast %mul3A_1102 : vector<16xi32> to vector<1x16xi32>
    tpu.vector_store %arg7[%swap3A_1120, %swap3A_1121], %swap3A_1124 {strides = array<i32>} : memref<7x512xi32, #tpu.memory_space<vmem>>, vector<1x16xi32>,
    %swap3A_1125 = arith.constant 3 : i32
    %swap3A_1126 = arith.index_cast %swap3A_1125 : i32 to index
    %swap3A_1127 = arith.constant 32 : index
    %swap3A_1128 = tpu.vector_load %arg7[%swap3A_1126, %swap3A_1127] {strides = array<i32>} : memref<7x512xi32, #tpu.memory_space<vmem>>, vector<1x16xi32>,
    %swap3A_1129 = vector.shape_cast %swap3A_1128 : vector<1x16xi32> to vector<16xi32>
    %swap3A_1130 = vector.shape_cast %mul3A_1102 : vector<16xi32> to vector<1x16xi32>
    tpu.vector_store %arg7[%swap3A_1126, %swap3A_1127], %swap3A_1130 {strides = array<i32>} : memref<7x512xi32, #tpu.memory_space<vmem>>, vector<1x16xi32>,
    %swap3A_1131 = arith.constant 4 : i32
    %swap3A_1132 = arith.index_cast %swap3A_1131 : i32 to index
    %swap3A_1133 = arith.constant 32 : index
    %swap3A_1134 = tpu.vector_load %arg7[%swap3A_1132, %swap3A_1133] {strides = array<i32>} : memref<7x512xi32, #tpu.memory_space<vmem>>, vector<1x16xi32>,
    %swap3A_1135 = vector.shape_cast %swap3A_1134 : vector<1x16xi32> to vector<16xi32>
    %swap3A_1136 = vector.shape_cast %select_n3A_1092 : vector<16xi32> to vector<1x16xi32>
    tpu.vector_store %arg7[%swap3A_1132, %swap3A_1133], %swap3A_1136 {strides = array<i32>} : memref<7x512xi32, #tpu.memory_space<vmem>>, vector<1x16xi32>,
    %swap3A_1137 = arith.constant 5 : i32
    %swap3A_1138 = arith.index_cast %swap3A_1137 : i32 to index
    %swap3A_1139 = arith.constant 32 : index
    %swap3A_1140 = tpu.vector_load %arg7[%swap3A_1138, %swap3A_1139] {strides = array<i32>} : memref<7x512xi32, #tpu.memory_space<vmem>>, vector<1x16xi32>,
    %swap3A_1141 = vector.shape_cast %swap3A_1140 : vector<1x16xi32> to vector<16xi32>
    %swap3A_1142 = vector.shape_cast %select_n3A_1092 : vector<16xi32> to vector<1x16xi32>
    tpu.vector_store %arg7[%swap3A_1138, %swap3A_1139], %swap3A_1142 {strides = array<i32>} : memref<7x512xi32, #tpu.memory_space<vmem>>, vector<1x16xi32>,
    %swap3A_1143 = arith.constant 6 : i32
    %swap3A_1144 = arith.index_cast %swap3A_1143 : i32 to index
    %swap3A_1145 = arith.constant 32 : index
    %swap3A_1146 = tpu.vector_load %arg7[%swap3A_1144, %swap3A_1145] {strides = array<i32>} : memref<7x512xi32, #tpu.memory_space<vmem>>, vector<1x16xi32>,
    %swap3A_1147 = vector.shape_cast %swap3A_1146 : vector<1x16xi32> to vector<16xi32>
    %swap3A_1148 = vector.shape_cast %mul3A_1106 : vector<16xi32> to vector<1x16xi32>
    tpu.vector_store %arg7[%swap3A_1144, %swap3A_1145], %swap3A_1148 {strides = array<i32>} : memref<7x512xi32, #tpu.memory_space<vmem>>, vector<1x16xi32>,
    %get3A_1149 = arith.constant 48 : index
    %get3A_1150 = tpu.vector_load %arg4[%get3A_1149] {strides = array<i32>} : memref<512xf32, #tpu.memory_space<vmem>>, vector<16xf32>,
    %get3A_1151 = vector.shape_cast %get3A_1150 : vector<16xf32> to vector<16xf32>
    %abs3A_1152 = math.absf %get3A_1151 : vector<16xf32>
    %lt3A_1153 = arith.constant 0x7F800000 : f32
    %lt3A_1154 = vector.broadcast %lt3A_1153 : f32 to vector<16xf32>
    %lt3A_1155 = arith.cmpf olt, %abs3A_1152, %lt3A_1154 : vector<16xf32>
    %jit3A_1156 = arith.constant 0.000000e+00 : f32
    %broadcast_in_dim3A_1157 = vector.broadcast %jit3A_1156 : f32 to vector<16xf32>
    %select_n3A_1158 = arith.select %lt3A_1155, %get3A_1151, %broadcast_in_dim3A_1157 : vector<16xi1>, vector<16xf32>
    %get3A_1159 = arith.constant 48 : index
    %get3A_1160 = tpu.vector_load %arg5[%get3A_1159] {strides = array<i32>} : memref<512xf32, #tpu.memory_space<vmem>>, vector<16xf32>,
    %get3A_1161 = vector.shape_cast %get3A_1160 : vector<16xf32> to vector<16xf32>
    %abs3A_1162 = math.absf %get3A_1161 : vector<16xf32>
    %lt3A_1163 = arith.constant 0x7F800000 : f32
    %lt3A_1164 = vector.broadcast %lt3A_1163 : f32 to vector<16xf32>
    %lt3A_1165 = arith.cmpf olt, %abs3A_1162, %lt3A_1164 : vector<16xf32>
    %jit3A_1166 = arith.constant 0.000000e+00 : f32
    %broadcast_in_dim3A_1167 = vector.broadcast %jit3A_1166 : f32 to vector<16xf32>
    %select_n3A_1168 = arith.select %lt3A_1165, %get3A_1161, %broadcast_in_dim3A_1167 : vector<16xi1>, vector<16xf32>
    %get3A_1169 = arith.constant 48 : index
    %get3A_1170 = tpu.vector_load %arg6[%get3A_1169] {strides = array<i32>} : memref<512xf32, #tpu.memory_space<vmem>>, vector<16xf32>,
    %get3A_1171 = vector.shape_cast %get3A_1170 : vector<16xf32> to vector<16xf32>
    %abs3A_1172 = math.absf %get3A_1171 : vector<16xf32>
    %lt3A_1173 = arith.constant 0x7F800000 : f32
    %lt3A_1174 = vector.broadcast %lt3A_1173 : f32 to vector<16xf32>
    %lt3A_1175 = arith.cmpf olt, %abs3A_1172, %lt3A_1174 : vector<16xf32>
    %jit3A_1176 = arith.constant 0.000000e+00 : f32
    %broadcast_in_dim3A_1177 = vector.broadcast %jit3A_1176 : f32 to vector<16xf32>
    %select_n3A_1178 = arith.select %lt3A_1175, %get3A_1171, %broadcast_in_dim3A_1177 : vector<16xi1>, vector<16xf32>
    %gt3A_1179 = arith.constant 5.000000e-01 : f32
    %gt3A_1180 = vector.broadcast %gt3A_1179 : f32 to vector<16xf32>
    %gt3A_1181 = arith.cmpf ogt, %select_n3A_1158, %gt3A_1180 : vector<16xf32>
    %select_n3A_1182 = arith.select %gt3A_1181, %broadcast_in_dim3A_872, %broadcast_in_dim3A_874 : vector<16xi1>, vector<16xi32>
    %lt3A_1183 = arith.constant 0.899999976 : f32
    %lt3A_1184 = vector.broadcast %lt3A_1183 : f32 to vector<16xf32>
    %lt3A_1185 = arith.cmpf olt, %select_n3A_1178, %lt3A_1184 : vector<16xf32>
    %select_n3A_1186 = arith.select %lt3A_1185, %broadcast_in_dim3A_872, %broadcast_in_dim3A_874 : vector<16xi1>, vector<16xi32>
    %ge3A_1187 = arith.constant 0.899999976 : f32
    %ge3A_1188 = vector.broadcast %ge3A_1187 : f32 to vector<16xf32>
    %ge3A_1189 = arith.cmpf oge, %select_n3A_1168, %ge3A_1188 : vector<16xf32>
    %select_n3A_1190 = arith.select %ge3A_1189, %broadcast_in_dim3A_872, %broadcast_in_dim3A_874 : vector<16xi1>, vector<16xi32>
    %sub3A_1191 = arith.subi %broadcast_in_dim3A_872, %select_n3A_1182 : vector<16xi32>
    %mul3A_1192 = arith.muli %sub3A_1191, %select_n3A_1186 : vector<16xi32>
    %mul3A_1193 = arith.muli %select_n3A_1182, %select_n3A_1186 : vector<16xi32>
    %mul3A_1194 = arith.muli %select_n3A_1190, %select_n3A_880 : vector<16xi32>
    %sub3A_1195 = arith.subi %broadcast_in_dim3A_872, %mul3A_1194 : vector<16xi32>
    %mul3A_1196 = arith.muli %mul3A_1193, %sub3A_1195 : vector<16xi32>
    %swap3A_1197 = arith.constant 0 : i32
    %swap3A_1198 = arith.index_cast %swap3A_1197 : i32 to index
    %swap3A_1199 = arith.constant 48 : index
    %swap3A_1200 = tpu.vector_load %arg7[%swap3A_1198, %swap3A_1199] {strides = array<i32>} : memref<7x512xi32, #tpu.memory_space<vmem>>, vector<1x16xi32>,
    %swap3A_1201 = vector.shape_cast %swap3A_1200 : vector<1x16xi32> to vector<16xi32>
    %swap3A_1202 = vector.shape_cast %broadcast_in_dim3A_872 : vector<16xi32> to vector<1x16xi32>
    tpu.vector_store %arg7[%swap3A_1198, %swap3A_1199], %swap3A_1202 {strides = array<i32>} : memref<7x512xi32, #tpu.memory_space<vmem>>, vector<1x16xi32>,
    %swap3A_1203 = arith.constant 1 : i32
    %swap3A_1204 = arith.index_cast %swap3A_1203 : i32 to index
    %swap3A_1205 = arith.constant 48 : index
    %swap3A_1206 = tpu.vector_load %arg7[%swap3A_1204, %swap3A_1205] {strides = array<i32>} : memref<7x512xi32, #tpu.memory_space<vmem>>, vector<1x16xi32>,
    %swap3A_1207 = vector.shape_cast %swap3A_1206 : vector<1x16xi32> to vector<16xi32>
    %swap3A_1208 = vector.shape_cast %mul3A_1192 : vector<16xi32> to vector<1x16xi32>
    tpu.vector_store %arg7[%swap3A_1204, %swap3A_1205], %swap3A_1208 {strides = array<i32>} : memref<7x512xi32, #tpu.memory_space<vmem>>, vector<1x16xi32>,
    %swap3A_1209 = arith.constant 2 : i32
    %swap3A_1210 = arith.index_cast %swap3A_1209 : i32 to index
    %swap3A_1211 = arith.constant 48 : index
    %swap3A_1212 = tpu.vector_load %arg7[%swap3A_1210, %swap3A_1211] {strides = array<i32>} : memref<7x512xi32, #tpu.memory_space<vmem>>, vector<1x16xi32>,
    %swap3A_1213 = vector.shape_cast %swap3A_1212 : vector<1x16xi32> to vector<16xi32>
    %swap3A_1214 = vector.shape_cast %mul3A_1192 : vector<16xi32> to vector<1x16xi32>
    tpu.vector_store %arg7[%swap3A_1210, %swap3A_1211], %swap3A_1214 {strides = array<i32>} : memref<7x512xi32, #tpu.memory_space<vmem>>, vector<1x16xi32>,
    %swap3A_1215 = arith.constant 3 : i32
    %swap3A_1216 = arith.index_cast %swap3A_1215 : i32 to index
    %swap3A_1217 = arith.constant 48 : index
    %swap3A_1218 = tpu.vector_load %arg7[%swap3A_1216, %swap3A_1217] {strides = array<i32>} : memref<7x512xi32, #tpu.memory_space<vmem>>, vector<1x16xi32>,
    %swap3A_1219 = vector.shape_cast %swap3A_1218 : vector<1x16xi32> to vector<16xi32>
    %swap3A_1220 = vector.shape_cast %mul3A_1192 : vector<16xi32> to vector<1x16xi32>
    tpu.vector_store %arg7[%swap3A_1216, %swap3A_1217], %swap3A_1220 {strides = array<i32>} : memref<7x512xi32, #tpu.memory_space<vmem>>, vector<1x16xi32>,
    %swap3A_1221 = arith.constant 4 : i32
    %swap3A_1222 = arith.index_cast %swap3A_1221 : i32 to index
    %swap3A_1223 = arith.constant 48 : index
    %swap3A_1224 = tpu.vector_load %arg7[%swap3A_1222, %swap3A_1223] {strides = array<i32>} : memref<7x512xi32, #tpu.memory_space<vmem>>, vector<1x16xi32>,
    %swap3A_1225 = vector.shape_cast %swap3A_1224 : vector<1x16xi32> to vector<16xi32>
    %swap3A_1226 = vector.shape_cast %select_n3A_1182 : vector<16xi32> to vector<1x16xi32>
    tpu.vector_store %arg7[%swap3A_1222, %swap3A_1223], %swap3A_1226 {strides = array<i32>} : memref<7x512xi32, #tpu.memory_space<vmem>>, vector<1x16xi32>,
    %swap3A_1227 = arith.constant 5 : i32
    %swap3A_1228 = arith.index_cast %swap3A_1227 : i32 to index
    %swap3A_1229 = arith.constant 48 : index
    %swap3A_1230 = tpu.vector_load %arg7[%swap3A_1228, %swap3A_1229] {strides = array<i32>} : memref<7x512xi32, #tpu.memory_space<vmem>>, vector<1x16xi32>,
    %swap3A_1231 = vector.shape_cast %swap3A_1230 : vector<1x16xi32> to vector<16xi32>
    %swap3A_1232 = vector.shape_cast %select_n3A_1182 : vector<16xi32> to vector<1x16xi32>
    tpu.vector_store %arg7[%swap3A_1228, %swap3A_1229], %swap3A_1232 {strides = array<i32>} : memref<7x512xi32, #tpu.memory_space<vmem>>, vector<1x16xi32>,
    %swap3A_1233 = arith.constant 6 : i32
    %swap3A_1234 = arith.index_cast %swap3A_1233 : i32 to index
    %swap3A_1235 = arith.constant 48 : index
    %swap3A_1236 = tpu.vector_load %arg7[%swap3A_1234, %swap3A_1235] {strides = array<i32>} : memref<7x512xi32, #tpu.memory_space<vmem>>, vector<1x16xi32>,
    %swap3A_1237 = vector.shape_cast %swap3A_1236 : vector<1x16xi32> to vector<16xi32>
    %swap3A_1238 = vector.shape_cast %mul3A_1196 : vector<16xi32> to vector<1x16xi32>
    tpu.vector_store %arg7[%swap3A_1234, %swap3A_1235], %swap3A_1238 {strides = array<i32>} : memref<7x512xi32, #tpu.memory_space<vmem>>, vector<1x16xi32>,
    %get3A_1239 = arith.constant 64 : index
    %get3A_1240 = tpu.vector_load %arg4[%get3A_1239] {strides = array<i32>} : memref<512xf32, #tpu.memory_space<vmem>>, vector<16xf32>,
    %get3A_1241 = vector.shape_cast %get3A_1240 : vector<16xf32> to vector<16xf32>
    %abs3A_1242 = math.absf %get3A_1241 : vector<16xf32>
    %lt3A_1243 = arith.constant 0x7F800000 : f32
    %lt3A_1244 = vector.broadcast %lt3A_1243 : f32 to vector<16xf32>
    %lt3A_1245 = arith.cmpf olt, %abs3A_1242, %lt3A_1244 : vector<16xf32>
    %jit3A_1246 = arith.constant 0.000000e+00 : f32
    %broadcast_in_dim3A_1247 = vector.broadcast %jit3A_1246 : f32 to vector<16xf32>
    %select_n3A_1248 = arith.select %lt3A_1245, %get3A_1241, %broadcast_in_dim3A_1247 : vector<16xi1>, vector<16xf32>
    %get3A_1249 = arith.constant 64 : index
    %get3A_1250 = tpu.vector_load %arg5[%get3A_1249] {strides = array<i32>} : memref<512xf32, #tpu.memory_space<vmem>>, vector<16xf32>,
    %get3A_1251 = vector.shape_cast %get3A_1250 : vector<16xf32> to vector<16xf32>
    %abs3A_1252 = math.absf %get3A_1251 : vector<16xf32>
    %lt3A_1253 = arith.constant 0x7F800000 : f32
    %lt3A_1254 = vector.broadcast %lt3A_1253 : f32 to vector<16xf32>
    %lt3A_1255 = arith.cmpf olt, %abs3A_1252, %lt3A_1254 : vector<16xf32>
    %jit3A_1256 = arith.constant 0.000000e+00 : f32
    %broadcast_in_dim3A_1257 = vector.broadcast %jit3A_1256 : f32 to vector<16xf32>
    %select_n3A_1258 = arith.select %lt3A_1255, %get3A_1251, %broadcast_in_dim3A_1257 : vector<16xi1>, vector<16xf32>
    %get3A_1259 = arith.constant 64 : index
    %get3A_1260 = tpu.vector_load %arg6[%get3A_1259] {strides = array<i32>} : memref<512xf32, #tpu.memory_space<vmem>>, vector<16xf32>,
    %get3A_1261 = vector.shape_cast %get3A_1260 : vector<16xf32> to vector<16xf32>
    %abs3A_1262 = math.absf %get3A_1261 : vector<16xf32>
    %lt3A_1263 = arith.constant 0x7F800000 : f32
    %lt3A_1264 = vector.broadcast %lt3A_1263 : f32 to vector<16xf32>
    %lt3A_1265 = arith.cmpf olt, %abs3A_1262, %lt3A_1264 : vector<16xf32>
    %jit3A_1266 = arith.constant 0.000000e+00 : f32
    %broadcast_in_dim3A_1267 = vector.broadcast %jit3A_1266 : f32 to vector<16xf32>
    %select_n3A_1268 = arith.select %lt3A_1265, %get3A_1261, %broadcast_in_dim3A_1267 : vector<16xi1>, vector<16xf32>
    %gt3A_1269 = arith.constant 5.000000e-01 : f32
    %gt3A_1270 = vector.broadcast %gt3A_1269 : f32 to vector<16xf32>
    %gt3A_1271 = arith.cmpf ogt, %select_n3A_1248, %gt3A_1270 : vector<16xf32>
    %select_n3A_1272 = arith.select %gt3A_1271, %broadcast_in_dim3A_872, %broadcast_in_dim3A_874 : vector<16xi1>, vector<16xi32>
    %lt3A_1273 = arith.constant 0.899999976 : f32
    %lt3A_1274 = vector.broadcast %lt3A_1273 : f32 to vector<16xf32>
    %lt3A_1275 = arith.cmpf olt, %select_n3A_1268, %lt3A_1274 : vector<16xf32>
    %select_n3A_1276 = arith.select %lt3A_1275, %broadcast_in_dim3A_872, %broadcast_in_dim3A_874 : vector<16xi1>, vector<16xi32>
    %ge3A_1277 = arith.constant 0.899999976 : f32
    %ge3A_1278 = vector.broadcast %ge3A_1277 : f32 to vector<16xf32>
    %ge3A_1279 = arith.cmpf oge, %select_n3A_1258, %ge3A_1278 : vector<16xf32>
    %select_n3A_1280 = arith.select %ge3A_1279, %broadcast_in_dim3A_872, %broadcast_in_dim3A_874 : vector<16xi1>, vector<16xi32>
    %sub3A_1281 = arith.subi %broadcast_in_dim3A_872, %select_n3A_1272 : vector<16xi32>
    %mul3A_1282 = arith.muli %sub3A_1281, %select_n3A_1276 : vector<16xi32>
    %mul3A_1283 = arith.muli %select_n3A_1272, %select_n3A_1276 : vector<16xi32>
    %mul3A_1284 = arith.muli %select_n3A_1280, %select_n3A_880 : vector<16xi32>
    %sub3A_1285 = arith.subi %broadcast_in_dim3A_872, %mul3A_1284 : vector<16xi32>
    %mul3A_1286 = arith.muli %mul3A_1283, %sub3A_1285 : vector<16xi32>
    %swap3A_1287 = arith.constant 0 : i32
    %swap3A_1288 = arith.index_cast %swap3A_1287 : i32 to index
    %swap3A_1289 = arith.constant 64 : index
    %swap3A_1290 = tpu.vector_load %arg7[%swap3A_1288, %swap3A_1289] {strides = array<i32>} : memref<7x512xi32, #tpu.memory_space<vmem>>, vector<1x16xi32>,
    %swap3A_1291 = vector.shape_cast %swap3A_1290 : vector<1x16xi32> to vector<16xi32>
    %swap3A_1292 = vector.shape_cast %broadcast_in_dim3A_872 : vector<16xi32> to vector<1x16xi32>
    tpu.vector_store %arg7[%swap3A_1288, %swap3A_1289], %swap3A_1292 {strides = array<i32>} : memref<7x512xi32, #tpu.memory_space<vmem>>, vector<1x16xi32>,
    %swap3A_1293 = arith.constant 1 : i32
    %swap3A_1294 = arith.index_cast %swap3A_1293 : i32 to index
    %swap3A_1295 = arith.constant 64 : index
    %swap3A_1296 = tpu.vector_load %arg7[%swap3A_1294, %swap3A_1295] {strides = array<i32>} : memref<7x512xi32, #tpu.memory_space<vmem>>, vector<1x16xi32>,
    %swap3A_1297 = vector.shape_cast %swap3A_1296 : vector<1x16xi32> to vector<16xi32>
    %swap3A_1298 = vector.shape_cast %mul3A_1282 : vector<16xi32> to vector<1x16xi32>
    tpu.vector_store %arg7[%swap3A_1294, %swap3A_1295], %swap3A_1298 {strides = array<i32>} : memref<7x512xi32, #tpu.memory_space<vmem>>, vector<1x16xi32>,
    %swap3A_1299 = arith.constant 2 : i32
    %swap3A_1300 = arith.index_cast %swap3A_1299 : i32 to index
    %swap3A_1301 = arith.constant 64 : index
    %swap3A_1302 = tpu.vector_load %arg7[%swap3A_1300, %swap3A_1301] {strides = array<i32>} : memref<7x512xi32, #tpu.memory_space<vmem>>, vector<1x16xi32>,
    %swap3A_1303 = vector.shape_cast %swap3A_1302 : vector<1x16xi32> to vector<16xi32>
    %swap3A_1304 = vector.shape_cast %mul3A_1282 : vector<16xi32> to vector<1x16xi32>
    tpu.vector_store %arg7[%swap3A_1300, %swap3A_1301], %swap3A_1304 {strides = array<i32>} : memref<7x512xi32, #tpu.memory_space<vmem>>, vector<1x16xi32>,
    %swap3A_1305 = arith.constant 3 : i32
    %swap3A_1306 = arith.index_cast %swap3A_1305 : i32 to index
    %swap3A_1307 = arith.constant 64 : index
    %swap3A_1308 = tpu.vector_load %arg7[%swap3A_1306, %swap3A_1307] {strides = array<i32>} : memref<7x512xi32, #tpu.memory_space<vmem>>, vector<1x16xi32>,
    %swap3A_1309 = vector.shape_cast %swap3A_1308 : vector<1x16xi32> to vector<16xi32>
    %swap3A_1310 = vector.shape_cast %mul3A_1282 : vector<16xi32> to vector<1x16xi32>
    tpu.vector_store %arg7[%swap3A_1306, %swap3A_1307], %swap3A_1310 {strides = array<i32>} : memref<7x512xi32, #tpu.memory_space<vmem>>, vector<1x16xi32>,
    %swap3A_1311 = arith.constant 4 : i32
    %swap3A_1312 = arith.index_cast %swap3A_1311 : i32 to index
    %swap3A_1313 = arith.constant 64 : index
    %swap3A_1314 = tpu.vector_load %arg7[%swap3A_1312, %swap3A_1313] {strides = array<i32>} : memref<7x512xi32, #tpu.memory_space<vmem>>, vector<1x16xi32>,
    %swap3A_1315 = vector.shape_cast %swap3A_1314 : vector<1x16xi32> to vector<16xi32>
    %swap3A_1316 = vector.shape_cast %select_n3A_1272 : vector<16xi32> to vector<1x16xi32>
    tpu.vector_store %arg7[%swap3A_1312, %swap3A_1313], %swap3A_1316 {strides = array<i32>} : memref<7x512xi32, #tpu.memory_space<vmem>>, vector<1x16xi32>,
    %swap3A_1317 = arith.constant 5 : i32
    %swap3A_1318 = arith.index_cast %swap3A_1317 : i32 to index
    %swap3A_1319 = arith.constant 64 : index
    %swap3A_1320 = tpu.vector_load %arg7[%swap3A_1318, %swap3A_1319] {strides = array<i32>} : memref<7x512xi32, #tpu.memory_space<vmem>>, vector<1x16xi32>,
    %swap3A_1321 = vector.shape_cast %swap3A_1320 : vector<1x16xi32> to vector<16xi32>
    %swap3A_1322 = vector.shape_cast %select_n3A_1272 : vector<16xi32> to vector<1x16xi32>
    tpu.vector_store %arg7[%swap3A_1318, %swap3A_1319], %swap3A_1322 {strides = array<i32>} : memref<7x512xi32, #tpu.memory_space<vmem>>, vector<1x16xi32>,
    %swap3A_1323 = arith.constant 6 : i32
    %swap3A_1324 = arith.index_cast %swap3A_1323 : i32 to index
    %swap3A_1325 = arith.constant 64 : index
    %swap3A_1326 = tpu.vector_load %arg7[%swap3A_1324, %swap3A_1325] {strides = array<i32>} : memref<7x512xi32, #tpu.memory_space<vmem>>, vector<1x16xi32>,
    %swap3A_1327 = vector.shape_cast %swap3A_1326 : vector<1x16xi32> to vector<16xi32>
    %swap3A_1328 = vector.shape_cast %mul3A_1286 : vector<16xi32> to vector<1x16xi32>
    tpu.vector_store %arg7[%swap3A_1324, %swap3A_1325], %swap3A_1328 {strides = array<i32>} : memref<7x512xi32, #tpu.memory_space<vmem>>, vector<1x16xi32>,
    %get3A_1329 = arith.constant 80 : index
    %get3A_1330 = tpu.vector_load %arg4[%get3A_1329] {strides = array<i32>} : memref<512xf32, #tpu.memory_space<vmem>>, vector<16xf32>,
    %get3A_1331 = vector.shape_cast %get3A_1330 : vector<16xf32> to vector<16xf32>
    %abs3A_1332 = math.absf %get3A_1331 : vector<16xf32>
    %lt3A_1333 = arith.constant 0x7F800000 : f32
    %lt3A_1334 = vector.broadcast %lt3A_1333 : f32 to vector<16xf32>
    %lt3A_1335 = arith.cmpf olt, %abs3A_1332, %lt3A_1334 : vector<16xf32>
    %jit3A_1336 = arith.constant 0.000000e+00 : f32
    %broadcast_in_dim3A_1337 = vector.broadcast %jit3A_1336 : f32 to vector<16xf32>
    %select_n3A_1338 = arith.select %lt3A_1335, %get3A_1331, %broadcast_in_dim3A_1337 : vector<16xi1>, vector<16xf32>
    %get3A_1339 = arith.constant 80 : index
    %get3A_1340 = tpu.vector_load %arg5[%get3A_1339] {strides = array<i32>} : memref<512xf32, #tpu.memory_space<vmem>>, vector<16xf32>,
    %get3A_1341 = vector.shape_cast %get3A_1340 : vector<16xf32> to vector<16xf32>
    %abs3A_1342 = math.absf %get3A_1341 : vector<16xf32>
    %lt3A_1343 = arith.constant 0x7F800000 : f32
    %lt3A_1344 = vector.broadcast %lt3A_1343 : f32 to vector<16xf32>
    %lt3A_1345 = arith.cmpf olt, %abs3A_1342, %lt3A_1344 : vector<16xf32>
    %jit3A_1346 = arith.constant 0.000000e+00 : f32
    %broadcast_in_dim3A_1347 = vector.broadcast %jit3A_1346 : f32 to vector<16xf32>
    %select_n3A_1348 = arith.select %lt3A_1345, %get3A_1341, %broadcast_in_dim3A_1347 : vector<16xi1>, vector<16xf32>
    %get3A_1349 = arith.constant 80 : index
    %get3A_1350 = tpu.vector_load %arg6[%get3A_1349] {strides = array<i32>} : memref<512xf32, #tpu.memory_space<vmem>>, vector<16xf32>,
    %get3A_1351 = vector.shape_cast %get3A_1350 : vector<16xf32> to vector<16xf32>
    %abs3A_1352 = math.absf %get3A_1351 : vector<16xf32>
    %lt3A_1353 = arith.constant 0x7F800000 : f32
    %lt3A_1354 = vector.broadcast %lt3A_1353 : f32 to vector<16xf32>
    %lt3A_1355 = arith.cmpf olt, %abs3A_1352, %lt3A_1354 : vector<16xf32>
    %jit3A_1356 = arith.constant 0.000000e+00 : f32
    %broadcast_in_dim3A_1357 = vector.broadcast %jit3A_1356 : f32 to vector<16xf32>
    %select_n3A_1358 = arith.select %lt3A_1355, %get3A_1351, %broadcast_in_dim3A_1357 : vector<16xi1>, vector<16xf32>
    %gt3A_1359 = arith.constant 5.000000e-01 : f32
    %gt3A_1360 = vector.broadcast %gt3A_1359 : f32 to vector<16xf32>
    %gt3A_1361 = arith.cmpf ogt, %select_n3A_1338, %gt3A_1360 : vector<16xf32>
    %select_n3A_1362 = arith.select %gt3A_1361, %broadcast_in_dim3A_872, %broadcast_in_dim3A_874 : vector<16xi1>, vector<16xi32>
    %lt3A_1363 = arith.constant 0.899999976 : f32
    %lt3A_1364 = vector.broadcast %lt3A_1363 : f32 to vector<16xf32>
    %lt3A_1365 = arith.cmpf olt, %select_n3A_1358, %lt3A_1364 : vector<16xf32>
    %select_n3A_1366 = arith.select %lt3A_1365, %broadcast_in_dim3A_872, %broadcast_in_dim3A_874 : vector<16xi1>, vector<16xi32>
    %ge3A_1367 = arith.constant 0.899999976 : f32
    %ge3A_1368 = vector.broadcast %ge3A_1367 : f32 to vector<16xf32>
    %ge3A_1369 = arith.cmpf oge, %select_n3A_1348, %ge3A_1368 : vector<16xf32>
    %select_n3A_1370 = arith.select %ge3A_1369, %broadcast_in_dim3A_872, %broadcast_in_dim3A_874 : vector<16xi1>, vector<16xi32>
    %sub3A_1371 = arith.subi %broadcast_in_dim3A_872, %select_n3A_1362 : vector<16xi32>
    %mul3A_1372 = arith.muli %sub3A_1371, %select_n3A_1366 : vector<16xi32>
    %mul3A_1373 = arith.muli %select_n3A_1362, %select_n3A_1366 : vector<16xi32>
    %mul3A_1374 = arith.muli %select_n3A_1370, %select_n3A_880 : vector<16xi32>
    %sub3A_1375 = arith.subi %broadcast_in_dim3A_872, %mul3A_1374 : vector<16xi32>
    %mul3A_1376 = arith.muli %mul3A_1373, %sub3A_1375 : vector<16xi32>
    %swap3A_1377 = arith.constant 0 : i32
    %swap3A_1378 = arith.index_cast %swap3A_1377 : i32 to index
    %swap3A_1379 = arith.constant 80 : index
    %swap3A_1380 = tpu.vector_load %arg7[%swap3A_1378, %swap3A_1379] {strides = array<i32>} : memref<7x512xi32, #tpu.memory_space<vmem>>, vector<1x16xi32>,
    %swap3A_1381 = vector.shape_cast %swap3A_1380 : vector<1x16xi32> to vector<16xi32>
    %swap3A_1382 = vector.shape_cast %broadcast_in_dim3A_872 : vector<16xi32> to vector<1x16xi32>
    tpu.vector_store %arg7[%swap3A_1378, %swap3A_1379], %swap3A_1382 {strides = array<i32>} : memref<7x512xi32, #tpu.memory_space<vmem>>, vector<1x16xi32>,
    %swap3A_1383 = arith.constant 1 : i32
    %swap3A_1384 = arith.index_cast %swap3A_1383 : i32 to index
    %swap3A_1385 = arith.constant 80 : index
    %swap3A_1386 = tpu.vector_load %arg7[%swap3A_1384, %swap3A_1385] {strides = array<i32>} : memref<7x512xi32, #tpu.memory_space<vmem>>, vector<1x16xi32>,
    %swap3A_1387 = vector.shape_cast %swap3A_1386 : vector<1x16xi32> to vector<16xi32>
    %swap3A_1388 = vector.shape_cast %mul3A_1372 : vector<16xi32> to vector<1x16xi32>
    tpu.vector_store %arg7[%swap3A_1384, %swap3A_1385], %swap3A_1388 {strides = array<i32>} : memref<7x512xi32, #tpu.memory_space<vmem>>, vector<1x16xi32>,
    %swap3A_1389 = arith.constant 2 : i32
    %swap3A_1390 = arith.index_cast %swap3A_1389 : i32 to index
    %swap3A_1391 = arith.constant 80 : index
    %swap3A_1392 = tpu.vector_load %arg7[%swap3A_1390, %swap3A_1391] {strides = array<i32>} : memref<7x512xi32, #tpu.memory_space<vmem>>, vector<1x16xi32>,
    %swap3A_1393 = vector.shape_cast %swap3A_1392 : vector<1x16xi32> to vector<16xi32>
    %swap3A_1394 = vector.shape_cast %mul3A_1372 : vector<16xi32> to vector<1x16xi32>
    tpu.vector_store %arg7[%swap3A_1390, %swap3A_1391], %swap3A_1394 {strides = array<i32>} : memref<7x512xi32, #tpu.memory_space<vmem>>, vector<1x16xi32>,
    %swap3A_1395 = arith.constant 3 : i32
    %swap3A_1396 = arith.index_cast %swap3A_1395 : i32 to index
    %swap3A_1397 = arith.constant 80 : index
    %swap3A_1398 = tpu.vector_load %arg7[%swap3A_1396, %swap3A_1397] {strides = array<i32>} : memref<7x512xi32, #tpu.memory_space<vmem>>, vector<1x16xi32>,
    %swap3A_1399 = vector.shape_cast %swap3A_1398 : vector<1x16xi32> to vector<16xi32>
    %swap3A_1400 = vector.shape_cast %mul3A_1372 : vector<16xi32> to vector<1x16xi32>
    tpu.vector_store %arg7[%swap3A_1396, %swap3A_1397], %swap3A_1400 {strides = array<i32>} : memref<7x512xi32, #tpu.memory_space<vmem>>, vector<1x16xi32>,
    %swap3A_1401 = arith.constant 4 : i32
    %swap3A_1402 = arith.index_cast %swap3A_1401 : i32 to index
    %swap3A_1403 = arith.constant 80 : index
    %swap3A_1404 = tpu.vector_load %arg7[%swap3A_1402, %swap3A_1403] {strides = array<i32>} : memref<7x512xi32, #tpu.memory_space<vmem>>, vector<1x16xi32>,
    %swap3A_1405 = vector.shape_cast %swap3A_1404 : vector<1x16xi32> to vector<16xi32>
    %swap3A_1406 = vector.shape_cast %select_n3A_1362 : vector<16xi32> to vector<1x16xi32>
    tpu.vector_store %arg7[%swap3A_1402, %swap3A_1403], %swap3A_1406 {strides = array<i32>} : memref<7x512xi32, #tpu.memory_space<vmem>>, vector<1x16xi32>,
    %swap3A_1407 = arith.constant 5 : i32
    %swap3A_1408 = arith.index_cast %swap3A_1407 : i32 to index
    %swap3A_1409 = arith.constant 80 : index
    %swap3A_1410 = tpu.vector_load %arg7[%swap3A_1408, %swap3A_1409] {strides = array<i32>} : memref<7x512xi32, #tpu.memory_space<vmem>>, vector<1x16xi32>,
    %swap3A_1411 = vector.shape_cast %swap3A_1410 : vector<1x16xi32> to vector<16xi32>
    %swap3A_1412 = vector.shape_cast %select_n3A_1362 : vector<16xi32> to vector<1x16xi32>
    tpu.vector_store %arg7[%swap3A_1408, %swap3A_1409], %swap3A_1412 {strides = array<i32>} : memref<7x512xi32, #tpu.memory_space<vmem>>, vector<1x16xi32>,
    %swap3A_1413 = arith.constant 6 : i32
    %swap3A_1414 = arith.index_cast %swap3A_1413 : i32 to index
    %swap3A_1415 = arith.constant 80 : index
    %swap3A_1416 = tpu.vector_load %arg7[%swap3A_1414, %swap3A_1415] {strides = array<i32>} : memref<7x512xi32, #tpu.memory_space<vmem>>, vector<1x16xi32>,
    %swap3A_1417 = vector.shape_cast %swap3A_1416 : vector<1x16xi32> to vector<16xi32>
    %swap3A_1418 = vector.shape_cast %mul3A_1376 : vector<16xi32> to vector<1x16xi32>
    tpu.vector_store %arg7[%swap3A_1414, %swap3A_1415], %swap3A_1418 {strides = array<i32>} : memref<7x512xi32, #tpu.memory_space<vmem>>, vector<1x16xi32>,
    %get3A_1419 = arith.constant 96 : index
    %get3A_1420 = tpu.vector_load %arg4[%get3A_1419] {strides = array<i32>} : memref<512xf32, #tpu.memory_space<vmem>>, vector<16xf32>,
    %get3A_1421 = vector.shape_cast %get3A_1420 : vector<16xf32> to vector<16xf32>
    %abs3A_1422 = math.absf %get3A_1421 : vector<16xf32>
    %lt3A_1423 = arith.constant 0x7F800000 : f32
    %lt3A_1424 = vector.broadcast %lt3A_1423 : f32 to vector<16xf32>
    %lt3A_1425 = arith.cmpf olt, %abs3A_1422, %lt3A_1424 : vector<16xf32>
    %jit3A_1426 = arith.constant 0.000000e+00 : f32
    %broadcast_in_dim3A_1427 = vector.broadcast %jit3A_1426 : f32 to vector<16xf32>
    %select_n3A_1428 = arith.select %lt3A_1425, %get3A_1421, %broadcast_in_dim3A_1427 : vector<16xi1>, vector<16xf32>
    %get3A_1429 = arith.constant 96 : index
    %get3A_1430 = tpu.vector_load %arg5[%get3A_1429] {strides = array<i32>} : memref<512xf32, #tpu.memory_space<vmem>>, vector<16xf32>,
    %get3A_1431 = vector.shape_cast %get3A_1430 : vector<16xf32> to vector<16xf32>
    %abs3A_1432 = math.absf %get3A_1431 : vector<16xf32>
    %lt3A_1433 = arith.constant 0x7F800000 : f32
    %lt3A_1434 = vector.broadcast %lt3A_1433 : f32 to vector<16xf32>
    %lt3A_1435 = arith.cmpf olt, %abs3A_1432, %lt3A_1434 : vector<16xf32>
    %jit3A_1436 = arith.constant 0.000000e+00 : f32
    %broadcast_in_dim3A_1437 = vector.broadcast %jit3A_1436 : f32 to vector<16xf32>
    %select_n3A_1438 = arith.select %lt3A_1435, %get3A_1431, %broadcast_in_dim3A_1437 : vector<16xi1>, vector<16xf32>
    %get3A_1439 = arith.constant 96 : index
    %get3A_1440 = tpu.vector_load %arg6[%get3A_1439] {strides = array<i32>} : memref<512xf32, #tpu.memory_space<vmem>>, vector<16xf32>,
    %get3A_1441 = vector.shape_cast %get3A_1440 : vector<16xf32> to vector<16xf32>
    %abs3A_1442 = math.absf %get3A_1441 : vector<16xf32>
    %lt3A_1443 = arith.constant 0x7F800000 : f32
    %lt3A_1444 = vector.broadcast %lt3A_1443 : f32 to vector<16xf32>
    %lt3A_1445 = arith.cmpf olt, %abs3A_1442, %lt3A_1444 : vector<16xf32>
    %jit3A_1446 = arith.constant 0.000000e+00 : f32
    %broadcast_in_dim3A_1447 = vector.broadcast %jit3A_1446 : f32 to vector<16xf32>
    %select_n3A_1448 = arith.select %lt3A_1445, %get3A_1441, %broadcast_in_dim3A_1447 : vector<16xi1>, vector<16xf32>
    %gt3A_1449 = arith.constant 5.000000e-01 : f32
    %gt3A_1450 = vector.broadcast %gt3A_1449 : f32 to vector<16xf32>
    %gt3A_1451 = arith.cmpf ogt, %select_n3A_1428, %gt3A_1450 : vector<16xf32>
    %select_n3A_1452 = arith.select %gt3A_1451, %broadcast_in_dim3A_872, %broadcast_in_dim3A_874 : vector<16xi1>, vector<16xi32>
    %lt3A_1453 = arith.constant 0.899999976 : f32
    %lt3A_1454 = vector.broadcast %lt3A_1453 : f32 to vector<16xf32>
    %lt3A_1455 = arith.cmpf olt, %select_n3A_1448, %lt3A_1454 : vector<16xf32>
    %select_n3A_1456 = arith.select %lt3A_1455, %broadcast_in_dim3A_872, %broadcast_in_dim3A_874 : vector<16xi1>, vector<16xi32>
    %ge3A_1457 = arith.constant 0.899999976 : f32
    %ge3A_1458 = vector.broadcast %ge3A_1457 : f32 to vector<16xf32>
    %ge3A_1459 = arith.cmpf oge, %select_n3A_1438, %ge3A_1458 : vector<16xf32>
    %select_n3A_1460 = arith.select %ge3A_1459, %broadcast_in_dim3A_872, %broadcast_in_dim3A_874 : vector<16xi1>, vector<16xi32>
    %sub3A_1461 = arith.subi %broadcast_in_dim3A_872, %select_n3A_1452 : vector<16xi32>
    %mul3A_1462 = arith.muli %sub3A_1461, %select_n3A_1456 : vector<16xi32>
    %mul3A_1463 = arith.muli %select_n3A_1452, %select_n3A_1456 : vector<16xi32>
    %mul3A_1464 = arith.muli %select_n3A_1460, %select_n3A_880 : vector<16xi32>
    %sub3A_1465 = arith.subi %broadcast_in_dim3A_872, %mul3A_1464 : vector<16xi32>
    %mul3A_1466 = arith.muli %mul3A_1463, %sub3A_1465 : vector<16xi32>
    %swap3A_1467 = arith.constant 0 : i32
    %swap3A_1468 = arith.index_cast %swap3A_1467 : i32 to index
    %swap3A_1469 = arith.constant 96 : index
    %swap3A_1470 = tpu.vector_load %arg7[%swap3A_1468, %swap3A_1469] {strides = array<i32>} : memref<7x512xi32, #tpu.memory_space<vmem>>, vector<1x16xi32>,
    %swap3A_1471 = vector.shape_cast %swap3A_1470 : vector<1x16xi32> to vector<16xi32>
    %swap3A_1472 = vector.shape_cast %broadcast_in_dim3A_872 : vector<16xi32> to vector<1x16xi32>
    tpu.vector_store %arg7[%swap3A_1468, %swap3A_1469], %swap3A_1472 {strides = array<i32>} : memref<7x512xi32, #tpu.memory_space<vmem>>, vector<1x16xi32>,
    %swap3A_1473 = arith.constant 1 : i32
    %swap3A_1474 = arith.index_cast %swap3A_1473 : i32 to index
    %swap3A_1475 = arith.constant 96 : index
    %swap3A_1476 = tpu.vector_load %arg7[%swap3A_1474, %swap3A_1475] {strides = array<i32>} : memref<7x512xi32, #tpu.memory_space<vmem>>, vector<1x16xi32>,
    %swap3A_1477 = vector.shape_cast %swap3A_1476 : vector<1x16xi32> to vector<16xi32>
    %swap3A_1478 = vector.shape_cast %mul3A_1462 : vector<16xi32> to vector<1x16xi32>
    tpu.vector_store %arg7[%swap3A_1474, %swap3A_1475], %swap3A_1478 {strides = array<i32>} : memref<7x512xi32, #tpu.memory_space<vmem>>, vector<1x16xi32>,
    %swap3A_1479 = arith.constant 2 : i32
    %swap3A_1480 = arith.index_cast %swap3A_1479 : i32 to index
    %swap3A_1481 = arith.constant 96 : index
    %swap3A_1482 = tpu.vector_load %arg7[%swap3A_1480, %swap3A_1481] {strides = array<i32>} : memref<7x512xi32, #tpu.memory_space<vmem>>, vector<1x16xi32>,
    %swap3A_1483 = vector.shape_cast %swap3A_1482 : vector<1x16xi32> to vector<16xi32>
    %swap3A_1484 = vector.shape_cast %mul3A_1462 : vector<16xi32> to vector<1x16xi32>
    tpu.vector_store %arg7[%swap3A_1480, %swap3A_1481], %swap3A_1484 {strides = array<i32>} : memref<7x512xi32, #tpu.memory_space<vmem>>, vector<1x16xi32>,
    %swap3A_1485 = arith.constant 3 : i32
    %swap3A_1486 = arith.index_cast %swap3A_1485 : i32 to index
    %swap3A_1487 = arith.constant 96 : index
    %swap3A_1488 = tpu.vector_load %arg7[%swap3A_1486, %swap3A_1487] {strides = array<i32>} : memref<7x512xi32, #tpu.memory_space<vmem>>, vector<1x16xi32>,
    %swap3A_1489 = vector.shape_cast %swap3A_1488 : vector<1x16xi32> to vector<16xi32>
    %swap3A_1490 = vector.shape_cast %mul3A_1462 : vector<16xi32> to vector<1x16xi32>
    tpu.vector_store %arg7[%swap3A_1486, %swap3A_1487], %swap3A_1490 {strides = array<i32>} : memref<7x512xi32, #tpu.memory_space<vmem>>, vector<1x16xi32>,
    %swap3A_1491 = arith.constant 4 : i32
    %swap3A_1492 = arith.index_cast %swap3A_1491 : i32 to index
    %swap3A_1493 = arith.constant 96 : index
    %swap3A_1494 = tpu.vector_load %arg7[%swap3A_1492, %swap3A_1493] {strides = array<i32>} : memref<7x512xi32, #tpu.memory_space<vmem>>, vector<1x16xi32>,
    %swap3A_1495 = vector.shape_cast %swap3A_1494 : vector<1x16xi32> to vector<16xi32>
    %swap3A_1496 = vector.shape_cast %select_n3A_1452 : vector<16xi32> to vector<1x16xi32>
    tpu.vector_store %arg7[%swap3A_1492, %swap3A_1493], %swap3A_1496 {strides = array<i32>} : memref<7x512xi32, #tpu.memory_space<vmem>>, vector<1x16xi32>,
    %swap3A_1497 = arith.constant 5 : i32
    %swap3A_1498 = arith.index_cast %swap3A_1497 : i32 to index
    %swap3A_1499 = arith.constant 96 : index
    %swap3A_1500 = tpu.vector_load %arg7[%swap3A_1498, %swap3A_1499] {strides = array<i32>} : memref<7x512xi32, #tpu.memory_space<vmem>>, vector<1x16xi32>,
    %swap3A_1501 = vector.shape_cast %swap3A_1500 : vector<1x16xi32> to vector<16xi32>
    %swap3A_1502 = vector.shape_cast %select_n3A_1452 : vector<16xi32> to vector<1x16xi32>
    tpu.vector_store %arg7[%swap3A_1498, %swap3A_1499], %swap3A_1502 {strides = array<i32>} : memref<7x512xi32, #tpu.memory_space<vmem>>, vector<1x16xi32>,
    %swap3A_1503 = arith.constant 6 : i32
    %swap3A_1504 = arith.index_cast %swap3A_1503 : i32 to index
    %swap3A_1505 = arith.constant 96 : index
    %swap3A_1506 = tpu.vector_load %arg7[%swap3A_1504, %swap3A_1505] {strides = array<i32>} : memref<7x512xi32, #tpu.memory_space<vmem>>, vector<1x16xi32>,
    %swap3A_1507 = vector.shape_cast %swap3A_1506 : vector<1x16xi32> to vector<16xi32>
    %swap3A_1508 = vector.shape_cast %mul3A_1466 : vector<16xi32> to vector<1x16xi32>
    tpu.vector_store %arg7[%swap3A_1504, %swap3A_1505], %swap3A_1508 {strides = array<i32>} : memref<7x512xi32, #tpu.memory_space<vmem>>, vector<1x16xi32>,
    %get3A_1509 = arith.constant 112 : index
    %get3A_1510 = tpu.vector_load %arg4[%get3A_1509] {strides = array<i32>} : memref<512xf32, #tpu.memory_space<vmem>>, vector<16xf32>,
    %get3A_1511 = vector.shape_cast %get3A_1510 : vector<16xf32> to vector<16xf32>
    %abs3A_1512 = math.absf %get3A_1511 : vector<16xf32>
    %lt3A_1513 = arith.constant 0x7F800000 : f32
    %lt3A_1514 = vector.broadcast %lt3A_1513 : f32 to vector<16xf32>
    %lt3A_1515 = arith.cmpf olt, %abs3A_1512, %lt3A_1514 : vector<16xf32>
    %jit3A_1516 = arith.constant 0.000000e+00 : f32
    %broadcast_in_dim3A_1517 = vector.broadcast %jit3A_1516 : f32 to vector<16xf32>
    %select_n3A_1518 = arith.select %lt3A_1515, %get3A_1511, %broadcast_in_dim3A_1517 : vector<16xi1>, vector<16xf32>
    %get3A_1519 = arith.constant 112 : index
    %get3A_1520 = tpu.vector_load %arg5[%get3A_1519] {strides = array<i32>} : memref<512xf32, #tpu.memory_space<vmem>>, vector<16xf32>,
    %get3A_1521 = vector.shape_cast %get3A_1520 : vector<16xf32> to vector<16xf32>
    %abs3A_1522 = math.absf %get3A_1521 : vector<16xf32>
    %lt3A_1523 = arith.constant 0x7F800000 : f32
    %lt3A_1524 = vector.broadcast %lt3A_1523 : f32 to vector<16xf32>
    %lt3A_1525 = arith.cmpf olt, %abs3A_1522, %lt3A_1524 : vector<16xf32>
    %jit3A_1526 = arith.constant 0.000000e+00 : f32
    %broadcast_in_dim3A_1527 = vector.broadcast %jit3A_1526 : f32 to vector<16xf32>
    %select_n3A_1528 = arith.select %lt3A_1525, %get3A_1521, %broadcast_in_dim3A_1527 : vector<16xi1>, vector<16xf32>
    %get3A_1529 = arith.constant 112 : index
    %get3A_1530 = tpu.vector_load %arg6[%get3A_1529] {strides = array<i32>} : memref<512xf32, #tpu.memory_space<vmem>>, vector<16xf32>,
    %get3A_1531 = vector.shape_cast %get3A_1530 : vector<16xf32> to vector<16xf32>
    %abs3A_1532 = math.absf %get3A_1531 : vector<16xf32>
    %lt3A_1533 = arith.constant 0x7F800000 : f32
    %lt3A_1534 = vector.broadcast %lt3A_1533 : f32 to vector<16xf32>
    %lt3A_1535 = arith.cmpf olt, %abs3A_1532, %lt3A_1534 : vector<16xf32>
    %jit3A_1536 = arith.constant 0.000000e+00 : f32
    %broadcast_in_dim3A_1537 = vector.broadcast %jit3A_1536 : f32 to vector<16xf32>
    %select_n3A_1538 = arith.select %lt3A_1535, %get3A_1531, %broadcast_in_dim3A_1537 : vector<16xi1>, vector<16xf32>
    %gt3A_1539 = arith.constant 5.000000e-01 : f32
    %gt3A_1540 = vector.broadcast %gt3A_1539 : f32 to vector<16xf32>
    %gt3A_1541 = arith.cmpf ogt, %select_n3A_1518, %gt3A_1540 : vector<16xf32>
    %select_n3A_1542 = arith.select %gt3A_1541, %broadcast_in_dim3A_872, %broadcast_in_dim3A_874 : vector<16xi1>, vector<16xi32>
    %lt3A_1543 = arith.constant 0.899999976 : f32
    %lt3A_1544 = vector.broadcast %lt3A_1543 : f32 to vector<16xf32>
    %lt3A_1545 = arith.cmpf olt, %select_n3A_1538, %lt3A_1544 : vector<16xf32>
    %select_n3A_1546 = arith.select %lt3A_1545, %broadcast_in_dim3A_872, %broadcast_in_dim3A_874 : vector<16xi1>, vector<16xi32>
    %ge3A_1547 = arith.constant 0.899999976 : f32
    %ge3A_1548 = vector.broadcast %ge3A_1547 : f32 to vector<16xf32>
    %ge3A_1549 = arith.cmpf oge, %select_n3A_1528, %ge3A_1548 : vector<16xf32>
    %select_n3A_1550 = arith.select %ge3A_1549, %broadcast_in_dim3A_872, %broadcast_in_dim3A_874 : vector<16xi1>, vector<16xi32>
    %sub3A_1551 = arith.subi %broadcast_in_dim3A_872, %select_n3A_1542 : vector<16xi32>
    %mul3A_1552 = arith.muli %sub3A_1551, %select_n3A_1546 : vector<16xi32>
    %mul3A_1553 = arith.muli %select_n3A_1542, %select_n3A_1546 : vector<16xi32>
    %mul3A_1554 = arith.muli %select_n3A_1550, %select_n3A_880 : vector<16xi32>
    %sub3A_1555 = arith.subi %broadcast_in_dim3A_872, %mul3A_1554 : vector<16xi32>
    %mul3A_1556 = arith.muli %mul3A_1553, %sub3A_1555 : vector<16xi32>
    %swap3A_1557 = arith.constant 0 : i32
    %swap3A_1558 = arith.index_cast %swap3A_1557 : i32 to index
    %swap3A_1559 = arith.constant 112 : index
    %swap3A_1560 = tpu.vector_load %arg7[%swap3A_1558, %swap3A_1559] {strides = array<i32>} : memref<7x512xi32, #tpu.memory_space<vmem>>, vector<1x16xi32>,
    %swap3A_1561 = vector.shape_cast %swap3A_1560 : vector<1x16xi32> to vector<16xi32>
    %swap3A_1562 = vector.shape_cast %broadcast_in_dim3A_872 : vector<16xi32> to vector<1x16xi32>
    tpu.vector_store %arg7[%swap3A_1558, %swap3A_1559], %swap3A_1562 {strides = array<i32>} : memref<7x512xi32, #tpu.memory_space<vmem>>, vector<1x16xi32>,
    %swap3A_1563 = arith.constant 1 : i32
    %swap3A_1564 = arith.index_cast %swap3A_1563 : i32 to index
    %swap3A_1565 = arith.constant 112 : index
    %swap3A_1566 = tpu.vector_load %arg7[%swap3A_1564, %swap3A_1565] {strides = array<i32>} : memref<7x512xi32, #tpu.memory_space<vmem>>, vector<1x16xi32>,
    %swap3A_1567 = vector.shape_cast %swap3A_1566 : vector<1x16xi32> to vector<16xi32>
    %swap3A_1568 = vector.shape_cast %mul3A_1552 : vector<16xi32> to vector<1x16xi32>
    tpu.vector_store %arg7[%swap3A_1564, %swap3A_1565], %swap3A_1568 {strides = array<i32>} : memref<7x512xi32, #tpu.memory_space<vmem>>, vector<1x16xi32>,
    %swap3A_1569 = arith.constant 2 : i32
    %swap3A_1570 = arith.index_cast %swap3A_1569 : i32 to index
    %swap3A_1571 = arith.constant 112 : index
    %swap3A_1572 = tpu.vector_load %arg7[%swap3A_1570, %swap3A_1571] {strides = array<i32>} : memref<7x512xi32, #tpu.memory_space<vmem>>, vector<1x16xi32>,
    %swap3A_1573 = vector.shape_cast %swap3A_1572 : vector<1x16xi32> to vector<16xi32>
    %swap3A_1574 = vector.shape_cast %mul3A_1552 : vector<16xi32> to vector<1x16xi32>
    tpu.vector_store %arg7[%swap3A_1570, %swap3A_1571], %swap3A_1574 {strides = array<i32>} : memref<7x512xi32, #tpu.memory_space<vmem>>, vector<1x16xi32>,
    %swap3A_1575 = arith.constant 3 : i32
    %swap3A_1576 = arith.index_cast %swap3A_1575 : i32 to index
    %swap3A_1577 = arith.constant 112 : index
    %swap3A_1578 = tpu.vector_load %arg7[%swap3A_1576, %swap3A_1577] {strides = array<i32>} : memref<7x512xi32, #tpu.memory_space<vmem>>, vector<1x16xi32>,
    %swap3A_1579 = vector.shape_cast %swap3A_1578 : vector<1x16xi32> to vector<16xi32>
    %swap3A_1580 = vector.shape_cast %mul3A_1552 : vector<16xi32> to vector<1x16xi32>
    tpu.vector_store %arg7[%swap3A_1576, %swap3A_1577], %swap3A_1580 {strides = array<i32>} : memref<7x512xi32, #tpu.memory_space<vmem>>, vector<1x16xi32>,
    %swap3A_1581 = arith.constant 4 : i32
    %swap3A_1582 = arith.index_cast %swap3A_1581 : i32 to index
    %swap3A_1583 = arith.constant 112 : index
    %swap3A_1584 = tpu.vector_load %arg7[%swap3A_1582, %swap3A_1583] {strides = array<i32>} : memref<7x512xi32, #tpu.memory_space<vmem>>, vector<1x16xi32>,
    %swap3A_1585 = vector.shape_cast %swap3A_1584 : vector<1x16xi32> to vector<16xi32>
    %swap3A_1586 = vector.shape_cast %select_n3A_1542 : vector<16xi32> to vector<1x16xi32>
    tpu.vector_store %arg7[%swap3A_1582, %swap3A_1583], %swap3A_1586 {strides = array<i32>} : memref<7x512xi32, #tpu.memory_space<vmem>>, vector<1x16xi32>,
    %swap3A_1587 = arith.constant 5 : i32
    %swap3A_1588 = arith.index_cast %swap3A_1587 : i32 to index
    %swap3A_1589 = arith.constant 112 : index
    %swap3A_1590 = tpu.vector_load %arg7[%swap3A_1588, %swap3A_1589] {strides = array<i32>} : memref<7x512xi32, #tpu.memory_space<vmem>>, vector<1x16xi32>,
    %swap3A_1591 = vector.shape_cast %swap3A_1590 : vector<1x16xi32> to vector<16xi32>
    %swap3A_1592 = vector.shape_cast %select_n3A_1542 : vector<16xi32> to vector<1x16xi32>
    tpu.vector_store %arg7[%swap3A_1588, %swap3A_1589], %swap3A_1592 {strides = array<i32>} : memref<7x512xi32, #tpu.memory_space<vmem>>, vector<1x16xi32>,
    %swap3A_1593 = arith.constant 6 : i32
    %swap3A_1594 = arith.index_cast %swap3A_1593 : i32 to index
    %swap3A_1595 = arith.constant 112 : index
    %swap3A_1596 = tpu.vector_load %arg7[%swap3A_1594, %swap3A_1595] {strides = array<i32>} : memref<7x512xi32, #tpu.memory_space<vmem>>, vector<1x16xi32>,
    %swap3A_1597 = vector.shape_cast %swap3A_1596 : vector<1x16xi32> to vector<16xi32>
    %swap3A_1598 = vector.shape_cast %mul3A_1556 : vector<16xi32> to vector<1x16xi32>
    tpu.vector_store %arg7[%swap3A_1594, %swap3A_1595], %swap3A_1598 {strides = array<i32>} : memref<7x512xi32, #tpu.memory_space<vmem>>, vector<1x16xi32>,
    %get3A_1599 = arith.constant 128 : index
    %get3A_1600 = tpu.vector_load %arg4[%get3A_1599] {strides = array<i32>} : memref<512xf32, #tpu.memory_space<vmem>>, vector<16xf32>,
    %get3A_1601 = vector.shape_cast %get3A_1600 : vector<16xf32> to vector<16xf32>
    %abs3A_1602 = math.absf %get3A_1601 : vector<16xf32>
    %lt3A_1603 = arith.constant 0x7F800000 : f32
    %lt3A_1604 = vector.broadcast %lt3A_1603 : f32 to vector<16xf32>
    %lt3A_1605 = arith.cmpf olt, %abs3A_1602, %lt3A_1604 : vector<16xf32>
    %jit3A_1606 = arith.constant 0.000000e+00 : f32
    %broadcast_in_dim3A_1607 = vector.broadcast %jit3A_1606 : f32 to vector<16xf32>
    %select_n3A_1608 = arith.select %lt3A_1605, %get3A_1601, %broadcast_in_dim3A_1607 : vector<16xi1>, vector<16xf32>
    %get3A_1609 = arith.constant 128 : index
    %get3A_1610 = tpu.vector_load %arg5[%get3A_1609] {strides = array<i32>} : memref<512xf32, #tpu.memory_space<vmem>>, vector<16xf32>,
    %get3A_1611 = vector.shape_cast %get3A_1610 : vector<16xf32> to vector<16xf32>
    %abs3A_1612 = math.absf %get3A_1611 : vector<16xf32>
    %lt3A_1613 = arith.constant 0x7F800000 : f32
    %lt3A_1614 = vector.broadcast %lt3A_1613 : f32 to vector<16xf32>
    %lt3A_1615 = arith.cmpf olt, %abs3A_1612, %lt3A_1614 : vector<16xf32>
    %jit3A_1616 = arith.constant 0.000000e+00 : f32
    %broadcast_in_dim3A_1617 = vector.broadcast %jit3A_1616 : f32 to vector<16xf32>
    %select_n3A_1618 = arith.select %lt3A_1615, %get3A_1611, %broadcast_in_dim3A_1617 : vector<16xi1>, vector<16xf32>
    %get3A_1619 = arith.constant 128 : index
    %get3A_1620 = tpu.vector_load %arg6[%get3A_1619] {strides = array<i32>} : memref<512xf32, #tpu.memory_space<vmem>>, vector<16xf32>,
    %get3A_1621 = vector.shape_cast %get3A_1620 : vector<16xf32> to vector<16xf32>
    %abs3A_1622 = math.absf %get3A_1621 : vector<16xf32>
    %lt3A_1623 = arith.constant 0x7F800000 : f32
    %lt3A_1624 = vector.broadcast %lt3A_1623 : f32 to vector<16xf32>
    %lt3A_1625 = arith.cmpf olt, %abs3A_1622, %lt3A_1624 : vector<16xf32>
    %jit3A_1626 = arith.constant 0.000000e+00 : f32
    %broadcast_in_dim3A_1627 = vector.broadcast %jit3A_1626 : f32 to vector<16xf32>
    %select_n3A_1628 = arith.select %lt3A_1625, %get3A_1621, %broadcast_in_dim3A_1627 : vector<16xi1>, vector<16xf32>
    %gt3A_1629 = arith.constant 5.000000e-01 : f32
    %gt3A_1630 = vector.broadcast %gt3A_1629 : f32 to vector<16xf32>
    %gt3A_1631 = arith.cmpf ogt, %select_n3A_1608, %gt3A_1630 : vector<16xf32>
    %select_n3A_1632 = arith.select %gt3A_1631, %broadcast_in_dim3A_872, %broadcast_in_dim3A_874 : vector<16xi1>, vector<16xi32>
    %lt3A_1633 = arith.constant 0.899999976 : f32
    %lt3A_1634 = vector.broadcast %lt3A_1633 : f32 to vector<16xf32>
    %lt3A_1635 = arith.cmpf olt, %select_n3A_1628, %lt3A_1634 : vector<16xf32>
    %select_n3A_1636 = arith.select %lt3A_1635, %broadcast_in_dim3A_872, %broadcast_in_dim3A_874 : vector<16xi1>, vector<16xi32>
    %ge3A_1637 = arith.constant 0.899999976 : f32
    %ge3A_1638 = vector.broadcast %ge3A_1637 : f32 to vector<16xf32>
    %ge3A_1639 = arith.cmpf oge, %select_n3A_1618, %ge3A_1638 : vector<16xf32>
    %select_n3A_1640 = arith.select %ge3A_1639, %broadcast_in_dim3A_872, %broadcast_in_dim3A_874 : vector<16xi1>, vector<16xi32>
    %sub3A_1641 = arith.subi %broadcast_in_dim3A_872, %select_n3A_1632 : vector<16xi32>
    %mul3A_1642 = arith.muli %sub3A_1641, %select_n3A_1636 : vector<16xi32>
    %mul3A_1643 = arith.muli %select_n3A_1632, %select_n3A_1636 : vector<16xi32>
    %mul3A_1644 = arith.muli %select_n3A_1640, %select_n3A_880 : vector<16xi32>
    %sub3A_1645 = arith.subi %broadcast_in_dim3A_872, %mul3A_1644 : vector<16xi32>
    %mul3A_1646 = arith.muli %mul3A_1643, %sub3A_1645 : vector<16xi32>
    %swap3A_1647 = arith.constant 0 : i32
    %swap3A_1648 = arith.index_cast %swap3A_1647 : i32 to index
    %swap3A_1649 = arith.constant 128 : index
    %swap3A_1650 = tpu.vector_load %arg7[%swap3A_1648, %swap3A_1649] {strides = array<i32>} : memref<7x512xi32, #tpu.memory_space<vmem>>, vector<1x16xi32>,
    %swap3A_1651 = vector.shape_cast %swap3A_1650 : vector<1x16xi32> to vector<16xi32>
    %swap3A_1652 = vector.shape_cast %broadcast_in_dim3A_872 : vector<16xi32> to vector<1x16xi32>
    tpu.vector_store %arg7[%swap3A_1648, %swap3A_1649], %swap3A_1652 {strides = array<i32>} : memref<7x512xi32, #tpu.memory_space<vmem>>, vector<1x16xi32>,
    %swap3A_1653 = arith.constant 1 : i32
    %swap3A_1654 = arith.index_cast %swap3A_1653 : i32 to index
    %swap3A_1655 = arith.constant 128 : index
    %swap3A_1656 = tpu.vector_load %arg7[%swap3A_1654, %swap3A_1655] {strides = array<i32>} : memref<7x512xi32, #tpu.memory_space<vmem>>, vector<1x16xi32>,
    %swap3A_1657 = vector.shape_cast %swap3A_1656 : vector<1x16xi32> to vector<16xi32>
    %swap3A_1658 = vector.shape_cast %mul3A_1642 : vector<16xi32> to vector<1x16xi32>
    tpu.vector_store %arg7[%swap3A_1654, %swap3A_1655], %swap3A_1658 {strides = array<i32>} : memref<7x512xi32, #tpu.memory_space<vmem>>, vector<1x16xi32>,
    %swap3A_1659 = arith.constant 2 : i32
    %swap3A_1660 = arith.index_cast %swap3A_1659 : i32 to index
    %swap3A_1661 = arith.constant 128 : index
    %swap3A_1662 = tpu.vector_load %arg7[%swap3A_1660, %swap3A_1661] {strides = array<i32>} : memref<7x512xi32, #tpu.memory_space<vmem>>, vector<1x16xi32>,
    %swap3A_1663 = vector.shape_cast %swap3A_1662 : vector<1x16xi32> to vector<16xi32>
    %swap3A_1664 = vector.shape_cast %mul3A_1642 : vector<16xi32> to vector<1x16xi32>
    tpu.vector_store %arg7[%swap3A_1660, %swap3A_1661], %swap3A_1664 {strides = array<i32>} : memref<7x512xi32, #tpu.memory_space<vmem>>, vector<1x16xi32>,
    %swap3A_1665 = arith.constant 3 : i32
    %swap3A_1666 = arith.index_cast %swap3A_1665 : i32 to index
    %swap3A_1667 = arith.constant 128 : index
    %swap3A_1668 = tpu.vector_load %arg7[%swap3A_1666, %swap3A_1667] {strides = array<i32>} : memref<7x512xi32, #tpu.memory_space<vmem>>, vector<1x16xi32>,
    %swap3A_1669 = vector.shape_cast %swap3A_1668 : vector<1x16xi32> to vector<16xi32>
    %swap3A_1670 = vector.shape_cast %mul3A_1642 : vector<16xi32> to vector<1x16xi32>
    tpu.vector_store %arg7[%swap3A_1666, %swap3A_1667], %swap3A_1670 {strides = array<i32>} : memref<7x512xi32, #tpu.memory_space<vmem>>, vector<1x16xi32>,
    %swap3A_1671 = arith.constant 4 : i32
    %swap3A_1672 = arith.index_cast %swap3A_1671 : i32 to index
    %swap3A_1673 = arith.constant 128 : index
    %swap3A_1674 = tpu.vector_load %arg7[%swap3A_1672, %swap3A_1673] {strides = array<i32>} : memref<7x512xi32, #tpu.memory_space<vmem>>, vector<1x16xi32>,
    %swap3A_1675 = vector.shape_cast %swap3A_1674 : vector<1x16xi32> to vector<16xi32>
    %swap3A_1676 = vector.shape_cast %select_n3A_1632 : vector<16xi32> to vector<1x16xi32>
    tpu.vector_store %arg7[%swap3A_1672, %swap3A_1673], %swap3A_1676 {strides = array<i32>} : memref<7x512xi32, #tpu.memory_space<vmem>>, vector<1x16xi32>,
    %swap3A_1677 = arith.constant 5 : i32
    %swap3A_1678 = arith.index_cast %swap3A_1677 : i32 to index
    %swap3A_1679 = arith.constant 128 : index
    %swap3A_1680 = tpu.vector_load %arg7[%swap3A_1678, %swap3A_1679] {strides = array<i32>} : memref<7x512xi32, #tpu.memory_space<vmem>>, vector<1x16xi32>,
    %swap3A_1681 = vector.shape_cast %swap3A_1680 : vector<1x16xi32> to vector<16xi32>
    %swap3A_1682 = vector.shape_cast %select_n3A_1632 : vector<16xi32> to vector<1x16xi32>
    tpu.vector_store %arg7[%swap3A_1678, %swap3A_1679], %swap3A_1682 {strides = array<i32>} : memref<7x512xi32, #tpu.memory_space<vmem>>, vector<1x16xi32>,
    %swap3A_1683 = arith.constant 6 : i32
    %swap3A_1684 = arith.index_cast %swap3A_1683 : i32 to index
    %swap3A_1685 = arith.constant 128 : index
    %swap3A_1686 = tpu.vector_load %arg7[%swap3A_1684, %swap3A_1685] {strides = array<i32>} : memref<7x512xi32, #tpu.memory_space<vmem>>, vector<1x16xi32>,
    %swap3A_1687 = vector.shape_cast %swap3A_1686 : vector<1x16xi32> to vector<16xi32>
    %swap3A_1688 = vector.shape_cast %mul3A_1646 : vector<16xi32> to vector<1x16xi32>
    tpu.vector_store %arg7[%swap3A_1684, %swap3A_1685], %swap3A_1688 {strides = array<i32>} : memref<7x512xi32, #tpu.memory_space<vmem>>, vector<1x16xi32>,
    %get3A_1689 = arith.constant 144 : index
    %get3A_1690 = tpu.vector_load %arg4[%get3A_1689] {strides = array<i32>} : memref<512xf32, #tpu.memory_space<vmem>>, vector<16xf32>,
    %get3A_1691 = vector.shape_cast %get3A_1690 : vector<16xf32> to vector<16xf32>
    %abs3A_1692 = math.absf %get3A_1691 : vector<16xf32>
    %lt3A_1693 = arith.constant 0x7F800000 : f32
    %lt3A_1694 = vector.broadcast %lt3A_1693 : f32 to vector<16xf32>
    %lt3A_1695 = arith.cmpf olt, %abs3A_1692, %lt3A_1694 : vector<16xf32>
    %jit3A_1696 = arith.constant 0.000000e+00 : f32
    %broadcast_in_dim3A_1697 = vector.broadcast %jit3A_1696 : f32 to vector<16xf32>
    %select_n3A_1698 = arith.select %lt3A_1695, %get3A_1691, %broadcast_in_dim3A_1697 : vector<16xi1>, vector<16xf32>
    %get3A_1699 = arith.constant 144 : index
    %get3A_1700 = tpu.vector_load %arg5[%get3A_1699] {strides = array<i32>} : memref<512xf32, #tpu.memory_space<vmem>>, vector<16xf32>,
    %get3A_1701 = vector.shape_cast %get3A_1700 : vector<16xf32> to vector<16xf32>
    %abs3A_1702 = math.absf %get3A_1701 : vector<16xf32>
    %lt3A_1703 = arith.constant 0x7F800000 : f32
    %lt3A_1704 = vector.broadcast %lt3A_1703 : f32 to vector<16xf32>
    %lt3A_1705 = arith.cmpf olt, %abs3A_1702, %lt3A_1704 : vector<16xf32>
    %jit3A_1706 = arith.constant 0.000000e+00 : f32
    %broadcast_in_dim3A_1707 = vector.broadcast %jit3A_1706 : f32 to vector<16xf32>
    %select_n3A_1708 = arith.select %lt3A_1705, %get3A_1701, %broadcast_in_dim3A_1707 : vector<16xi1>, vector<16xf32>
    %get3A_1709 = arith.constant 144 : index
    %get3A_1710 = tpu.vector_load %arg6[%get3A_1709] {strides = array<i32>} : memref<512xf32, #tpu.memory_space<vmem>>, vector<16xf32>,
    %get3A_1711 = vector.shape_cast %get3A_1710 : vector<16xf32> to vector<16xf32>
    %abs3A_1712 = math.absf %get3A_1711 : vector<16xf32>
    %lt3A_1713 = arith.constant 0x7F800000 : f32
    %lt3A_1714 = vector.broadcast %lt3A_1713 : f32 to vector<16xf32>
    %lt3A_1715 = arith.cmpf olt, %abs3A_1712, %lt3A_1714 : vector<16xf32>
    %jit3A_1716 = arith.constant 0.000000e+00 : f32
    %broadcast_in_dim3A_1717 = vector.broadcast %jit3A_1716 : f32 to vector<16xf32>
    %select_n3A_1718 = arith.select %lt3A_1715, %get3A_1711, %broadcast_in_dim3A_1717 : vector<16xi1>, vector<16xf32>
    %gt3A_1719 = arith.constant 5.000000e-01 : f32
    %gt3A_1720 = vector.broadcast %gt3A_1719 : f32 to vector<16xf32>
    %gt3A_1721 = arith.cmpf ogt, %select_n3A_1698, %gt3A_1720 : vector<16xf32>
    %select_n3A_1722 = arith.select %gt3A_1721, %broadcast_in_dim3A_872, %broadcast_in_dim3A_874 : vector<16xi1>, vector<16xi32>
    %lt3A_1723 = arith.constant 0.899999976 : f32
    %lt3A_1724 = vector.broadcast %lt3A_1723 : f32 to vector<16xf32>
    %lt3A_1725 = arith.cmpf olt, %select_n3A_1718, %lt3A_1724 : vector<16xf32>
    %select_n3A_1726 = arith.select %lt3A_1725, %broadcast_in_dim3A_872, %broadcast_in_dim3A_874 : vector<16xi1>, vector<16xi32>
    %ge3A_1727 = arith.constant 0.899999976 : f32
    %ge3A_1728 = vector.broadcast %ge3A_1727 : f32 to vector<16xf32>
    %ge3A_1729 = arith.cmpf oge, %select_n3A_1708, %ge3A_1728 : vector<16xf32>
    %select_n3A_1730 = arith.select %ge3A_1729, %broadcast_in_dim3A_872, %broadcast_in_dim3A_874 : vector<16xi1>, vector<16xi32>
    %sub3A_1731 = arith.subi %broadcast_in_dim3A_872, %select_n3A_1722 : vector<16xi32>
    %mul3A_1732 = arith.muli %sub3A_1731, %select_n3A_1726 : vector<16xi32>
    %mul3A_1733 = arith.muli %select_n3A_1722, %select_n3A_1726 : vector<16xi32>
    %mul3A_1734 = arith.muli %select_n3A_1730, %select_n3A_880 : vector<16xi32>
    %sub3A_1735 = arith.subi %broadcast_in_dim3A_872, %mul3A_1734 : vector<16xi32>
    %mul3A_1736 = arith.muli %mul3A_1733, %sub3A_1735 : vector<16xi32>
    %swap3A_1737 = arith.constant 0 : i32
    %swap3A_1738 = arith.index_cast %swap3A_1737 : i32 to index
    %swap3A_1739 = arith.constant 144 : index
    %swap3A_1740 = tpu.vector_load %arg7[%swap3A_1738, %swap3A_1739] {strides = array<i32>} : memref<7x512xi32, #tpu.memory_space<vmem>>, vector<1x16xi32>,
    %swap3A_1741 = vector.shape_cast %swap3A_1740 : vector<1x16xi32> to vector<16xi32>
    %swap3A_1742 = vector.shape_cast %broadcast_in_dim3A_872 : vector<16xi32> to vector<1x16xi32>
    tpu.vector_store %arg7[%swap3A_1738, %swap3A_1739], %swap3A_1742 {strides = array<i32>} : memref<7x512xi32, #tpu.memory_space<vmem>>, vector<1x16xi32>,
    %swap3A_1743 = arith.constant 1 : i32
    %swap3A_1744 = arith.index_cast %swap3A_1743 : i32 to index
    %swap3A_1745 = arith.constant 144 : index
    %swap3A_1746 = tpu.vector_load %arg7[%swap3A_1744, %swap3A_1745] {strides = array<i32>} : memref<7x512xi32, #tpu.memory_space<vmem>>, vector<1x16xi32>,
    %swap3A_1747 = vector.shape_cast %swap3A_1746 : vector<1x16xi32> to vector<16xi32>
    %swap3A_1748 = vector.shape_cast %mul3A_1732 : vector<16xi32> to vector<1x16xi32>
    tpu.vector_store %arg7[%swap3A_1744, %swap3A_1745], %swap3A_1748 {strides = array<i32>} : memref<7x512xi32, #tpu.memory_space<vmem>>, vector<1x16xi32>,
    %swap3A_1749 = arith.constant 2 : i32
    %swap3A_1750 = arith.index_cast %swap3A_1749 : i32 to index
    %swap3A_1751 = arith.constant 144 : index
    %swap3A_1752 = tpu.vector_load %arg7[%swap3A_1750, %swap3A_1751] {strides = array<i32>} : memref<7x512xi32, #tpu.memory_space<vmem>>, vector<1x16xi32>,
    %swap3A_1753 = vector.shape_cast %swap3A_1752 : vector<1x16xi32> to vector<16xi32>
    %swap3A_1754 = vector.shape_cast %mul3A_1732 : vector<16xi32> to vector<1x16xi32>
    tpu.vector_store %arg7[%swap3A_1750, %swap3A_1751], %swap3A_1754 {strides = array<i32>} : memref<7x512xi32, #tpu.memory_space<vmem>>, vector<1x16xi32>,
    %swap3A_1755 = arith.constant 3 : i32
    %swap3A_1756 = arith.index_cast %swap3A_1755 : i32 to index
    %swap3A_1757 = arith.constant 144 : index
    %swap3A_1758 = tpu.vector_load %arg7[%swap3A_1756, %swap3A_1757] {strides = array<i32>} : memref<7x512xi32, #tpu.memory_space<vmem>>, vector<1x16xi32>,
    %swap3A_1759 = vector.shape_cast %swap3A_1758 : vector<1x16xi32> to vector<16xi32>
    %swap3A_1760 = vector.shape_cast %mul3A_1732 : vector<16xi32> to vector<1x16xi32>
    tpu.vector_store %arg7[%swap3A_1756, %swap3A_1757], %swap3A_1760 {strides = array<i32>} : memref<7x512xi32, #tpu.memory_space<vmem>>, vector<1x16xi32>,
    %swap3A_1761 = arith.constant 4 : i32
    %swap3A_1762 = arith.index_cast %swap3A_1761 : i32 to index
    %swap3A_1763 = arith.constant 144 : index
    %swap3A_1764 = tpu.vector_load %arg7[%swap3A_1762, %swap3A_1763] {strides = array<i32>} : memref<7x512xi32, #tpu.memory_space<vmem>>, vector<1x16xi32>,
    %swap3A_1765 = vector.shape_cast %swap3A_1764 : vector<1x16xi32> to vector<16xi32>
    %swap3A_1766 = vector.shape_cast %select_n3A_1722 : vector<16xi32> to vector<1x16xi32>
    tpu.vector_store %arg7[%swap3A_1762, %swap3A_1763], %swap3A_1766 {strides = array<i32>} : memref<7x512xi32, #tpu.memory_space<vmem>>, vector<1x16xi32>,
    %swap3A_1767 = arith.constant 5 : i32
    %swap3A_1768 = arith.index_cast %swap3A_1767 : i32 to index
    %swap3A_1769 = arith.constant 144 : index
    %swap3A_1770 = tpu.vector_load %arg7[%swap3A_1768, %swap3A_1769] {strides = array<i32>} : memref<7x512xi32, #tpu.memory_space<vmem>>, vector<1x16xi32>,
    %swap3A_1771 = vector.shape_cast %swap3A_1770 : vector<1x16xi32> to vector<16xi32>
    %swap3A_1772 = vector.shape_cast %select_n3A_1722 : vector<16xi32> to vector<1x16xi32>
    tpu.vector_store %arg7[%swap3A_1768, %swap3A_1769], %swap3A_1772 {strides = array<i32>} : memref<7x512xi32, #tpu.memory_space<vmem>>, vector<1x16xi32>,
    %swap3A_1773 = arith.constant 6 : i32
    %swap3A_1774 = arith.index_cast %swap3A_1773 : i32 to index
    %swap3A_1775 = arith.constant 144 : index
    %swap3A_1776 = tpu.vector_load %arg7[%swap3A_1774, %swap3A_1775] {strides = array<i32>} : memref<7x512xi32, #tpu.memory_space<vmem>>, vector<1x16xi32>,
    %swap3A_1777 = vector.shape_cast %swap3A_1776 : vector<1x16xi32> to vector<16xi32>
    %swap3A_1778 = vector.shape_cast %mul3A_1736 : vector<16xi32> to vector<1x16xi32>
    tpu.vector_store %arg7[%swap3A_1774, %swap3A_1775], %swap3A_1778 {strides = array<i32>} : memref<7x512xi32, #tpu.memory_space<vmem>>, vector<1x16xi32>,
    %get3A_1779 = arith.constant 160 : index
    %get3A_1780 = tpu.vector_load %arg4[%get3A_1779] {strides = array<i32>} : memref<512xf32, #tpu.memory_space<vmem>>, vector<16xf32>,
    %get3A_1781 = vector.shape_cast %get3A_1780 : vector<16xf32> to vector<16xf32>
    %abs3A_1782 = math.absf %get3A_1781 : vector<16xf32>
    %lt3A_1783 = arith.constant 0x7F800000 : f32
    %lt3A_1784 = vector.broadcast %lt3A_1783 : f32 to vector<16xf32>
    %lt3A_1785 = arith.cmpf olt, %abs3A_1782, %lt3A_1784 : vector<16xf32>
    %jit3A_1786 = arith.constant 0.000000e+00 : f32
    %broadcast_in_dim3A_1787 = vector.broadcast %jit3A_1786 : f32 to vector<16xf32>
    %select_n3A_1788 = arith.select %lt3A_1785, %get3A_1781, %broadcast_in_dim3A_1787 : vector<16xi1>, vector<16xf32>
    %get3A_1789 = arith.constant 160 : index
    %get3A_1790 = tpu.vector_load %arg5[%get3A_1789] {strides = array<i32>} : memref<512xf32, #tpu.memory_space<vmem>>, vector<16xf32>,
    %get3A_1791 = vector.shape_cast %get3A_1790 : vector<16xf32> to vector<16xf32>
    %abs3A_1792 = math.absf %get3A_1791 : vector<16xf32>
    %lt3A_1793 = arith.constant 0x7F800000 : f32
    %lt3A_1794 = vector.broadcast %lt3A_1793 : f32 to vector<16xf32>
    %lt3A_1795 = arith.cmpf olt, %abs3A_1792, %lt3A_1794 : vector<16xf32>
    %jit3A_1796 = arith.constant 0.000000e+00 : f32
    %broadcast_in_dim3A_1797 = vector.broadcast %jit3A_1796 : f32 to vector<16xf32>
    %select_n3A_1798 = arith.select %lt3A_1795, %get3A_1791, %broadcast_in_dim3A_1797 : vector<16xi1>, vector<16xf32>
    %get3A_1799 = arith.constant 160 : index
    %get3A_1800 = tpu.vector_load %arg6[%get3A_1799] {strides = array<i32>} : memref<512xf32, #tpu.memory_space<vmem>>, vector<16xf32>,
    %get3A_1801 = vector.shape_cast %get3A_1800 : vector<16xf32> to vector<16xf32>
    %abs3A_1802 = math.absf %get3A_1801 : vector<16xf32>
    %lt3A_1803 = arith.constant 0x7F800000 : f32
    %lt3A_1804 = vector.broadcast %lt3A_1803 : f32 to vector<16xf32>
    %lt3A_1805 = arith.cmpf olt, %abs3A_1802, %lt3A_1804 : vector<16xf32>
    %jit3A_1806 = arith.constant 0.000000e+00 : f32
    %broadcast_in_dim3A_1807 = vector.broadcast %jit3A_1806 : f32 to vector<16xf32>
    %select_n3A_1808 = arith.select %lt3A_1805, %get3A_1801, %broadcast_in_dim3A_1807 : vector<16xi1>, vector<16xf32>
    %gt3A_1809 = arith.constant 5.000000e-01 : f32
    %gt3A_1810 = vector.broadcast %gt3A_1809 : f32 to vector<16xf32>
    %gt3A_1811 = arith.cmpf ogt, %select_n3A_1788, %gt3A_1810 : vector<16xf32>
    %select_n3A_1812 = arith.select %gt3A_1811, %broadcast_in_dim3A_872, %broadcast_in_dim3A_874 : vector<16xi1>, vector<16xi32>
    %lt3A_1813 = arith.constant 0.899999976 : f32
    %lt3A_1814 = vector.broadcast %lt3A_1813 : f32 to vector<16xf32>
    %lt3A_1815 = arith.cmpf olt, %select_n3A_1808, %lt3A_1814 : vector<16xf32>
    %select_n3A_1816 = arith.select %lt3A_1815, %broadcast_in_dim3A_872, %broadcast_in_dim3A_874 : vector<16xi1>, vector<16xi32>
    %ge3A_1817 = arith.constant 0.899999976 : f32
    %ge3A_1818 = vector.broadcast %ge3A_1817 : f32 to vector<16xf32>
    %ge3A_1819 = arith.cmpf oge, %select_n3A_1798, %ge3A_1818 : vector<16xf32>
    %select_n3A_1820 = arith.select %ge3A_1819, %broadcast_in_dim3A_872, %broadcast_in_dim3A_874 : vector<16xi1>, vector<16xi32>
    %sub3A_1821 = arith.subi %broadcast_in_dim3A_872, %select_n3A_1812 : vector<16xi32>
    %mul3A_1822 = arith.muli %sub3A_1821, %select_n3A_1816 : vector<16xi32>
    %mul3A_1823 = arith.muli %select_n3A_1812, %select_n3A_1816 : vector<16xi32>
    %mul3A_1824 = arith.muli %select_n3A_1820, %select_n3A_880 : vector<16xi32>
    %sub3A_1825 = arith.subi %broadcast_in_dim3A_872, %mul3A_1824 : vector<16xi32>
    %mul3A_1826 = arith.muli %mul3A_1823, %sub3A_1825 : vector<16xi32>
    %swap3A_1827 = arith.constant 0 : i32
    %swap3A_1828 = arith.index_cast %swap3A_1827 : i32 to index
    %swap3A_1829 = arith.constant 160 : index
    %swap3A_1830 = tpu.vector_load %arg7[%swap3A_1828, %swap3A_1829] {strides = array<i32>} : memref<7x512xi32, #tpu.memory_space<vmem>>, vector<1x16xi32>,
    %swap3A_1831 = vector.shape_cast %swap3A_1830 : vector<1x16xi32> to vector<16xi32>
    %swap3A_1832 = vector.shape_cast %broadcast_in_dim3A_872 : vector<16xi32> to vector<1x16xi32>
    tpu.vector_store %arg7[%swap3A_1828, %swap3A_1829], %swap3A_1832 {strides = array<i32>} : memref<7x512xi32, #tpu.memory_space<vmem>>, vector<1x16xi32>,
    %swap3A_1833 = arith.constant 1 : i32
    %swap3A_1834 = arith.index_cast %swap3A_1833 : i32 to index
    %swap3A_1835 = arith.constant 160 : index
    %swap3A_1836 = tpu.vector_load %arg7[%swap3A_1834, %swap3A_1835] {strides = array<i32>} : memref<7x512xi32, #tpu.memory_space<vmem>>, vector<1x16xi32>,
    %swap3A_1837 = vector.shape_cast %swap3A_1836 : vector<1x16xi32> to vector<16xi32>
    %swap3A_1838 = vector.shape_cast %mul3A_1822 : vector<16xi32> to vector<1x16xi32>
    tpu.vector_store %arg7[%swap3A_1834, %swap3A_1835], %swap3A_1838 {strides = array<i32>} : memref<7x512xi32, #tpu.memory_space<vmem>>, vector<1x16xi32>,
    %swap3A_1839 = arith.constant 2 : i32
    %swap3A_1840 = arith.index_cast %swap3A_1839 : i32 to index
    %swap3A_1841 = arith.constant 160 : index
    %swap3A_1842 = tpu.vector_load %arg7[%swap3A_1840, %swap3A_1841] {strides = array<i32>} : memref<7x512xi32, #tpu.memory_space<vmem>>, vector<1x16xi32>,
    %swap3A_1843 = vector.shape_cast %swap3A_1842 : vector<1x16xi32> to vector<16xi32>
    %swap3A_1844 = vector.shape_cast %mul3A_1822 : vector<16xi32> to vector<1x16xi32>
    tpu.vector_store %arg7[%swap3A_1840, %swap3A_1841], %swap3A_1844 {strides = array<i32>} : memref<7x512xi32, #tpu.memory_space<vmem>>, vector<1x16xi32>,
    %swap3A_1845 = arith.constant 3 : i32
    %swap3A_1846 = arith.index_cast %swap3A_1845 : i32 to index
    %swap3A_1847 = arith.constant 160 : index
    %swap3A_1848 = tpu.vector_load %arg7[%swap3A_1846, %swap3A_1847] {strides = array<i32>} : memref<7x512xi32, #tpu.memory_space<vmem>>, vector<1x16xi32>,
    %swap3A_1849 = vector.shape_cast %swap3A_1848 : vector<1x16xi32> to vector<16xi32>
    %swap3A_1850 = vector.shape_cast %mul3A_1822 : vector<16xi32> to vector<1x16xi32>
    tpu.vector_store %arg7[%swap3A_1846, %swap3A_1847], %swap3A_1850 {strides = array<i32>} : memref<7x512xi32, #tpu.memory_space<vmem>>, vector<1x16xi32>,
    %swap3A_1851 = arith.constant 4 : i32
    %swap3A_1852 = arith.index_cast %swap3A_1851 : i32 to index
    %swap3A_1853 = arith.constant 160 : index
    %swap3A_1854 = tpu.vector_load %arg7[%swap3A_1852, %swap3A_1853] {strides = array<i32>} : memref<7x512xi32, #tpu.memory_space<vmem>>, vector<1x16xi32>,
    %swap3A_1855 = vector.shape_cast %swap3A_1854 : vector<1x16xi32> to vector<16xi32>
    %swap3A_1856 = vector.shape_cast %select_n3A_1812 : vector<16xi32> to vector<1x16xi32>
    tpu.vector_store %arg7[%swap3A_1852, %swap3A_1853], %swap3A_1856 {strides = array<i32>} : memref<7x512xi32, #tpu.memory_space<vmem>>, vector<1x16xi32>,
    %swap3A_1857 = arith.constant 5 : i32
    %swap3A_1858 = arith.index_cast %swap3A_1857 : i32 to index
    %swap3A_1859 = arith.constant 160 : index
    %swap3A_1860 = tpu.vector_load %arg7[%swap3A_1858, %swap3A_1859] {strides = array<i32>} : memref<7x512xi32, #tpu.memory_space<vmem>>, vector<1x16xi32>,
    %swap3A_1861 = vector.shape_cast %swap3A_1860 : vector<1x16xi32> to vector<16xi32>
    %swap3A_1862 = vector.shape_cast %select_n3A_1812 : vector<16xi32> to vector<1x16xi32>
    tpu.vector_store %arg7[%swap3A_1858, %swap3A_1859], %swap3A_1862 {strides = array<i32>} : memref<7x512xi32, #tpu.memory_space<vmem>>, vector<1x16xi32>,
    %swap3A_1863 = arith.constant 6 : i32
    %swap3A_1864 = arith.index_cast %swap3A_1863 : i32 to index
    %swap3A_1865 = arith.constant 160 : index
    %swap3A_1866 = tpu.vector_load %arg7[%swap3A_1864, %swap3A_1865] {strides = array<i32>} : memref<7x512xi32, #tpu.memory_space<vmem>>, vector<1x16xi32>,
    %swap3A_1867 = vector.shape_cast %swap3A_1866 : vector<1x16xi32> to vector<16xi32>
    %swap3A_1868 = vector.shape_cast %mul3A_1826 : vector<16xi32> to vector<1x16xi32>
    tpu.vector_store %arg7[%swap3A_1864, %swap3A_1865], %swap3A_1868 {strides = array<i32>} : memref<7x512xi32, #tpu.memory_space<vmem>>, vector<1x16xi32>,
    %get3A_1869 = arith.constant 176 : index
    %get3A_1870 = tpu.vector_load %arg4[%get3A_1869] {strides = array<i32>} : memref<512xf32, #tpu.memory_space<vmem>>, vector<16xf32>,
    %get3A_1871 = vector.shape_cast %get3A_1870 : vector<16xf32> to vector<16xf32>
    %abs3A_1872 = math.absf %get3A_1871 : vector<16xf32>
    %lt3A_1873 = arith.constant 0x7F800000 : f32
    %lt3A_1874 = vector.broadcast %lt3A_1873 : f32 to vector<16xf32>
    %lt3A_1875 = arith.cmpf olt, %abs3A_1872, %lt3A_1874 : vector<16xf32>
    %jit3A_1876 = arith.constant 0.000000e+00 : f32
    %broadcast_in_dim3A_1877 = vector.broadcast %jit3A_1876 : f32 to vector<16xf32>
    %select_n3A_1878 = arith.select %lt3A_1875, %get3A_1871, %broadcast_in_dim3A_1877 : vector<16xi1>, vector<16xf32>
    %get3A_1879 = arith.constant 176 : index
    %get3A_1880 = tpu.vector_load %arg5[%get3A_1879] {strides = array<i32>} : memref<512xf32, #tpu.memory_space<vmem>>, vector<16xf32>,
    %get3A_1881 = vector.shape_cast %get3A_1880 : vector<16xf32> to vector<16xf32>
    %abs3A_1882 = math.absf %get3A_1881 : vector<16xf32>
    %lt3A_1883 = arith.constant 0x7F800000 : f32
    %lt3A_1884 = vector.broadcast %lt3A_1883 : f32 to vector<16xf32>
    %lt3A_1885 = arith.cmpf olt, %abs3A_1882, %lt3A_1884 : vector<16xf32>
    %jit3A_1886 = arith.constant 0.000000e+00 : f32
    %broadcast_in_dim3A_1887 = vector.broadcast %jit3A_1886 : f32 to vector<16xf32>
    %select_n3A_1888 = arith.select %lt3A_1885, %get3A_1881, %broadcast_in_dim3A_1887 : vector<16xi1>, vector<16xf32>
    %get3A_1889 = arith.constant 176 : index
    %get3A_1890 = tpu.vector_load %arg6[%get3A_1889] {strides = array<i32>} : memref<512xf32, #tpu.memory_space<vmem>>, vector<16xf32>,
    %get3A_1891 = vector.shape_cast %get3A_1890 : vector<16xf32> to vector<16xf32>
    %abs3A_1892 = math.absf %get3A_1891 : vector<16xf32>
    %lt3A_1893 = arith.constant 0x7F800000 : f32
    %lt3A_1894 = vector.broadcast %lt3A_1893 : f32 to vector<16xf32>
    %lt3A_1895 = arith.cmpf olt, %abs3A_1892, %lt3A_1894 : vector<16xf32>
    %jit3A_1896 = arith.constant 0.000000e+00 : f32
    %broadcast_in_dim3A_1897 = vector.broadcast %jit3A_1896 : f32 to vector<16xf32>
    %select_n3A_1898 = arith.select %lt3A_1895, %get3A_1891, %broadcast_in_dim3A_1897 : vector<16xi1>, vector<16xf32>
    %gt3A_1899 = arith.constant 5.000000e-01 : f32
    %gt3A_1900 = vector.broadcast %gt3A_1899 : f32 to vector<16xf32>
    %gt3A_1901 = arith.cmpf ogt, %select_n3A_1878, %gt3A_1900 : vector<16xf32>
    %select_n3A_1902 = arith.select %gt3A_1901, %broadcast_in_dim3A_872, %broadcast_in_dim3A_874 : vector<16xi1>, vector<16xi32>
    %lt3A_1903 = arith.constant 0.899999976 : f32
    %lt3A_1904 = vector.broadcast %lt3A_1903 : f32 to vector<16xf32>
    %lt3A_1905 = arith.cmpf olt, %select_n3A_1898, %lt3A_1904 : vector<16xf32>
    %select_n3A_1906 = arith.select %lt3A_1905, %broadcast_in_dim3A_872, %broadcast_in_dim3A_874 : vector<16xi1>, vector<16xi32>
    %ge3A_1907 = arith.constant 0.899999976 : f32
    %ge3A_1908 = vector.broadcast %ge3A_1907 : f32 to vector<16xf32>
    %ge3A_1909 = arith.cmpf oge, %select_n3A_1888, %ge3A_1908 : vector<16xf32>
    %select_n3A_1910 = arith.select %ge3A_1909, %broadcast_in_dim3A_872, %broadcast_in_dim3A_874 : vector<16xi1>, vector<16xi32>
    %sub3A_1911 = arith.subi %broadcast_in_dim3A_872, %select_n3A_1902 : vector<16xi32>
    %mul3A_1912 = arith.muli %sub3A_1911, %select_n3A_1906 : vector<16xi32>
    %mul3A_1913 = arith.muli %select_n3A_1902, %select_n3A_1906 : vector<16xi32>
    %mul3A_1914 = arith.muli %select_n3A_1910, %select_n3A_880 : vector<16xi32>
    %sub3A_1915 = arith.subi %broadcast_in_dim3A_872, %mul3A_1914 : vector<16xi32>
    %mul3A_1916 = arith.muli %mul3A_1913, %sub3A_1915 : vector<16xi32>
    %swap3A_1917 = arith.constant 0 : i32
    %swap3A_1918 = arith.index_cast %swap3A_1917 : i32 to index
    %swap3A_1919 = arith.constant 176 : index
    %swap3A_1920 = tpu.vector_load %arg7[%swap3A_1918, %swap3A_1919] {strides = array<i32>} : memref<7x512xi32, #tpu.memory_space<vmem>>, vector<1x16xi32>,
    %swap3A_1921 = vector.shape_cast %swap3A_1920 : vector<1x16xi32> to vector<16xi32>
    %swap3A_1922 = vector.shape_cast %broadcast_in_dim3A_872 : vector<16xi32> to vector<1x16xi32>
    tpu.vector_store %arg7[%swap3A_1918, %swap3A_1919], %swap3A_1922 {strides = array<i32>} : memref<7x512xi32, #tpu.memory_space<vmem>>, vector<1x16xi32>,
    %swap3A_1923 = arith.constant 1 : i32
    %swap3A_1924 = arith.index_cast %swap3A_1923 : i32 to index
    %swap3A_1925 = arith.constant 176 : index
    %swap3A_1926 = tpu.vector_load %arg7[%swap3A_1924, %swap3A_1925] {strides = array<i32>} : memref<7x512xi32, #tpu.memory_space<vmem>>, vector<1x16xi32>,
    %swap3A_1927 = vector.shape_cast %swap3A_1926 : vector<1x16xi32> to vector<16xi32>
    %swap3A_1928 = vector.shape_cast %mul3A_1912 : vector<16xi32> to vector<1x16xi32>
    tpu.vector_store %arg7[%swap3A_1924, %swap3A_1925], %swap3A_1928 {strides = array<i32>} : memref<7x512xi32, #tpu.memory_space<vmem>>, vector<1x16xi32>,
    %swap3A_1929 = arith.constant 2 : i32
    %swap3A_1930 = arith.index_cast %swap3A_1929 : i32 to index
    %swap3A_1931 = arith.constant 176 : index
    %swap3A_1932 = tpu.vector_load %arg7[%swap3A_1930, %swap3A_1931] {strides = array<i32>} : memref<7x512xi32, #tpu.memory_space<vmem>>, vector<1x16xi32>,
    %swap3A_1933 = vector.shape_cast %swap3A_1932 : vector<1x16xi32> to vector<16xi32>
    %swap3A_1934 = vector.shape_cast %mul3A_1912 : vector<16xi32> to vector<1x16xi32>
    tpu.vector_store %arg7[%swap3A_1930, %swap3A_1931], %swap3A_1934 {strides = array<i32>} : memref<7x512xi32, #tpu.memory_space<vmem>>, vector<1x16xi32>,
    %swap3A_1935 = arith.constant 3 : i32
    %swap3A_1936 = arith.index_cast %swap3A_1935 : i32 to index
    %swap3A_1937 = arith.constant 176 : index
    %swap3A_1938 = tpu.vector_load %arg7[%swap3A_1936, %swap3A_1937] {strides = array<i32>} : memref<7x512xi32, #tpu.memory_space<vmem>>, vector<1x16xi32>,
    %swap3A_1939 = vector.shape_cast %swap3A_1938 : vector<1x16xi32> to vector<16xi32>
    %swap3A_1940 = vector.shape_cast %mul3A_1912 : vector<16xi32> to vector<1x16xi32>
    tpu.vector_store %arg7[%swap3A_1936, %swap3A_1937], %swap3A_1940 {strides = array<i32>} : memref<7x512xi32, #tpu.memory_space<vmem>>, vector<1x16xi32>,
    %swap3A_1941 = arith.constant 4 : i32
    %swap3A_1942 = arith.index_cast %swap3A_1941 : i32 to index
    %swap3A_1943 = arith.constant 176 : index
    %swap3A_1944 = tpu.vector_load %arg7[%swap3A_1942, %swap3A_1943] {strides = array<i32>} : memref<7x512xi32, #tpu.memory_space<vmem>>, vector<1x16xi32>,
    %swap3A_1945 = vector.shape_cast %swap3A_1944 : vector<1x16xi32> to vector<16xi32>
    %swap3A_1946 = vector.shape_cast %select_n3A_1902 : vector<16xi32> to vector<1x16xi32>
    tpu.vector_store %arg7[%swap3A_1942, %swap3A_1943], %swap3A_1946 {strides = array<i32>} : memref<7x512xi32, #tpu.memory_space<vmem>>, vector<1x16xi32>,
    %swap3A_1947 = arith.constant 5 : i32
    %swap3A_1948 = arith.index_cast %swap3A_1947 : i32 to index
    %swap3A_1949 = arith.constant 176 : index
    %swap3A_1950 = tpu.vector_load %arg7[%swap3A_1948, %swap3A_1949] {strides = array<i32>} : memref<7x512xi32, #tpu.memory_space<vmem>>, vector<1x16xi32>,
    %swap3A_1951 = vector.shape_cast %swap3A_1950 : vector<1x16xi32> to vector<16xi32>
    %swap3A_1952 = vector.shape_cast %select_n3A_1902 : vector<16xi32> to vector<1x16xi32>
    tpu.vector_store %arg7[%swap3A_1948, %swap3A_1949], %swap3A_1952 {strides = array<i32>} : memref<7x512xi32, #tpu.memory_space<vmem>>, vector<1x16xi32>,
    %swap3A_1953 = arith.constant 6 : i32
    %swap3A_1954 = arith.index_cast %swap3A_1953 : i32 to index
    %swap3A_1955 = arith.constant 176 : index
    %swap3A_1956 = tpu.vector_load %arg7[%swap3A_1954, %swap3A_1955] {strides = array<i32>} : memref<7x512xi32, #tpu.memory_space<vmem>>, vector<1x16xi32>,
    %swap3A_1957 = vector.shape_cast %swap3A_1956 : vector<1x16xi32> to vector<16xi32>
    %swap3A_1958 = vector.shape_cast %mul3A_1916 : vector<16xi32> to vector<1x16xi32>
    tpu.vector_store %arg7[%swap3A_1954, %swap3A_1955], %swap3A_1958 {strides = array<i32>} : memref<7x512xi32, #tpu.memory_space<vmem>>, vector<1x16xi32>,
    %get3A_1959 = arith.constant 192 : index
    %get3A_1960 = tpu.vector_load %arg4[%get3A_1959] {strides = array<i32>} : memref<512xf32, #tpu.memory_space<vmem>>, vector<16xf32>,
    %get3A_1961 = vector.shape_cast %get3A_1960 : vector<16xf32> to vector<16xf32>
    %abs3A_1962 = math.absf %get3A_1961 : vector<16xf32>
    %lt3A_1963 = arith.constant 0x7F800000 : f32
    %lt3A_1964 = vector.broadcast %lt3A_1963 : f32 to vector<16xf32>
    %lt3A_1965 = arith.cmpf olt, %abs3A_1962, %lt3A_1964 : vector<16xf32>
    %jit3A_1966 = arith.constant 0.000000e+00 : f32
    %broadcast_in_dim3A_1967 = vector.broadcast %jit3A_1966 : f32 to vector<16xf32>
    %select_n3A_1968 = arith.select %lt3A_1965, %get3A_1961, %broadcast_in_dim3A_1967 : vector<16xi1>, vector<16xf32>
    %get3A_1969 = arith.constant 192 : index
    %get3A_1970 = tpu.vector_load %arg5[%get3A_1969] {strides = array<i32>} : memref<512xf32, #tpu.memory_space<vmem>>, vector<16xf32>,
    %get3A_1971 = vector.shape_cast %get3A_1970 : vector<16xf32> to vector<16xf32>
    %abs3A_1972 = math.absf %get3A_1971 : vector<16xf32>
    %lt3A_1973 = arith.constant 0x7F800000 : f32
    %lt3A_1974 = vector.broadcast %lt3A_1973 : f32 to vector<16xf32>
    %lt3A_1975 = arith.cmpf olt, %abs3A_1972, %lt3A_1974 : vector<16xf32>
    %jit3A_1976 = arith.constant 0.000000e+00 : f32
    %broadcast_in_dim3A_1977 = vector.broadcast %jit3A_1976 : f32 to vector<16xf32>
    %select_n3A_1978 = arith.select %lt3A_1975, %get3A_1971, %broadcast_in_dim3A_1977 : vector<16xi1>, vector<16xf32>
    %get3A_1979 = arith.constant 192 : index
    %get3A_1980 = tpu.vector_load %arg6[%get3A_1979] {strides = array<i32>} : memref<512xf32, #tpu.memory_space<vmem>>, vector<16xf32>,
    %get3A_1981 = vector.shape_cast %get3A_1980 : vector<16xf32> to vector<16xf32>
    %abs3A_1982 = math.absf %get3A_1981 : vector<16xf32>
    %lt3A_1983 = arith.constant 0x7F800000 : f32
    %lt3A_1984 = vector.broadcast %lt3A_1983 : f32 to vector<16xf32>
    %lt3A_1985 = arith.cmpf olt, %abs3A_1982, %lt3A_1984 : vector<16xf32>
    %jit3A_1986 = arith.constant 0.000000e+00 : f32
    %broadcast_in_dim3A_1987 = vector.broadcast %jit3A_1986 : f32 to vector<16xf32>
    %select_n3A_1988 = arith.select %lt3A_1985, %get3A_1981, %broadcast_in_dim3A_1987 : vector<16xi1>, vector<16xf32>
    %gt3A_1989 = arith.constant 5.000000e-01 : f32
    %gt3A_1990 = vector.broadcast %gt3A_1989 : f32 to vector<16xf32>
    %gt3A_1991 = arith.cmpf ogt, %select_n3A_1968, %gt3A_1990 : vector<16xf32>
    %select_n3A_1992 = arith.select %gt3A_1991, %broadcast_in_dim3A_872, %broadcast_in_dim3A_874 : vector<16xi1>, vector<16xi32>
    %lt3A_1993 = arith.constant 0.899999976 : f32
    %lt3A_1994 = vector.broadcast %lt3A_1993 : f32 to vector<16xf32>
    %lt3A_1995 = arith.cmpf olt, %select_n3A_1988, %lt3A_1994 : vector<16xf32>
    %select_n3A_1996 = arith.select %lt3A_1995, %broadcast_in_dim3A_872, %broadcast_in_dim3A_874 : vector<16xi1>, vector<16xi32>
    %ge3A_1997 = arith.constant 0.899999976 : f32
    %ge3A_1998 = vector.broadcast %ge3A_1997 : f32 to vector<16xf32>
    %ge3A_1999 = arith.cmpf oge, %select_n3A_1978, %ge3A_1998 : vector<16xf32>
    %select_n3A_2000 = arith.select %ge3A_1999, %broadcast_in_dim3A_872, %broadcast_in_dim3A_874 : vector<16xi1>, vector<16xi32>
    %sub3A_2001 = arith.subi %broadcast_in_dim3A_872, %select_n3A_1992 : vector<16xi32>
    %mul3A_2002 = arith.muli %sub3A_2001, %select_n3A_1996 : vector<16xi32>
    %mul3A_2003 = arith.muli %select_n3A_1992, %select_n3A_1996 : vector<16xi32>
    %mul3A_2004 = arith.muli %select_n3A_2000, %select_n3A_880 : vector<16xi32>
    %sub3A_2005 = arith.subi %broadcast_in_dim3A_872, %mul3A_2004 : vector<16xi32>
    %mul3A_2006 = arith.muli %mul3A_2003, %sub3A_2005 : vector<16xi32>
    %swap3A_2007 = arith.constant 0 : i32
    %swap3A_2008 = arith.index_cast %swap3A_2007 : i32 to index
    %swap3A_2009 = arith.constant 192 : index
    %swap3A_2010 = tpu.vector_load %arg7[%swap3A_2008, %swap3A_2009] {strides = array<i32>} : memref<7x512xi32, #tpu.memory_space<vmem>>, vector<1x16xi32>,
    %swap3A_2011 = vector.shape_cast %swap3A_2010 : vector<1x16xi32> to vector<16xi32>
    %swap3A_2012 = vector.shape_cast %broadcast_in_dim3A_872 : vector<16xi32> to vector<1x16xi32>
    tpu.vector_store %arg7[%swap3A_2008, %swap3A_2009], %swap3A_2012 {strides = array<i32>} : memref<7x512xi32, #tpu.memory_space<vmem>>, vector<1x16xi32>,
    %swap3A_2013 = arith.constant 1 : i32
    %swap3A_2014 = arith.index_cast %swap3A_2013 : i32 to index
    %swap3A_2015 = arith.constant 192 : index
    %swap3A_2016 = tpu.vector_load %arg7[%swap3A_2014, %swap3A_2015] {strides = array<i32>} : memref<7x512xi32, #tpu.memory_space<vmem>>, vector<1x16xi32>,
    %swap3A_2017 = vector.shape_cast %swap3A_2016 : vector<1x16xi32> to vector<16xi32>
    %swap3A_2018 = vector.shape_cast %mul3A_2002 : vector<16xi32> to vector<1x16xi32>
    tpu.vector_store %arg7[%swap3A_2014, %swap3A_2015], %swap3A_2018 {strides = array<i32>} : memref<7x512xi32, #tpu.memory_space<vmem>>, vector<1x16xi32>,
    %swap3A_2019 = arith.constant 2 : i32
    %swap3A_2020 = arith.index_cast %swap3A_2019 : i32 to index
    %swap3A_2021 = arith.constant 192 : index
    %swap3A_2022 = tpu.vector_load %arg7[%swap3A_2020, %swap3A_2021] {strides = array<i32>} : memref<7x512xi32, #tpu.memory_space<vmem>>, vector<1x16xi32>,
    %swap3A_2023 = vector.shape_cast %swap3A_2022 : vector<1x16xi32> to vector<16xi32>
    %swap3A_2024 = vector.shape_cast %mul3A_2002 : vector<16xi32> to vector<1x16xi32>
    tpu.vector_store %arg7[%swap3A_2020, %swap3A_2021], %swap3A_2024 {strides = array<i32>} : memref<7x512xi32, #tpu.memory_space<vmem>>, vector<1x16xi32>,
    %swap3A_2025 = arith.constant 3 : i32
    %swap3A_2026 = arith.index_cast %swap3A_2025 : i32 to index
    %swap3A_2027 = arith.constant 192 : index
    %swap3A_2028 = tpu.vector_load %arg7[%swap3A_2026, %swap3A_2027] {strides = array<i32>} : memref<7x512xi32, #tpu.memory_space<vmem>>, vector<1x16xi32>,
    %swap3A_2029 = vector.shape_cast %swap3A_2028 : vector<1x16xi32> to vector<16xi32>
    %swap3A_2030 = vector.shape_cast %mul3A_2002 : vector<16xi32> to vector<1x16xi32>
    tpu.vector_store %arg7[%swap3A_2026, %swap3A_2027], %swap3A_2030 {strides = array<i32>} : memref<7x512xi32, #tpu.memory_space<vmem>>, vector<1x16xi32>,
    %swap3A_2031 = arith.constant 4 : i32
    %swap3A_2032 = arith.index_cast %swap3A_2031 : i32 to index
    %swap3A_2033 = arith.constant 192 : index
    %swap3A_2034 = tpu.vector_load %arg7[%swap3A_2032, %swap3A_2033] {strides = array<i32>} : memref<7x512xi32, #tpu.memory_space<vmem>>, vector<1x16xi32>,
    %swap3A_2035 = vector.shape_cast %swap3A_2034 : vector<1x16xi32> to vector<16xi32>
    %swap3A_2036 = vector.shape_cast %select_n3A_1992 : vector<16xi32> to vector<1x16xi32>
    tpu.vector_store %arg7[%swap3A_2032, %swap3A_2033], %swap3A_2036 {strides = array<i32>} : memref<7x512xi32, #tpu.memory_space<vmem>>, vector<1x16xi32>,
    %swap3A_2037 = arith.constant 5 : i32
    %swap3A_2038 = arith.index_cast %swap3A_2037 : i32 to index
    %swap3A_2039 = arith.constant 192 : index
    %swap3A_2040 = tpu.vector_load %arg7[%swap3A_2038, %swap3A_2039] {strides = array<i32>} : memref<7x512xi32, #tpu.memory_space<vmem>>, vector<1x16xi32>,
    %swap3A_2041 = vector.shape_cast %swap3A_2040 : vector<1x16xi32> to vector<16xi32>
    %swap3A_2042 = vector.shape_cast %select_n3A_1992 : vector<16xi32> to vector<1x16xi32>
    tpu.vector_store %arg7[%swap3A_2038, %swap3A_2039], %swap3A_2042 {strides = array<i32>} : memref<7x512xi32, #tpu.memory_space<vmem>>, vector<1x16xi32>,
    %swap3A_2043 = arith.constant 6 : i32
    %swap3A_2044 = arith.index_cast %swap3A_2043 : i32 to index
    %swap3A_2045 = arith.constant 192 : index
    %swap3A_2046 = tpu.vector_load %arg7[%swap3A_2044, %swap3A_2045] {strides = array<i32>} : memref<7x512xi32, #tpu.memory_space<vmem>>, vector<1x16xi32>,
    %swap3A_2047 = vector.shape_cast %swap3A_2046 : vector<1x16xi32> to vector<16xi32>
    %swap3A_2048 = vector.shape_cast %mul3A_2006 : vector<16xi32> to vector<1x16xi32>
    tpu.vector_store %arg7[%swap3A_2044, %swap3A_2045], %swap3A_2048 {strides = array<i32>} : memref<7x512xi32, #tpu.memory_space<vmem>>, vector<1x16xi32>,
    %get3A_2049 = arith.constant 208 : index
    %get3A_2050 = tpu.vector_load %arg4[%get3A_2049] {strides = array<i32>} : memref<512xf32, #tpu.memory_space<vmem>>, vector<16xf32>,
    %get3A_2051 = vector.shape_cast %get3A_2050 : vector<16xf32> to vector<16xf32>
    %abs3A_2052 = math.absf %get3A_2051 : vector<16xf32>
    %lt3A_2053 = arith.constant 0x7F800000 : f32
    %lt3A_2054 = vector.broadcast %lt3A_2053 : f32 to vector<16xf32>
    %lt3A_2055 = arith.cmpf olt, %abs3A_2052, %lt3A_2054 : vector<16xf32>
    %jit3A_2056 = arith.constant 0.000000e+00 : f32
    %broadcast_in_dim3A_2057 = vector.broadcast %jit3A_2056 : f32 to vector<16xf32>
    %select_n3A_2058 = arith.select %lt3A_2055, %get3A_2051, %broadcast_in_dim3A_2057 : vector<16xi1>, vector<16xf32>
    %get3A_2059 = arith.constant 208 : index
    %get3A_2060 = tpu.vector_load %arg5[%get3A_2059] {strides = array<i32>} : memref<512xf32, #tpu.memory_space<vmem>>, vector<16xf32>,
    %get3A_2061 = vector.shape_cast %get3A_2060 : vector<16xf32> to vector<16xf32>
    %abs3A_2062 = math.absf %get3A_2061 : vector<16xf32>
    %lt3A_2063 = arith.constant 0x7F800000 : f32
    %lt3A_2064 = vector.broadcast %lt3A_2063 : f32 to vector<16xf32>
    %lt3A_2065 = arith.cmpf olt, %abs3A_2062, %lt3A_2064 : vector<16xf32>
    %jit3A_2066 = arith.constant 0.000000e+00 : f32
    %broadcast_in_dim3A_2067 = vector.broadcast %jit3A_2066 : f32 to vector<16xf32>
    %select_n3A_2068 = arith.select %lt3A_2065, %get3A_2061, %broadcast_in_dim3A_2067 : vector<16xi1>, vector<16xf32>
    %get3A_2069 = arith.constant 208 : index
    %get3A_2070 = tpu.vector_load %arg6[%get3A_2069] {strides = array<i32>} : memref<512xf32, #tpu.memory_space<vmem>>, vector<16xf32>,
    %get3A_2071 = vector.shape_cast %get3A_2070 : vector<16xf32> to vector<16xf32>
    %abs3A_2072 = math.absf %get3A_2071 : vector<16xf32>
    %lt3A_2073 = arith.constant 0x7F800000 : f32
    %lt3A_2074 = vector.broadcast %lt3A_2073 : f32 to vector<16xf32>
    %lt3A_2075 = arith.cmpf olt, %abs3A_2072, %lt3A_2074 : vector<16xf32>
    %jit3A_2076 = arith.constant 0.000000e+00 : f32
    %broadcast_in_dim3A_2077 = vector.broadcast %jit3A_2076 : f32 to vector<16xf32>
    %select_n3A_2078 = arith.select %lt3A_2075, %get3A_2071, %broadcast_in_dim3A_2077 : vector<16xi1>, vector<16xf32>
    %gt3A_2079 = arith.constant 5.000000e-01 : f32
    %gt3A_2080 = vector.broadcast %gt3A_2079 : f32 to vector<16xf32>
    %gt3A_2081 = arith.cmpf ogt, %select_n3A_2058, %gt3A_2080 : vector<16xf32>
    %select_n3A_2082 = arith.select %gt3A_2081, %broadcast_in_dim3A_872, %broadcast_in_dim3A_874 : vector<16xi1>, vector<16xi32>
    %lt3A_2083 = arith.constant 0.899999976 : f32
    %lt3A_2084 = vector.broadcast %lt3A_2083 : f32 to vector<16xf32>
    %lt3A_2085 = arith.cmpf olt, %select_n3A_2078, %lt3A_2084 : vector<16xf32>
    %select_n3A_2086 = arith.select %lt3A_2085, %broadcast_in_dim3A_872, %broadcast_in_dim3A_874 : vector<16xi1>, vector<16xi32>
    %ge3A_2087 = arith.constant 0.899999976 : f32
    %ge3A_2088 = vector.broadcast %ge3A_2087 : f32 to vector<16xf32>
    %ge3A_2089 = arith.cmpf oge, %select_n3A_2068, %ge3A_2088 : vector<16xf32>
    %select_n3A_2090 = arith.select %ge3A_2089, %broadcast_in_dim3A_872, %broadcast_in_dim3A_874 : vector<16xi1>, vector<16xi32>
    %sub3A_2091 = arith.subi %broadcast_in_dim3A_872, %select_n3A_2082 : vector<16xi32>
    %mul3A_2092 = arith.muli %sub3A_2091, %select_n3A_2086 : vector<16xi32>
    %mul3A_2093 = arith.muli %select_n3A_2082, %select_n3A_2086 : vector<16xi32>
    %mul3A_2094 = arith.muli %select_n3A_2090, %select_n3A_880 : vector<16xi32>
    %sub3A_2095 = arith.subi %broadcast_in_dim3A_872, %mul3A_2094 : vector<16xi32>
    %mul3A_2096 = arith.muli %mul3A_2093, %sub3A_2095 : vector<16xi32>
    %swap3A_2097 = arith.constant 0 : i32
    %swap3A_2098 = arith.index_cast %swap3A_2097 : i32 to index
    %swap3A_2099 = arith.constant 208 : index
    %swap3A_2100 = tpu.vector_load %arg7[%swap3A_2098, %swap3A_2099] {strides = array<i32>} : memref<7x512xi32, #tpu.memory_space<vmem>>, vector<1x16xi32>,
    %swap3A_2101 = vector.shape_cast %swap3A_2100 : vector<1x16xi32> to vector<16xi32>
    %swap3A_2102 = vector.shape_cast %broadcast_in_dim3A_872 : vector<16xi32> to vector<1x16xi32>
    tpu.vector_store %arg7[%swap3A_2098, %swap3A_2099], %swap3A_2102 {strides = array<i32>} : memref<7x512xi32, #tpu.memory_space<vmem>>, vector<1x16xi32>,
    %swap3A_2103 = arith.constant 1 : i32
    %swap3A_2104 = arith.index_cast %swap3A_2103 : i32 to index
    %swap3A_2105 = arith.constant 208 : index
    %swap3A_2106 = tpu.vector_load %arg7[%swap3A_2104, %swap3A_2105] {strides = array<i32>} : memref<7x512xi32, #tpu.memory_space<vmem>>, vector<1x16xi32>,
    %swap3A_2107 = vector.shape_cast %swap3A_2106 : vector<1x16xi32> to vector<16xi32>
    %swap3A_2108 = vector.shape_cast %mul3A_2092 : vector<16xi32> to vector<1x16xi32>
    tpu.vector_store %arg7[%swap3A_2104, %swap3A_2105], %swap3A_2108 {strides = array<i32>} : memref<7x512xi32, #tpu.memory_space<vmem>>, vector<1x16xi32>,
    %swap3A_2109 = arith.constant 2 : i32
    %swap3A_2110 = arith.index_cast %swap3A_2109 : i32 to index
    %swap3A_2111 = arith.constant 208 : index
    %swap3A_2112 = tpu.vector_load %arg7[%swap3A_2110, %swap3A_2111] {strides = array<i32>} : memref<7x512xi32, #tpu.memory_space<vmem>>, vector<1x16xi32>,
    %swap3A_2113 = vector.shape_cast %swap3A_2112 : vector<1x16xi32> to vector<16xi32>
    %swap3A_2114 = vector.shape_cast %mul3A_2092 : vector<16xi32> to vector<1x16xi32>
    tpu.vector_store %arg7[%swap3A_2110, %swap3A_2111], %swap3A_2114 {strides = array<i32>} : memref<7x512xi32, #tpu.memory_space<vmem>>, vector<1x16xi32>,
    %swap3A_2115 = arith.constant 3 : i32
    %swap3A_2116 = arith.index_cast %swap3A_2115 : i32 to index
    %swap3A_2117 = arith.constant 208 : index
    %swap3A_2118 = tpu.vector_load %arg7[%swap3A_2116, %swap3A_2117] {strides = array<i32>} : memref<7x512xi32, #tpu.memory_space<vmem>>, vector<1x16xi32>,
    %swap3A_2119 = vector.shape_cast %swap3A_2118 : vector<1x16xi32> to vector<16xi32>
    %swap3A_2120 = vector.shape_cast %mul3A_2092 : vector<16xi32> to vector<1x16xi32>
    tpu.vector_store %arg7[%swap3A_2116, %swap3A_2117], %swap3A_2120 {strides = array<i32>} : memref<7x512xi32, #tpu.memory_space<vmem>>, vector<1x16xi32>,
    %swap3A_2121 = arith.constant 4 : i32
    %swap3A_2122 = arith.index_cast %swap3A_2121 : i32 to index
    %swap3A_2123 = arith.constant 208 : index
    %swap3A_2124 = tpu.vector_load %arg7[%swap3A_2122, %swap3A_2123] {strides = array<i32>} : memref<7x512xi32, #tpu.memory_space<vmem>>, vector<1x16xi32>,
    %swap3A_2125 = vector.shape_cast %swap3A_2124 : vector<1x16xi32> to vector<16xi32>
    %swap3A_2126 = vector.shape_cast %select_n3A_2082 : vector<16xi32> to vector<1x16xi32>
    tpu.vector_store %arg7[%swap3A_2122, %swap3A_2123], %swap3A_2126 {strides = array<i32>} : memref<7x512xi32, #tpu.memory_space<vmem>>, vector<1x16xi32>,
    %swap3A_2127 = arith.constant 5 : i32
    %swap3A_2128 = arith.index_cast %swap3A_2127 : i32 to index
    %swap3A_2129 = arith.constant 208 : index
    %swap3A_2130 = tpu.vector_load %arg7[%swap3A_2128, %swap3A_2129] {strides = array<i32>} : memref<7x512xi32, #tpu.memory_space<vmem>>, vector<1x16xi32>,
    %swap3A_2131 = vector.shape_cast %swap3A_2130 : vector<1x16xi32> to vector<16xi32>
    %swap3A_2132 = vector.shape_cast %select_n3A_2082 : vector<16xi32> to vector<1x16xi32>
    tpu.vector_store %arg7[%swap3A_2128, %swap3A_2129], %swap3A_2132 {strides = array<i32>} : memref<7x512xi32, #tpu.memory_space<vmem>>, vector<1x16xi32>,
    %swap3A_2133 = arith.constant 6 : i32
    %swap3A_2134 = arith.index_cast %swap3A_2133 : i32 to index
    %swap3A_2135 = arith.constant 208 : index
    %swap3A_2136 = tpu.vector_load %arg7[%swap3A_2134, %swap3A_2135] {strides = array<i32>} : memref<7x512xi32, #tpu.memory_space<vmem>>, vector<1x16xi32>,
    %swap3A_2137 = vector.shape_cast %swap3A_2136 : vector<1x16xi32> to vector<16xi32>
    %swap3A_2138 = vector.shape_cast %mul3A_2096 : vector<16xi32> to vector<1x16xi32>
    tpu.vector_store %arg7[%swap3A_2134, %swap3A_2135], %swap3A_2138 {strides = array<i32>} : memref<7x512xi32, #tpu.memory_space<vmem>>, vector<1x16xi32>,
    %get3A_2139 = arith.constant 224 : index
    %get3A_2140 = tpu.vector_load %arg4[%get3A_2139] {strides = array<i32>} : memref<512xf32, #tpu.memory_space<vmem>>, vector<16xf32>,
    %get3A_2141 = vector.shape_cast %get3A_2140 : vector<16xf32> to vector<16xf32>
    %abs3A_2142 = math.absf %get3A_2141 : vector<16xf32>
    %lt3A_2143 = arith.constant 0x7F800000 : f32
    %lt3A_2144 = vector.broadcast %lt3A_2143 : f32 to vector<16xf32>
    %lt3A_2145 = arith.cmpf olt, %abs3A_2142, %lt3A_2144 : vector<16xf32>
    %jit3A_2146 = arith.constant 0.000000e+00 : f32
    %broadcast_in_dim3A_2147 = vector.broadcast %jit3A_2146 : f32 to vector<16xf32>
    %select_n3A_2148 = arith.select %lt3A_2145, %get3A_2141, %broadcast_in_dim3A_2147 : vector<16xi1>, vector<16xf32>
    %get3A_2149 = arith.constant 224 : index
    %get3A_2150 = tpu.vector_load %arg5[%get3A_2149] {strides = array<i32>} : memref<512xf32, #tpu.memory_space<vmem>>, vector<16xf32>,
    %get3A_2151 = vector.shape_cast %get3A_2150 : vector<16xf32> to vector<16xf32>
    %abs3A_2152 = math.absf %get3A_2151 : vector<16xf32>
    %lt3A_2153 = arith.constant 0x7F800000 : f32
    %lt3A_2154 = vector.broadcast %lt3A_2153 : f32 to vector<16xf32>
    %lt3A_2155 = arith.cmpf olt, %abs3A_2152, %lt3A_2154 : vector<16xf32>
    %jit3A_2156 = arith.constant 0.000000e+00 : f32
    %broadcast_in_dim3A_2157 = vector.broadcast %jit3A_2156 : f32 to vector<16xf32>
    %select_n3A_2158 = arith.select %lt3A_2155, %get3A_2151, %broadcast_in_dim3A_2157 : vector<16xi1>, vector<16xf32>
    %get3A_2159 = arith.constant 224 : index
    %get3A_2160 = tpu.vector_load %arg6[%get3A_2159] {strides = array<i32>} : memref<512xf32, #tpu.memory_space<vmem>>, vector<16xf32>,
    %get3A_2161 = vector.shape_cast %get3A_2160 : vector<16xf32> to vector<16xf32>
    %abs3A_2162 = math.absf %get3A_2161 : vector<16xf32>
    %lt3A_2163 = arith.constant 0x7F800000 : f32
    %lt3A_2164 = vector.broadcast %lt3A_2163 : f32 to vector<16xf32>
    %lt3A_2165 = arith.cmpf olt, %abs3A_2162, %lt3A_2164 : vector<16xf32>
    %jit3A_2166 = arith.constant 0.000000e+00 : f32
    %broadcast_in_dim3A_2167 = vector.broadcast %jit3A_2166 : f32 to vector<16xf32>
    %select_n3A_2168 = arith.select %lt3A_2165, %get3A_2161, %broadcast_in_dim3A_2167 : vector<16xi1>, vector<16xf32>
    %gt3A_2169 = arith.constant 5.000000e-01 : f32
    %gt3A_2170 = vector.broadcast %gt3A_2169 : f32 to vector<16xf32>
    %gt3A_2171 = arith.cmpf ogt, %select_n3A_2148, %gt3A_2170 : vector<16xf32>
    %select_n3A_2172 = arith.select %gt3A_2171, %broadcast_in_dim3A_872, %broadcast_in_dim3A_874 : vector<16xi1>, vector<16xi32>
    %lt3A_2173 = arith.constant 0.899999976 : f32
    %lt3A_2174 = vector.broadcast %lt3A_2173 : f32 to vector<16xf32>
    %lt3A_2175 = arith.cmpf olt, %select_n3A_2168, %lt3A_2174 : vector<16xf32>
    %select_n3A_2176 = arith.select %lt3A_2175, %broadcast_in_dim3A_872, %broadcast_in_dim3A_874 : vector<16xi1>, vector<16xi32>
    %ge3A_2177 = arith.constant 0.899999976 : f32
    %ge3A_2178 = vector.broadcast %ge3A_2177 : f32 to vector<16xf32>
    %ge3A_2179 = arith.cmpf oge, %select_n3A_2158, %ge3A_2178 : vector<16xf32>
    %select_n3A_2180 = arith.select %ge3A_2179, %broadcast_in_dim3A_872, %broadcast_in_dim3A_874 : vector<16xi1>, vector<16xi32>
    %sub3A_2181 = arith.subi %broadcast_in_dim3A_872, %select_n3A_2172 : vector<16xi32>
    %mul3A_2182 = arith.muli %sub3A_2181, %select_n3A_2176 : vector<16xi32>
    %mul3A_2183 = arith.muli %select_n3A_2172, %select_n3A_2176 : vector<16xi32>
    %mul3A_2184 = arith.muli %select_n3A_2180, %select_n3A_880 : vector<16xi32>
    %sub3A_2185 = arith.subi %broadcast_in_dim3A_872, %mul3A_2184 : vector<16xi32>
    %mul3A_2186 = arith.muli %mul3A_2183, %sub3A_2185 : vector<16xi32>
    %swap3A_2187 = arith.constant 0 : i32
    %swap3A_2188 = arith.index_cast %swap3A_2187 : i32 to index
    %swap3A_2189 = arith.constant 224 : index
    %swap3A_2190 = tpu.vector_load %arg7[%swap3A_2188, %swap3A_2189] {strides = array<i32>} : memref<7x512xi32, #tpu.memory_space<vmem>>, vector<1x16xi32>,
    %swap3A_2191 = vector.shape_cast %swap3A_2190 : vector<1x16xi32> to vector<16xi32>
    %swap3A_2192 = vector.shape_cast %broadcast_in_dim3A_872 : vector<16xi32> to vector<1x16xi32>
    tpu.vector_store %arg7[%swap3A_2188, %swap3A_2189], %swap3A_2192 {strides = array<i32>} : memref<7x512xi32, #tpu.memory_space<vmem>>, vector<1x16xi32>,
    %swap3A_2193 = arith.constant 1 : i32
    %swap3A_2194 = arith.index_cast %swap3A_2193 : i32 to index
    %swap3A_2195 = arith.constant 224 : index
    %swap3A_2196 = tpu.vector_load %arg7[%swap3A_2194, %swap3A_2195] {strides = array<i32>} : memref<7x512xi32, #tpu.memory_space<vmem>>, vector<1x16xi32>,
    %swap3A_2197 = vector.shape_cast %swap3A_2196 : vector<1x16xi32> to vector<16xi32>
    %swap3A_2198 = vector.shape_cast %mul3A_2182 : vector<16xi32> to vector<1x16xi32>
    tpu.vector_store %arg7[%swap3A_2194, %swap3A_2195], %swap3A_2198 {strides = array<i32>} : memref<7x512xi32, #tpu.memory_space<vmem>>, vector<1x16xi32>,
    %swap3A_2199 = arith.constant 2 : i32
    %swap3A_2200 = arith.index_cast %swap3A_2199 : i32 to index
    %swap3A_2201 = arith.constant 224 : index
    %swap3A_2202 = tpu.vector_load %arg7[%swap3A_2200, %swap3A_2201] {strides = array<i32>} : memref<7x512xi32, #tpu.memory_space<vmem>>, vector<1x16xi32>,
    %swap3A_2203 = vector.shape_cast %swap3A_2202 : vector<1x16xi32> to vector<16xi32>
    %swap3A_2204 = vector.shape_cast %mul3A_2182 : vector<16xi32> to vector<1x16xi32>
    tpu.vector_store %arg7[%swap3A_2200, %swap3A_2201], %swap3A_2204 {strides = array<i32>} : memref<7x512xi32, #tpu.memory_space<vmem>>, vector<1x16xi32>,
    %swap3A_2205 = arith.constant 3 : i32
    %swap3A_2206 = arith.index_cast %swap3A_2205 : i32 to index
    %swap3A_2207 = arith.constant 224 : index
    %swap3A_2208 = tpu.vector_load %arg7[%swap3A_2206, %swap3A_2207] {strides = array<i32>} : memref<7x512xi32, #tpu.memory_space<vmem>>, vector<1x16xi32>,
    %swap3A_2209 = vector.shape_cast %swap3A_2208 : vector<1x16xi32> to vector<16xi32>
    %swap3A_2210 = vector.shape_cast %mul3A_2182 : vector<16xi32> to vector<1x16xi32>
    tpu.vector_store %arg7[%swap3A_2206, %swap3A_2207], %swap3A_2210 {strides = array<i32>} : memref<7x512xi32, #tpu.memory_space<vmem>>, vector<1x16xi32>,
    %swap3A_2211 = arith.constant 4 : i32
    %swap3A_2212 = arith.index_cast %swap3A_2211 : i32 to index
    %swap3A_2213 = arith.constant 224 : index
    %swap3A_2214 = tpu.vector_load %arg7[%swap3A_2212, %swap3A_2213] {strides = array<i32>} : memref<7x512xi32, #tpu.memory_space<vmem>>, vector<1x16xi32>,
    %swap3A_2215 = vector.shape_cast %swap3A_2214 : vector<1x16xi32> to vector<16xi32>
    %swap3A_2216 = vector.shape_cast %select_n3A_2172 : vector<16xi32> to vector<1x16xi32>
    tpu.vector_store %arg7[%swap3A_2212, %swap3A_2213], %swap3A_2216 {strides = array<i32>} : memref<7x512xi32, #tpu.memory_space<vmem>>, vector<1x16xi32>,
    %swap3A_2217 = arith.constant 5 : i32
    %swap3A_2218 = arith.index_cast %swap3A_2217 : i32 to index
    %swap3A_2219 = arith.constant 224 : index
    %swap3A_2220 = tpu.vector_load %arg7[%swap3A_2218, %swap3A_2219] {strides = array<i32>} : memref<7x512xi32, #tpu.memory_space<vmem>>, vector<1x16xi32>,
    %swap3A_2221 = vector.shape_cast %swap3A_2220 : vector<1x16xi32> to vector<16xi32>
    %swap3A_2222 = vector.shape_cast %select_n3A_2172 : vector<16xi32> to vector<1x16xi32>
    tpu.vector_store %arg7[%swap3A_2218, %swap3A_2219], %swap3A_2222 {strides = array<i32>} : memref<7x512xi32, #tpu.memory_space<vmem>>, vector<1x16xi32>,
    %swap3A_2223 = arith.constant 6 : i32
    %swap3A_2224 = arith.index_cast %swap3A_2223 : i32 to index
    %swap3A_2225 = arith.constant 224 : index
    %swap3A_2226 = tpu.vector_load %arg7[%swap3A_2224, %swap3A_2225] {strides = array<i32>} : memref<7x512xi32, #tpu.memory_space<vmem>>, vector<1x16xi32>,
    %swap3A_2227 = vector.shape_cast %swap3A_2226 : vector<1x16xi32> to vector<16xi32>
    %swap3A_2228 = vector.shape_cast %mul3A_2186 : vector<16xi32> to vector<1x16xi32>
    tpu.vector_store %arg7[%swap3A_2224, %swap3A_2225], %swap3A_2228 {strides = array<i32>} : memref<7x512xi32, #tpu.memory_space<vmem>>, vector<1x16xi32>,
    %get3A_2229 = arith.constant 240 : index
    %get3A_2230 = tpu.vector_load %arg4[%get3A_2229] {strides = array<i32>} : memref<512xf32, #tpu.memory_space<vmem>>, vector<16xf32>,
    %get3A_2231 = vector.shape_cast %get3A_2230 : vector<16xf32> to vector<16xf32>
    %abs3A_2232 = math.absf %get3A_2231 : vector<16xf32>
    %lt3A_2233 = arith.constant 0x7F800000 : f32
    %lt3A_2234 = vector.broadcast %lt3A_2233 : f32 to vector<16xf32>
    %lt3A_2235 = arith.cmpf olt, %abs3A_2232, %lt3A_2234 : vector<16xf32>
    %jit3A_2236 = arith.constant 0.000000e+00 : f32
    %broadcast_in_dim3A_2237 = vector.broadcast %jit3A_2236 : f32 to vector<16xf32>
    %select_n3A_2238 = arith.select %lt3A_2235, %get3A_2231, %broadcast_in_dim3A_2237 : vector<16xi1>, vector<16xf32>
    %get3A_2239 = arith.constant 240 : index
    %get3A_2240 = tpu.vector_load %arg5[%get3A_2239] {strides = array<i32>} : memref<512xf32, #tpu.memory_space<vmem>>, vector<16xf32>,
    %get3A_2241 = vector.shape_cast %get3A_2240 : vector<16xf32> to vector<16xf32>
    %abs3A_2242 = math.absf %get3A_2241 : vector<16xf32>
    %lt3A_2243 = arith.constant 0x7F800000 : f32
    %lt3A_2244 = vector.broadcast %lt3A_2243 : f32 to vector<16xf32>
    %lt3A_2245 = arith.cmpf olt, %abs3A_2242, %lt3A_2244 : vector<16xf32>
    %jit3A_2246 = arith.constant 0.000000e+00 : f32
    %broadcast_in_dim3A_2247 = vector.broadcast %jit3A_2246 : f32 to vector<16xf32>
    %select_n3A_2248 = arith.select %lt3A_2245, %get3A_2241, %broadcast_in_dim3A_2247 : vector<16xi1>, vector<16xf32>
    %get3A_2249 = arith.constant 240 : index
    %get3A_2250 = tpu.vector_load %arg6[%get3A_2249] {strides = array<i32>} : memref<512xf32, #tpu.memory_space<vmem>>, vector<16xf32>,
    %get3A_2251 = vector.shape_cast %get3A_2250 : vector<16xf32> to vector<16xf32>
    %abs3A_2252 = math.absf %get3A_2251 : vector<16xf32>
    %lt3A_2253 = arith.constant 0x7F800000 : f32
    %lt3A_2254 = vector.broadcast %lt3A_2253 : f32 to vector<16xf32>
    %lt3A_2255 = arith.cmpf olt, %abs3A_2252, %lt3A_2254 : vector<16xf32>
    %jit3A_2256 = arith.constant 0.000000e+00 : f32
    %broadcast_in_dim3A_2257 = vector.broadcast %jit3A_2256 : f32 to vector<16xf32>
    %select_n3A_2258 = arith.select %lt3A_2255, %get3A_2251, %broadcast_in_dim3A_2257 : vector<16xi1>, vector<16xf32>
    %gt3A_2259 = arith.constant 5.000000e-01 : f32
    %gt3A_2260 = vector.broadcast %gt3A_2259 : f32 to vector<16xf32>
    %gt3A_2261 = arith.cmpf ogt, %select_n3A_2238, %gt3A_2260 : vector<16xf32>
    %select_n3A_2262 = arith.select %gt3A_2261, %broadcast_in_dim3A_872, %broadcast_in_dim3A_874 : vector<16xi1>, vector<16xi32>
    %lt3A_2263 = arith.constant 0.899999976 : f32
    %lt3A_2264 = vector.broadcast %lt3A_2263 : f32 to vector<16xf32>
    %lt3A_2265 = arith.cmpf olt, %select_n3A_2258, %lt3A_2264 : vector<16xf32>
    %select_n3A_2266 = arith.select %lt3A_2265, %broadcast_in_dim3A_872, %broadcast_in_dim3A_874 : vector<16xi1>, vector<16xi32>
    %ge3A_2267 = arith.constant 0.899999976 : f32
    %ge3A_2268 = vector.broadcast %ge3A_2267 : f32 to vector<16xf32>
    %ge3A_2269 = arith.cmpf oge, %select_n3A_2248, %ge3A_2268 : vector<16xf32>
    %select_n3A_2270 = arith.select %ge3A_2269, %broadcast_in_dim3A_872, %broadcast_in_dim3A_874 : vector<16xi1>, vector<16xi32>
    %sub3A_2271 = arith.subi %broadcast_in_dim3A_872, %select_n3A_2262 : vector<16xi32>
    %mul3A_2272 = arith.muli %sub3A_2271, %select_n3A_2266 : vector<16xi32>
    %mul3A_2273 = arith.muli %select_n3A_2262, %select_n3A_2266 : vector<16xi32>
    %mul3A_2274 = arith.muli %select_n3A_2270, %select_n3A_880 : vector<16xi32>
    %sub3A_2275 = arith.subi %broadcast_in_dim3A_872, %mul3A_2274 : vector<16xi32>
    %mul3A_2276 = arith.muli %mul3A_2273, %sub3A_2275 : vector<16xi32>
    %swap3A_2277 = arith.constant 0 : i32
    %swap3A_2278 = arith.index_cast %swap3A_2277 : i32 to index
    %swap3A_2279 = arith.constant 240 : index
    %swap3A_2280 = tpu.vector_load %arg7[%swap3A_2278, %swap3A_2279] {strides = array<i32>} : memref<7x512xi32, #tpu.memory_space<vmem>>, vector<1x16xi32>,
    %swap3A_2281 = vector.shape_cast %swap3A_2280 : vector<1x16xi32> to vector<16xi32>
    %swap3A_2282 = vector.shape_cast %broadcast_in_dim3A_872 : vector<16xi32> to vector<1x16xi32>
    tpu.vector_store %arg7[%swap3A_2278, %swap3A_2279], %swap3A_2282 {strides = array<i32>} : memref<7x512xi32, #tpu.memory_space<vmem>>, vector<1x16xi32>,
    %swap3A_2283 = arith.constant 1 : i32
    %swap3A_2284 = arith.index_cast %swap3A_2283 : i32 to index
    %swap3A_2285 = arith.constant 240 : index
    %swap3A_2286 = tpu.vector_load %arg7[%swap3A_2284, %swap3A_2285] {strides = array<i32>} : memref<7x512xi32, #tpu.memory_space<vmem>>, vector<1x16xi32>,
    %swap3A_2287 = vector.shape_cast %swap3A_2286 : vector<1x16xi32> to vector<16xi32>
    %swap3A_2288 = vector.shape_cast %mul3A_2272 : vector<16xi32> to vector<1x16xi32>
    tpu.vector_store %arg7[%swap3A_2284, %swap3A_2285], %swap3A_2288 {strides = array<i32>} : memref<7x512xi32, #tpu.memory_space<vmem>>, vector<1x16xi32>,
    %swap3A_2289 = arith.constant 2 : i32
    %swap3A_2290 = arith.index_cast %swap3A_2289 : i32 to index
    %swap3A_2291 = arith.constant 240 : index
    %swap3A_2292 = tpu.vector_load %arg7[%swap3A_2290, %swap3A_2291] {strides = array<i32>} : memref<7x512xi32, #tpu.memory_space<vmem>>, vector<1x16xi32>,
    %swap3A_2293 = vector.shape_cast %swap3A_2292 : vector<1x16xi32> to vector<16xi32>
    %swap3A_2294 = vector.shape_cast %mul3A_2272 : vector<16xi32> to vector<1x16xi32>
    tpu.vector_store %arg7[%swap3A_2290, %swap3A_2291], %swap3A_2294 {strides = array<i32>} : memref<7x512xi32, #tpu.memory_space<vmem>>, vector<1x16xi32>,
    %swap3A_2295 = arith.constant 3 : i32
    %swap3A_2296 = arith.index_cast %swap3A_2295 : i32 to index
    %swap3A_2297 = arith.constant 240 : index
    %swap3A_2298 = tpu.vector_load %arg7[%swap3A_2296, %swap3A_2297] {strides = array<i32>} : memref<7x512xi32, #tpu.memory_space<vmem>>, vector<1x16xi32>,
    %swap3A_2299 = vector.shape_cast %swap3A_2298 : vector<1x16xi32> to vector<16xi32>
    %swap3A_2300 = vector.shape_cast %mul3A_2272 : vector<16xi32> to vector<1x16xi32>
    tpu.vector_store %arg7[%swap3A_2296, %swap3A_2297], %swap3A_2300 {strides = array<i32>} : memref<7x512xi32, #tpu.memory_space<vmem>>, vector<1x16xi32>,
    %swap3A_2301 = arith.constant 4 : i32
    %swap3A_2302 = arith.index_cast %swap3A_2301 : i32 to index
    %swap3A_2303 = arith.constant 240 : index
    %swap3A_2304 = tpu.vector_load %arg7[%swap3A_2302, %swap3A_2303] {strides = array<i32>} : memref<7x512xi32, #tpu.memory_space<vmem>>, vector<1x16xi32>,
    %swap3A_2305 = vector.shape_cast %swap3A_2304 : vector<1x16xi32> to vector<16xi32>
    %swap3A_2306 = vector.shape_cast %select_n3A_2262 : vector<16xi32> to vector<1x16xi32>
    tpu.vector_store %arg7[%swap3A_2302, %swap3A_2303], %swap3A_2306 {strides = array<i32>} : memref<7x512xi32, #tpu.memory_space<vmem>>, vector<1x16xi32>,
    %swap3A_2307 = arith.constant 5 : i32
    %swap3A_2308 = arith.index_cast %swap3A_2307 : i32 to index
    %swap3A_2309 = arith.constant 240 : index
    %swap3A_2310 = tpu.vector_load %arg7[%swap3A_2308, %swap3A_2309] {strides = array<i32>} : memref<7x512xi32, #tpu.memory_space<vmem>>, vector<1x16xi32>,
    %swap3A_2311 = vector.shape_cast %swap3A_2310 : vector<1x16xi32> to vector<16xi32>
    %swap3A_2312 = vector.shape_cast %select_n3A_2262 : vector<16xi32> to vector<1x16xi32>
    tpu.vector_store %arg7[%swap3A_2308, %swap3A_2309], %swap3A_2312 {strides = array<i32>} : memref<7x512xi32, #tpu.memory_space<vmem>>, vector<1x16xi32>,
    %swap3A_2313 = arith.constant 6 : i32
    %swap3A_2314 = arith.index_cast %swap3A_2313 : i32 to index
    %swap3A_2315 = arith.constant 240 : index
    %swap3A_2316 = tpu.vector_load %arg7[%swap3A_2314, %swap3A_2315] {strides = array<i32>} : memref<7x512xi32, #tpu.memory_space<vmem>>, vector<1x16xi32>,
    %swap3A_2317 = vector.shape_cast %swap3A_2316 : vector<1x16xi32> to vector<16xi32>
    %swap3A_2318 = vector.shape_cast %mul3A_2276 : vector<16xi32> to vector<1x16xi32>
    tpu.vector_store %arg7[%swap3A_2314, %swap3A_2315], %swap3A_2318 {strides = array<i32>} : memref<7x512xi32, #tpu.memory_space<vmem>>, vector<1x16xi32>,
    %get3A_2319 = arith.constant 256 : index
    %get3A_2320 = tpu.vector_load %arg4[%get3A_2319] {strides = array<i32>} : memref<512xf32, #tpu.memory_space<vmem>>, vector<16xf32>,
    %get3A_2321 = vector.shape_cast %get3A_2320 : vector<16xf32> to vector<16xf32>
    %abs3A_2322 = math.absf %get3A_2321 : vector<16xf32>
    %lt3A_2323 = arith.constant 0x7F800000 : f32
    %lt3A_2324 = vector.broadcast %lt3A_2323 : f32 to vector<16xf32>
    %lt3A_2325 = arith.cmpf olt, %abs3A_2322, %lt3A_2324 : vector<16xf32>
    %jit3A_2326 = arith.constant 0.000000e+00 : f32
    %broadcast_in_dim3A_2327 = vector.broadcast %jit3A_2326 : f32 to vector<16xf32>
    %select_n3A_2328 = arith.select %lt3A_2325, %get3A_2321, %broadcast_in_dim3A_2327 : vector<16xi1>, vector<16xf32>
    %get3A_2329 = arith.constant 256 : index
    %get3A_2330 = tpu.vector_load %arg5[%get3A_2329] {strides = array<i32>} : memref<512xf32, #tpu.memory_space<vmem>>, vector<16xf32>,
    %get3A_2331 = vector.shape_cast %get3A_2330 : vector<16xf32> to vector<16xf32>
    %abs3A_2332 = math.absf %get3A_2331 : vector<16xf32>
    %lt3A_2333 = arith.constant 0x7F800000 : f32
    %lt3A_2334 = vector.broadcast %lt3A_2333 : f32 to vector<16xf32>
    %lt3A_2335 = arith.cmpf olt, %abs3A_2332, %lt3A_2334 : vector<16xf32>
    %jit3A_2336 = arith.constant 0.000000e+00 : f32
    %broadcast_in_dim3A_2337 = vector.broadcast %jit3A_2336 : f32 to vector<16xf32>
    %select_n3A_2338 = arith.select %lt3A_2335, %get3A_2331, %broadcast_in_dim3A_2337 : vector<16xi1>, vector<16xf32>
    %get3A_2339 = arith.constant 256 : index
    %get3A_2340 = tpu.vector_load %arg6[%get3A_2339] {strides = array<i32>} : memref<512xf32, #tpu.memory_space<vmem>>, vector<16xf32>,
    %get3A_2341 = vector.shape_cast %get3A_2340 : vector<16xf32> to vector<16xf32>
    %abs3A_2342 = math.absf %get3A_2341 : vector<16xf32>
    %lt3A_2343 = arith.constant 0x7F800000 : f32
    %lt3A_2344 = vector.broadcast %lt3A_2343 : f32 to vector<16xf32>
    %lt3A_2345 = arith.cmpf olt, %abs3A_2342, %lt3A_2344 : vector<16xf32>
    %jit3A_2346 = arith.constant 0.000000e+00 : f32
    %broadcast_in_dim3A_2347 = vector.broadcast %jit3A_2346 : f32 to vector<16xf32>
    %select_n3A_2348 = arith.select %lt3A_2345, %get3A_2341, %broadcast_in_dim3A_2347 : vector<16xi1>, vector<16xf32>
    %gt3A_2349 = arith.constant 5.000000e-01 : f32
    %gt3A_2350 = vector.broadcast %gt3A_2349 : f32 to vector<16xf32>
    %gt3A_2351 = arith.cmpf ogt, %select_n3A_2328, %gt3A_2350 : vector<16xf32>
    %select_n3A_2352 = arith.select %gt3A_2351, %broadcast_in_dim3A_872, %broadcast_in_dim3A_874 : vector<16xi1>, vector<16xi32>
    %lt3A_2353 = arith.constant 0.899999976 : f32
    %lt3A_2354 = vector.broadcast %lt3A_2353 : f32 to vector<16xf32>
    %lt3A_2355 = arith.cmpf olt, %select_n3A_2348, %lt3A_2354 : vector<16xf32>
    %select_n3A_2356 = arith.select %lt3A_2355, %broadcast_in_dim3A_872, %broadcast_in_dim3A_874 : vector<16xi1>, vector<16xi32>
    %ge3A_2357 = arith.constant 0.899999976 : f32
    %ge3A_2358 = vector.broadcast %ge3A_2357 : f32 to vector<16xf32>
    %ge3A_2359 = arith.cmpf oge, %select_n3A_2338, %ge3A_2358 : vector<16xf32>
    %select_n3A_2360 = arith.select %ge3A_2359, %broadcast_in_dim3A_872, %broadcast_in_dim3A_874 : vector<16xi1>, vector<16xi32>
    %sub3A_2361 = arith.subi %broadcast_in_dim3A_872, %select_n3A_2352 : vector<16xi32>
    %mul3A_2362 = arith.muli %sub3A_2361, %select_n3A_2356 : vector<16xi32>
    %mul3A_2363 = arith.muli %select_n3A_2352, %select_n3A_2356 : vector<16xi32>
    %mul3A_2364 = arith.muli %select_n3A_2360, %select_n3A_880 : vector<16xi32>
    %sub3A_2365 = arith.subi %broadcast_in_dim3A_872, %mul3A_2364 : vector<16xi32>
    %mul3A_2366 = arith.muli %mul3A_2363, %sub3A_2365 : vector<16xi32>
    %swap3A_2367 = arith.constant 0 : i32
    %swap3A_2368 = arith.index_cast %swap3A_2367 : i32 to index
    %swap3A_2369 = arith.constant 256 : index
    %swap3A_2370 = tpu.vector_load %arg7[%swap3A_2368, %swap3A_2369] {strides = array<i32>} : memref<7x512xi32, #tpu.memory_space<vmem>>, vector<1x16xi32>,
    %swap3A_2371 = vector.shape_cast %swap3A_2370 : vector<1x16xi32> to vector<16xi32>
    %swap3A_2372 = vector.shape_cast %broadcast_in_dim3A_872 : vector<16xi32> to vector<1x16xi32>
    tpu.vector_store %arg7[%swap3A_2368, %swap3A_2369], %swap3A_2372 {strides = array<i32>} : memref<7x512xi32, #tpu.memory_space<vmem>>, vector<1x16xi32>,
    %swap3A_2373 = arith.constant 1 : i32
    %swap3A_2374 = arith.index_cast %swap3A_2373 : i32 to index
    %swap3A_2375 = arith.constant 256 : index
    %swap3A_2376 = tpu.vector_load %arg7[%swap3A_2374, %swap3A_2375] {strides = array<i32>} : memref<7x512xi32, #tpu.memory_space<vmem>>, vector<1x16xi32>,
    %swap3A_2377 = vector.shape_cast %swap3A_2376 : vector<1x16xi32> to vector<16xi32>
    %swap3A_2378 = vector.shape_cast %mul3A_2362 : vector<16xi32> to vector<1x16xi32>
    tpu.vector_store %arg7[%swap3A_2374, %swap3A_2375], %swap3A_2378 {strides = array<i32>} : memref<7x512xi32, #tpu.memory_space<vmem>>, vector<1x16xi32>,
    %swap3A_2379 = arith.constant 2 : i32
    %swap3A_2380 = arith.index_cast %swap3A_2379 : i32 to index
    %swap3A_2381 = arith.constant 256 : index
    %swap3A_2382 = tpu.vector_load %arg7[%swap3A_2380, %swap3A_2381] {strides = array<i32>} : memref<7x512xi32, #tpu.memory_space<vmem>>, vector<1x16xi32>,
    %swap3A_2383 = vector.shape_cast %swap3A_2382 : vector<1x16xi32> to vector<16xi32>
    %swap3A_2384 = vector.shape_cast %mul3A_2362 : vector<16xi32> to vector<1x16xi32>
    tpu.vector_store %arg7[%swap3A_2380, %swap3A_2381], %swap3A_2384 {strides = array<i32>} : memref<7x512xi32, #tpu.memory_space<vmem>>, vector<1x16xi32>,
    %swap3A_2385 = arith.constant 3 : i32
    %swap3A_2386 = arith.index_cast %swap3A_2385 : i32 to index
    %swap3A_2387 = arith.constant 256 : index
    %swap3A_2388 = tpu.vector_load %arg7[%swap3A_2386, %swap3A_2387] {strides = array<i32>} : memref<7x512xi32, #tpu.memory_space<vmem>>, vector<1x16xi32>,
    %swap3A_2389 = vector.shape_cast %swap3A_2388 : vector<1x16xi32> to vector<16xi32>
    %swap3A_2390 = vector.shape_cast %mul3A_2362 : vector<16xi32> to vector<1x16xi32>
    tpu.vector_store %arg7[%swap3A_2386, %swap3A_2387], %swap3A_2390 {strides = array<i32>} : memref<7x512xi32, #tpu.memory_space<vmem>>, vector<1x16xi32>,
    %swap3A_2391 = arith.constant 4 : i32
    %swap3A_2392 = arith.index_cast %swap3A_2391 : i32 to index
    %swap3A_2393 = arith.constant 256 : index
    %swap3A_2394 = tpu.vector_load %arg7[%swap3A_2392, %swap3A_2393] {strides = array<i32>} : memref<7x512xi32, #tpu.memory_space<vmem>>, vector<1x16xi32>,
    %swap3A_2395 = vector.shape_cast %swap3A_2394 : vector<1x16xi32> to vector<16xi32>
    %swap3A_2396 = vector.shape_cast %select_n3A_2352 : vector<16xi32> to vector<1x16xi32>
    tpu.vector_store %arg7[%swap3A_2392, %swap3A_2393], %swap3A_2396 {strides = array<i32>} : memref<7x512xi32, #tpu.memory_space<vmem>>, vector<1x16xi32>,
    %swap3A_2397 = arith.constant 5 : i32
    %swap3A_2398 = arith.index_cast %swap3A_2397 : i32 to index
    %swap3A_2399 = arith.constant 256 : index
    %swap3A_2400 = tpu.vector_load %arg7[%swap3A_2398, %swap3A_2399] {strides = array<i32>} : memref<7x512xi32, #tpu.memory_space<vmem>>, vector<1x16xi32>,
    %swap3A_2401 = vector.shape_cast %swap3A_2400 : vector<1x16xi32> to vector<16xi32>
    %swap3A_2402 = vector.shape_cast %select_n3A_2352 : vector<16xi32> to vector<1x16xi32>
    tpu.vector_store %arg7[%swap3A_2398, %swap3A_2399], %swap3A_2402 {strides = array<i32>} : memref<7x512xi32, #tpu.memory_space<vmem>>, vector<1x16xi32>,
    %swap3A_2403 = arith.constant 6 : i32
    %swap3A_2404 = arith.index_cast %swap3A_2403 : i32 to index
    %swap3A_2405 = arith.constant 256 : index
    %swap3A_2406 = tpu.vector_load %arg7[%swap3A_2404, %swap3A_2405] {strides = array<i32>} : memref<7x512xi32, #tpu.memory_space<vmem>>, vector<1x16xi32>,
    %swap3A_2407 = vector.shape_cast %swap3A_2406 : vector<1x16xi32> to vector<16xi32>
    %swap3A_2408 = vector.shape_cast %mul3A_2366 : vector<16xi32> to vector<1x16xi32>
    tpu.vector_store %arg7[%swap3A_2404, %swap3A_2405], %swap3A_2408 {strides = array<i32>} : memref<7x512xi32, #tpu.memory_space<vmem>>, vector<1x16xi32>,
    %get3A_2409 = arith.constant 272 : index
    %get3A_2410 = tpu.vector_load %arg4[%get3A_2409] {strides = array<i32>} : memref<512xf32, #tpu.memory_space<vmem>>, vector<16xf32>,
    %get3A_2411 = vector.shape_cast %get3A_2410 : vector<16xf32> to vector<16xf32>
    %abs3A_2412 = math.absf %get3A_2411 : vector<16xf32>
    %lt3A_2413 = arith.constant 0x7F800000 : f32
    %lt3A_2414 = vector.broadcast %lt3A_2413 : f32 to vector<16xf32>
    %lt3A_2415 = arith.cmpf olt, %abs3A_2412, %lt3A_2414 : vector<16xf32>
    %jit3A_2416 = arith.constant 0.000000e+00 : f32
    %broadcast_in_dim3A_2417 = vector.broadcast %jit3A_2416 : f32 to vector<16xf32>
    %select_n3A_2418 = arith.select %lt3A_2415, %get3A_2411, %broadcast_in_dim3A_2417 : vector<16xi1>, vector<16xf32>
    %get3A_2419 = arith.constant 272 : index
    %get3A_2420 = tpu.vector_load %arg5[%get3A_2419] {strides = array<i32>} : memref<512xf32, #tpu.memory_space<vmem>>, vector<16xf32>,
    %get3A_2421 = vector.shape_cast %get3A_2420 : vector<16xf32> to vector<16xf32>
    %abs3A_2422 = math.absf %get3A_2421 : vector<16xf32>
    %lt3A_2423 = arith.constant 0x7F800000 : f32
    %lt3A_2424 = vector.broadcast %lt3A_2423 : f32 to vector<16xf32>
    %lt3A_2425 = arith.cmpf olt, %abs3A_2422, %lt3A_2424 : vector<16xf32>
    %jit3A_2426 = arith.constant 0.000000e+00 : f32
    %broadcast_in_dim3A_2427 = vector.broadcast %jit3A_2426 : f32 to vector<16xf32>
    %select_n3A_2428 = arith.select %lt3A_2425, %get3A_2421, %broadcast_in_dim3A_2427 : vector<16xi1>, vector<16xf32>
    %get3A_2429 = arith.constant 272 : index
    %get3A_2430 = tpu.vector_load %arg6[%get3A_2429] {strides = array<i32>} : memref<512xf32, #tpu.memory_space<vmem>>, vector<16xf32>,
    %get3A_2431 = vector.shape_cast %get3A_2430 : vector<16xf32> to vector<16xf32>
    %abs3A_2432 = math.absf %get3A_2431 : vector<16xf32>
    %lt3A_2433 = arith.constant 0x7F800000 : f32
    %lt3A_2434 = vector.broadcast %lt3A_2433 : f32 to vector<16xf32>
    %lt3A_2435 = arith.cmpf olt, %abs3A_2432, %lt3A_2434 : vector<16xf32>
    %jit3A_2436 = arith.constant 0.000000e+00 : f32
    %broadcast_in_dim3A_2437 = vector.broadcast %jit3A_2436 : f32 to vector<16xf32>
    %select_n3A_2438 = arith.select %lt3A_2435, %get3A_2431, %broadcast_in_dim3A_2437 : vector<16xi1>, vector<16xf32>
    %gt3A_2439 = arith.constant 5.000000e-01 : f32
    %gt3A_2440 = vector.broadcast %gt3A_2439 : f32 to vector<16xf32>
    %gt3A_2441 = arith.cmpf ogt, %select_n3A_2418, %gt3A_2440 : vector<16xf32>
    %select_n3A_2442 = arith.select %gt3A_2441, %broadcast_in_dim3A_872, %broadcast_in_dim3A_874 : vector<16xi1>, vector<16xi32>
    %lt3A_2443 = arith.constant 0.899999976 : f32
    %lt3A_2444 = vector.broadcast %lt3A_2443 : f32 to vector<16xf32>
    %lt3A_2445 = arith.cmpf olt, %select_n3A_2438, %lt3A_2444 : vector<16xf32>
    %select_n3A_2446 = arith.select %lt3A_2445, %broadcast_in_dim3A_872, %broadcast_in_dim3A_874 : vector<16xi1>, vector<16xi32>
    %ge3A_2447 = arith.constant 0.899999976 : f32
    %ge3A_2448 = vector.broadcast %ge3A_2447 : f32 to vector<16xf32>
    %ge3A_2449 = arith.cmpf oge, %select_n3A_2428, %ge3A_2448 : vector<16xf32>
    %select_n3A_2450 = arith.select %ge3A_2449, %broadcast_in_dim3A_872, %broadcast_in_dim3A_874 : vector<16xi1>, vector<16xi32>
    %sub3A_2451 = arith.subi %broadcast_in_dim3A_872, %select_n3A_2442 : vector<16xi32>
    %mul3A_2452 = arith.muli %sub3A_2451, %select_n3A_2446 : vector<16xi32>
    %mul3A_2453 = arith.muli %select_n3A_2442, %select_n3A_2446 : vector<16xi32>
    %mul3A_2454 = arith.muli %select_n3A_2450, %select_n3A_880 : vector<16xi32>
    %sub3A_2455 = arith.subi %broadcast_in_dim3A_872, %mul3A_2454 : vector<16xi32>
    %mul3A_2456 = arith.muli %mul3A_2453, %sub3A_2455 : vector<16xi32>
    %swap3A_2457 = arith.constant 0 : i32
    %swap3A_2458 = arith.index_cast %swap3A_2457 : i32 to index
    %swap3A_2459 = arith.constant 272 : index
    %swap3A_2460 = tpu.vector_load %arg7[%swap3A_2458, %swap3A_2459] {strides = array<i32>} : memref<7x512xi32, #tpu.memory_space<vmem>>, vector<1x16xi32>,
    %swap3A_2461 = vector.shape_cast %swap3A_2460 : vector<1x16xi32> to vector<16xi32>
    %swap3A_2462 = vector.shape_cast %broadcast_in_dim3A_872 : vector<16xi32> to vector<1x16xi32>
    tpu.vector_store %arg7[%swap3A_2458, %swap3A_2459], %swap3A_2462 {strides = array<i32>} : memref<7x512xi32, #tpu.memory_space<vmem>>, vector<1x16xi32>,
    %swap3A_2463 = arith.constant 1 : i32
    %swap3A_2464 = arith.index_cast %swap3A_2463 : i32 to index
    %swap3A_2465 = arith.constant 272 : index
    %swap3A_2466 = tpu.vector_load %arg7[%swap3A_2464, %swap3A_2465] {strides = array<i32>} : memref<7x512xi32, #tpu.memory_space<vmem>>, vector<1x16xi32>,
    %swap3A_2467 = vector.shape_cast %swap3A_2466 : vector<1x16xi32> to vector<16xi32>
    %swap3A_2468 = vector.shape_cast %mul3A_2452 : vector<16xi32> to vector<1x16xi32>
    tpu.vector_store %arg7[%swap3A_2464, %swap3A_2465], %swap3A_2468 {strides = array<i32>} : memref<7x512xi32, #tpu.memory_space<vmem>>, vector<1x16xi32>,
    %swap3A_2469 = arith.constant 2 : i32
    %swap3A_2470 = arith.index_cast %swap3A_2469 : i32 to index
    %swap3A_2471 = arith.constant 272 : index
    %swap3A_2472 = tpu.vector_load %arg7[%swap3A_2470, %swap3A_2471] {strides = array<i32>} : memref<7x512xi32, #tpu.memory_space<vmem>>, vector<1x16xi32>,
    %swap3A_2473 = vector.shape_cast %swap3A_2472 : vector<1x16xi32> to vector<16xi32>
    %swap3A_2474 = vector.shape_cast %mul3A_2452 : vector<16xi32> to vector<1x16xi32>
    tpu.vector_store %arg7[%swap3A_2470, %swap3A_2471], %swap3A_2474 {strides = array<i32>} : memref<7x512xi32, #tpu.memory_space<vmem>>, vector<1x16xi32>,
    %swap3A_2475 = arith.constant 3 : i32
    %swap3A_2476 = arith.index_cast %swap3A_2475 : i32 to index
    %swap3A_2477 = arith.constant 272 : index
    %swap3A_2478 = tpu.vector_load %arg7[%swap3A_2476, %swap3A_2477] {strides = array<i32>} : memref<7x512xi32, #tpu.memory_space<vmem>>, vector<1x16xi32>,
    %swap3A_2479 = vector.shape_cast %swap3A_2478 : vector<1x16xi32> to vector<16xi32>
    %swap3A_2480 = vector.shape_cast %mul3A_2452 : vector<16xi32> to vector<1x16xi32>
    tpu.vector_store %arg7[%swap3A_2476, %swap3A_2477], %swap3A_2480 {strides = array<i32>} : memref<7x512xi32, #tpu.memory_space<vmem>>, vector<1x16xi32>,
    %swap3A_2481 = arith.constant 4 : i32
    %swap3A_2482 = arith.index_cast %swap3A_2481 : i32 to index
    %swap3A_2483 = arith.constant 272 : index
    %swap3A_2484 = tpu.vector_load %arg7[%swap3A_2482, %swap3A_2483] {strides = array<i32>} : memref<7x512xi32, #tpu.memory_space<vmem>>, vector<1x16xi32>,
    %swap3A_2485 = vector.shape_cast %swap3A_2484 : vector<1x16xi32> to vector<16xi32>
    %swap3A_2486 = vector.shape_cast %select_n3A_2442 : vector<16xi32> to vector<1x16xi32>
    tpu.vector_store %arg7[%swap3A_2482, %swap3A_2483], %swap3A_2486 {strides = array<i32>} : memref<7x512xi32, #tpu.memory_space<vmem>>, vector<1x16xi32>,
    %swap3A_2487 = arith.constant 5 : i32
    %swap3A_2488 = arith.index_cast %swap3A_2487 : i32 to index
    %swap3A_2489 = arith.constant 272 : index
    %swap3A_2490 = tpu.vector_load %arg7[%swap3A_2488, %swap3A_2489] {strides = array<i32>} : memref<7x512xi32, #tpu.memory_space<vmem>>, vector<1x16xi32>,
    %swap3A_2491 = vector.shape_cast %swap3A_2490 : vector<1x16xi32> to vector<16xi32>
    %swap3A_2492 = vector.shape_cast %select_n3A_2442 : vector<16xi32> to vector<1x16xi32>
    tpu.vector_store %arg7[%swap3A_2488, %swap3A_2489], %swap3A_2492 {strides = array<i32>} : memref<7x512xi32, #tpu.memory_space<vmem>>, vector<1x16xi32>,
    %swap3A_2493 = arith.constant 6 : i32
    %swap3A_2494 = arith.index_cast %swap3A_2493 : i32 to index
    %swap3A_2495 = arith.constant 272 : index
    %swap3A_2496 = tpu.vector_load %arg7[%swap3A_2494, %swap3A_2495] {strides = array<i32>} : memref<7x512xi32, #tpu.memory_space<vmem>>, vector<1x16xi32>,
    %swap3A_2497 = vector.shape_cast %swap3A_2496 : vector<1x16xi32> to vector<16xi32>
    %swap3A_2498 = vector.shape_cast %mul3A_2456 : vector<16xi32> to vector<1x16xi32>
    tpu.vector_store %arg7[%swap3A_2494, %swap3A_2495], %swap3A_2498 {strides = array<i32>} : memref<7x512xi32, #tpu.memory_space<vmem>>, vector<1x16xi32>,
    %get3A_2499 = arith.constant 288 : index
    %get3A_2500 = tpu.vector_load %arg4[%get3A_2499] {strides = array<i32>} : memref<512xf32, #tpu.memory_space<vmem>>, vector<16xf32>,
    %get3A_2501 = vector.shape_cast %get3A_2500 : vector<16xf32> to vector<16xf32>
    %abs3A_2502 = math.absf %get3A_2501 : vector<16xf32>
    %lt3A_2503 = arith.constant 0x7F800000 : f32
    %lt3A_2504 = vector.broadcast %lt3A_2503 : f32 to vector<16xf32>
    %lt3A_2505 = arith.cmpf olt, %abs3A_2502, %lt3A_2504 : vector<16xf32>
    %jit3A_2506 = arith.constant 0.000000e+00 : f32
    %broadcast_in_dim3A_2507 = vector.broadcast %jit3A_2506 : f32 to vector<16xf32>
    %select_n3A_2508 = arith.select %lt3A_2505, %get3A_2501, %broadcast_in_dim3A_2507 : vector<16xi1>, vector<16xf32>
    %get3A_2509 = arith.constant 288 : index
    %get3A_2510 = tpu.vector_load %arg5[%get3A_2509] {strides = array<i32>} : memref<512xf32, #tpu.memory_space<vmem>>, vector<16xf32>,
    %get3A_2511 = vector.shape_cast %get3A_2510 : vector<16xf32> to vector<16xf32>
    %abs3A_2512 = math.absf %get3A_2511 : vector<16xf32>
    %lt3A_2513 = arith.constant 0x7F800000 : f32
    %lt3A_2514 = vector.broadcast %lt3A_2513 : f32 to vector<16xf32>
    %lt3A_2515 = arith.cmpf olt, %abs3A_2512, %lt3A_2514 : vector<16xf32>
    %jit3A_2516 = arith.constant 0.000000e+00 : f32
    %broadcast_in_dim3A_2517 = vector.broadcast %jit3A_2516 : f32 to vector<16xf32>
    %select_n3A_2518 = arith.select %lt3A_2515, %get3A_2511, %broadcast_in_dim3A_2517 : vector<16xi1>, vector<16xf32>
    %get3A_2519 = arith.constant 288 : index
    %get3A_2520 = tpu.vector_load %arg6[%get3A_2519] {strides = array<i32>} : memref<512xf32, #tpu.memory_space<vmem>>, vector<16xf32>,
    %get3A_2521 = vector.shape_cast %get3A_2520 : vector<16xf32> to vector<16xf32>
    %abs3A_2522 = math.absf %get3A_2521 : vector<16xf32>
    %lt3A_2523 = arith.constant 0x7F800000 : f32
    %lt3A_2524 = vector.broadcast %lt3A_2523 : f32 to vector<16xf32>
    %lt3A_2525 = arith.cmpf olt, %abs3A_2522, %lt3A_2524 : vector<16xf32>
    %jit3A_2526 = arith.constant 0.000000e+00 : f32
    %broadcast_in_dim3A_2527 = vector.broadcast %jit3A_2526 : f32 to vector<16xf32>
    %select_n3A_2528 = arith.select %lt3A_2525, %get3A_2521, %broadcast_in_dim3A_2527 : vector<16xi1>, vector<16xf32>
    %gt3A_2529 = arith.constant 5.000000e-01 : f32
    %gt3A_2530 = vector.broadcast %gt3A_2529 : f32 to vector<16xf32>
    %gt3A_2531 = arith.cmpf ogt, %select_n3A_2508, %gt3A_2530 : vector<16xf32>
    %select_n3A_2532 = arith.select %gt3A_2531, %broadcast_in_dim3A_872, %broadcast_in_dim3A_874 : vector<16xi1>, vector<16xi32>
    %lt3A_2533 = arith.constant 0.899999976 : f32
    %lt3A_2534 = vector.broadcast %lt3A_2533 : f32 to vector<16xf32>
    %lt3A_2535 = arith.cmpf olt, %select_n3A_2528, %lt3A_2534 : vector<16xf32>
    %select_n3A_2536 = arith.select %lt3A_2535, %broadcast_in_dim3A_872, %broadcast_in_dim3A_874 : vector<16xi1>, vector<16xi32>
    %ge3A_2537 = arith.constant 0.899999976 : f32
    %ge3A_2538 = vector.broadcast %ge3A_2537 : f32 to vector<16xf32>
    %ge3A_2539 = arith.cmpf oge, %select_n3A_2518, %ge3A_2538 : vector<16xf32>
    %select_n3A_2540 = arith.select %ge3A_2539, %broadcast_in_dim3A_872, %broadcast_in_dim3A_874 : vector<16xi1>, vector<16xi32>
    %sub3A_2541 = arith.subi %broadcast_in_dim3A_872, %select_n3A_2532 : vector<16xi32>
    %mul3A_2542 = arith.muli %sub3A_2541, %select_n3A_2536 : vector<16xi32>
    %mul3A_2543 = arith.muli %select_n3A_2532, %select_n3A_2536 : vector<16xi32>
    %mul3A_2544 = arith.muli %select_n3A_2540, %select_n3A_880 : vector<16xi32>
    %sub3A_2545 = arith.subi %broadcast_in_dim3A_872, %mul3A_2544 : vector<16xi32>
    %mul3A_2546 = arith.muli %mul3A_2543, %sub3A_2545 : vector<16xi32>
    %swap3A_2547 = arith.constant 0 : i32
    %swap3A_2548 = arith.index_cast %swap3A_2547 : i32 to index
    %swap3A_2549 = arith.constant 288 : index
    %swap3A_2550 = tpu.vector_load %arg7[%swap3A_2548, %swap3A_2549] {strides = array<i32>} : memref<7x512xi32, #tpu.memory_space<vmem>>, vector<1x16xi32>,
    %swap3A_2551 = vector.shape_cast %swap3A_2550 : vector<1x16xi32> to vector<16xi32>
    %swap3A_2552 = vector.shape_cast %broadcast_in_dim3A_872 : vector<16xi32> to vector<1x16xi32>
    tpu.vector_store %arg7[%swap3A_2548, %swap3A_2549], %swap3A_2552 {strides = array<i32>} : memref<7x512xi32, #tpu.memory_space<vmem>>, vector<1x16xi32>,
    %swap3A_2553 = arith.constant 1 : i32
    %swap3A_2554 = arith.index_cast %swap3A_2553 : i32 to index
    %swap3A_2555 = arith.constant 288 : index
    %swap3A_2556 = tpu.vector_load %arg7[%swap3A_2554, %swap3A_2555] {strides = array<i32>} : memref<7x512xi32, #tpu.memory_space<vmem>>, vector<1x16xi32>,
    %swap3A_2557 = vector.shape_cast %swap3A_2556 : vector<1x16xi32> to vector<16xi32>
    %swap3A_2558 = vector.shape_cast %mul3A_2542 : vector<16xi32> to vector<1x16xi32>
    tpu.vector_store %arg7[%swap3A_2554, %swap3A_2555], %swap3A_2558 {strides = array<i32>} : memref<7x512xi32, #tpu.memory_space<vmem>>, vector<1x16xi32>,
    %swap3A_2559 = arith.constant 2 : i32
    %swap3A_2560 = arith.index_cast %swap3A_2559 : i32 to index
    %swap3A_2561 = arith.constant 288 : index
    %swap3A_2562 = tpu.vector_load %arg7[%swap3A_2560, %swap3A_2561] {strides = array<i32>} : memref<7x512xi32, #tpu.memory_space<vmem>>, vector<1x16xi32>,
    %swap3A_2563 = vector.shape_cast %swap3A_2562 : vector<1x16xi32> to vector<16xi32>
    %swap3A_2564 = vector.shape_cast %mul3A_2542 : vector<16xi32> to vector<1x16xi32>
    tpu.vector_store %arg7[%swap3A_2560, %swap3A_2561], %swap3A_2564 {strides = array<i32>} : memref<7x512xi32, #tpu.memory_space<vmem>>, vector<1x16xi32>,
    %swap3A_2565 = arith.constant 3 : i32
    %swap3A_2566 = arith.index_cast %swap3A_2565 : i32 to index
    %swap3A_2567 = arith.constant 288 : index
    %swap3A_2568 = tpu.vector_load %arg7[%swap3A_2566, %swap3A_2567] {strides = array<i32>} : memref<7x512xi32, #tpu.memory_space<vmem>>, vector<1x16xi32>,
    %swap3A_2569 = vector.shape_cast %swap3A_2568 : vector<1x16xi32> to vector<16xi32>
    %swap3A_2570 = vector.shape_cast %mul3A_2542 : vector<16xi32> to vector<1x16xi32>
    tpu.vector_store %arg7[%swap3A_2566, %swap3A_2567], %swap3A_2570 {strides = array<i32>} : memref<7x512xi32, #tpu.memory_space<vmem>>, vector<1x16xi32>,
    %swap3A_2571 = arith.constant 4 : i32
    %swap3A_2572 = arith.index_cast %swap3A_2571 : i32 to index
    %swap3A_2573 = arith.constant 288 : index
    %swap3A_2574 = tpu.vector_load %arg7[%swap3A_2572, %swap3A_2573] {strides = array<i32>} : memref<7x512xi32, #tpu.memory_space<vmem>>, vector<1x16xi32>,
    %swap3A_2575 = vector.shape_cast %swap3A_2574 : vector<1x16xi32> to vector<16xi32>
    %swap3A_2576 = vector.shape_cast %select_n3A_2532 : vector<16xi32> to vector<1x16xi32>
    tpu.vector_store %arg7[%swap3A_2572, %swap3A_2573], %swap3A_2576 {strides = array<i32>} : memref<7x512xi32, #tpu.memory_space<vmem>>, vector<1x16xi32>,
    %swap3A_2577 = arith.constant 5 : i32
    %swap3A_2578 = arith.index_cast %swap3A_2577 : i32 to index
    %swap3A_2579 = arith.constant 288 : index
    %swap3A_2580 = tpu.vector_load %arg7[%swap3A_2578, %swap3A_2579] {strides = array<i32>} : memref<7x512xi32, #tpu.memory_space<vmem>>, vector<1x16xi32>,
    %swap3A_2581 = vector.shape_cast %swap3A_2580 : vector<1x16xi32> to vector<16xi32>
    %swap3A_2582 = vector.shape_cast %select_n3A_2532 : vector<16xi32> to vector<1x16xi32>
    tpu.vector_store %arg7[%swap3A_2578, %swap3A_2579], %swap3A_2582 {strides = array<i32>} : memref<7x512xi32, #tpu.memory_space<vmem>>, vector<1x16xi32>,
    %swap3A_2583 = arith.constant 6 : i32
    %swap3A_2584 = arith.index_cast %swap3A_2583 : i32 to index
    %swap3A_2585 = arith.constant 288 : index
    %swap3A_2586 = tpu.vector_load %arg7[%swap3A_2584, %swap3A_2585] {strides = array<i32>} : memref<7x512xi32, #tpu.memory_space<vmem>>, vector<1x16xi32>,
    %swap3A_2587 = vector.shape_cast %swap3A_2586 : vector<1x16xi32> to vector<16xi32>
    %swap3A_2588 = vector.shape_cast %mul3A_2546 : vector<16xi32> to vector<1x16xi32>
    tpu.vector_store %arg7[%swap3A_2584, %swap3A_2585], %swap3A_2588 {strides = array<i32>} : memref<7x512xi32, #tpu.memory_space<vmem>>, vector<1x16xi32>,
    %get3A_2589 = arith.constant 304 : index
    %get3A_2590 = tpu.vector_load %arg4[%get3A_2589] {strides = array<i32>} : memref<512xf32, #tpu.memory_space<vmem>>, vector<16xf32>,
    %get3A_2591 = vector.shape_cast %get3A_2590 : vector<16xf32> to vector<16xf32>
    %abs3A_2592 = math.absf %get3A_2591 : vector<16xf32>
    %lt3A_2593 = arith.constant 0x7F800000 : f32
    %lt3A_2594 = vector.broadcast %lt3A_2593 : f32 to vector<16xf32>
    %lt3A_2595 = arith.cmpf olt, %abs3A_2592, %lt3A_2594 : vector<16xf32>
    %jit3A_2596 = arith.constant 0.000000e+00 : f32
    %broadcast_in_dim3A_2597 = vector.broadcast %jit3A_2596 : f32 to vector<16xf32>
    %select_n3A_2598 = arith.select %lt3A_2595, %get3A_2591, %broadcast_in_dim3A_2597 : vector<16xi1>, vector<16xf32>
    %get3A_2599 = arith.constant 304 : index
    %get3A_2600 = tpu.vector_load %arg5[%get3A_2599] {strides = array<i32>} : memref<512xf32, #tpu.memory_space<vmem>>, vector<16xf32>,
    %get3A_2601 = vector.shape_cast %get3A_2600 : vector<16xf32> to vector<16xf32>
    %abs3A_2602 = math.absf %get3A_2601 : vector<16xf32>
    %lt3A_2603 = arith.constant 0x7F800000 : f32
    %lt3A_2604 = vector.broadcast %lt3A_2603 : f32 to vector<16xf32>
    %lt3A_2605 = arith.cmpf olt, %abs3A_2602, %lt3A_2604 : vector<16xf32>
    %jit3A_2606 = arith.constant 0.000000e+00 : f32
    %broadcast_in_dim3A_2607 = vector.broadcast %jit3A_2606 : f32 to vector<16xf32>
    %select_n3A_2608 = arith.select %lt3A_2605, %get3A_2601, %broadcast_in_dim3A_2607 : vector<16xi1>, vector<16xf32>
    %get3A_2609 = arith.constant 304 : index
    %get3A_2610 = tpu.vector_load %arg6[%get3A_2609] {strides = array<i32>} : memref<512xf32, #tpu.memory_space<vmem>>, vector<16xf32>,
    %get3A_2611 = vector.shape_cast %get3A_2610 : vector<16xf32> to vector<16xf32>
    %abs3A_2612 = math.absf %get3A_2611 : vector<16xf32>
    %lt3A_2613 = arith.constant 0x7F800000 : f32
    %lt3A_2614 = vector.broadcast %lt3A_2613 : f32 to vector<16xf32>
    %lt3A_2615 = arith.cmpf olt, %abs3A_2612, %lt3A_2614 : vector<16xf32>
    %jit3A_2616 = arith.constant 0.000000e+00 : f32
    %broadcast_in_dim3A_2617 = vector.broadcast %jit3A_2616 : f32 to vector<16xf32>
    %select_n3A_2618 = arith.select %lt3A_2615, %get3A_2611, %broadcast_in_dim3A_2617 : vector<16xi1>, vector<16xf32>
    %gt3A_2619 = arith.constant 5.000000e-01 : f32
    %gt3A_2620 = vector.broadcast %gt3A_2619 : f32 to vector<16xf32>
    %gt3A_2621 = arith.cmpf ogt, %select_n3A_2598, %gt3A_2620 : vector<16xf32>
    %select_n3A_2622 = arith.select %gt3A_2621, %broadcast_in_dim3A_872, %broadcast_in_dim3A_874 : vector<16xi1>, vector<16xi32>
    %lt3A_2623 = arith.constant 0.899999976 : f32
    %lt3A_2624 = vector.broadcast %lt3A_2623 : f32 to vector<16xf32>
    %lt3A_2625 = arith.cmpf olt, %select_n3A_2618, %lt3A_2624 : vector<16xf32>
    %select_n3A_2626 = arith.select %lt3A_2625, %broadcast_in_dim3A_872, %broadcast_in_dim3A_874 : vector<16xi1>, vector<16xi32>
    %ge3A_2627 = arith.constant 0.899999976 : f32
    %ge3A_2628 = vector.broadcast %ge3A_2627 : f32 to vector<16xf32>
    %ge3A_2629 = arith.cmpf oge, %select_n3A_2608, %ge3A_2628 : vector<16xf32>
    %select_n3A_2630 = arith.select %ge3A_2629, %broadcast_in_dim3A_872, %broadcast_in_dim3A_874 : vector<16xi1>, vector<16xi32>
    %sub3A_2631 = arith.subi %broadcast_in_dim3A_872, %select_n3A_2622 : vector<16xi32>
    %mul3A_2632 = arith.muli %sub3A_2631, %select_n3A_2626 : vector<16xi32>
    %mul3A_2633 = arith.muli %select_n3A_2622, %select_n3A_2626 : vector<16xi32>
    %mul3A_2634 = arith.muli %select_n3A_2630, %select_n3A_880 : vector<16xi32>
    %sub3A_2635 = arith.subi %broadcast_in_dim3A_872, %mul3A_2634 : vector<16xi32>
    %mul3A_2636 = arith.muli %mul3A_2633, %sub3A_2635 : vector<16xi32>
    %swap3A_2637 = arith.constant 0 : i32
    %swap3A_2638 = arith.index_cast %swap3A_2637 : i32 to index
    %swap3A_2639 = arith.constant 304 : index
    %swap3A_2640 = tpu.vector_load %arg7[%swap3A_2638, %swap3A_2639] {strides = array<i32>} : memref<7x512xi32, #tpu.memory_space<vmem>>, vector<1x16xi32>,
    %swap3A_2641 = vector.shape_cast %swap3A_2640 : vector<1x16xi32> to vector<16xi32>
    %swap3A_2642 = vector.shape_cast %broadcast_in_dim3A_872 : vector<16xi32> to vector<1x16xi32>
    tpu.vector_store %arg7[%swap3A_2638, %swap3A_2639], %swap3A_2642 {strides = array<i32>} : memref<7x512xi32, #tpu.memory_space<vmem>>, vector<1x16xi32>,
    %swap3A_2643 = arith.constant 1 : i32
    %swap3A_2644 = arith.index_cast %swap3A_2643 : i32 to index
    %swap3A_2645 = arith.constant 304 : index
    %swap3A_2646 = tpu.vector_load %arg7[%swap3A_2644, %swap3A_2645] {strides = array<i32>} : memref<7x512xi32, #tpu.memory_space<vmem>>, vector<1x16xi32>,
    %swap3A_2647 = vector.shape_cast %swap3A_2646 : vector<1x16xi32> to vector<16xi32>
    %swap3A_2648 = vector.shape_cast %mul3A_2632 : vector<16xi32> to vector<1x16xi32>
    tpu.vector_store %arg7[%swap3A_2644, %swap3A_2645], %swap3A_2648 {strides = array<i32>} : memref<7x512xi32, #tpu.memory_space<vmem>>, vector<1x16xi32>,
    %swap3A_2649 = arith.constant 2 : i32
    %swap3A_2650 = arith.index_cast %swap3A_2649 : i32 to index
    %swap3A_2651 = arith.constant 304 : index
    %swap3A_2652 = tpu.vector_load %arg7[%swap3A_2650, %swap3A_2651] {strides = array<i32>} : memref<7x512xi32, #tpu.memory_space<vmem>>, vector<1x16xi32>,
    %swap3A_2653 = vector.shape_cast %swap3A_2652 : vector<1x16xi32> to vector<16xi32>
    %swap3A_2654 = vector.shape_cast %mul3A_2632 : vector<16xi32> to vector<1x16xi32>
    tpu.vector_store %arg7[%swap3A_2650, %swap3A_2651], %swap3A_2654 {strides = array<i32>} : memref<7x512xi32, #tpu.memory_space<vmem>>, vector<1x16xi32>,
    %swap3A_2655 = arith.constant 3 : i32
    %swap3A_2656 = arith.index_cast %swap3A_2655 : i32 to index
    %swap3A_2657 = arith.constant 304 : index
    %swap3A_2658 = tpu.vector_load %arg7[%swap3A_2656, %swap3A_2657] {strides = array<i32>} : memref<7x512xi32, #tpu.memory_space<vmem>>, vector<1x16xi32>,
    %swap3A_2659 = vector.shape_cast %swap3A_2658 : vector<1x16xi32> to vector<16xi32>
    %swap3A_2660 = vector.shape_cast %mul3A_2632 : vector<16xi32> to vector<1x16xi32>
    tpu.vector_store %arg7[%swap3A_2656, %swap3A_2657], %swap3A_2660 {strides = array<i32>} : memref<7x512xi32, #tpu.memory_space<vmem>>, vector<1x16xi32>,
    %swap3A_2661 = arith.constant 4 : i32
    %swap3A_2662 = arith.index_cast %swap3A_2661 : i32 to index
    %swap3A_2663 = arith.constant 304 : index
    %swap3A_2664 = tpu.vector_load %arg7[%swap3A_2662, %swap3A_2663] {strides = array<i32>} : memref<7x512xi32, #tpu.memory_space<vmem>>, vector<1x16xi32>,
    %swap3A_2665 = vector.shape_cast %swap3A_2664 : vector<1x16xi32> to vector<16xi32>
    %swap3A_2666 = vector.shape_cast %select_n3A_2622 : vector<16xi32> to vector<1x16xi32>
    tpu.vector_store %arg7[%swap3A_2662, %swap3A_2663], %swap3A_2666 {strides = array<i32>} : memref<7x512xi32, #tpu.memory_space<vmem>>, vector<1x16xi32>,
    %swap3A_2667 = arith.constant 5 : i32
    %swap3A_2668 = arith.index_cast %swap3A_2667 : i32 to index
    %swap3A_2669 = arith.constant 304 : index
    %swap3A_2670 = tpu.vector_load %arg7[%swap3A_2668, %swap3A_2669] {strides = array<i32>} : memref<7x512xi32, #tpu.memory_space<vmem>>, vector<1x16xi32>,
    %swap3A_2671 = vector.shape_cast %swap3A_2670 : vector<1x16xi32> to vector<16xi32>
    %swap3A_2672 = vector.shape_cast %select_n3A_2622 : vector<16xi32> to vector<1x16xi32>
    tpu.vector_store %arg7[%swap3A_2668, %swap3A_2669], %swap3A_2672 {strides = array<i32>} : memref<7x512xi32, #tpu.memory_space<vmem>>, vector<1x16xi32>,
    %swap3A_2673 = arith.constant 6 : i32
    %swap3A_2674 = arith.index_cast %swap3A_2673 : i32 to index
    %swap3A_2675 = arith.constant 304 : index
    %swap3A_2676 = tpu.vector_load %arg7[%swap3A_2674, %swap3A_2675] {strides = array<i32>} : memref<7x512xi32, #tpu.memory_space<vmem>>, vector<1x16xi32>,
    %swap3A_2677 = vector.shape_cast %swap3A_2676 : vector<1x16xi32> to vector<16xi32>
    %swap3A_2678 = vector.shape_cast %mul3A_2636 : vector<16xi32> to vector<1x16xi32>
    tpu.vector_store %arg7[%swap3A_2674, %swap3A_2675], %swap3A_2678 {strides = array<i32>} : memref<7x512xi32, #tpu.memory_space<vmem>>, vector<1x16xi32>,
    %get3A_2679 = arith.constant 320 : index
    %get3A_2680 = tpu.vector_load %arg4[%get3A_2679] {strides = array<i32>} : memref<512xf32, #tpu.memory_space<vmem>>, vector<16xf32>,
    %get3A_2681 = vector.shape_cast %get3A_2680 : vector<16xf32> to vector<16xf32>
    %abs3A_2682 = math.absf %get3A_2681 : vector<16xf32>
    %lt3A_2683 = arith.constant 0x7F800000 : f32
    %lt3A_2684 = vector.broadcast %lt3A_2683 : f32 to vector<16xf32>
    %lt3A_2685 = arith.cmpf olt, %abs3A_2682, %lt3A_2684 : vector<16xf32>
    %jit3A_2686 = arith.constant 0.000000e+00 : f32
    %broadcast_in_dim3A_2687 = vector.broadcast %jit3A_2686 : f32 to vector<16xf32>
    %select_n3A_2688 = arith.select %lt3A_2685, %get3A_2681, %broadcast_in_dim3A_2687 : vector<16xi1>, vector<16xf32>
    %get3A_2689 = arith.constant 320 : index
    %get3A_2690 = tpu.vector_load %arg5[%get3A_2689] {strides = array<i32>} : memref<512xf32, #tpu.memory_space<vmem>>, vector<16xf32>,
    %get3A_2691 = vector.shape_cast %get3A_2690 : vector<16xf32> to vector<16xf32>
    %abs3A_2692 = math.absf %get3A_2691 : vector<16xf32>
    %lt3A_2693 = arith.constant 0x7F800000 : f32
    %lt3A_2694 = vector.broadcast %lt3A_2693 : f32 to vector<16xf32>
    %lt3A_2695 = arith.cmpf olt, %abs3A_2692, %lt3A_2694 : vector<16xf32>
    %jit3A_2696 = arith.constant 0.000000e+00 : f32
    %broadcast_in_dim3A_2697 = vector.broadcast %jit3A_2696 : f32 to vector<16xf32>
    %select_n3A_2698 = arith.select %lt3A_2695, %get3A_2691, %broadcast_in_dim3A_2697 : vector<16xi1>, vector<16xf32>
    %get3A_2699 = arith.constant 320 : index
    %get3A_2700 = tpu.vector_load %arg6[%get3A_2699] {strides = array<i32>} : memref<512xf32, #tpu.memory_space<vmem>>, vector<16xf32>,
    %get3A_2701 = vector.shape_cast %get3A_2700 : vector<16xf32> to vector<16xf32>
    %abs3A_2702 = math.absf %get3A_2701 : vector<16xf32>
    %lt3A_2703 = arith.constant 0x7F800000 : f32
    %lt3A_2704 = vector.broadcast %lt3A_2703 : f32 to vector<16xf32>
    %lt3A_2705 = arith.cmpf olt, %abs3A_2702, %lt3A_2704 : vector<16xf32>
    %jit3A_2706 = arith.constant 0.000000e+00 : f32
    %broadcast_in_dim3A_2707 = vector.broadcast %jit3A_2706 : f32 to vector<16xf32>
    %select_n3A_2708 = arith.select %lt3A_2705, %get3A_2701, %broadcast_in_dim3A_2707 : vector<16xi1>, vector<16xf32>
    %gt3A_2709 = arith.constant 5.000000e-01 : f32
    %gt3A_2710 = vector.broadcast %gt3A_2709 : f32 to vector<16xf32>
    %gt3A_2711 = arith.cmpf ogt, %select_n3A_2688, %gt3A_2710 : vector<16xf32>
    %select_n3A_2712 = arith.select %gt3A_2711, %broadcast_in_dim3A_872, %broadcast_in_dim3A_874 : vector<16xi1>, vector<16xi32>
    %lt3A_2713 = arith.constant 0.899999976 : f32
    %lt3A_2714 = vector.broadcast %lt3A_2713 : f32 to vector<16xf32>
    %lt3A_2715 = arith.cmpf olt, %select_n3A_2708, %lt3A_2714 : vector<16xf32>
    %select_n3A_2716 = arith.select %lt3A_2715, %broadcast_in_dim3A_872, %broadcast_in_dim3A_874 : vector<16xi1>, vector<16xi32>
    %ge3A_2717 = arith.constant 0.899999976 : f32
    %ge3A_2718 = vector.broadcast %ge3A_2717 : f32 to vector<16xf32>
    %ge3A_2719 = arith.cmpf oge, %select_n3A_2698, %ge3A_2718 : vector<16xf32>
    %select_n3A_2720 = arith.select %ge3A_2719, %broadcast_in_dim3A_872, %broadcast_in_dim3A_874 : vector<16xi1>, vector<16xi32>
    %sub3A_2721 = arith.subi %broadcast_in_dim3A_872, %select_n3A_2712 : vector<16xi32>
    %mul3A_2722 = arith.muli %sub3A_2721, %select_n3A_2716 : vector<16xi32>
    %mul3A_2723 = arith.muli %select_n3A_2712, %select_n3A_2716 : vector<16xi32>
    %mul3A_2724 = arith.muli %select_n3A_2720, %select_n3A_880 : vector<16xi32>
    %sub3A_2725 = arith.subi %broadcast_in_dim3A_872, %mul3A_2724 : vector<16xi32>
    %mul3A_2726 = arith.muli %mul3A_2723, %sub3A_2725 : vector<16xi32>
    %swap3A_2727 = arith.constant 0 : i32
    %swap3A_2728 = arith.index_cast %swap3A_2727 : i32 to index
    %swap3A_2729 = arith.constant 320 : index
    %swap3A_2730 = tpu.vector_load %arg7[%swap3A_2728, %swap3A_2729] {strides = array<i32>} : memref<7x512xi32, #tpu.memory_space<vmem>>, vector<1x16xi32>,
    %swap3A_2731 = vector.shape_cast %swap3A_2730 : vector<1x16xi32> to vector<16xi32>
    %swap3A_2732 = vector.shape_cast %broadcast_in_dim3A_872 : vector<16xi32> to vector<1x16xi32>
    tpu.vector_store %arg7[%swap3A_2728, %swap3A_2729], %swap3A_2732 {strides = array<i32>} : memref<7x512xi32, #tpu.memory_space<vmem>>, vector<1x16xi32>,
    %swap3A_2733 = arith.constant 1 : i32
    %swap3A_2734 = arith.index_cast %swap3A_2733 : i32 to index
    %swap3A_2735 = arith.constant 320 : index
    %swap3A_2736 = tpu.vector_load %arg7[%swap3A_2734, %swap3A_2735] {strides = array<i32>} : memref<7x512xi32, #tpu.memory_space<vmem>>, vector<1x16xi32>,
    %swap3A_2737 = vector.shape_cast %swap3A_2736 : vector<1x16xi32> to vector<16xi32>
    %swap3A_2738 = vector.shape_cast %mul3A_2722 : vector<16xi32> to vector<1x16xi32>
    tpu.vector_store %arg7[%swap3A_2734, %swap3A_2735], %swap3A_2738 {strides = array<i32>} : memref<7x512xi32, #tpu.memory_space<vmem>>, vector<1x16xi32>,
    %swap3A_2739 = arith.constant 2 : i32
    %swap3A_2740 = arith.index_cast %swap3A_2739 : i32 to index
    %swap3A_2741 = arith.constant 320 : index
    %swap3A_2742 = tpu.vector_load %arg7[%swap3A_2740, %swap3A_2741] {strides = array<i32>} : memref<7x512xi32, #tpu.memory_space<vmem>>, vector<1x16xi32>,
    %swap3A_2743 = vector.shape_cast %swap3A_2742 : vector<1x16xi32> to vector<16xi32>
    %swap3A_2744 = vector.shape_cast %mul3A_2722 : vector<16xi32> to vector<1x16xi32>
    tpu.vector_store %arg7[%swap3A_2740, %swap3A_2741], %swap3A_2744 {strides = array<i32>} : memref<7x512xi32, #tpu.memory_space<vmem>>, vector<1x16xi32>,
    %swap3A_2745 = arith.constant 3 : i32
    %swap3A_2746 = arith.index_cast %swap3A_2745 : i32 to index
    %swap3A_2747 = arith.constant 320 : index
    %swap3A_2748 = tpu.vector_load %arg7[%swap3A_2746, %swap3A_2747] {strides = array<i32>} : memref<7x512xi32, #tpu.memory_space<vmem>>, vector<1x16xi32>,
    %swap3A_2749 = vector.shape_cast %swap3A_2748 : vector<1x16xi32> to vector<16xi32>
    %swap3A_2750 = vector.shape_cast %mul3A_2722 : vector<16xi32> to vector<1x16xi32>
    tpu.vector_store %arg7[%swap3A_2746, %swap3A_2747], %swap3A_2750 {strides = array<i32>} : memref<7x512xi32, #tpu.memory_space<vmem>>, vector<1x16xi32>,
    %swap3A_2751 = arith.constant 4 : i32
    %swap3A_2752 = arith.index_cast %swap3A_2751 : i32 to index
    %swap3A_2753 = arith.constant 320 : index
    %swap3A_2754 = tpu.vector_load %arg7[%swap3A_2752, %swap3A_2753] {strides = array<i32>} : memref<7x512xi32, #tpu.memory_space<vmem>>, vector<1x16xi32>,
    %swap3A_2755 = vector.shape_cast %swap3A_2754 : vector<1x16xi32> to vector<16xi32>
    %swap3A_2756 = vector.shape_cast %select_n3A_2712 : vector<16xi32> to vector<1x16xi32>
    tpu.vector_store %arg7[%swap3A_2752, %swap3A_2753], %swap3A_2756 {strides = array<i32>} : memref<7x512xi32, #tpu.memory_space<vmem>>, vector<1x16xi32>,
    %swap3A_2757 = arith.constant 5 : i32
    %swap3A_2758 = arith.index_cast %swap3A_2757 : i32 to index
    %swap3A_2759 = arith.constant 320 : index
    %swap3A_2760 = tpu.vector_load %arg7[%swap3A_2758, %swap3A_2759] {strides = array<i32>} : memref<7x512xi32, #tpu.memory_space<vmem>>, vector<1x16xi32>,
    %swap3A_2761 = vector.shape_cast %swap3A_2760 : vector<1x16xi32> to vector<16xi32>
    %swap3A_2762 = vector.shape_cast %select_n3A_2712 : vector<16xi32> to vector<1x16xi32>
    tpu.vector_store %arg7[%swap3A_2758, %swap3A_2759], %swap3A_2762 {strides = array<i32>} : memref<7x512xi32, #tpu.memory_space<vmem>>, vector<1x16xi32>,
    %swap3A_2763 = arith.constant 6 : i32
    %swap3A_2764 = arith.index_cast %swap3A_2763 : i32 to index
    %swap3A_2765 = arith.constant 320 : index
    %swap3A_2766 = tpu.vector_load %arg7[%swap3A_2764, %swap3A_2765] {strides = array<i32>} : memref<7x512xi32, #tpu.memory_space<vmem>>, vector<1x16xi32>,
    %swap3A_2767 = vector.shape_cast %swap3A_2766 : vector<1x16xi32> to vector<16xi32>
    %swap3A_2768 = vector.shape_cast %mul3A_2726 : vector<16xi32> to vector<1x16xi32>
    tpu.vector_store %arg7[%swap3A_2764, %swap3A_2765], %swap3A_2768 {strides = array<i32>} : memref<7x512xi32, #tpu.memory_space<vmem>>, vector<1x16xi32>,
    %get3A_2769 = arith.constant 336 : index
    %get3A_2770 = tpu.vector_load %arg4[%get3A_2769] {strides = array<i32>} : memref<512xf32, #tpu.memory_space<vmem>>, vector<16xf32>,
    %get3A_2771 = vector.shape_cast %get3A_2770 : vector<16xf32> to vector<16xf32>
    %abs3A_2772 = math.absf %get3A_2771 : vector<16xf32>
    %lt3A_2773 = arith.constant 0x7F800000 : f32
    %lt3A_2774 = vector.broadcast %lt3A_2773 : f32 to vector<16xf32>
    %lt3A_2775 = arith.cmpf olt, %abs3A_2772, %lt3A_2774 : vector<16xf32>
    %jit3A_2776 = arith.constant 0.000000e+00 : f32
    %broadcast_in_dim3A_2777 = vector.broadcast %jit3A_2776 : f32 to vector<16xf32>
    %select_n3A_2778 = arith.select %lt3A_2775, %get3A_2771, %broadcast_in_dim3A_2777 : vector<16xi1>, vector<16xf32>
    %get3A_2779 = arith.constant 336 : index
    %get3A_2780 = tpu.vector_load %arg5[%get3A_2779] {strides = array<i32>} : memref<512xf32, #tpu.memory_space<vmem>>, vector<16xf32>,
    %get3A_2781 = vector.shape_cast %get3A_2780 : vector<16xf32> to vector<16xf32>
    %abs3A_2782 = math.absf %get3A_2781 : vector<16xf32>
    %lt3A_2783 = arith.constant 0x7F800000 : f32
    %lt3A_2784 = vector.broadcast %lt3A_2783 : f32 to vector<16xf32>
    %lt3A_2785 = arith.cmpf olt, %abs3A_2782, %lt3A_2784 : vector<16xf32>
    %jit3A_2786 = arith.constant 0.000000e+00 : f32
    %broadcast_in_dim3A_2787 = vector.broadcast %jit3A_2786 : f32 to vector<16xf32>
    %select_n3A_2788 = arith.select %lt3A_2785, %get3A_2781, %broadcast_in_dim3A_2787 : vector<16xi1>, vector<16xf32>
    %get3A_2789 = arith.constant 336 : index
    %get3A_2790 = tpu.vector_load %arg6[%get3A_2789] {strides = array<i32>} : memref<512xf32, #tpu.memory_space<vmem>>, vector<16xf32>,
    %get3A_2791 = vector.shape_cast %get3A_2790 : vector<16xf32> to vector<16xf32>
    %abs3A_2792 = math.absf %get3A_2791 : vector<16xf32>
    %lt3A_2793 = arith.constant 0x7F800000 : f32
    %lt3A_2794 = vector.broadcast %lt3A_2793 : f32 to vector<16xf32>
    %lt3A_2795 = arith.cmpf olt, %abs3A_2792, %lt3A_2794 : vector<16xf32>
    %jit3A_2796 = arith.constant 0.000000e+00 : f32
    %broadcast_in_dim3A_2797 = vector.broadcast %jit3A_2796 : f32 to vector<16xf32>
    %select_n3A_2798 = arith.select %lt3A_2795, %get3A_2791, %broadcast_in_dim3A_2797 : vector<16xi1>, vector<16xf32>
    %gt3A_2799 = arith.constant 5.000000e-01 : f32
    %gt3A_2800 = vector.broadcast %gt3A_2799 : f32 to vector<16xf32>
    %gt3A_2801 = arith.cmpf ogt, %select_n3A_2778, %gt3A_2800 : vector<16xf32>
    %select_n3A_2802 = arith.select %gt3A_2801, %broadcast_in_dim3A_872, %broadcast_in_dim3A_874 : vector<16xi1>, vector<16xi32>
    %lt3A_2803 = arith.constant 0.899999976 : f32
    %lt3A_2804 = vector.broadcast %lt3A_2803 : f32 to vector<16xf32>
    %lt3A_2805 = arith.cmpf olt, %select_n3A_2798, %lt3A_2804 : vector<16xf32>
    %select_n3A_2806 = arith.select %lt3A_2805, %broadcast_in_dim3A_872, %broadcast_in_dim3A_874 : vector<16xi1>, vector<16xi32>
    %ge3A_2807 = arith.constant 0.899999976 : f32
    %ge3A_2808 = vector.broadcast %ge3A_2807 : f32 to vector<16xf32>
    %ge3A_2809 = arith.cmpf oge, %select_n3A_2788, %ge3A_2808 : vector<16xf32>
    %select_n3A_2810 = arith.select %ge3A_2809, %broadcast_in_dim3A_872, %broadcast_in_dim3A_874 : vector<16xi1>, vector<16xi32>
    %sub3A_2811 = arith.subi %broadcast_in_dim3A_872, %select_n3A_2802 : vector<16xi32>
    %mul3A_2812 = arith.muli %sub3A_2811, %select_n3A_2806 : vector<16xi32>
    %mul3A_2813 = arith.muli %select_n3A_2802, %select_n3A_2806 : vector<16xi32>
    %mul3A_2814 = arith.muli %select_n3A_2810, %select_n3A_880 : vector<16xi32>
    %sub3A_2815 = arith.subi %broadcast_in_dim3A_872, %mul3A_2814 : vector<16xi32>
    %mul3A_2816 = arith.muli %mul3A_2813, %sub3A_2815 : vector<16xi32>
    %swap3A_2817 = arith.constant 0 : i32
    %swap3A_2818 = arith.index_cast %swap3A_2817 : i32 to index
    %swap3A_2819 = arith.constant 336 : index
    %swap3A_2820 = tpu.vector_load %arg7[%swap3A_2818, %swap3A_2819] {strides = array<i32>} : memref<7x512xi32, #tpu.memory_space<vmem>>, vector<1x16xi32>,
    %swap3A_2821 = vector.shape_cast %swap3A_2820 : vector<1x16xi32> to vector<16xi32>
    %swap3A_2822 = vector.shape_cast %broadcast_in_dim3A_872 : vector<16xi32> to vector<1x16xi32>
    tpu.vector_store %arg7[%swap3A_2818, %swap3A_2819], %swap3A_2822 {strides = array<i32>} : memref<7x512xi32, #tpu.memory_space<vmem>>, vector<1x16xi32>,
    %swap3A_2823 = arith.constant 1 : i32
    %swap3A_2824 = arith.index_cast %swap3A_2823 : i32 to index
    %swap3A_2825 = arith.constant 336 : index
    %swap3A_2826 = tpu.vector_load %arg7[%swap3A_2824, %swap3A_2825] {strides = array<i32>} : memref<7x512xi32, #tpu.memory_space<vmem>>, vector<1x16xi32>,
    %swap3A_2827 = vector.shape_cast %swap3A_2826 : vector<1x16xi32> to vector<16xi32>
    %swap3A_2828 = vector.shape_cast %mul3A_2812 : vector<16xi32> to vector<1x16xi32>
    tpu.vector_store %arg7[%swap3A_2824, %swap3A_2825], %swap3A_2828 {strides = array<i32>} : memref<7x512xi32, #tpu.memory_space<vmem>>, vector<1x16xi32>,
    %swap3A_2829 = arith.constant 2 : i32
    %swap3A_2830 = arith.index_cast %swap3A_2829 : i32 to index
    %swap3A_2831 = arith.constant 336 : index
    %swap3A_2832 = tpu.vector_load %arg7[%swap3A_2830, %swap3A_2831] {strides = array<i32>} : memref<7x512xi32, #tpu.memory_space<vmem>>, vector<1x16xi32>,
    %swap3A_2833 = vector.shape_cast %swap3A_2832 : vector<1x16xi32> to vector<16xi32>
    %swap3A_2834 = vector.shape_cast %mul3A_2812 : vector<16xi32> to vector<1x16xi32>
    tpu.vector_store %arg7[%swap3A_2830, %swap3A_2831], %swap3A_2834 {strides = array<i32>} : memref<7x512xi32, #tpu.memory_space<vmem>>, vector<1x16xi32>,
    %swap3A_2835 = arith.constant 3 : i32
    %swap3A_2836 = arith.index_cast %swap3A_2835 : i32 to index
    %swap3A_2837 = arith.constant 336 : index
    %swap3A_2838 = tpu.vector_load %arg7[%swap3A_2836, %swap3A_2837] {strides = array<i32>} : memref<7x512xi32, #tpu.memory_space<vmem>>, vector<1x16xi32>,
    %swap3A_2839 = vector.shape_cast %swap3A_2838 : vector<1x16xi32> to vector<16xi32>
    %swap3A_2840 = vector.shape_cast %mul3A_2812 : vector<16xi32> to vector<1x16xi32>
    tpu.vector_store %arg7[%swap3A_2836, %swap3A_2837], %swap3A_2840 {strides = array<i32>} : memref<7x512xi32, #tpu.memory_space<vmem>>, vector<1x16xi32>,
    %swap3A_2841 = arith.constant 4 : i32
    %swap3A_2842 = arith.index_cast %swap3A_2841 : i32 to index
    %swap3A_2843 = arith.constant 336 : index
    %swap3A_2844 = tpu.vector_load %arg7[%swap3A_2842, %swap3A_2843] {strides = array<i32>} : memref<7x512xi32, #tpu.memory_space<vmem>>, vector<1x16xi32>,
    %swap3A_2845 = vector.shape_cast %swap3A_2844 : vector<1x16xi32> to vector<16xi32>
    %swap3A_2846 = vector.shape_cast %select_n3A_2802 : vector<16xi32> to vector<1x16xi32>
    tpu.vector_store %arg7[%swap3A_2842, %swap3A_2843], %swap3A_2846 {strides = array<i32>} : memref<7x512xi32, #tpu.memory_space<vmem>>, vector<1x16xi32>,
    %swap3A_2847 = arith.constant 5 : i32
    %swap3A_2848 = arith.index_cast %swap3A_2847 : i32 to index
    %swap3A_2849 = arith.constant 336 : index
    %swap3A_2850 = tpu.vector_load %arg7[%swap3A_2848, %swap3A_2849] {strides = array<i32>} : memref<7x512xi32, #tpu.memory_space<vmem>>, vector<1x16xi32>,
    %swap3A_2851 = vector.shape_cast %swap3A_2850 : vector<1x16xi32> to vector<16xi32>
    %swap3A_2852 = vector.shape_cast %select_n3A_2802 : vector<16xi32> to vector<1x16xi32>
    tpu.vector_store %arg7[%swap3A_2848, %swap3A_2849], %swap3A_2852 {strides = array<i32>} : memref<7x512xi32, #tpu.memory_space<vmem>>, vector<1x16xi32>,
    %swap3A_2853 = arith.constant 6 : i32
    %swap3A_2854 = arith.index_cast %swap3A_2853 : i32 to index
    %swap3A_2855 = arith.constant 336 : index
    %swap3A_2856 = tpu.vector_load %arg7[%swap3A_2854, %swap3A_2855] {strides = array<i32>} : memref<7x512xi32, #tpu.memory_space<vmem>>, vector<1x16xi32>,
    %swap3A_2857 = vector.shape_cast %swap3A_2856 : vector<1x16xi32> to vector<16xi32>
    %swap3A_2858 = vector.shape_cast %mul3A_2816 : vector<16xi32> to vector<1x16xi32>
    tpu.vector_store %arg7[%swap3A_2854, %swap3A_2855], %swap3A_2858 {strides = array<i32>} : memref<7x512xi32, #tpu.memory_space<vmem>>, vector<1x16xi32>,
    %get3A_2859 = arith.constant 352 : index
    %get3A_2860 = tpu.vector_load %arg4[%get3A_2859] {strides = array<i32>} : memref<512xf32, #tpu.memory_space<vmem>>, vector<16xf32>,
    %get3A_2861 = vector.shape_cast %get3A_2860 : vector<16xf32> to vector<16xf32>
    %abs3A_2862 = math.absf %get3A_2861 : vector<16xf32>
    %lt3A_2863 = arith.constant 0x7F800000 : f32
    %lt3A_2864 = vector.broadcast %lt3A_2863 : f32 to vector<16xf32>
    %lt3A_2865 = arith.cmpf olt, %abs3A_2862, %lt3A_2864 : vector<16xf32>
    %jit3A_2866 = arith.constant 0.000000e+00 : f32
    %broadcast_in_dim3A_2867 = vector.broadcast %jit3A_2866 : f32 to vector<16xf32>
    %select_n3A_2868 = arith.select %lt3A_2865, %get3A_2861, %broadcast_in_dim3A_2867 : vector<16xi1>, vector<16xf32>
    %get3A_2869 = arith.constant 352 : index
    %get3A_2870 = tpu.vector_load %arg5[%get3A_2869] {strides = array<i32>} : memref<512xf32, #tpu.memory_space<vmem>>, vector<16xf32>,
    %get3A_2871 = vector.shape_cast %get3A_2870 : vector<16xf32> to vector<16xf32>
    %abs3A_2872 = math.absf %get3A_2871 : vector<16xf32>
    %lt3A_2873 = arith.constant 0x7F800000 : f32
    %lt3A_2874 = vector.broadcast %lt3A_2873 : f32 to vector<16xf32>
    %lt3A_2875 = arith.cmpf olt, %abs3A_2872, %lt3A_2874 : vector<16xf32>
    %jit3A_2876 = arith.constant 0.000000e+00 : f32
    %broadcast_in_dim3A_2877 = vector.broadcast %jit3A_2876 : f32 to vector<16xf32>
    %select_n3A_2878 = arith.select %lt3A_2875, %get3A_2871, %broadcast_in_dim3A_2877 : vector<16xi1>, vector<16xf32>
    %get3A_2879 = arith.constant 352 : index
    %get3A_2880 = tpu.vector_load %arg6[%get3A_2879] {strides = array<i32>} : memref<512xf32, #tpu.memory_space<vmem>>, vector<16xf32>,
    %get3A_2881 = vector.shape_cast %get3A_2880 : vector<16xf32> to vector<16xf32>
    %abs3A_2882 = math.absf %get3A_2881 : vector<16xf32>
    %lt3A_2883 = arith.constant 0x7F800000 : f32
    %lt3A_2884 = vector.broadcast %lt3A_2883 : f32 to vector<16xf32>
    %lt3A_2885 = arith.cmpf olt, %abs3A_2882, %lt3A_2884 : vector<16xf32>
    %jit3A_2886 = arith.constant 0.000000e+00 : f32
    %broadcast_in_dim3A_2887 = vector.broadcast %jit3A_2886 : f32 to vector<16xf32>
    %select_n3A_2888 = arith.select %lt3A_2885, %get3A_2881, %broadcast_in_dim3A_2887 : vector<16xi1>, vector<16xf32>
    %gt3A_2889 = arith.constant 5.000000e-01 : f32
    %gt3A_2890 = vector.broadcast %gt3A_2889 : f32 to vector<16xf32>
    %gt3A_2891 = arith.cmpf ogt, %select_n3A_2868, %gt3A_2890 : vector<16xf32>
    %select_n3A_2892 = arith.select %gt3A_2891, %broadcast_in_dim3A_872, %broadcast_in_dim3A_874 : vector<16xi1>, vector<16xi32>
    %lt3A_2893 = arith.constant 0.899999976 : f32
    %lt3A_2894 = vector.broadcast %lt3A_2893 : f32 to vector<16xf32>
    %lt3A_2895 = arith.cmpf olt, %select_n3A_2888, %lt3A_2894 : vector<16xf32>
    %select_n3A_2896 = arith.select %lt3A_2895, %broadcast_in_dim3A_872, %broadcast_in_dim3A_874 : vector<16xi1>, vector<16xi32>
    %ge3A_2897 = arith.constant 0.899999976 : f32
    %ge3A_2898 = vector.broadcast %ge3A_2897 : f32 to vector<16xf32>
    %ge3A_2899 = arith.cmpf oge, %select_n3A_2878, %ge3A_2898 : vector<16xf32>
    %select_n3A_2900 = arith.select %ge3A_2899, %broadcast_in_dim3A_872, %broadcast_in_dim3A_874 : vector<16xi1>, vector<16xi32>
    %sub3A_2901 = arith.subi %broadcast_in_dim3A_872, %select_n3A_2892 : vector<16xi32>
    %mul3A_2902 = arith.muli %sub3A_2901, %select_n3A_2896 : vector<16xi32>
    %mul3A_2903 = arith.muli %select_n3A_2892, %select_n3A_2896 : vector<16xi32>
    %mul3A_2904 = arith.muli %select_n3A_2900, %select_n3A_880 : vector<16xi32>
    %sub3A_2905 = arith.subi %broadcast_in_dim3A_872, %mul3A_2904 : vector<16xi32>
    %mul3A_2906 = arith.muli %mul3A_2903, %sub3A_2905 : vector<16xi32>
    %swap3A_2907 = arith.constant 0 : i32
    %swap3A_2908 = arith.index_cast %swap3A_2907 : i32 to index
    %swap3A_2909 = arith.constant 352 : index
    %swap3A_2910 = tpu.vector_load %arg7[%swap3A_2908, %swap3A_2909] {strides = array<i32>} : memref<7x512xi32, #tpu.memory_space<vmem>>, vector<1x16xi32>,
    %swap3A_2911 = vector.shape_cast %swap3A_2910 : vector<1x16xi32> to vector<16xi32>
    %swap3A_2912 = vector.shape_cast %broadcast_in_dim3A_872 : vector<16xi32> to vector<1x16xi32>
    tpu.vector_store %arg7[%swap3A_2908, %swap3A_2909], %swap3A_2912 {strides = array<i32>} : memref<7x512xi32, #tpu.memory_space<vmem>>, vector<1x16xi32>,
    %swap3A_2913 = arith.constant 1 : i32
    %swap3A_2914 = arith.index_cast %swap3A_2913 : i32 to index
    %swap3A_2915 = arith.constant 352 : index
    %swap3A_2916 = tpu.vector_load %arg7[%swap3A_2914, %swap3A_2915] {strides = array<i32>} : memref<7x512xi32, #tpu.memory_space<vmem>>, vector<1x16xi32>,
    %swap3A_2917 = vector.shape_cast %swap3A_2916 : vector<1x16xi32> to vector<16xi32>
    %swap3A_2918 = vector.shape_cast %mul3A_2902 : vector<16xi32> to vector<1x16xi32>
    tpu.vector_store %arg7[%swap3A_2914, %swap3A_2915], %swap3A_2918 {strides = array<i32>} : memref<7x512xi32, #tpu.memory_space<vmem>>, vector<1x16xi32>,
    %swap3A_2919 = arith.constant 2 : i32
    %swap3A_2920 = arith.index_cast %swap3A_2919 : i32 to index
    %swap3A_2921 = arith.constant 352 : index
    %swap3A_2922 = tpu.vector_load %arg7[%swap3A_2920, %swap3A_2921] {strides = array<i32>} : memref<7x512xi32, #tpu.memory_space<vmem>>, vector<1x16xi32>,
    %swap3A_2923 = vector.shape_cast %swap3A_2922 : vector<1x16xi32> to vector<16xi32>
    %swap3A_2924 = vector.shape_cast %mul3A_2902 : vector<16xi32> to vector<1x16xi32>
    tpu.vector_store %arg7[%swap3A_2920, %swap3A_2921], %swap3A_2924 {strides = array<i32>} : memref<7x512xi32, #tpu.memory_space<vmem>>, vector<1x16xi32>,
    %swap3A_2925 = arith.constant 3 : i32
    %swap3A_2926 = arith.index_cast %swap3A_2925 : i32 to index
    %swap3A_2927 = arith.constant 352 : index
    %swap3A_2928 = tpu.vector_load %arg7[%swap3A_2926, %swap3A_2927] {strides = array<i32>} : memref<7x512xi32, #tpu.memory_space<vmem>>, vector<1x16xi32>,
    %swap3A_2929 = vector.shape_cast %swap3A_2928 : vector<1x16xi32> to vector<16xi32>
    %swap3A_2930 = vector.shape_cast %mul3A_2902 : vector<16xi32> to vector<1x16xi32>
    tpu.vector_store %arg7[%swap3A_2926, %swap3A_2927], %swap3A_2930 {strides = array<i32>} : memref<7x512xi32, #tpu.memory_space<vmem>>, vector<1x16xi32>,
    %swap3A_2931 = arith.constant 4 : i32
    %swap3A_2932 = arith.index_cast %swap3A_2931 : i32 to index
    %swap3A_2933 = arith.constant 352 : index
    %swap3A_2934 = tpu.vector_load %arg7[%swap3A_2932, %swap3A_2933] {strides = array<i32>} : memref<7x512xi32, #tpu.memory_space<vmem>>, vector<1x16xi32>,
    %swap3A_2935 = vector.shape_cast %swap3A_2934 : vector<1x16xi32> to vector<16xi32>
    %swap3A_2936 = vector.shape_cast %select_n3A_2892 : vector<16xi32> to vector<1x16xi32>
    tpu.vector_store %arg7[%swap3A_2932, %swap3A_2933], %swap3A_2936 {strides = array<i32>} : memref<7x512xi32, #tpu.memory_space<vmem>>, vector<1x16xi32>,
    %swap3A_2937 = arith.constant 5 : i32
    %swap3A_2938 = arith.index_cast %swap3A_2937 : i32 to index
    %swap3A_2939 = arith.constant 352 : index
    %swap3A_2940 = tpu.vector_load %arg7[%swap3A_2938, %swap3A_2939] {strides = array<i32>} : memref<7x512xi32, #tpu.memory_space<vmem>>, vector<1x16xi32>,
    %swap3A_2941 = vector.shape_cast %swap3A_2940 : vector<1x16xi32> to vector<16xi32>
    %swap3A_2942 = vector.shape_cast %select_n3A_2892 : vector<16xi32> to vector<1x16xi32>
    tpu.vector_store %arg7[%swap3A_2938, %swap3A_2939], %swap3A_2942 {strides = array<i32>} : memref<7x512xi32, #tpu.memory_space<vmem>>, vector<1x16xi32>,
    %swap3A_2943 = arith.constant 6 : i32
    %swap3A_2944 = arith.index_cast %swap3A_2943 : i32 to index
    %swap3A_2945 = arith.constant 352 : index
    %swap3A_2946 = tpu.vector_load %arg7[%swap3A_2944, %swap3A_2945] {strides = array<i32>} : memref<7x512xi32, #tpu.memory_space<vmem>>, vector<1x16xi32>,
    %swap3A_2947 = vector.shape_cast %swap3A_2946 : vector<1x16xi32> to vector<16xi32>
    %swap3A_2948 = vector.shape_cast %mul3A_2906 : vector<16xi32> to vector<1x16xi32>
    tpu.vector_store %arg7[%swap3A_2944, %swap3A_2945], %swap3A_2948 {strides = array<i32>} : memref<7x512xi32, #tpu.memory_space<vmem>>, vector<1x16xi32>,
    %get3A_2949 = arith.constant 368 : index
    %get3A_2950 = tpu.vector_load %arg4[%get3A_2949] {strides = array<i32>} : memref<512xf32, #tpu.memory_space<vmem>>, vector<16xf32>,
    %get3A_2951 = vector.shape_cast %get3A_2950 : vector<16xf32> to vector<16xf32>
    %abs3A_2952 = math.absf %get3A_2951 : vector<16xf32>
    %lt3A_2953 = arith.constant 0x7F800000 : f32
    %lt3A_2954 = vector.broadcast %lt3A_2953 : f32 to vector<16xf32>
    %lt3A_2955 = arith.cmpf olt, %abs3A_2952, %lt3A_2954 : vector<16xf32>
    %jit3A_2956 = arith.constant 0.000000e+00 : f32
    %broadcast_in_dim3A_2957 = vector.broadcast %jit3A_2956 : f32 to vector<16xf32>
    %select_n3A_2958 = arith.select %lt3A_2955, %get3A_2951, %broadcast_in_dim3A_2957 : vector<16xi1>, vector<16xf32>
    %get3A_2959 = arith.constant 368 : index
    %get3A_2960 = tpu.vector_load %arg5[%get3A_2959] {strides = array<i32>} : memref<512xf32, #tpu.memory_space<vmem>>, vector<16xf32>,
    %get3A_2961 = vector.shape_cast %get3A_2960 : vector<16xf32> to vector<16xf32>
    %abs3A_2962 = math.absf %get3A_2961 : vector<16xf32>
    %lt3A_2963 = arith.constant 0x7F800000 : f32
    %lt3A_2964 = vector.broadcast %lt3A_2963 : f32 to vector<16xf32>
    %lt3A_2965 = arith.cmpf olt, %abs3A_2962, %lt3A_2964 : vector<16xf32>
    %jit3A_2966 = arith.constant 0.000000e+00 : f32
    %broadcast_in_dim3A_2967 = vector.broadcast %jit3A_2966 : f32 to vector<16xf32>
    %select_n3A_2968 = arith.select %lt3A_2965, %get3A_2961, %broadcast_in_dim3A_2967 : vector<16xi1>, vector<16xf32>
    %get3A_2969 = arith.constant 368 : index
    %get3A_2970 = tpu.vector_load %arg6[%get3A_2969] {strides = array<i32>} : memref<512xf32, #tpu.memory_space<vmem>>, vector<16xf32>,
    %get3A_2971 = vector.shape_cast %get3A_2970 : vector<16xf32> to vector<16xf32>
    %abs3A_2972 = math.absf %get3A_2971 : vector<16xf32>
    %lt3A_2973 = arith.constant 0x7F800000 : f32
    %lt3A_2974 = vector.broadcast %lt3A_2973 : f32 to vector<16xf32>
    %lt3A_2975 = arith.cmpf olt, %abs3A_2972, %lt3A_2974 : vector<16xf32>
    %jit3A_2976 = arith.constant 0.000000e+00 : f32
    %broadcast_in_dim3A_2977 = vector.broadcast %jit3A_2976 : f32 to vector<16xf32>
    %select_n3A_2978 = arith.select %lt3A_2975, %get3A_2971, %broadcast_in_dim3A_2977 : vector<16xi1>, vector<16xf32>
    %gt3A_2979 = arith.constant 5.000000e-01 : f32
    %gt3A_2980 = vector.broadcast %gt3A_2979 : f32 to vector<16xf32>
    %gt3A_2981 = arith.cmpf ogt, %select_n3A_2958, %gt3A_2980 : vector<16xf32>
    %select_n3A_2982 = arith.select %gt3A_2981, %broadcast_in_dim3A_872, %broadcast_in_dim3A_874 : vector<16xi1>, vector<16xi32>
    %lt3A_2983 = arith.constant 0.899999976 : f32
    %lt3A_2984 = vector.broadcast %lt3A_2983 : f32 to vector<16xf32>
    %lt3A_2985 = arith.cmpf olt, %select_n3A_2978, %lt3A_2984 : vector<16xf32>
    %select_n3A_2986 = arith.select %lt3A_2985, %broadcast_in_dim3A_872, %broadcast_in_dim3A_874 : vector<16xi1>, vector<16xi32>
    %ge3A_2987 = arith.constant 0.899999976 : f32
    %ge3A_2988 = vector.broadcast %ge3A_2987 : f32 to vector<16xf32>
    %ge3A_2989 = arith.cmpf oge, %select_n3A_2968, %ge3A_2988 : vector<16xf32>
    %select_n3A_2990 = arith.select %ge3A_2989, %broadcast_in_dim3A_872, %broadcast_in_dim3A_874 : vector<16xi1>, vector<16xi32>
    %sub3A_2991 = arith.subi %broadcast_in_dim3A_872, %select_n3A_2982 : vector<16xi32>
    %mul3A_2992 = arith.muli %sub3A_2991, %select_n3A_2986 : vector<16xi32>
    %mul3A_2993 = arith.muli %select_n3A_2982, %select_n3A_2986 : vector<16xi32>
    %mul3A_2994 = arith.muli %select_n3A_2990, %select_n3A_880 : vector<16xi32>
    %sub3A_2995 = arith.subi %broadcast_in_dim3A_872, %mul3A_2994 : vector<16xi32>
    %mul3A_2996 = arith.muli %mul3A_2993, %sub3A_2995 : vector<16xi32>
    %swap3A_2997 = arith.constant 0 : i32
    %swap3A_2998 = arith.index_cast %swap3A_2997 : i32 to index
    %swap3A_2999 = arith.constant 368 : index
    %swap3A_3000 = tpu.vector_load %arg7[%swap3A_2998, %swap3A_2999] {strides = array<i32>} : memref<7x512xi32, #tpu.memory_space<vmem>>, vector<1x16xi32>,
    %swap3A_3001 = vector.shape_cast %swap3A_3000 : vector<1x16xi32> to vector<16xi32>
    %swap3A_3002 = vector.shape_cast %broadcast_in_dim3A_872 : vector<16xi32> to vector<1x16xi32>
    tpu.vector_store %arg7[%swap3A_2998, %swap3A_2999], %swap3A_3002 {strides = array<i32>} : memref<7x512xi32, #tpu.memory_space<vmem>>, vector<1x16xi32>,
    %swap3A_3003 = arith.constant 1 : i32
    %swap3A_3004 = arith.index_cast %swap3A_3003 : i32 to index
    %swap3A_3005 = arith.constant 368 : index
    %swap3A_3006 = tpu.vector_load %arg7[%swap3A_3004, %swap3A_3005] {strides = array<i32>} : memref<7x512xi32, #tpu.memory_space<vmem>>, vector<1x16xi32>,
    %swap3A_3007 = vector.shape_cast %swap3A_3006 : vector<1x16xi32> to vector<16xi32>
    %swap3A_3008 = vector.shape_cast %mul3A_2992 : vector<16xi32> to vector<1x16xi32>
    tpu.vector_store %arg7[%swap3A_3004, %swap3A_3005], %swap3A_3008 {strides = array<i32>} : memref<7x512xi32, #tpu.memory_space<vmem>>, vector<1x16xi32>,
    %swap3A_3009 = arith.constant 2 : i32
    %swap3A_3010 = arith.index_cast %swap3A_3009 : i32 to index
    %swap3A_3011 = arith.constant 368 : index
    %swap3A_3012 = tpu.vector_load %arg7[%swap3A_3010, %swap3A_3011] {strides = array<i32>} : memref<7x512xi32, #tpu.memory_space<vmem>>, vector<1x16xi32>,
    %swap3A_3013 = vector.shape_cast %swap3A_3012 : vector<1x16xi32> to vector<16xi32>
    %swap3A_3014 = vector.shape_cast %mul3A_2992 : vector<16xi32> to vector<1x16xi32>
    tpu.vector_store %arg7[%swap3A_3010, %swap3A_3011], %swap3A_3014 {strides = array<i32>} : memref<7x512xi32, #tpu.memory_space<vmem>>, vector<1x16xi32>,
    %swap3A_3015 = arith.constant 3 : i32
    %swap3A_3016 = arith.index_cast %swap3A_3015 : i32 to index
    %swap3A_3017 = arith.constant 368 : index
    %swap3A_3018 = tpu.vector_load %arg7[%swap3A_3016, %swap3A_3017] {strides = array<i32>} : memref<7x512xi32, #tpu.memory_space<vmem>>, vector<1x16xi32>,
    %swap3A_3019 = vector.shape_cast %swap3A_3018 : vector<1x16xi32> to vector<16xi32>
    %swap3A_3020 = vector.shape_cast %mul3A_2992 : vector<16xi32> to vector<1x16xi32>
    tpu.vector_store %arg7[%swap3A_3016, %swap3A_3017], %swap3A_3020 {strides = array<i32>} : memref<7x512xi32, #tpu.memory_space<vmem>>, vector<1x16xi32>,
    %swap3A_3021 = arith.constant 4 : i32
    %swap3A_3022 = arith.index_cast %swap3A_3021 : i32 to index
    %swap3A_3023 = arith.constant 368 : index
    %swap3A_3024 = tpu.vector_load %arg7[%swap3A_3022, %swap3A_3023] {strides = array<i32>} : memref<7x512xi32, #tpu.memory_space<vmem>>, vector<1x16xi32>,
    %swap3A_3025 = vector.shape_cast %swap3A_3024 : vector<1x16xi32> to vector<16xi32>
    %swap3A_3026 = vector.shape_cast %select_n3A_2982 : vector<16xi32> to vector<1x16xi32>
    tpu.vector_store %arg7[%swap3A_3022, %swap3A_3023], %swap3A_3026 {strides = array<i32>} : memref<7x512xi32, #tpu.memory_space<vmem>>, vector<1x16xi32>,
    %swap3A_3027 = arith.constant 5 : i32
    %swap3A_3028 = arith.index_cast %swap3A_3027 : i32 to index
    %swap3A_3029 = arith.constant 368 : index
    %swap3A_3030 = tpu.vector_load %arg7[%swap3A_3028, %swap3A_3029] {strides = array<i32>} : memref<7x512xi32, #tpu.memory_space<vmem>>, vector<1x16xi32>,
    %swap3A_3031 = vector.shape_cast %swap3A_3030 : vector<1x16xi32> to vector<16xi32>
    %swap3A_3032 = vector.shape_cast %select_n3A_2982 : vector<16xi32> to vector<1x16xi32>
    tpu.vector_store %arg7[%swap3A_3028, %swap3A_3029], %swap3A_3032 {strides = array<i32>} : memref<7x512xi32, #tpu.memory_space<vmem>>, vector<1x16xi32>,
    %swap3A_3033 = arith.constant 6 : i32
    %swap3A_3034 = arith.index_cast %swap3A_3033 : i32 to index
    %swap3A_3035 = arith.constant 368 : index
    %swap3A_3036 = tpu.vector_load %arg7[%swap3A_3034, %swap3A_3035] {strides = array<i32>} : memref<7x512xi32, #tpu.memory_space<vmem>>, vector<1x16xi32>,
    %swap3A_3037 = vector.shape_cast %swap3A_3036 : vector<1x16xi32> to vector<16xi32>
    %swap3A_3038 = vector.shape_cast %mul3A_2996 : vector<16xi32> to vector<1x16xi32>
    tpu.vector_store %arg7[%swap3A_3034, %swap3A_3035], %swap3A_3038 {strides = array<i32>} : memref<7x512xi32, #tpu.memory_space<vmem>>, vector<1x16xi32>,
    %get3A_3039 = arith.constant 384 : index
    %get3A_3040 = tpu.vector_load %arg4[%get3A_3039] {strides = array<i32>} : memref<512xf32, #tpu.memory_space<vmem>>, vector<16xf32>,
    %get3A_3041 = vector.shape_cast %get3A_3040 : vector<16xf32> to vector<16xf32>
    %abs3A_3042 = math.absf %get3A_3041 : vector<16xf32>
    %lt3A_3043 = arith.constant 0x7F800000 : f32
    %lt3A_3044 = vector.broadcast %lt3A_3043 : f32 to vector<16xf32>
    %lt3A_3045 = arith.cmpf olt, %abs3A_3042, %lt3A_3044 : vector<16xf32>
    %jit3A_3046 = arith.constant 0.000000e+00 : f32
    %broadcast_in_dim3A_3047 = vector.broadcast %jit3A_3046 : f32 to vector<16xf32>
    %select_n3A_3048 = arith.select %lt3A_3045, %get3A_3041, %broadcast_in_dim3A_3047 : vector<16xi1>, vector<16xf32>
    %get3A_3049 = arith.constant 384 : index
    %get3A_3050 = tpu.vector_load %arg5[%get3A_3049] {strides = array<i32>} : memref<512xf32, #tpu.memory_space<vmem>>, vector<16xf32>,
    %get3A_3051 = vector.shape_cast %get3A_3050 : vector<16xf32> to vector<16xf32>
    %abs3A_3052 = math.absf %get3A_3051 : vector<16xf32>
    %lt3A_3053 = arith.constant 0x7F800000 : f32
    %lt3A_3054 = vector.broadcast %lt3A_3053 : f32 to vector<16xf32>
    %lt3A_3055 = arith.cmpf olt, %abs3A_3052, %lt3A_3054 : vector<16xf32>
    %jit3A_3056 = arith.constant 0.000000e+00 : f32
    %broadcast_in_dim3A_3057 = vector.broadcast %jit3A_3056 : f32 to vector<16xf32>
    %select_n3A_3058 = arith.select %lt3A_3055, %get3A_3051, %broadcast_in_dim3A_3057 : vector<16xi1>, vector<16xf32>
    %get3A_3059 = arith.constant 384 : index
    %get3A_3060 = tpu.vector_load %arg6[%get3A_3059] {strides = array<i32>} : memref<512xf32, #tpu.memory_space<vmem>>, vector<16xf32>,
    %get3A_3061 = vector.shape_cast %get3A_3060 : vector<16xf32> to vector<16xf32>
    %abs3A_3062 = math.absf %get3A_3061 : vector<16xf32>
    %lt3A_3063 = arith.constant 0x7F800000 : f32
    %lt3A_3064 = vector.broadcast %lt3A_3063 : f32 to vector<16xf32>
    %lt3A_3065 = arith.cmpf olt, %abs3A_3062, %lt3A_3064 : vector<16xf32>
    %jit3A_3066 = arith.constant 0.000000e+00 : f32
    %broadcast_in_dim3A_3067 = vector.broadcast %jit3A_3066 : f32 to vector<16xf32>
    %select_n3A_3068 = arith.select %lt3A_3065, %get3A_3061, %broadcast_in_dim3A_3067 : vector<16xi1>, vector<16xf32>
    %gt3A_3069 = arith.constant 5.000000e-01 : f32
    %gt3A_3070 = vector.broadcast %gt3A_3069 : f32 to vector<16xf32>
    %gt3A_3071 = arith.cmpf ogt, %select_n3A_3048, %gt3A_3070 : vector<16xf32>
    %select_n3A_3072 = arith.select %gt3A_3071, %broadcast_in_dim3A_872, %broadcast_in_dim3A_874 : vector<16xi1>, vector<16xi32>
    %lt3A_3073 = arith.constant 0.899999976 : f32
    %lt3A_3074 = vector.broadcast %lt3A_3073 : f32 to vector<16xf32>
    %lt3A_3075 = arith.cmpf olt, %select_n3A_3068, %lt3A_3074 : vector<16xf32>
    %select_n3A_3076 = arith.select %lt3A_3075, %broadcast_in_dim3A_872, %broadcast_in_dim3A_874 : vector<16xi1>, vector<16xi32>
    %ge3A_3077 = arith.constant 0.899999976 : f32
    %ge3A_3078 = vector.broadcast %ge3A_3077 : f32 to vector<16xf32>
    %ge3A_3079 = arith.cmpf oge, %select_n3A_3058, %ge3A_3078 : vector<16xf32>
    %select_n3A_3080 = arith.select %ge3A_3079, %broadcast_in_dim3A_872, %broadcast_in_dim3A_874 : vector<16xi1>, vector<16xi32>
    %sub3A_3081 = arith.subi %broadcast_in_dim3A_872, %select_n3A_3072 : vector<16xi32>
    %mul3A_3082 = arith.muli %sub3A_3081, %select_n3A_3076 : vector<16xi32>
    %mul3A_3083 = arith.muli %select_n3A_3072, %select_n3A_3076 : vector<16xi32>
    %mul3A_3084 = arith.muli %select_n3A_3080, %select_n3A_880 : vector<16xi32>
    %sub3A_3085 = arith.subi %broadcast_in_dim3A_872, %mul3A_3084 : vector<16xi32>
    %mul3A_3086 = arith.muli %mul3A_3083, %sub3A_3085 : vector<16xi32>
    %swap3A_3087 = arith.constant 0 : i32
    %swap3A_3088 = arith.index_cast %swap3A_3087 : i32 to index
    %swap3A_3089 = arith.constant 384 : index
    %swap3A_3090 = tpu.vector_load %arg7[%swap3A_3088, %swap3A_3089] {strides = array<i32>} : memref<7x512xi32, #tpu.memory_space<vmem>>, vector<1x16xi32>,
    %swap3A_3091 = vector.shape_cast %swap3A_3090 : vector<1x16xi32> to vector<16xi32>
    %swap3A_3092 = vector.shape_cast %broadcast_in_dim3A_872 : vector<16xi32> to vector<1x16xi32>
    tpu.vector_store %arg7[%swap3A_3088, %swap3A_3089], %swap3A_3092 {strides = array<i32>} : memref<7x512xi32, #tpu.memory_space<vmem>>, vector<1x16xi32>,
    %swap3A_3093 = arith.constant 1 : i32
    %swap3A_3094 = arith.index_cast %swap3A_3093 : i32 to index
    %swap3A_3095 = arith.constant 384 : index
    %swap3A_3096 = tpu.vector_load %arg7[%swap3A_3094, %swap3A_3095] {strides = array<i32>} : memref<7x512xi32, #tpu.memory_space<vmem>>, vector<1x16xi32>,
    %swap3A_3097 = vector.shape_cast %swap3A_3096 : vector<1x16xi32> to vector<16xi32>
    %swap3A_3098 = vector.shape_cast %mul3A_3082 : vector<16xi32> to vector<1x16xi32>
    tpu.vector_store %arg7[%swap3A_3094, %swap3A_3095], %swap3A_3098 {strides = array<i32>} : memref<7x512xi32, #tpu.memory_space<vmem>>, vector<1x16xi32>,
    %swap3A_3099 = arith.constant 2 : i32
    %swap3A_3100 = arith.index_cast %swap3A_3099 : i32 to index
    %swap3A_3101 = arith.constant 384 : index
    %swap3A_3102 = tpu.vector_load %arg7[%swap3A_3100, %swap3A_3101] {strides = array<i32>} : memref<7x512xi32, #tpu.memory_space<vmem>>, vector<1x16xi32>,
    %swap3A_3103 = vector.shape_cast %swap3A_3102 : vector<1x16xi32> to vector<16xi32>
    %swap3A_3104 = vector.shape_cast %mul3A_3082 : vector<16xi32> to vector<1x16xi32>
    tpu.vector_store %arg7[%swap3A_3100, %swap3A_3101], %swap3A_3104 {strides = array<i32>} : memref<7x512xi32, #tpu.memory_space<vmem>>, vector<1x16xi32>,
    %swap3A_3105 = arith.constant 3 : i32
    %swap3A_3106 = arith.index_cast %swap3A_3105 : i32 to index
    %swap3A_3107 = arith.constant 384 : index
    %swap3A_3108 = tpu.vector_load %arg7[%swap3A_3106, %swap3A_3107] {strides = array<i32>} : memref<7x512xi32, #tpu.memory_space<vmem>>, vector<1x16xi32>,
    %swap3A_3109 = vector.shape_cast %swap3A_3108 : vector<1x16xi32> to vector<16xi32>
    %swap3A_3110 = vector.shape_cast %mul3A_3082 : vector<16xi32> to vector<1x16xi32>
    tpu.vector_store %arg7[%swap3A_3106, %swap3A_3107], %swap3A_3110 {strides = array<i32>} : memref<7x512xi32, #tpu.memory_space<vmem>>, vector<1x16xi32>,
    %swap3A_3111 = arith.constant 4 : i32
    %swap3A_3112 = arith.index_cast %swap3A_3111 : i32 to index
    %swap3A_3113 = arith.constant 384 : index
    %swap3A_3114 = tpu.vector_load %arg7[%swap3A_3112, %swap3A_3113] {strides = array<i32>} : memref<7x512xi32, #tpu.memory_space<vmem>>, vector<1x16xi32>,
    %swap3A_3115 = vector.shape_cast %swap3A_3114 : vector<1x16xi32> to vector<16xi32>
    %swap3A_3116 = vector.shape_cast %select_n3A_3072 : vector<16xi32> to vector<1x16xi32>
    tpu.vector_store %arg7[%swap3A_3112, %swap3A_3113], %swap3A_3116 {strides = array<i32>} : memref<7x512xi32, #tpu.memory_space<vmem>>, vector<1x16xi32>,
    %swap3A_3117 = arith.constant 5 : i32
    %swap3A_3118 = arith.index_cast %swap3A_3117 : i32 to index
    %swap3A_3119 = arith.constant 384 : index
    %swap3A_3120 = tpu.vector_load %arg7[%swap3A_3118, %swap3A_3119] {strides = array<i32>} : memref<7x512xi32, #tpu.memory_space<vmem>>, vector<1x16xi32>,
    %swap3A_3121 = vector.shape_cast %swap3A_3120 : vector<1x16xi32> to vector<16xi32>
    %swap3A_3122 = vector.shape_cast %select_n3A_3072 : vector<16xi32> to vector<1x16xi32>
    tpu.vector_store %arg7[%swap3A_3118, %swap3A_3119], %swap3A_3122 {strides = array<i32>} : memref<7x512xi32, #tpu.memory_space<vmem>>, vector<1x16xi32>,
    %swap3A_3123 = arith.constant 6 : i32
    %swap3A_3124 = arith.index_cast %swap3A_3123 : i32 to index
    %swap3A_3125 = arith.constant 384 : index
    %swap3A_3126 = tpu.vector_load %arg7[%swap3A_3124, %swap3A_3125] {strides = array<i32>} : memref<7x512xi32, #tpu.memory_space<vmem>>, vector<1x16xi32>,
    %swap3A_3127 = vector.shape_cast %swap3A_3126 : vector<1x16xi32> to vector<16xi32>
    %swap3A_3128 = vector.shape_cast %mul3A_3086 : vector<16xi32> to vector<1x16xi32>
    tpu.vector_store %arg7[%swap3A_3124, %swap3A_3125], %swap3A_3128 {strides = array<i32>} : memref<7x512xi32, #tpu.memory_space<vmem>>, vector<1x16xi32>,
    %get3A_3129 = arith.constant 400 : index
    %get3A_3130 = tpu.vector_load %arg4[%get3A_3129] {strides = array<i32>} : memref<512xf32, #tpu.memory_space<vmem>>, vector<16xf32>,
    %get3A_3131 = vector.shape_cast %get3A_3130 : vector<16xf32> to vector<16xf32>
    %abs3A_3132 = math.absf %get3A_3131 : vector<16xf32>
    %lt3A_3133 = arith.constant 0x7F800000 : f32
    %lt3A_3134 = vector.broadcast %lt3A_3133 : f32 to vector<16xf32>
    %lt3A_3135 = arith.cmpf olt, %abs3A_3132, %lt3A_3134 : vector<16xf32>
    %jit3A_3136 = arith.constant 0.000000e+00 : f32
    %broadcast_in_dim3A_3137 = vector.broadcast %jit3A_3136 : f32 to vector<16xf32>
    %select_n3A_3138 = arith.select %lt3A_3135, %get3A_3131, %broadcast_in_dim3A_3137 : vector<16xi1>, vector<16xf32>
    %get3A_3139 = arith.constant 400 : index
    %get3A_3140 = tpu.vector_load %arg5[%get3A_3139] {strides = array<i32>} : memref<512xf32, #tpu.memory_space<vmem>>, vector<16xf32>,
    %get3A_3141 = vector.shape_cast %get3A_3140 : vector<16xf32> to vector<16xf32>
    %abs3A_3142 = math.absf %get3A_3141 : vector<16xf32>
    %lt3A_3143 = arith.constant 0x7F800000 : f32
    %lt3A_3144 = vector.broadcast %lt3A_3143 : f32 to vector<16xf32>
    %lt3A_3145 = arith.cmpf olt, %abs3A_3142, %lt3A_3144 : vector<16xf32>
    %jit3A_3146 = arith.constant 0.000000e+00 : f32
    %broadcast_in_dim3A_3147 = vector.broadcast %jit3A_3146 : f32 to vector<16xf32>
    %select_n3A_3148 = arith.select %lt3A_3145, %get3A_3141, %broadcast_in_dim3A_3147 : vector<16xi1>, vector<16xf32>
    %get3A_3149 = arith.constant 400 : index
    %get3A_3150 = tpu.vector_load %arg6[%get3A_3149] {strides = array<i32>} : memref<512xf32, #tpu.memory_space<vmem>>, vector<16xf32>,
    %get3A_3151 = vector.shape_cast %get3A_3150 : vector<16xf32> to vector<16xf32>
    %abs3A_3152 = math.absf %get3A_3151 : vector<16xf32>
    %lt3A_3153 = arith.constant 0x7F800000 : f32
    %lt3A_3154 = vector.broadcast %lt3A_3153 : f32 to vector<16xf32>
    %lt3A_3155 = arith.cmpf olt, %abs3A_3152, %lt3A_3154 : vector<16xf32>
    %jit3A_3156 = arith.constant 0.000000e+00 : f32
    %broadcast_in_dim3A_3157 = vector.broadcast %jit3A_3156 : f32 to vector<16xf32>
    %select_n3A_3158 = arith.select %lt3A_3155, %get3A_3151, %broadcast_in_dim3A_3157 : vector<16xi1>, vector<16xf32>
    %gt3A_3159 = arith.constant 5.000000e-01 : f32
    %gt3A_3160 = vector.broadcast %gt3A_3159 : f32 to vector<16xf32>
    %gt3A_3161 = arith.cmpf ogt, %select_n3A_3138, %gt3A_3160 : vector<16xf32>
    %select_n3A_3162 = arith.select %gt3A_3161, %broadcast_in_dim3A_872, %broadcast_in_dim3A_874 : vector<16xi1>, vector<16xi32>
    %lt3A_3163 = arith.constant 0.899999976 : f32
    %lt3A_3164 = vector.broadcast %lt3A_3163 : f32 to vector<16xf32>
    %lt3A_3165 = arith.cmpf olt, %select_n3A_3158, %lt3A_3164 : vector<16xf32>
    %select_n3A_3166 = arith.select %lt3A_3165, %broadcast_in_dim3A_872, %broadcast_in_dim3A_874 : vector<16xi1>, vector<16xi32>
    %ge3A_3167 = arith.constant 0.899999976 : f32
    %ge3A_3168 = vector.broadcast %ge3A_3167 : f32 to vector<16xf32>
    %ge3A_3169 = arith.cmpf oge, %select_n3A_3148, %ge3A_3168 : vector<16xf32>
    %select_n3A_3170 = arith.select %ge3A_3169, %broadcast_in_dim3A_872, %broadcast_in_dim3A_874 : vector<16xi1>, vector<16xi32>
    %sub3A_3171 = arith.subi %broadcast_in_dim3A_872, %select_n3A_3162 : vector<16xi32>
    %mul3A_3172 = arith.muli %sub3A_3171, %select_n3A_3166 : vector<16xi32>
    %mul3A_3173 = arith.muli %select_n3A_3162, %select_n3A_3166 : vector<16xi32>
    %mul3A_3174 = arith.muli %select_n3A_3170, %select_n3A_880 : vector<16xi32>
    %sub3A_3175 = arith.subi %broadcast_in_dim3A_872, %mul3A_3174 : vector<16xi32>
    %mul3A_3176 = arith.muli %mul3A_3173, %sub3A_3175 : vector<16xi32>
    %swap3A_3177 = arith.constant 0 : i32
    %swap3A_3178 = arith.index_cast %swap3A_3177 : i32 to index
    %swap3A_3179 = arith.constant 400 : index
    %swap3A_3180 = tpu.vector_load %arg7[%swap3A_3178, %swap3A_3179] {strides = array<i32>} : memref<7x512xi32, #tpu.memory_space<vmem>>, vector<1x16xi32>,
    %swap3A_3181 = vector.shape_cast %swap3A_3180 : vector<1x16xi32> to vector<16xi32>
    %swap3A_3182 = vector.shape_cast %broadcast_in_dim3A_872 : vector<16xi32> to vector<1x16xi32>
    tpu.vector_store %arg7[%swap3A_3178, %swap3A_3179], %swap3A_3182 {strides = array<i32>} : memref<7x512xi32, #tpu.memory_space<vmem>>, vector<1x16xi32>,
    %swap3A_3183 = arith.constant 1 : i32
    %swap3A_3184 = arith.index_cast %swap3A_3183 : i32 to index
    %swap3A_3185 = arith.constant 400 : index
    %swap3A_3186 = tpu.vector_load %arg7[%swap3A_3184, %swap3A_3185] {strides = array<i32>} : memref<7x512xi32, #tpu.memory_space<vmem>>, vector<1x16xi32>,
    %swap3A_3187 = vector.shape_cast %swap3A_3186 : vector<1x16xi32> to vector<16xi32>
    %swap3A_3188 = vector.shape_cast %mul3A_3172 : vector<16xi32> to vector<1x16xi32>
    tpu.vector_store %arg7[%swap3A_3184, %swap3A_3185], %swap3A_3188 {strides = array<i32>} : memref<7x512xi32, #tpu.memory_space<vmem>>, vector<1x16xi32>,
    %swap3A_3189 = arith.constant 2 : i32
    %swap3A_3190 = arith.index_cast %swap3A_3189 : i32 to index
    %swap3A_3191 = arith.constant 400 : index
    %swap3A_3192 = tpu.vector_load %arg7[%swap3A_3190, %swap3A_3191] {strides = array<i32>} : memref<7x512xi32, #tpu.memory_space<vmem>>, vector<1x16xi32>,
    %swap3A_3193 = vector.shape_cast %swap3A_3192 : vector<1x16xi32> to vector<16xi32>
    %swap3A_3194 = vector.shape_cast %mul3A_3172 : vector<16xi32> to vector<1x16xi32>
    tpu.vector_store %arg7[%swap3A_3190, %swap3A_3191], %swap3A_3194 {strides = array<i32>} : memref<7x512xi32, #tpu.memory_space<vmem>>, vector<1x16xi32>,
    %swap3A_3195 = arith.constant 3 : i32
    %swap3A_3196 = arith.index_cast %swap3A_3195 : i32 to index
    %swap3A_3197 = arith.constant 400 : index
    %swap3A_3198 = tpu.vector_load %arg7[%swap3A_3196, %swap3A_3197] {strides = array<i32>} : memref<7x512xi32, #tpu.memory_space<vmem>>, vector<1x16xi32>,
    %swap3A_3199 = vector.shape_cast %swap3A_3198 : vector<1x16xi32> to vector<16xi32>
    %swap3A_3200 = vector.shape_cast %mul3A_3172 : vector<16xi32> to vector<1x16xi32>
    tpu.vector_store %arg7[%swap3A_3196, %swap3A_3197], %swap3A_3200 {strides = array<i32>} : memref<7x512xi32, #tpu.memory_space<vmem>>, vector<1x16xi32>,
    %swap3A_3201 = arith.constant 4 : i32
    %swap3A_3202 = arith.index_cast %swap3A_3201 : i32 to index
    %swap3A_3203 = arith.constant 400 : index
    %swap3A_3204 = tpu.vector_load %arg7[%swap3A_3202, %swap3A_3203] {strides = array<i32>} : memref<7x512xi32, #tpu.memory_space<vmem>>, vector<1x16xi32>,
    %swap3A_3205 = vector.shape_cast %swap3A_3204 : vector<1x16xi32> to vector<16xi32>
    %swap3A_3206 = vector.shape_cast %select_n3A_3162 : vector<16xi32> to vector<1x16xi32>
    tpu.vector_store %arg7[%swap3A_3202, %swap3A_3203], %swap3A_3206 {strides = array<i32>} : memref<7x512xi32, #tpu.memory_space<vmem>>, vector<1x16xi32>,
    %swap3A_3207 = arith.constant 5 : i32
    %swap3A_3208 = arith.index_cast %swap3A_3207 : i32 to index
    %swap3A_3209 = arith.constant 400 : index
    %swap3A_3210 = tpu.vector_load %arg7[%swap3A_3208, %swap3A_3209] {strides = array<i32>} : memref<7x512xi32, #tpu.memory_space<vmem>>, vector<1x16xi32>,
    %swap3A_3211 = vector.shape_cast %swap3A_3210 : vector<1x16xi32> to vector<16xi32>
    %swap3A_3212 = vector.shape_cast %select_n3A_3162 : vector<16xi32> to vector<1x16xi32>
    tpu.vector_store %arg7[%swap3A_3208, %swap3A_3209], %swap3A_3212 {strides = array<i32>} : memref<7x512xi32, #tpu.memory_space<vmem>>, vector<1x16xi32>,
    %swap3A_3213 = arith.constant 6 : i32
    %swap3A_3214 = arith.index_cast %swap3A_3213 : i32 to index
    %swap3A_3215 = arith.constant 400 : index
    %swap3A_3216 = tpu.vector_load %arg7[%swap3A_3214, %swap3A_3215] {strides = array<i32>} : memref<7x512xi32, #tpu.memory_space<vmem>>, vector<1x16xi32>,
    %swap3A_3217 = vector.shape_cast %swap3A_3216 : vector<1x16xi32> to vector<16xi32>
    %swap3A_3218 = vector.shape_cast %mul3A_3176 : vector<16xi32> to vector<1x16xi32>
    tpu.vector_store %arg7[%swap3A_3214, %swap3A_3215], %swap3A_3218 {strides = array<i32>} : memref<7x512xi32, #tpu.memory_space<vmem>>, vector<1x16xi32>,
    %get3A_3219 = arith.constant 416 : index
    %get3A_3220 = tpu.vector_load %arg4[%get3A_3219] {strides = array<i32>} : memref<512xf32, #tpu.memory_space<vmem>>, vector<16xf32>,
    %get3A_3221 = vector.shape_cast %get3A_3220 : vector<16xf32> to vector<16xf32>
    %abs3A_3222 = math.absf %get3A_3221 : vector<16xf32>
    %lt3A_3223 = arith.constant 0x7F800000 : f32
    %lt3A_3224 = vector.broadcast %lt3A_3223 : f32 to vector<16xf32>
    %lt3A_3225 = arith.cmpf olt, %abs3A_3222, %lt3A_3224 : vector<16xf32>
    %jit3A_3226 = arith.constant 0.000000e+00 : f32
    %broadcast_in_dim3A_3227 = vector.broadcast %jit3A_3226 : f32 to vector<16xf32>
    %select_n3A_3228 = arith.select %lt3A_3225, %get3A_3221, %broadcast_in_dim3A_3227 : vector<16xi1>, vector<16xf32>
    %get3A_3229 = arith.constant 416 : index
    %get3A_3230 = tpu.vector_load %arg5[%get3A_3229] {strides = array<i32>} : memref<512xf32, #tpu.memory_space<vmem>>, vector<16xf32>,
    %get3A_3231 = vector.shape_cast %get3A_3230 : vector<16xf32> to vector<16xf32>
    %abs3A_3232 = math.absf %get3A_3231 : vector<16xf32>
    %lt3A_3233 = arith.constant 0x7F800000 : f32
    %lt3A_3234 = vector.broadcast %lt3A_3233 : f32 to vector<16xf32>
    %lt3A_3235 = arith.cmpf olt, %abs3A_3232, %lt3A_3234 : vector<16xf32>
    %jit3A_3236 = arith.constant 0.000000e+00 : f32
    %broadcast_in_dim3A_3237 = vector.broadcast %jit3A_3236 : f32 to vector<16xf32>
    %select_n3A_3238 = arith.select %lt3A_3235, %get3A_3231, %broadcast_in_dim3A_3237 : vector<16xi1>, vector<16xf32>
    %get3A_3239 = arith.constant 416 : index
    %get3A_3240 = tpu.vector_load %arg6[%get3A_3239] {strides = array<i32>} : memref<512xf32, #tpu.memory_space<vmem>>, vector<16xf32>,
    %get3A_3241 = vector.shape_cast %get3A_3240 : vector<16xf32> to vector<16xf32>
    %abs3A_3242 = math.absf %get3A_3241 : vector<16xf32>
    %lt3A_3243 = arith.constant 0x7F800000 : f32
    %lt3A_3244 = vector.broadcast %lt3A_3243 : f32 to vector<16xf32>
    %lt3A_3245 = arith.cmpf olt, %abs3A_3242, %lt3A_3244 : vector<16xf32>
    %jit3A_3246 = arith.constant 0.000000e+00 : f32
    %broadcast_in_dim3A_3247 = vector.broadcast %jit3A_3246 : f32 to vector<16xf32>
    %select_n3A_3248 = arith.select %lt3A_3245, %get3A_3241, %broadcast_in_dim3A_3247 : vector<16xi1>, vector<16xf32>
    %gt3A_3249 = arith.constant 5.000000e-01 : f32
    %gt3A_3250 = vector.broadcast %gt3A_3249 : f32 to vector<16xf32>
    %gt3A_3251 = arith.cmpf ogt, %select_n3A_3228, %gt3A_3250 : vector<16xf32>
    %select_n3A_3252 = arith.select %gt3A_3251, %broadcast_in_dim3A_872, %broadcast_in_dim3A_874 : vector<16xi1>, vector<16xi32>
    %lt3A_3253 = arith.constant 0.899999976 : f32
    %lt3A_3254 = vector.broadcast %lt3A_3253 : f32 to vector<16xf32>
    %lt3A_3255 = arith.cmpf olt, %select_n3A_3248, %lt3A_3254 : vector<16xf32>
    %select_n3A_3256 = arith.select %lt3A_3255, %broadcast_in_dim3A_872, %broadcast_in_dim3A_874 : vector<16xi1>, vector<16xi32>
    %ge3A_3257 = arith.constant 0.899999976 : f32
    %ge3A_3258 = vector.broadcast %ge3A_3257 : f32 to vector<16xf32>
    %ge3A_3259 = arith.cmpf oge, %select_n3A_3238, %ge3A_3258 : vector<16xf32>
    %select_n3A_3260 = arith.select %ge3A_3259, %broadcast_in_dim3A_872, %broadcast_in_dim3A_874 : vector<16xi1>, vector<16xi32>
    %sub3A_3261 = arith.subi %broadcast_in_dim3A_872, %select_n3A_3252 : vector<16xi32>
    %mul3A_3262 = arith.muli %sub3A_3261, %select_n3A_3256 : vector<16xi32>
    %mul3A_3263 = arith.muli %select_n3A_3252, %select_n3A_3256 : vector<16xi32>
    %mul3A_3264 = arith.muli %select_n3A_3260, %select_n3A_880 : vector<16xi32>
    %sub3A_3265 = arith.subi %broadcast_in_dim3A_872, %mul3A_3264 : vector<16xi32>
    %mul3A_3266 = arith.muli %mul3A_3263, %sub3A_3265 : vector<16xi32>
    %swap3A_3267 = arith.constant 0 : i32
    %swap3A_3268 = arith.index_cast %swap3A_3267 : i32 to index
    %swap3A_3269 = arith.constant 416 : index
    %swap3A_3270 = tpu.vector_load %arg7[%swap3A_3268, %swap3A_3269] {strides = array<i32>} : memref<7x512xi32, #tpu.memory_space<vmem>>, vector<1x16xi32>,
    %swap3A_3271 = vector.shape_cast %swap3A_3270 : vector<1x16xi32> to vector<16xi32>
    %swap3A_3272 = vector.shape_cast %broadcast_in_dim3A_872 : vector<16xi32> to vector<1x16xi32>
    tpu.vector_store %arg7[%swap3A_3268, %swap3A_3269], %swap3A_3272 {strides = array<i32>} : memref<7x512xi32, #tpu.memory_space<vmem>>, vector<1x16xi32>,
    %swap3A_3273 = arith.constant 1 : i32
    %swap3A_3274 = arith.index_cast %swap3A_3273 : i32 to index
    %swap3A_3275 = arith.constant 416 : index
    %swap3A_3276 = tpu.vector_load %arg7[%swap3A_3274, %swap3A_3275] {strides = array<i32>} : memref<7x512xi32, #tpu.memory_space<vmem>>, vector<1x16xi32>,
    %swap3A_3277 = vector.shape_cast %swap3A_3276 : vector<1x16xi32> to vector<16xi32>
    %swap3A_3278 = vector.shape_cast %mul3A_3262 : vector<16xi32> to vector<1x16xi32>
    tpu.vector_store %arg7[%swap3A_3274, %swap3A_3275], %swap3A_3278 {strides = array<i32>} : memref<7x512xi32, #tpu.memory_space<vmem>>, vector<1x16xi32>,
    %swap3A_3279 = arith.constant 2 : i32
    %swap3A_3280 = arith.index_cast %swap3A_3279 : i32 to index
    %swap3A_3281 = arith.constant 416 : index
    %swap3A_3282 = tpu.vector_load %arg7[%swap3A_3280, %swap3A_3281] {strides = array<i32>} : memref<7x512xi32, #tpu.memory_space<vmem>>, vector<1x16xi32>,
    %swap3A_3283 = vector.shape_cast %swap3A_3282 : vector<1x16xi32> to vector<16xi32>
    %swap3A_3284 = vector.shape_cast %mul3A_3262 : vector<16xi32> to vector<1x16xi32>
    tpu.vector_store %arg7[%swap3A_3280, %swap3A_3281], %swap3A_3284 {strides = array<i32>} : memref<7x512xi32, #tpu.memory_space<vmem>>, vector<1x16xi32>,
    %swap3A_3285 = arith.constant 3 : i32
    %swap3A_3286 = arith.index_cast %swap3A_3285 : i32 to index
    %swap3A_3287 = arith.constant 416 : index
    %swap3A_3288 = tpu.vector_load %arg7[%swap3A_3286, %swap3A_3287] {strides = array<i32>} : memref<7x512xi32, #tpu.memory_space<vmem>>, vector<1x16xi32>,
    %swap3A_3289 = vector.shape_cast %swap3A_3288 : vector<1x16xi32> to vector<16xi32>
    %swap3A_3290 = vector.shape_cast %mul3A_3262 : vector<16xi32> to vector<1x16xi32>
    tpu.vector_store %arg7[%swap3A_3286, %swap3A_3287], %swap3A_3290 {strides = array<i32>} : memref<7x512xi32, #tpu.memory_space<vmem>>, vector<1x16xi32>,
    %swap3A_3291 = arith.constant 4 : i32
    %swap3A_3292 = arith.index_cast %swap3A_3291 : i32 to index
    %swap3A_3293 = arith.constant 416 : index
    %swap3A_3294 = tpu.vector_load %arg7[%swap3A_3292, %swap3A_3293] {strides = array<i32>} : memref<7x512xi32, #tpu.memory_space<vmem>>, vector<1x16xi32>,
    %swap3A_3295 = vector.shape_cast %swap3A_3294 : vector<1x16xi32> to vector<16xi32>
    %swap3A_3296 = vector.shape_cast %select_n3A_3252 : vector<16xi32> to vector<1x16xi32>
    tpu.vector_store %arg7[%swap3A_3292, %swap3A_3293], %swap3A_3296 {strides = array<i32>} : memref<7x512xi32, #tpu.memory_space<vmem>>, vector<1x16xi32>,
    %swap3A_3297 = arith.constant 5 : i32
    %swap3A_3298 = arith.index_cast %swap3A_3297 : i32 to index
    %swap3A_3299 = arith.constant 416 : index
    %swap3A_3300 = tpu.vector_load %arg7[%swap3A_3298, %swap3A_3299] {strides = array<i32>} : memref<7x512xi32, #tpu.memory_space<vmem>>, vector<1x16xi32>,
    %swap3A_3301 = vector.shape_cast %swap3A_3300 : vector<1x16xi32> to vector<16xi32>
    %swap3A_3302 = vector.shape_cast %select_n3A_3252 : vector<16xi32> to vector<1x16xi32>
    tpu.vector_store %arg7[%swap3A_3298, %swap3A_3299], %swap3A_3302 {strides = array<i32>} : memref<7x512xi32, #tpu.memory_space<vmem>>, vector<1x16xi32>,
    %swap3A_3303 = arith.constant 6 : i32
    %swap3A_3304 = arith.index_cast %swap3A_3303 : i32 to index
    %swap3A_3305 = arith.constant 416 : index
    %swap3A_3306 = tpu.vector_load %arg7[%swap3A_3304, %swap3A_3305] {strides = array<i32>} : memref<7x512xi32, #tpu.memory_space<vmem>>, vector<1x16xi32>,
    %swap3A_3307 = vector.shape_cast %swap3A_3306 : vector<1x16xi32> to vector<16xi32>
    %swap3A_3308 = vector.shape_cast %mul3A_3266 : vector<16xi32> to vector<1x16xi32>
    tpu.vector_store %arg7[%swap3A_3304, %swap3A_3305], %swap3A_3308 {strides = array<i32>} : memref<7x512xi32, #tpu.memory_space<vmem>>, vector<1x16xi32>,
    %get3A_3309 = arith.constant 432 : index
    %get3A_3310 = tpu.vector_load %arg4[%get3A_3309] {strides = array<i32>} : memref<512xf32, #tpu.memory_space<vmem>>, vector<16xf32>,
    %get3A_3311 = vector.shape_cast %get3A_3310 : vector<16xf32> to vector<16xf32>
    %abs3A_3312 = math.absf %get3A_3311 : vector<16xf32>
    %lt3A_3313 = arith.constant 0x7F800000 : f32
    %lt3A_3314 = vector.broadcast %lt3A_3313 : f32 to vector<16xf32>
    %lt3A_3315 = arith.cmpf olt, %abs3A_3312, %lt3A_3314 : vector<16xf32>
    %jit3A_3316 = arith.constant 0.000000e+00 : f32
    %broadcast_in_dim3A_3317 = vector.broadcast %jit3A_3316 : f32 to vector<16xf32>
    %select_n3A_3318 = arith.select %lt3A_3315, %get3A_3311, %broadcast_in_dim3A_3317 : vector<16xi1>, vector<16xf32>
    %get3A_3319 = arith.constant 432 : index
    %get3A_3320 = tpu.vector_load %arg5[%get3A_3319] {strides = array<i32>} : memref<512xf32, #tpu.memory_space<vmem>>, vector<16xf32>,
    %get3A_3321 = vector.shape_cast %get3A_3320 : vector<16xf32> to vector<16xf32>
    %abs3A_3322 = math.absf %get3A_3321 : vector<16xf32>
    %lt3A_3323 = arith.constant 0x7F800000 : f32
    %lt3A_3324 = vector.broadcast %lt3A_3323 : f32 to vector<16xf32>
    %lt3A_3325 = arith.cmpf olt, %abs3A_3322, %lt3A_3324 : vector<16xf32>
    %jit3A_3326 = arith.constant 0.000000e+00 : f32
    %broadcast_in_dim3A_3327 = vector.broadcast %jit3A_3326 : f32 to vector<16xf32>
    %select_n3A_3328 = arith.select %lt3A_3325, %get3A_3321, %broadcast_in_dim3A_3327 : vector<16xi1>, vector<16xf32>
    %get3A_3329 = arith.constant 432 : index
    %get3A_3330 = tpu.vector_load %arg6[%get3A_3329] {strides = array<i32>} : memref<512xf32, #tpu.memory_space<vmem>>, vector<16xf32>,
    %get3A_3331 = vector.shape_cast %get3A_3330 : vector<16xf32> to vector<16xf32>
    %abs3A_3332 = math.absf %get3A_3331 : vector<16xf32>
    %lt3A_3333 = arith.constant 0x7F800000 : f32
    %lt3A_3334 = vector.broadcast %lt3A_3333 : f32 to vector<16xf32>
    %lt3A_3335 = arith.cmpf olt, %abs3A_3332, %lt3A_3334 : vector<16xf32>
    %jit3A_3336 = arith.constant 0.000000e+00 : f32
    %broadcast_in_dim3A_3337 = vector.broadcast %jit3A_3336 : f32 to vector<16xf32>
    %select_n3A_3338 = arith.select %lt3A_3335, %get3A_3331, %broadcast_in_dim3A_3337 : vector<16xi1>, vector<16xf32>
    %gt3A_3339 = arith.constant 5.000000e-01 : f32
    %gt3A_3340 = vector.broadcast %gt3A_3339 : f32 to vector<16xf32>
    %gt3A_3341 = arith.cmpf ogt, %select_n3A_3318, %gt3A_3340 : vector<16xf32>
    %select_n3A_3342 = arith.select %gt3A_3341, %broadcast_in_dim3A_872, %broadcast_in_dim3A_874 : vector<16xi1>, vector<16xi32>
    %lt3A_3343 = arith.constant 0.899999976 : f32
    %lt3A_3344 = vector.broadcast %lt3A_3343 : f32 to vector<16xf32>
    %lt3A_3345 = arith.cmpf olt, %select_n3A_3338, %lt3A_3344 : vector<16xf32>
    %select_n3A_3346 = arith.select %lt3A_3345, %broadcast_in_dim3A_872, %broadcast_in_dim3A_874 : vector<16xi1>, vector<16xi32>
    %ge3A_3347 = arith.constant 0.899999976 : f32
    %ge3A_3348 = vector.broadcast %ge3A_3347 : f32 to vector<16xf32>
    %ge3A_3349 = arith.cmpf oge, %select_n3A_3328, %ge3A_3348 : vector<16xf32>
    %select_n3A_3350 = arith.select %ge3A_3349, %broadcast_in_dim3A_872, %broadcast_in_dim3A_874 : vector<16xi1>, vector<16xi32>
    %sub3A_3351 = arith.subi %broadcast_in_dim3A_872, %select_n3A_3342 : vector<16xi32>
    %mul3A_3352 = arith.muli %sub3A_3351, %select_n3A_3346 : vector<16xi32>
    %mul3A_3353 = arith.muli %select_n3A_3342, %select_n3A_3346 : vector<16xi32>
    %mul3A_3354 = arith.muli %select_n3A_3350, %select_n3A_880 : vector<16xi32>
    %sub3A_3355 = arith.subi %broadcast_in_dim3A_872, %mul3A_3354 : vector<16xi32>
    %mul3A_3356 = arith.muli %mul3A_3353, %sub3A_3355 : vector<16xi32>
    %swap3A_3357 = arith.constant 0 : i32
    %swap3A_3358 = arith.index_cast %swap3A_3357 : i32 to index
    %swap3A_3359 = arith.constant 432 : index
    %swap3A_3360 = tpu.vector_load %arg7[%swap3A_3358, %swap3A_3359] {strides = array<i32>} : memref<7x512xi32, #tpu.memory_space<vmem>>, vector<1x16xi32>,
    %swap3A_3361 = vector.shape_cast %swap3A_3360 : vector<1x16xi32> to vector<16xi32>
    %swap3A_3362 = vector.shape_cast %broadcast_in_dim3A_872 : vector<16xi32> to vector<1x16xi32>
    tpu.vector_store %arg7[%swap3A_3358, %swap3A_3359], %swap3A_3362 {strides = array<i32>} : memref<7x512xi32, #tpu.memory_space<vmem>>, vector<1x16xi32>,
    %swap3A_3363 = arith.constant 1 : i32
    %swap3A_3364 = arith.index_cast %swap3A_3363 : i32 to index
    %swap3A_3365 = arith.constant 432 : index
    %swap3A_3366 = tpu.vector_load %arg7[%swap3A_3364, %swap3A_3365] {strides = array<i32>} : memref<7x512xi32, #tpu.memory_space<vmem>>, vector<1x16xi32>,
    %swap3A_3367 = vector.shape_cast %swap3A_3366 : vector<1x16xi32> to vector<16xi32>
    %swap3A_3368 = vector.shape_cast %mul3A_3352 : vector<16xi32> to vector<1x16xi32>
    tpu.vector_store %arg7[%swap3A_3364, %swap3A_3365], %swap3A_3368 {strides = array<i32>} : memref<7x512xi32, #tpu.memory_space<vmem>>, vector<1x16xi32>,
    %swap3A_3369 = arith.constant 2 : i32
    %swap3A_3370 = arith.index_cast %swap3A_3369 : i32 to index
    %swap3A_3371 = arith.constant 432 : index
    %swap3A_3372 = tpu.vector_load %arg7[%swap3A_3370, %swap3A_3371] {strides = array<i32>} : memref<7x512xi32, #tpu.memory_space<vmem>>, vector<1x16xi32>,
    %swap3A_3373 = vector.shape_cast %swap3A_3372 : vector<1x16xi32> to vector<16xi32>
    %swap3A_3374 = vector.shape_cast %mul3A_3352 : vector<16xi32> to vector<1x16xi32>
    tpu.vector_store %arg7[%swap3A_3370, %swap3A_3371], %swap3A_3374 {strides = array<i32>} : memref<7x512xi32, #tpu.memory_space<vmem>>, vector<1x16xi32>,
    %swap3A_3375 = arith.constant 3 : i32
    %swap3A_3376 = arith.index_cast %swap3A_3375 : i32 to index
    %swap3A_3377 = arith.constant 432 : index
    %swap3A_3378 = tpu.vector_load %arg7[%swap3A_3376, %swap3A_3377] {strides = array<i32>} : memref<7x512xi32, #tpu.memory_space<vmem>>, vector<1x16xi32>,
    %swap3A_3379 = vector.shape_cast %swap3A_3378 : vector<1x16xi32> to vector<16xi32>
    %swap3A_3380 = vector.shape_cast %mul3A_3352 : vector<16xi32> to vector<1x16xi32>
    tpu.vector_store %arg7[%swap3A_3376, %swap3A_3377], %swap3A_3380 {strides = array<i32>} : memref<7x512xi32, #tpu.memory_space<vmem>>, vector<1x16xi32>,
    %swap3A_3381 = arith.constant 4 : i32
    %swap3A_3382 = arith.index_cast %swap3A_3381 : i32 to index
    %swap3A_3383 = arith.constant 432 : index
    %swap3A_3384 = tpu.vector_load %arg7[%swap3A_3382, %swap3A_3383] {strides = array<i32>} : memref<7x512xi32, #tpu.memory_space<vmem>>, vector<1x16xi32>,
    %swap3A_3385 = vector.shape_cast %swap3A_3384 : vector<1x16xi32> to vector<16xi32>
    %swap3A_3386 = vector.shape_cast %select_n3A_3342 : vector<16xi32> to vector<1x16xi32>
    tpu.vector_store %arg7[%swap3A_3382, %swap3A_3383], %swap3A_3386 {strides = array<i32>} : memref<7x512xi32, #tpu.memory_space<vmem>>, vector<1x16xi32>,
    %swap3A_3387 = arith.constant 5 : i32
    %swap3A_3388 = arith.index_cast %swap3A_3387 : i32 to index
    %swap3A_3389 = arith.constant 432 : index
    %swap3A_3390 = tpu.vector_load %arg7[%swap3A_3388, %swap3A_3389] {strides = array<i32>} : memref<7x512xi32, #tpu.memory_space<vmem>>, vector<1x16xi32>,
    %swap3A_3391 = vector.shape_cast %swap3A_3390 : vector<1x16xi32> to vector<16xi32>
    %swap3A_3392 = vector.shape_cast %select_n3A_3342 : vector<16xi32> to vector<1x16xi32>
    tpu.vector_store %arg7[%swap3A_3388, %swap3A_3389], %swap3A_3392 {strides = array<i32>} : memref<7x512xi32, #tpu.memory_space<vmem>>, vector<1x16xi32>,
    %swap3A_3393 = arith.constant 6 : i32
    %swap3A_3394 = arith.index_cast %swap3A_3393 : i32 to index
    %swap3A_3395 = arith.constant 432 : index
    %swap3A_3396 = tpu.vector_load %arg7[%swap3A_3394, %swap3A_3395] {strides = array<i32>} : memref<7x512xi32, #tpu.memory_space<vmem>>, vector<1x16xi32>,
    %swap3A_3397 = vector.shape_cast %swap3A_3396 : vector<1x16xi32> to vector<16xi32>
    %swap3A_3398 = vector.shape_cast %mul3A_3356 : vector<16xi32> to vector<1x16xi32>
    tpu.vector_store %arg7[%swap3A_3394, %swap3A_3395], %swap3A_3398 {strides = array<i32>} : memref<7x512xi32, #tpu.memory_space<vmem>>, vector<1x16xi32>,
    %get3A_3399 = arith.constant 448 : index
    %get3A_3400 = tpu.vector_load %arg4[%get3A_3399] {strides = array<i32>} : memref<512xf32, #tpu.memory_space<vmem>>, vector<16xf32>,
    %get3A_3401 = vector.shape_cast %get3A_3400 : vector<16xf32> to vector<16xf32>
    %abs3A_3402 = math.absf %get3A_3401 : vector<16xf32>
    %lt3A_3403 = arith.constant 0x7F800000 : f32
    %lt3A_3404 = vector.broadcast %lt3A_3403 : f32 to vector<16xf32>
    %lt3A_3405 = arith.cmpf olt, %abs3A_3402, %lt3A_3404 : vector<16xf32>
    %jit3A_3406 = arith.constant 0.000000e+00 : f32
    %broadcast_in_dim3A_3407 = vector.broadcast %jit3A_3406 : f32 to vector<16xf32>
    %select_n3A_3408 = arith.select %lt3A_3405, %get3A_3401, %broadcast_in_dim3A_3407 : vector<16xi1>, vector<16xf32>
    %get3A_3409 = arith.constant 448 : index
    %get3A_3410 = tpu.vector_load %arg5[%get3A_3409] {strides = array<i32>} : memref<512xf32, #tpu.memory_space<vmem>>, vector<16xf32>,
    %get3A_3411 = vector.shape_cast %get3A_3410 : vector<16xf32> to vector<16xf32>
    %abs3A_3412 = math.absf %get3A_3411 : vector<16xf32>
    %lt3A_3413 = arith.constant 0x7F800000 : f32
    %lt3A_3414 = vector.broadcast %lt3A_3413 : f32 to vector<16xf32>
    %lt3A_3415 = arith.cmpf olt, %abs3A_3412, %lt3A_3414 : vector<16xf32>
    %jit3A_3416 = arith.constant 0.000000e+00 : f32
    %broadcast_in_dim3A_3417 = vector.broadcast %jit3A_3416 : f32 to vector<16xf32>
    %select_n3A_3418 = arith.select %lt3A_3415, %get3A_3411, %broadcast_in_dim3A_3417 : vector<16xi1>, vector<16xf32>
    %get3A_3419 = arith.constant 448 : index
    %get3A_3420 = tpu.vector_load %arg6[%get3A_3419] {strides = array<i32>} : memref<512xf32, #tpu.memory_space<vmem>>, vector<16xf32>,
    %get3A_3421 = vector.shape_cast %get3A_3420 : vector<16xf32> to vector<16xf32>
    %abs3A_3422 = math.absf %get3A_3421 : vector<16xf32>
    %lt3A_3423 = arith.constant 0x7F800000 : f32
    %lt3A_3424 = vector.broadcast %lt3A_3423 : f32 to vector<16xf32>
    %lt3A_3425 = arith.cmpf olt, %abs3A_3422, %lt3A_3424 : vector<16xf32>
    %jit3A_3426 = arith.constant 0.000000e+00 : f32
    %broadcast_in_dim3A_3427 = vector.broadcast %jit3A_3426 : f32 to vector<16xf32>
    %select_n3A_3428 = arith.select %lt3A_3425, %get3A_3421, %broadcast_in_dim3A_3427 : vector<16xi1>, vector<16xf32>
    %gt3A_3429 = arith.constant 5.000000e-01 : f32
    %gt3A_3430 = vector.broadcast %gt3A_3429 : f32 to vector<16xf32>
    %gt3A_3431 = arith.cmpf ogt, %select_n3A_3408, %gt3A_3430 : vector<16xf32>
    %select_n3A_3432 = arith.select %gt3A_3431, %broadcast_in_dim3A_872, %broadcast_in_dim3A_874 : vector<16xi1>, vector<16xi32>
    %lt3A_3433 = arith.constant 0.899999976 : f32
    %lt3A_3434 = vector.broadcast %lt3A_3433 : f32 to vector<16xf32>
    %lt3A_3435 = arith.cmpf olt, %select_n3A_3428, %lt3A_3434 : vector<16xf32>
    %select_n3A_3436 = arith.select %lt3A_3435, %broadcast_in_dim3A_872, %broadcast_in_dim3A_874 : vector<16xi1>, vector<16xi32>
    %ge3A_3437 = arith.constant 0.899999976 : f32
    %ge3A_3438 = vector.broadcast %ge3A_3437 : f32 to vector<16xf32>
    %ge3A_3439 = arith.cmpf oge, %select_n3A_3418, %ge3A_3438 : vector<16xf32>
    %select_n3A_3440 = arith.select %ge3A_3439, %broadcast_in_dim3A_872, %broadcast_in_dim3A_874 : vector<16xi1>, vector<16xi32>
    %sub3A_3441 = arith.subi %broadcast_in_dim3A_872, %select_n3A_3432 : vector<16xi32>
    %mul3A_3442 = arith.muli %sub3A_3441, %select_n3A_3436 : vector<16xi32>
    %mul3A_3443 = arith.muli %select_n3A_3432, %select_n3A_3436 : vector<16xi32>
    %mul3A_3444 = arith.muli %select_n3A_3440, %select_n3A_880 : vector<16xi32>
    %sub3A_3445 = arith.subi %broadcast_in_dim3A_872, %mul3A_3444 : vector<16xi32>
    %mul3A_3446 = arith.muli %mul3A_3443, %sub3A_3445 : vector<16xi32>
    %swap3A_3447 = arith.constant 0 : i32
    %swap3A_3448 = arith.index_cast %swap3A_3447 : i32 to index
    %swap3A_3449 = arith.constant 448 : index
    %swap3A_3450 = tpu.vector_load %arg7[%swap3A_3448, %swap3A_3449] {strides = array<i32>} : memref<7x512xi32, #tpu.memory_space<vmem>>, vector<1x16xi32>,
    %swap3A_3451 = vector.shape_cast %swap3A_3450 : vector<1x16xi32> to vector<16xi32>
    %swap3A_3452 = vector.shape_cast %broadcast_in_dim3A_872 : vector<16xi32> to vector<1x16xi32>
    tpu.vector_store %arg7[%swap3A_3448, %swap3A_3449], %swap3A_3452 {strides = array<i32>} : memref<7x512xi32, #tpu.memory_space<vmem>>, vector<1x16xi32>,
    %swap3A_3453 = arith.constant 1 : i32
    %swap3A_3454 = arith.index_cast %swap3A_3453 : i32 to index
    %swap3A_3455 = arith.constant 448 : index
    %swap3A_3456 = tpu.vector_load %arg7[%swap3A_3454, %swap3A_3455] {strides = array<i32>} : memref<7x512xi32, #tpu.memory_space<vmem>>, vector<1x16xi32>,
    %swap3A_3457 = vector.shape_cast %swap3A_3456 : vector<1x16xi32> to vector<16xi32>
    %swap3A_3458 = vector.shape_cast %mul3A_3442 : vector<16xi32> to vector<1x16xi32>
    tpu.vector_store %arg7[%swap3A_3454, %swap3A_3455], %swap3A_3458 {strides = array<i32>} : memref<7x512xi32, #tpu.memory_space<vmem>>, vector<1x16xi32>,
    %swap3A_3459 = arith.constant 2 : i32
    %swap3A_3460 = arith.index_cast %swap3A_3459 : i32 to index
    %swap3A_3461 = arith.constant 448 : index
    %swap3A_3462 = tpu.vector_load %arg7[%swap3A_3460, %swap3A_3461] {strides = array<i32>} : memref<7x512xi32, #tpu.memory_space<vmem>>, vector<1x16xi32>,
    %swap3A_3463 = vector.shape_cast %swap3A_3462 : vector<1x16xi32> to vector<16xi32>
    %swap3A_3464 = vector.shape_cast %mul3A_3442 : vector<16xi32> to vector<1x16xi32>
    tpu.vector_store %arg7[%swap3A_3460, %swap3A_3461], %swap3A_3464 {strides = array<i32>} : memref<7x512xi32, #tpu.memory_space<vmem>>, vector<1x16xi32>,
    %swap3A_3465 = arith.constant 3 : i32
    %swap3A_3466 = arith.index_cast %swap3A_3465 : i32 to index
    %swap3A_3467 = arith.constant 448 : index
    %swap3A_3468 = tpu.vector_load %arg7[%swap3A_3466, %swap3A_3467] {strides = array<i32>} : memref<7x512xi32, #tpu.memory_space<vmem>>, vector<1x16xi32>,
    %swap3A_3469 = vector.shape_cast %swap3A_3468 : vector<1x16xi32> to vector<16xi32>
    %swap3A_3470 = vector.shape_cast %mul3A_3442 : vector<16xi32> to vector<1x16xi32>
    tpu.vector_store %arg7[%swap3A_3466, %swap3A_3467], %swap3A_3470 {strides = array<i32>} : memref<7x512xi32, #tpu.memory_space<vmem>>, vector<1x16xi32>,
    %swap3A_3471 = arith.constant 4 : i32
    %swap3A_3472 = arith.index_cast %swap3A_3471 : i32 to index
    %swap3A_3473 = arith.constant 448 : index
    %swap3A_3474 = tpu.vector_load %arg7[%swap3A_3472, %swap3A_3473] {strides = array<i32>} : memref<7x512xi32, #tpu.memory_space<vmem>>, vector<1x16xi32>,
    %swap3A_3475 = vector.shape_cast %swap3A_3474 : vector<1x16xi32> to vector<16xi32>
    %swap3A_3476 = vector.shape_cast %select_n3A_3432 : vector<16xi32> to vector<1x16xi32>
    tpu.vector_store %arg7[%swap3A_3472, %swap3A_3473], %swap3A_3476 {strides = array<i32>} : memref<7x512xi32, #tpu.memory_space<vmem>>, vector<1x16xi32>,
    %swap3A_3477 = arith.constant 5 : i32
    %swap3A_3478 = arith.index_cast %swap3A_3477 : i32 to index
    %swap3A_3479 = arith.constant 448 : index
    %swap3A_3480 = tpu.vector_load %arg7[%swap3A_3478, %swap3A_3479] {strides = array<i32>} : memref<7x512xi32, #tpu.memory_space<vmem>>, vector<1x16xi32>,
    %swap3A_3481 = vector.shape_cast %swap3A_3480 : vector<1x16xi32> to vector<16xi32>
    %swap3A_3482 = vector.shape_cast %select_n3A_3432 : vector<16xi32> to vector<1x16xi32>
    tpu.vector_store %arg7[%swap3A_3478, %swap3A_3479], %swap3A_3482 {strides = array<i32>} : memref<7x512xi32, #tpu.memory_space<vmem>>, vector<1x16xi32>,
    %swap3A_3483 = arith.constant 6 : i32
    %swap3A_3484 = arith.index_cast %swap3A_3483 : i32 to index
    %swap3A_3485 = arith.constant 448 : index
    %swap3A_3486 = tpu.vector_load %arg7[%swap3A_3484, %swap3A_3485] {strides = array<i32>} : memref<7x512xi32, #tpu.memory_space<vmem>>, vector<1x16xi32>,
    %swap3A_3487 = vector.shape_cast %swap3A_3486 : vector<1x16xi32> to vector<16xi32>
    %swap3A_3488 = vector.shape_cast %mul3A_3446 : vector<16xi32> to vector<1x16xi32>
    tpu.vector_store %arg7[%swap3A_3484, %swap3A_3485], %swap3A_3488 {strides = array<i32>} : memref<7x512xi32, #tpu.memory_space<vmem>>, vector<1x16xi32>,
    %get3A_3489 = arith.constant 464 : index
    %get3A_3490 = tpu.vector_load %arg4[%get3A_3489] {strides = array<i32>} : memref<512xf32, #tpu.memory_space<vmem>>, vector<16xf32>,
    %get3A_3491 = vector.shape_cast %get3A_3490 : vector<16xf32> to vector<16xf32>
    %abs3A_3492 = math.absf %get3A_3491 : vector<16xf32>
    %lt3A_3493 = arith.constant 0x7F800000 : f32
    %lt3A_3494 = vector.broadcast %lt3A_3493 : f32 to vector<16xf32>
    %lt3A_3495 = arith.cmpf olt, %abs3A_3492, %lt3A_3494 : vector<16xf32>
    %jit3A_3496 = arith.constant 0.000000e+00 : f32
    %broadcast_in_dim3A_3497 = vector.broadcast %jit3A_3496 : f32 to vector<16xf32>
    %select_n3A_3498 = arith.select %lt3A_3495, %get3A_3491, %broadcast_in_dim3A_3497 : vector<16xi1>, vector<16xf32>
    %get3A_3499 = arith.constant 464 : index
    %get3A_3500 = tpu.vector_load %arg5[%get3A_3499] {strides = array<i32>} : memref<512xf32, #tpu.memory_space<vmem>>, vector<16xf32>,
    %get3A_3501 = vector.shape_cast %get3A_3500 : vector<16xf32> to vector<16xf32>
    %abs3A_3502 = math.absf %get3A_3501 : vector<16xf32>
    %lt3A_3503 = arith.constant 0x7F800000 : f32
    %lt3A_3504 = vector.broadcast %lt3A_3503 : f32 to vector<16xf32>
    %lt3A_3505 = arith.cmpf olt, %abs3A_3502, %lt3A_3504 : vector<16xf32>
    %jit3A_3506 = arith.constant 0.000000e+00 : f32
    %broadcast_in_dim3A_3507 = vector.broadcast %jit3A_3506 : f32 to vector<16xf32>
    %select_n3A_3508 = arith.select %lt3A_3505, %get3A_3501, %broadcast_in_dim3A_3507 : vector<16xi1>, vector<16xf32>
    %get3A_3509 = arith.constant 464 : index
    %get3A_3510 = tpu.vector_load %arg6[%get3A_3509] {strides = array<i32>} : memref<512xf32, #tpu.memory_space<vmem>>, vector<16xf32>,
    %get3A_3511 = vector.shape_cast %get3A_3510 : vector<16xf32> to vector<16xf32>
    %abs3A_3512 = math.absf %get3A_3511 : vector<16xf32>
    %lt3A_3513 = arith.constant 0x7F800000 : f32
    %lt3A_3514 = vector.broadcast %lt3A_3513 : f32 to vector<16xf32>
    %lt3A_3515 = arith.cmpf olt, %abs3A_3512, %lt3A_3514 : vector<16xf32>
    %jit3A_3516 = arith.constant 0.000000e+00 : f32
    %broadcast_in_dim3A_3517 = vector.broadcast %jit3A_3516 : f32 to vector<16xf32>
    %select_n3A_3518 = arith.select %lt3A_3515, %get3A_3511, %broadcast_in_dim3A_3517 : vector<16xi1>, vector<16xf32>
    %gt3A_3519 = arith.constant 5.000000e-01 : f32
    %gt3A_3520 = vector.broadcast %gt3A_3519 : f32 to vector<16xf32>
    %gt3A_3521 = arith.cmpf ogt, %select_n3A_3498, %gt3A_3520 : vector<16xf32>
    %select_n3A_3522 = arith.select %gt3A_3521, %broadcast_in_dim3A_872, %broadcast_in_dim3A_874 : vector<16xi1>, vector<16xi32>
    %lt3A_3523 = arith.constant 0.899999976 : f32
    %lt3A_3524 = vector.broadcast %lt3A_3523 : f32 to vector<16xf32>
    %lt3A_3525 = arith.cmpf olt, %select_n3A_3518, %lt3A_3524 : vector<16xf32>
    %select_n3A_3526 = arith.select %lt3A_3525, %broadcast_in_dim3A_872, %broadcast_in_dim3A_874 : vector<16xi1>, vector<16xi32>
    %ge3A_3527 = arith.constant 0.899999976 : f32
    %ge3A_3528 = vector.broadcast %ge3A_3527 : f32 to vector<16xf32>
    %ge3A_3529 = arith.cmpf oge, %select_n3A_3508, %ge3A_3528 : vector<16xf32>
    %select_n3A_3530 = arith.select %ge3A_3529, %broadcast_in_dim3A_872, %broadcast_in_dim3A_874 : vector<16xi1>, vector<16xi32>
    %sub3A_3531 = arith.subi %broadcast_in_dim3A_872, %select_n3A_3522 : vector<16xi32>
    %mul3A_3532 = arith.muli %sub3A_3531, %select_n3A_3526 : vector<16xi32>
    %mul3A_3533 = arith.muli %select_n3A_3522, %select_n3A_3526 : vector<16xi32>
    %mul3A_3534 = arith.muli %select_n3A_3530, %select_n3A_880 : vector<16xi32>
    %sub3A_3535 = arith.subi %broadcast_in_dim3A_872, %mul3A_3534 : vector<16xi32>
    %mul3A_3536 = arith.muli %mul3A_3533, %sub3A_3535 : vector<16xi32>
    %swap3A_3537 = arith.constant 0 : i32
    %swap3A_3538 = arith.index_cast %swap3A_3537 : i32 to index
    %swap3A_3539 = arith.constant 464 : index
    %swap3A_3540 = tpu.vector_load %arg7[%swap3A_3538, %swap3A_3539] {strides = array<i32>} : memref<7x512xi32, #tpu.memory_space<vmem>>, vector<1x16xi32>,
    %swap3A_3541 = vector.shape_cast %swap3A_3540 : vector<1x16xi32> to vector<16xi32>
    %swap3A_3542 = vector.shape_cast %broadcast_in_dim3A_872 : vector<16xi32> to vector<1x16xi32>
    tpu.vector_store %arg7[%swap3A_3538, %swap3A_3539], %swap3A_3542 {strides = array<i32>} : memref<7x512xi32, #tpu.memory_space<vmem>>, vector<1x16xi32>,
    %swap3A_3543 = arith.constant 1 : i32
    %swap3A_3544 = arith.index_cast %swap3A_3543 : i32 to index
    %swap3A_3545 = arith.constant 464 : index
    %swap3A_3546 = tpu.vector_load %arg7[%swap3A_3544, %swap3A_3545] {strides = array<i32>} : memref<7x512xi32, #tpu.memory_space<vmem>>, vector<1x16xi32>,
    %swap3A_3547 = vector.shape_cast %swap3A_3546 : vector<1x16xi32> to vector<16xi32>
    %swap3A_3548 = vector.shape_cast %mul3A_3532 : vector<16xi32> to vector<1x16xi32>
    tpu.vector_store %arg7[%swap3A_3544, %swap3A_3545], %swap3A_3548 {strides = array<i32>} : memref<7x512xi32, #tpu.memory_space<vmem>>, vector<1x16xi32>,
    %swap3A_3549 = arith.constant 2 : i32
    %swap3A_3550 = arith.index_cast %swap3A_3549 : i32 to index
    %swap3A_3551 = arith.constant 464 : index
    %swap3A_3552 = tpu.vector_load %arg7[%swap3A_3550, %swap3A_3551] {strides = array<i32>} : memref<7x512xi32, #tpu.memory_space<vmem>>, vector<1x16xi32>,
    %swap3A_3553 = vector.shape_cast %swap3A_3552 : vector<1x16xi32> to vector<16xi32>
    %swap3A_3554 = vector.shape_cast %mul3A_3532 : vector<16xi32> to vector<1x16xi32>
    tpu.vector_store %arg7[%swap3A_3550, %swap3A_3551], %swap3A_3554 {strides = array<i32>} : memref<7x512xi32, #tpu.memory_space<vmem>>, vector<1x16xi32>,
    %swap3A_3555 = arith.constant 3 : i32
    %swap3A_3556 = arith.index_cast %swap3A_3555 : i32 to index
    %swap3A_3557 = arith.constant 464 : index
    %swap3A_3558 = tpu.vector_load %arg7[%swap3A_3556, %swap3A_3557] {strides = array<i32>} : memref<7x512xi32, #tpu.memory_space<vmem>>, vector<1x16xi32>,
    %swap3A_3559 = vector.shape_cast %swap3A_3558 : vector<1x16xi32> to vector<16xi32>
    %swap3A_3560 = vector.shape_cast %mul3A_3532 : vector<16xi32> to vector<1x16xi32>
    tpu.vector_store %arg7[%swap3A_3556, %swap3A_3557], %swap3A_3560 {strides = array<i32>} : memref<7x512xi32, #tpu.memory_space<vmem>>, vector<1x16xi32>,
    %swap3A_3561 = arith.constant 4 : i32
    %swap3A_3562 = arith.index_cast %swap3A_3561 : i32 to index
    %swap3A_3563 = arith.constant 464 : index
    %swap3A_3564 = tpu.vector_load %arg7[%swap3A_3562, %swap3A_3563] {strides = array<i32>} : memref<7x512xi32, #tpu.memory_space<vmem>>, vector<1x16xi32>,
    %swap3A_3565 = vector.shape_cast %swap3A_3564 : vector<1x16xi32> to vector<16xi32>
    %swap3A_3566 = vector.shape_cast %select_n3A_3522 : vector<16xi32> to vector<1x16xi32>
    tpu.vector_store %arg7[%swap3A_3562, %swap3A_3563], %swap3A_3566 {strides = array<i32>} : memref<7x512xi32, #tpu.memory_space<vmem>>, vector<1x16xi32>,
    %swap3A_3567 = arith.constant 5 : i32
    %swap3A_3568 = arith.index_cast %swap3A_3567 : i32 to index
    %swap3A_3569 = arith.constant 464 : index
    %swap3A_3570 = tpu.vector_load %arg7[%swap3A_3568, %swap3A_3569] {strides = array<i32>} : memref<7x512xi32, #tpu.memory_space<vmem>>, vector<1x16xi32>,
    %swap3A_3571 = vector.shape_cast %swap3A_3570 : vector<1x16xi32> to vector<16xi32>
    %swap3A_3572 = vector.shape_cast %select_n3A_3522 : vector<16xi32> to vector<1x16xi32>
    tpu.vector_store %arg7[%swap3A_3568, %swap3A_3569], %swap3A_3572 {strides = array<i32>} : memref<7x512xi32, #tpu.memory_space<vmem>>, vector<1x16xi32>,
    %swap3A_3573 = arith.constant 6 : i32
    %swap3A_3574 = arith.index_cast %swap3A_3573 : i32 to index
    %swap3A_3575 = arith.constant 464 : index
    %swap3A_3576 = tpu.vector_load %arg7[%swap3A_3574, %swap3A_3575] {strides = array<i32>} : memref<7x512xi32, #tpu.memory_space<vmem>>, vector<1x16xi32>,
    %swap3A_3577 = vector.shape_cast %swap3A_3576 : vector<1x16xi32> to vector<16xi32>
    %swap3A_3578 = vector.shape_cast %mul3A_3536 : vector<16xi32> to vector<1x16xi32>
    tpu.vector_store %arg7[%swap3A_3574, %swap3A_3575], %swap3A_3578 {strides = array<i32>} : memref<7x512xi32, #tpu.memory_space<vmem>>, vector<1x16xi32>,
    %get3A_3579 = arith.constant 480 : index
    %get3A_3580 = tpu.vector_load %arg4[%get3A_3579] {strides = array<i32>} : memref<512xf32, #tpu.memory_space<vmem>>, vector<16xf32>,
    %get3A_3581 = vector.shape_cast %get3A_3580 : vector<16xf32> to vector<16xf32>
    %abs3A_3582 = math.absf %get3A_3581 : vector<16xf32>
    %lt3A_3583 = arith.constant 0x7F800000 : f32
    %lt3A_3584 = vector.broadcast %lt3A_3583 : f32 to vector<16xf32>
    %lt3A_3585 = arith.cmpf olt, %abs3A_3582, %lt3A_3584 : vector<16xf32>
    %jit3A_3586 = arith.constant 0.000000e+00 : f32
    %broadcast_in_dim3A_3587 = vector.broadcast %jit3A_3586 : f32 to vector<16xf32>
    %select_n3A_3588 = arith.select %lt3A_3585, %get3A_3581, %broadcast_in_dim3A_3587 : vector<16xi1>, vector<16xf32>
    %get3A_3589 = arith.constant 480 : index
    %get3A_3590 = tpu.vector_load %arg5[%get3A_3589] {strides = array<i32>} : memref<512xf32, #tpu.memory_space<vmem>>, vector<16xf32>,
    %get3A_3591 = vector.shape_cast %get3A_3590 : vector<16xf32> to vector<16xf32>
    %abs3A_3592 = math.absf %get3A_3591 : vector<16xf32>
    %lt3A_3593 = arith.constant 0x7F800000 : f32
    %lt3A_3594 = vector.broadcast %lt3A_3593 : f32 to vector<16xf32>
    %lt3A_3595 = arith.cmpf olt, %abs3A_3592, %lt3A_3594 : vector<16xf32>
    %jit3A_3596 = arith.constant 0.000000e+00 : f32
    %broadcast_in_dim3A_3597 = vector.broadcast %jit3A_3596 : f32 to vector<16xf32>
    %select_n3A_3598 = arith.select %lt3A_3595, %get3A_3591, %broadcast_in_dim3A_3597 : vector<16xi1>, vector<16xf32>
    %get3A_3599 = arith.constant 480 : index
    %get3A_3600 = tpu.vector_load %arg6[%get3A_3599] {strides = array<i32>} : memref<512xf32, #tpu.memory_space<vmem>>, vector<16xf32>,
    %get3A_3601 = vector.shape_cast %get3A_3600 : vector<16xf32> to vector<16xf32>
    %abs3A_3602 = math.absf %get3A_3601 : vector<16xf32>
    %lt3A_3603 = arith.constant 0x7F800000 : f32
    %lt3A_3604 = vector.broadcast %lt3A_3603 : f32 to vector<16xf32>
    %lt3A_3605 = arith.cmpf olt, %abs3A_3602, %lt3A_3604 : vector<16xf32>
    %jit3A_3606 = arith.constant 0.000000e+00 : f32
    %broadcast_in_dim3A_3607 = vector.broadcast %jit3A_3606 : f32 to vector<16xf32>
    %select_n3A_3608 = arith.select %lt3A_3605, %get3A_3601, %broadcast_in_dim3A_3607 : vector<16xi1>, vector<16xf32>
    %gt3A_3609 = arith.constant 5.000000e-01 : f32
    %gt3A_3610 = vector.broadcast %gt3A_3609 : f32 to vector<16xf32>
    %gt3A_3611 = arith.cmpf ogt, %select_n3A_3588, %gt3A_3610 : vector<16xf32>
    %select_n3A_3612 = arith.select %gt3A_3611, %broadcast_in_dim3A_872, %broadcast_in_dim3A_874 : vector<16xi1>, vector<16xi32>
    %lt3A_3613 = arith.constant 0.899999976 : f32
    %lt3A_3614 = vector.broadcast %lt3A_3613 : f32 to vector<16xf32>
    %lt3A_3615 = arith.cmpf olt, %select_n3A_3608, %lt3A_3614 : vector<16xf32>
    %select_n3A_3616 = arith.select %lt3A_3615, %broadcast_in_dim3A_872, %broadcast_in_dim3A_874 : vector<16xi1>, vector<16xi32>
    %ge3A_3617 = arith.constant 0.899999976 : f32
    %ge3A_3618 = vector.broadcast %ge3A_3617 : f32 to vector<16xf32>
    %ge3A_3619 = arith.cmpf oge, %select_n3A_3598, %ge3A_3618 : vector<16xf32>
    %select_n3A_3620 = arith.select %ge3A_3619, %broadcast_in_dim3A_872, %broadcast_in_dim3A_874 : vector<16xi1>, vector<16xi32>
    %sub3A_3621 = arith.subi %broadcast_in_dim3A_872, %select_n3A_3612 : vector<16xi32>
    %mul3A_3622 = arith.muli %sub3A_3621, %select_n3A_3616 : vector<16xi32>
    %mul3A_3623 = arith.muli %select_n3A_3612, %select_n3A_3616 : vector<16xi32>
    %mul3A_3624 = arith.muli %select_n3A_3620, %select_n3A_880 : vector<16xi32>
    %sub3A_3625 = arith.subi %broadcast_in_dim3A_872, %mul3A_3624 : vector<16xi32>
    %mul3A_3626 = arith.muli %mul3A_3623, %sub3A_3625 : vector<16xi32>
    %swap3A_3627 = arith.constant 0 : i32
    %swap3A_3628 = arith.index_cast %swap3A_3627 : i32 to index
    %swap3A_3629 = arith.constant 480 : index
    %swap3A_3630 = tpu.vector_load %arg7[%swap3A_3628, %swap3A_3629] {strides = array<i32>} : memref<7x512xi32, #tpu.memory_space<vmem>>, vector<1x16xi32>,
    %swap3A_3631 = vector.shape_cast %swap3A_3630 : vector<1x16xi32> to vector<16xi32>
    %swap3A_3632 = vector.shape_cast %broadcast_in_dim3A_872 : vector<16xi32> to vector<1x16xi32>
    tpu.vector_store %arg7[%swap3A_3628, %swap3A_3629], %swap3A_3632 {strides = array<i32>} : memref<7x512xi32, #tpu.memory_space<vmem>>, vector<1x16xi32>,
    %swap3A_3633 = arith.constant 1 : i32
    %swap3A_3634 = arith.index_cast %swap3A_3633 : i32 to index
    %swap3A_3635 = arith.constant 480 : index
    %swap3A_3636 = tpu.vector_load %arg7[%swap3A_3634, %swap3A_3635] {strides = array<i32>} : memref<7x512xi32, #tpu.memory_space<vmem>>, vector<1x16xi32>,
    %swap3A_3637 = vector.shape_cast %swap3A_3636 : vector<1x16xi32> to vector<16xi32>
    %swap3A_3638 = vector.shape_cast %mul3A_3622 : vector<16xi32> to vector<1x16xi32>
    tpu.vector_store %arg7[%swap3A_3634, %swap3A_3635], %swap3A_3638 {strides = array<i32>} : memref<7x512xi32, #tpu.memory_space<vmem>>, vector<1x16xi32>,
    %swap3A_3639 = arith.constant 2 : i32
    %swap3A_3640 = arith.index_cast %swap3A_3639 : i32 to index
    %swap3A_3641 = arith.constant 480 : index
    %swap3A_3642 = tpu.vector_load %arg7[%swap3A_3640, %swap3A_3641] {strides = array<i32>} : memref<7x512xi32, #tpu.memory_space<vmem>>, vector<1x16xi32>,
    %swap3A_3643 = vector.shape_cast %swap3A_3642 : vector<1x16xi32> to vector<16xi32>
    %swap3A_3644 = vector.shape_cast %mul3A_3622 : vector<16xi32> to vector<1x16xi32>
    tpu.vector_store %arg7[%swap3A_3640, %swap3A_3641], %swap3A_3644 {strides = array<i32>} : memref<7x512xi32, #tpu.memory_space<vmem>>, vector<1x16xi32>,
    %swap3A_3645 = arith.constant 3 : i32
    %swap3A_3646 = arith.index_cast %swap3A_3645 : i32 to index
    %swap3A_3647 = arith.constant 480 : index
    %swap3A_3648 = tpu.vector_load %arg7[%swap3A_3646, %swap3A_3647] {strides = array<i32>} : memref<7x512xi32, #tpu.memory_space<vmem>>, vector<1x16xi32>,
    %swap3A_3649 = vector.shape_cast %swap3A_3648 : vector<1x16xi32> to vector<16xi32>
    %swap3A_3650 = vector.shape_cast %mul3A_3622 : vector<16xi32> to vector<1x16xi32>
    tpu.vector_store %arg7[%swap3A_3646, %swap3A_3647], %swap3A_3650 {strides = array<i32>} : memref<7x512xi32, #tpu.memory_space<vmem>>, vector<1x16xi32>,
    %swap3A_3651 = arith.constant 4 : i32
    %swap3A_3652 = arith.index_cast %swap3A_3651 : i32 to index
    %swap3A_3653 = arith.constant 480 : index
    %swap3A_3654 = tpu.vector_load %arg7[%swap3A_3652, %swap3A_3653] {strides = array<i32>} : memref<7x512xi32, #tpu.memory_space<vmem>>, vector<1x16xi32>,
    %swap3A_3655 = vector.shape_cast %swap3A_3654 : vector<1x16xi32> to vector<16xi32>
    %swap3A_3656 = vector.shape_cast %select_n3A_3612 : vector<16xi32> to vector<1x16xi32>
    tpu.vector_store %arg7[%swap3A_3652, %swap3A_3653], %swap3A_3656 {strides = array<i32>} : memref<7x512xi32, #tpu.memory_space<vmem>>, vector<1x16xi32>,
    %swap3A_3657 = arith.constant 5 : i32
    %swap3A_3658 = arith.index_cast %swap3A_3657 : i32 to index
    %swap3A_3659 = arith.constant 480 : index
    %swap3A_3660 = tpu.vector_load %arg7[%swap3A_3658, %swap3A_3659] {strides = array<i32>} : memref<7x512xi32, #tpu.memory_space<vmem>>, vector<1x16xi32>,
    %swap3A_3661 = vector.shape_cast %swap3A_3660 : vector<1x16xi32> to vector<16xi32>
    %swap3A_3662 = vector.shape_cast %select_n3A_3612 : vector<16xi32> to vector<1x16xi32>
    tpu.vector_store %arg7[%swap3A_3658, %swap3A_3659], %swap3A_3662 {strides = array<i32>} : memref<7x512xi32, #tpu.memory_space<vmem>>, vector<1x16xi32>,
    %swap3A_3663 = arith.constant 6 : i32
    %swap3A_3664 = arith.index_cast %swap3A_3663 : i32 to index
    %swap3A_3665 = arith.constant 480 : index
    %swap3A_3666 = tpu.vector_load %arg7[%swap3A_3664, %swap3A_3665] {strides = array<i32>} : memref<7x512xi32, #tpu.memory_space<vmem>>, vector<1x16xi32>,
    %swap3A_3667 = vector.shape_cast %swap3A_3666 : vector<1x16xi32> to vector<16xi32>
    %swap3A_3668 = vector.shape_cast %mul3A_3626 : vector<16xi32> to vector<1x16xi32>
    tpu.vector_store %arg7[%swap3A_3664, %swap3A_3665], %swap3A_3668 {strides = array<i32>} : memref<7x512xi32, #tpu.memory_space<vmem>>, vector<1x16xi32>,
    %get3A_3669 = arith.constant 496 : index
    %get3A_3670 = tpu.vector_load %arg4[%get3A_3669] {strides = array<i32>} : memref<512xf32, #tpu.memory_space<vmem>>, vector<16xf32>,
    %get3A_3671 = vector.shape_cast %get3A_3670 : vector<16xf32> to vector<16xf32>
    %abs3A_3672 = math.absf %get3A_3671 : vector<16xf32>
    %lt3A_3673 = arith.constant 0x7F800000 : f32
    %lt3A_3674 = vector.broadcast %lt3A_3673 : f32 to vector<16xf32>
    %lt3A_3675 = arith.cmpf olt, %abs3A_3672, %lt3A_3674 : vector<16xf32>
    %jit3A_3676 = arith.constant 0.000000e+00 : f32
    %broadcast_in_dim3A_3677 = vector.broadcast %jit3A_3676 : f32 to vector<16xf32>
    %select_n3A_3678 = arith.select %lt3A_3675, %get3A_3671, %broadcast_in_dim3A_3677 : vector<16xi1>, vector<16xf32>
    %get3A_3679 = arith.constant 496 : index
    %get3A_3680 = tpu.vector_load %arg5[%get3A_3679] {strides = array<i32>} : memref<512xf32, #tpu.memory_space<vmem>>, vector<16xf32>,
    %get3A_3681 = vector.shape_cast %get3A_3680 : vector<16xf32> to vector<16xf32>
    %abs3A_3682 = math.absf %get3A_3681 : vector<16xf32>
    %lt3A_3683 = arith.constant 0x7F800000 : f32
    %lt3A_3684 = vector.broadcast %lt3A_3683 : f32 to vector<16xf32>
    %lt3A_3685 = arith.cmpf olt, %abs3A_3682, %lt3A_3684 : vector<16xf32>
    %jit3A_3686 = arith.constant 0.000000e+00 : f32
    %broadcast_in_dim3A_3687 = vector.broadcast %jit3A_3686 : f32 to vector<16xf32>
    %select_n3A_3688 = arith.select %lt3A_3685, %get3A_3681, %broadcast_in_dim3A_3687 : vector<16xi1>, vector<16xf32>
    %get3A_3689 = arith.constant 496 : index
    %get3A_3690 = tpu.vector_load %arg6[%get3A_3689] {strides = array<i32>} : memref<512xf32, #tpu.memory_space<vmem>>, vector<16xf32>,
    %get3A_3691 = vector.shape_cast %get3A_3690 : vector<16xf32> to vector<16xf32>
    %abs3A_3692 = math.absf %get3A_3691 : vector<16xf32>
    %lt3A_3693 = arith.constant 0x7F800000 : f32
    %lt3A_3694 = vector.broadcast %lt3A_3693 : f32 to vector<16xf32>
    %lt3A_3695 = arith.cmpf olt, %abs3A_3692, %lt3A_3694 : vector<16xf32>
    %jit3A_3696 = arith.constant 0.000000e+00 : f32
    %broadcast_in_dim3A_3697 = vector.broadcast %jit3A_3696 : f32 to vector<16xf32>
    %select_n3A_3698 = arith.select %lt3A_3695, %get3A_3691, %broadcast_in_dim3A_3697 : vector<16xi1>, vector<16xf32>
    %gt3A_3699 = arith.constant 5.000000e-01 : f32
    %gt3A_3700 = vector.broadcast %gt3A_3699 : f32 to vector<16xf32>
    %gt3A_3701 = arith.cmpf ogt, %select_n3A_3678, %gt3A_3700 : vector<16xf32>
    %select_n3A_3702 = arith.select %gt3A_3701, %broadcast_in_dim3A_872, %broadcast_in_dim3A_874 : vector<16xi1>, vector<16xi32>
    %lt3A_3703 = arith.constant 0.899999976 : f32
    %lt3A_3704 = vector.broadcast %lt3A_3703 : f32 to vector<16xf32>
    %lt3A_3705 = arith.cmpf olt, %select_n3A_3698, %lt3A_3704 : vector<16xf32>
    %select_n3A_3706 = arith.select %lt3A_3705, %broadcast_in_dim3A_872, %broadcast_in_dim3A_874 : vector<16xi1>, vector<16xi32>
    %ge3A_3707 = arith.constant 0.899999976 : f32
    %ge3A_3708 = vector.broadcast %ge3A_3707 : f32 to vector<16xf32>
    %ge3A_3709 = arith.cmpf oge, %select_n3A_3688, %ge3A_3708 : vector<16xf32>
    %select_n3A_3710 = arith.select %ge3A_3709, %broadcast_in_dim3A_872, %broadcast_in_dim3A_874 : vector<16xi1>, vector<16xi32>
    %sub3A_3711 = arith.subi %broadcast_in_dim3A_872, %select_n3A_3702 : vector<16xi32>
    %mul3A_3712 = arith.muli %sub3A_3711, %select_n3A_3706 : vector<16xi32>
    %mul3A_3713 = arith.muli %select_n3A_3702, %select_n3A_3706 : vector<16xi32>
    %mul3A_3714 = arith.muli %select_n3A_3710, %select_n3A_880 : vector<16xi32>
    %sub3A_3715 = arith.subi %broadcast_in_dim3A_872, %mul3A_3714 : vector<16xi32>
    %mul3A_3716 = arith.muli %mul3A_3713, %sub3A_3715 : vector<16xi32>
    %swap3A_3717 = arith.constant 0 : i32
    %swap3A_3718 = arith.index_cast %swap3A_3717 : i32 to index
    %swap3A_3719 = arith.constant 496 : index
    %swap3A_3720 = tpu.vector_load %arg7[%swap3A_3718, %swap3A_3719] {strides = array<i32>} : memref<7x512xi32, #tpu.memory_space<vmem>>, vector<1x16xi32>,
    %swap3A_3721 = vector.shape_cast %swap3A_3720 : vector<1x16xi32> to vector<16xi32>
    %swap3A_3722 = vector.shape_cast %broadcast_in_dim3A_872 : vector<16xi32> to vector<1x16xi32>
    tpu.vector_store %arg7[%swap3A_3718, %swap3A_3719], %swap3A_3722 {strides = array<i32>} : memref<7x512xi32, #tpu.memory_space<vmem>>, vector<1x16xi32>,
    %swap3A_3723 = arith.constant 1 : i32
    %swap3A_3724 = arith.index_cast %swap3A_3723 : i32 to index
    %swap3A_3725 = arith.constant 496 : index
    %swap3A_3726 = tpu.vector_load %arg7[%swap3A_3724, %swap3A_3725] {strides = array<i32>} : memref<7x512xi32, #tpu.memory_space<vmem>>, vector<1x16xi32>,
    %swap3A_3727 = vector.shape_cast %swap3A_3726 : vector<1x16xi32> to vector<16xi32>
    %swap3A_3728 = vector.shape_cast %mul3A_3712 : vector<16xi32> to vector<1x16xi32>
    tpu.vector_store %arg7[%swap3A_3724, %swap3A_3725], %swap3A_3728 {strides = array<i32>} : memref<7x512xi32, #tpu.memory_space<vmem>>, vector<1x16xi32>,
    %swap3A_3729 = arith.constant 2 : i32
    %swap3A_3730 = arith.index_cast %swap3A_3729 : i32 to index
    %swap3A_3731 = arith.constant 496 : index
    %swap3A_3732 = tpu.vector_load %arg7[%swap3A_3730, %swap3A_3731] {strides = array<i32>} : memref<7x512xi32, #tpu.memory_space<vmem>>, vector<1x16xi32>,
    %swap3A_3733 = vector.shape_cast %swap3A_3732 : vector<1x16xi32> to vector<16xi32>
    %swap3A_3734 = vector.shape_cast %mul3A_3712 : vector<16xi32> to vector<1x16xi32>
    tpu.vector_store %arg7[%swap3A_3730, %swap3A_3731], %swap3A_3734 {strides = array<i32>} : memref<7x512xi32, #tpu.memory_space<vmem>>, vector<1x16xi32>,
    %swap3A_3735 = arith.constant 3 : i32
    %swap3A_3736 = arith.index_cast %swap3A_3735 : i32 to index
    %swap3A_3737 = arith.constant 496 : index
    %swap3A_3738 = tpu.vector_load %arg7[%swap3A_3736, %swap3A_3737] {strides = array<i32>} : memref<7x512xi32, #tpu.memory_space<vmem>>, vector<1x16xi32>,
    %swap3A_3739 = vector.shape_cast %swap3A_3738 : vector<1x16xi32> to vector<16xi32>
    %swap3A_3740 = vector.shape_cast %mul3A_3712 : vector<16xi32> to vector<1x16xi32>
    tpu.vector_store %arg7[%swap3A_3736, %swap3A_3737], %swap3A_3740 {strides = array<i32>} : memref<7x512xi32, #tpu.memory_space<vmem>>, vector<1x16xi32>,
    %swap3A_3741 = arith.constant 4 : i32
    %swap3A_3742 = arith.index_cast %swap3A_3741 : i32 to index
    %swap3A_3743 = arith.constant 496 : index
    %swap3A_3744 = tpu.vector_load %arg7[%swap3A_3742, %swap3A_3743] {strides = array<i32>} : memref<7x512xi32, #tpu.memory_space<vmem>>, vector<1x16xi32>,
    %swap3A_3745 = vector.shape_cast %swap3A_3744 : vector<1x16xi32> to vector<16xi32>
    %swap3A_3746 = vector.shape_cast %select_n3A_3702 : vector<16xi32> to vector<1x16xi32>
    tpu.vector_store %arg7[%swap3A_3742, %swap3A_3743], %swap3A_3746 {strides = array<i32>} : memref<7x512xi32, #tpu.memory_space<vmem>>, vector<1x16xi32>,
    %swap3A_3747 = arith.constant 5 : i32
    %swap3A_3748 = arith.index_cast %swap3A_3747 : i32 to index
    %swap3A_3749 = arith.constant 496 : index
    %swap3A_3750 = tpu.vector_load %arg7[%swap3A_3748, %swap3A_3749] {strides = array<i32>} : memref<7x512xi32, #tpu.memory_space<vmem>>, vector<1x16xi32>,
    %swap3A_3751 = vector.shape_cast %swap3A_3750 : vector<1x16xi32> to vector<16xi32>
    %swap3A_3752 = vector.shape_cast %select_n3A_3702 : vector<16xi32> to vector<1x16xi32>
    tpu.vector_store %arg7[%swap3A_3748, %swap3A_3749], %swap3A_3752 {strides = array<i32>} : memref<7x512xi32, #tpu.memory_space<vmem>>, vector<1x16xi32>,
    %swap3A_3753 = arith.constant 6 : i32
    %swap3A_3754 = arith.index_cast %swap3A_3753 : i32 to index
    %swap3A_3755 = arith.constant 496 : index
    %swap3A_3756 = tpu.vector_load %arg7[%swap3A_3754, %swap3A_3755] {strides = array<i32>} : memref<7x512xi32, #tpu.memory_space<vmem>>, vector<1x16xi32>,
    %swap3A_3757 = vector.shape_cast %swap3A_3756 : vector<1x16xi32> to vector<16xi32>
    %swap3A_3758 = vector.shape_cast %mul3A_3716 : vector<16xi32> to vector<1x16xi32>
    tpu.vector_store %arg7[%swap3A_3754, %swap3A_3755], %swap3A_3758 {strides = array<i32>} : memref<7x512xi32, #tpu.memory_space<vmem>>, vector<1x16xi32>,
    "tpu.region"() ({
      %run_scoped3A = tpu.sem_alloc : memref<!tpu.dma_semaphore, #tpu.memory_space<semaphore_mem>>
      %dma_start3A = arith.constant 0 : i32
      %dma_start3A_3759 = arith.constant 0 : i32
      %dma_start3A_3760 = tpu.memref_slice %arg7[%dma_start3A, %dma_start3A_3759] : memref<7x512xi32, #tpu.memory_space<vmem>> -> memref<1x512xi32, #tpu.memory_space<vmem>>
      %dma_start3A_3761 = arith.constant 0 : i32
      %dma_start3A_3762 = tpu.memref_slice %arg3[%dma_start3A_3761, %mul3A_2] : memref<7x16384xi32, #tpu.memory_space<hbm>> -> memref<1x512xi32, #tpu.memory_space<hbm>>
      %dma_start3A_3763 = arith.constant 0 : i32
      %dma_start3A_3764 = tpu.memref_slice %arg3[%dma_start3A_3763, %mul3A_2] : memref<7x16384xi32, #tpu.memory_space<hbm>> -> memref<1x512xi32, #tpu.memory_space<hbm>>
      %dma_start3A_3765 = arith.constant 0 : i32
      %dma_start3A_3766 = arith.constant 0 : i32
      %dma_start3A_3767 = tpu.memref_slice %arg7[%dma_start3A_3765, %dma_start3A_3766] : memref<7x512xi32, #tpu.memory_space<vmem>> -> memref<1x512xi32, #tpu.memory_space<vmem>>
      tpu.enqueue_dma source(%dma_start3A_3767 : memref<1x512xi32, #tpu.memory_space<vmem>>) target(%dma_start3A_3764 : memref<1x512xi32, #tpu.memory_space<hbm>>) target_semaphore(%run_scoped3A : memref<!tpu.dma_semaphore, #tpu.memory_space<semaphore_mem>>)
      %dma_wait3A = arith.constant 0 : i32
      %dma_wait3A_3768 = arith.constant 0 : i32
      %dma_wait3A_3769 = tpu.memref_slice %arg7[%dma_wait3A, %dma_wait3A_3768] : memref<7x512xi32, #tpu.memory_space<vmem>> -> memref<1x512xi32, #tpu.memory_space<vmem>>
      %dma_wait3A_3770 = arith.constant 0 : i32
      %dma_wait3A_3771 = tpu.memref_slice %arg3[%dma_wait3A_3770, %mul3A_2] : memref<7x16384xi32, #tpu.memory_space<hbm>> -> memref<1x512xi32, #tpu.memory_space<hbm>>
      %dma_wait3A_3772 = arith.constant 0 : i32
      %dma_wait3A_3773 = tpu.memref_slice %arg3[%dma_wait3A_3772, %mul3A_2] : memref<7x16384xi32, #tpu.memory_space<hbm>> -> memref<1x512xi32, #tpu.memory_space<hbm>>
      %dma_wait3A_3774 = arith.constant 0 : i32
      %dma_wait3A_3775 = arith.constant 0 : i32
      %dma_wait3A_3776 = tpu.memref_slice %arg7[%dma_wait3A_3774, %dma_wait3A_3775] : memref<7x512xi32, #tpu.memory_space<vmem>> -> memref<1x512xi32, #tpu.memory_space<vmem>>
      tpu.wait_dma2 semaphore(%run_scoped3A : memref<!tpu.dma_semaphore, #tpu.memory_space<semaphore_mem>>) src(%dma_wait3A_3776 : memref<1x512xi32, #tpu.memory_space<vmem>>) dst(%dma_wait3A_3773 : memref<1x512xi32, #tpu.memory_space<hbm>>)
      tpu.yield
    }) : () -> ()
    "tpu.region"() ({
      %run_scoped3A = tpu.sem_alloc : memref<!tpu.dma_semaphore, #tpu.memory_space<semaphore_mem>>
      %dma_start3A = arith.constant 1 : i32
      %dma_start3A_3759 = arith.constant 0 : i32
      %dma_start3A_3760 = tpu.memref_slice %arg7[%dma_start3A, %dma_start3A_3759] : memref<7x512xi32, #tpu.memory_space<vmem>> -> memref<1x512xi32, #tpu.memory_space<vmem>>
      %dma_start3A_3761 = arith.constant 1 : i32
      %dma_start3A_3762 = tpu.memref_slice %arg3[%dma_start3A_3761, %mul3A_2] : memref<7x16384xi32, #tpu.memory_space<hbm>> -> memref<1x512xi32, #tpu.memory_space<hbm>>
      %dma_start3A_3763 = arith.constant 1 : i32
      %dma_start3A_3764 = tpu.memref_slice %arg3[%dma_start3A_3763, %mul3A_2] : memref<7x16384xi32, #tpu.memory_space<hbm>> -> memref<1x512xi32, #tpu.memory_space<hbm>>
      %dma_start3A_3765 = arith.constant 1 : i32
      %dma_start3A_3766 = arith.constant 0 : i32
      %dma_start3A_3767 = tpu.memref_slice %arg7[%dma_start3A_3765, %dma_start3A_3766] : memref<7x512xi32, #tpu.memory_space<vmem>> -> memref<1x512xi32, #tpu.memory_space<vmem>>
      tpu.enqueue_dma source(%dma_start3A_3767 : memref<1x512xi32, #tpu.memory_space<vmem>>) target(%dma_start3A_3764 : memref<1x512xi32, #tpu.memory_space<hbm>>) target_semaphore(%run_scoped3A : memref<!tpu.dma_semaphore, #tpu.memory_space<semaphore_mem>>)
      %dma_wait3A = arith.constant 1 : i32
      %dma_wait3A_3768 = arith.constant 0 : i32
      %dma_wait3A_3769 = tpu.memref_slice %arg7[%dma_wait3A, %dma_wait3A_3768] : memref<7x512xi32, #tpu.memory_space<vmem>> -> memref<1x512xi32, #tpu.memory_space<vmem>>
      %dma_wait3A_3770 = arith.constant 1 : i32
      %dma_wait3A_3771 = tpu.memref_slice %arg3[%dma_wait3A_3770, %mul3A_2] : memref<7x16384xi32, #tpu.memory_space<hbm>> -> memref<1x512xi32, #tpu.memory_space<hbm>>
      %dma_wait3A_3772 = arith.constant 1 : i32
      %dma_wait3A_3773 = tpu.memref_slice %arg3[%dma_wait3A_3772, %mul3A_2] : memref<7x16384xi32, #tpu.memory_space<hbm>> -> memref<1x512xi32, #tpu.memory_space<hbm>>
      %dma_wait3A_3774 = arith.constant 1 : i32
      %dma_wait3A_3775 = arith.constant 0 : i32
      %dma_wait3A_3776 = tpu.memref_slice %arg7[%dma_wait3A_3774, %dma_wait3A_3775] : memref<7x512xi32, #tpu.memory_space<vmem>> -> memref<1x512xi32, #tpu.memory_space<vmem>>
      tpu.wait_dma2 semaphore(%run_scoped3A : memref<!tpu.dma_semaphore, #tpu.memory_space<semaphore_mem>>) src(%dma_wait3A_3776 : memref<1x512xi32, #tpu.memory_space<vmem>>) dst(%dma_wait3A_3773 : memref<1x512xi32, #tpu.memory_space<hbm>>)
      tpu.yield
    }) : () -> ()
    "tpu.region"() ({
      %run_scoped3A = tpu.sem_alloc : memref<!tpu.dma_semaphore, #tpu.memory_space<semaphore_mem>>
      %dma_start3A = arith.constant 2 : i32
      %dma_start3A_3759 = arith.constant 0 : i32
      %dma_start3A_3760 = tpu.memref_slice %arg7[%dma_start3A, %dma_start3A_3759] : memref<7x512xi32, #tpu.memory_space<vmem>> -> memref<1x512xi32, #tpu.memory_space<vmem>>
      %dma_start3A_3761 = arith.constant 2 : i32
      %dma_start3A_3762 = tpu.memref_slice %arg3[%dma_start3A_3761, %mul3A_2] : memref<7x16384xi32, #tpu.memory_space<hbm>> -> memref<1x512xi32, #tpu.memory_space<hbm>>
      %dma_start3A_3763 = arith.constant 2 : i32
      %dma_start3A_3764 = tpu.memref_slice %arg3[%dma_start3A_3763, %mul3A_2] : memref<7x16384xi32, #tpu.memory_space<hbm>> -> memref<1x512xi32, #tpu.memory_space<hbm>>
      %dma_start3A_3765 = arith.constant 2 : i32
      %dma_start3A_3766 = arith.constant 0 : i32
      %dma_start3A_3767 = tpu.memref_slice %arg7[%dma_start3A_3765, %dma_start3A_3766] : memref<7x512xi32, #tpu.memory_space<vmem>> -> memref<1x512xi32, #tpu.memory_space<vmem>>
      tpu.enqueue_dma source(%dma_start3A_3767 : memref<1x512xi32, #tpu.memory_space<vmem>>) target(%dma_start3A_3764 : memref<1x512xi32, #tpu.memory_space<hbm>>) target_semaphore(%run_scoped3A : memref<!tpu.dma_semaphore, #tpu.memory_space<semaphore_mem>>)
      %dma_wait3A = arith.constant 2 : i32
      %dma_wait3A_3768 = arith.constant 0 : i32
      %dma_wait3A_3769 = tpu.memref_slice %arg7[%dma_wait3A, %dma_wait3A_3768] : memref<7x512xi32, #tpu.memory_space<vmem>> -> memref<1x512xi32, #tpu.memory_space<vmem>>
      %dma_wait3A_3770 = arith.constant 2 : i32
      %dma_wait3A_3771 = tpu.memref_slice %arg3[%dma_wait3A_3770, %mul3A_2] : memref<7x16384xi32, #tpu.memory_space<hbm>> -> memref<1x512xi32, #tpu.memory_space<hbm>>
      %dma_wait3A_3772 = arith.constant 2 : i32
      %dma_wait3A_3773 = tpu.memref_slice %arg3[%dma_wait3A_3772, %mul3A_2] : memref<7x16384xi32, #tpu.memory_space<hbm>> -> memref<1x512xi32, #tpu.memory_space<hbm>>
      %dma_wait3A_3774 = arith.constant 2 : i32
      %dma_wait3A_3775 = arith.constant 0 : i32
      %dma_wait3A_3776 = tpu.memref_slice %arg7[%dma_wait3A_3774, %dma_wait3A_3775] : memref<7x512xi32, #tpu.memory_space<vmem>> -> memref<1x512xi32, #tpu.memory_space<vmem>>
      tpu.wait_dma2 semaphore(%run_scoped3A : memref<!tpu.dma_semaphore, #tpu.memory_space<semaphore_mem>>) src(%dma_wait3A_3776 : memref<1x512xi32, #tpu.memory_space<vmem>>) dst(%dma_wait3A_3773 : memref<1x512xi32, #tpu.memory_space<hbm>>)
      tpu.yield
    }) : () -> ()
    "tpu.region"() ({
      %run_scoped3A = tpu.sem_alloc : memref<!tpu.dma_semaphore, #tpu.memory_space<semaphore_mem>>
      %dma_start3A = arith.constant 3 : i32
      %dma_start3A_3759 = arith.constant 0 : i32
      %dma_start3A_3760 = tpu.memref_slice %arg7[%dma_start3A, %dma_start3A_3759] : memref<7x512xi32, #tpu.memory_space<vmem>> -> memref<1x512xi32, #tpu.memory_space<vmem>>
      %dma_start3A_3761 = arith.constant 3 : i32
      %dma_start3A_3762 = tpu.memref_slice %arg3[%dma_start3A_3761, %mul3A_2] : memref<7x16384xi32, #tpu.memory_space<hbm>> -> memref<1x512xi32, #tpu.memory_space<hbm>>
      %dma_start3A_3763 = arith.constant 3 : i32
      %dma_start3A_3764 = tpu.memref_slice %arg3[%dma_start3A_3763, %mul3A_2] : memref<7x16384xi32, #tpu.memory_space<hbm>> -> memref<1x512xi32, #tpu.memory_space<hbm>>
      %dma_start3A_3765 = arith.constant 3 : i32
      %dma_start3A_3766 = arith.constant 0 : i32
      %dma_start3A_3767 = tpu.memref_slice %arg7[%dma_start3A_3765, %dma_start3A_3766] : memref<7x512xi32, #tpu.memory_space<vmem>> -> memref<1x512xi32, #tpu.memory_space<vmem>>
      tpu.enqueue_dma source(%dma_start3A_3767 : memref<1x512xi32, #tpu.memory_space<vmem>>) target(%dma_start3A_3764 : memref<1x512xi32, #tpu.memory_space<hbm>>) target_semaphore(%run_scoped3A : memref<!tpu.dma_semaphore, #tpu.memory_space<semaphore_mem>>)
      %dma_wait3A = arith.constant 3 : i32
      %dma_wait3A_3768 = arith.constant 0 : i32
      %dma_wait3A_3769 = tpu.memref_slice %arg7[%dma_wait3A, %dma_wait3A_3768] : memref<7x512xi32, #tpu.memory_space<vmem>> -> memref<1x512xi32, #tpu.memory_space<vmem>>
      %dma_wait3A_3770 = arith.constant 3 : i32
      %dma_wait3A_3771 = tpu.memref_slice %arg3[%dma_wait3A_3770, %mul3A_2] : memref<7x16384xi32, #tpu.memory_space<hbm>> -> memref<1x512xi32, #tpu.memory_space<hbm>>
      %dma_wait3A_3772 = arith.constant 3 : i32
      %dma_wait3A_3773 = tpu.memref_slice %arg3[%dma_wait3A_3772, %mul3A_2] : memref<7x16384xi32, #tpu.memory_space<hbm>> -> memref<1x512xi32, #tpu.memory_space<hbm>>
      %dma_wait3A_3774 = arith.constant 3 : i32
      %dma_wait3A_3775 = arith.constant 0 : i32
      %dma_wait3A_3776 = tpu.memref_slice %arg7[%dma_wait3A_3774, %dma_wait3A_3775] : memref<7x512xi32, #tpu.memory_space<vmem>> -> memref<1x512xi32, #tpu.memory_space<vmem>>
      tpu.wait_dma2 semaphore(%run_scoped3A : memref<!tpu.dma_semaphore, #tpu.memory_space<semaphore_mem>>) src(%dma_wait3A_3776 : memref<1x512xi32, #tpu.memory_space<vmem>>) dst(%dma_wait3A_3773 : memref<1x512xi32, #tpu.memory_space<hbm>>)
      tpu.yield
    }) : () -> ()
    "tpu.region"() ({
      %run_scoped3A = tpu.sem_alloc : memref<!tpu.dma_semaphore, #tpu.memory_space<semaphore_mem>>
      %dma_start3A = arith.constant 4 : i32
      %dma_start3A_3759 = arith.constant 0 : i32
      %dma_start3A_3760 = tpu.memref_slice %arg7[%dma_start3A, %dma_start3A_3759] : memref<7x512xi32, #tpu.memory_space<vmem>> -> memref<1x512xi32, #tpu.memory_space<vmem>>
      %dma_start3A_3761 = arith.constant 4 : i32
      %dma_start3A_3762 = tpu.memref_slice %arg3[%dma_start3A_3761, %mul3A_2] : memref<7x16384xi32, #tpu.memory_space<hbm>> -> memref<1x512xi32, #tpu.memory_space<hbm>>
      %dma_start3A_3763 = arith.constant 4 : i32
      %dma_start3A_3764 = tpu.memref_slice %arg3[%dma_start3A_3763, %mul3A_2] : memref<7x16384xi32, #tpu.memory_space<hbm>> -> memref<1x512xi32, #tpu.memory_space<hbm>>
      %dma_start3A_3765 = arith.constant 4 : i32
      %dma_start3A_3766 = arith.constant 0 : i32
      %dma_start3A_3767 = tpu.memref_slice %arg7[%dma_start3A_3765, %dma_start3A_3766] : memref<7x512xi32, #tpu.memory_space<vmem>> -> memref<1x512xi32, #tpu.memory_space<vmem>>
      tpu.enqueue_dma source(%dma_start3A_3767 : memref<1x512xi32, #tpu.memory_space<vmem>>) target(%dma_start3A_3764 : memref<1x512xi32, #tpu.memory_space<hbm>>) target_semaphore(%run_scoped3A : memref<!tpu.dma_semaphore, #tpu.memory_space<semaphore_mem>>)
      %dma_wait3A = arith.constant 4 : i32
      %dma_wait3A_3768 = arith.constant 0 : i32
      %dma_wait3A_3769 = tpu.memref_slice %arg7[%dma_wait3A, %dma_wait3A_3768] : memref<7x512xi32, #tpu.memory_space<vmem>> -> memref<1x512xi32, #tpu.memory_space<vmem>>
      %dma_wait3A_3770 = arith.constant 4 : i32
      %dma_wait3A_3771 = tpu.memref_slice %arg3[%dma_wait3A_3770, %mul3A_2] : memref<7x16384xi32, #tpu.memory_space<hbm>> -> memref<1x512xi32, #tpu.memory_space<hbm>>
      %dma_wait3A_3772 = arith.constant 4 : i32
      %dma_wait3A_3773 = tpu.memref_slice %arg3[%dma_wait3A_3772, %mul3A_2] : memref<7x16384xi32, #tpu.memory_space<hbm>> -> memref<1x512xi32, #tpu.memory_space<hbm>>
      %dma_wait3A_3774 = arith.constant 4 : i32
      %dma_wait3A_3775 = arith.constant 0 : i32
      %dma_wait3A_3776 = tpu.memref_slice %arg7[%dma_wait3A_3774, %dma_wait3A_3775] : memref<7x512xi32, #tpu.memory_space<vmem>> -> memref<1x512xi32, #tpu.memory_space<vmem>>
      tpu.wait_dma2 semaphore(%run_scoped3A : memref<!tpu.dma_semaphore, #tpu.memory_space<semaphore_mem>>) src(%dma_wait3A_3776 : memref<1x512xi32, #tpu.memory_space<vmem>>) dst(%dma_wait3A_3773 : memref<1x512xi32, #tpu.memory_space<hbm>>)
      tpu.yield
    }) : () -> ()
    "tpu.region"() ({
      %run_scoped3A = tpu.sem_alloc : memref<!tpu.dma_semaphore, #tpu.memory_space<semaphore_mem>>
      %dma_start3A = arith.constant 5 : i32
      %dma_start3A_3759 = arith.constant 0 : i32
      %dma_start3A_3760 = tpu.memref_slice %arg7[%dma_start3A, %dma_start3A_3759] : memref<7x512xi32, #tpu.memory_space<vmem>> -> memref<1x512xi32, #tpu.memory_space<vmem>>
      %dma_start3A_3761 = arith.constant 5 : i32
      %dma_start3A_3762 = tpu.memref_slice %arg3[%dma_start3A_3761, %mul3A_2] : memref<7x16384xi32, #tpu.memory_space<hbm>> -> memref<1x512xi32, #tpu.memory_space<hbm>>
      %dma_start3A_3763 = arith.constant 5 : i32
      %dma_start3A_3764 = tpu.memref_slice %arg3[%dma_start3A_3763, %mul3A_2] : memref<7x16384xi32, #tpu.memory_space<hbm>> -> memref<1x512xi32, #tpu.memory_space<hbm>>
      %dma_start3A_3765 = arith.constant 5 : i32
      %dma_start3A_3766 = arith.constant 0 : i32
      %dma_start3A_3767 = tpu.memref_slice %arg7[%dma_start3A_3765, %dma_start3A_3766] : memref<7x512xi32, #tpu.memory_space<vmem>> -> memref<1x512xi32, #tpu.memory_space<vmem>>
      tpu.enqueue_dma source(%dma_start3A_3767 : memref<1x512xi32, #tpu.memory_space<vmem>>) target(%dma_start3A_3764 : memref<1x512xi32, #tpu.memory_space<hbm>>) target_semaphore(%run_scoped3A : memref<!tpu.dma_semaphore, #tpu.memory_space<semaphore_mem>>)
      %dma_wait3A = arith.constant 5 : i32
      %dma_wait3A_3768 = arith.constant 0 : i32
      %dma_wait3A_3769 = tpu.memref_slice %arg7[%dma_wait3A, %dma_wait3A_3768] : memref<7x512xi32, #tpu.memory_space<vmem>> -> memref<1x512xi32, #tpu.memory_space<vmem>>
      %dma_wait3A_3770 = arith.constant 5 : i32
      %dma_wait3A_3771 = tpu.memref_slice %arg3[%dma_wait3A_3770, %mul3A_2] : memref<7x16384xi32, #tpu.memory_space<hbm>> -> memref<1x512xi32, #tpu.memory_space<hbm>>
      %dma_wait3A_3772 = arith.constant 5 : i32
      %dma_wait3A_3773 = tpu.memref_slice %arg3[%dma_wait3A_3772, %mul3A_2] : memref<7x16384xi32, #tpu.memory_space<hbm>> -> memref<1x512xi32, #tpu.memory_space<hbm>>
      %dma_wait3A_3774 = arith.constant 5 : i32
      %dma_wait3A_3775 = arith.constant 0 : i32
      %dma_wait3A_3776 = tpu.memref_slice %arg7[%dma_wait3A_3774, %dma_wait3A_3775] : memref<7x512xi32, #tpu.memory_space<vmem>> -> memref<1x512xi32, #tpu.memory_space<vmem>>
      tpu.wait_dma2 semaphore(%run_scoped3A : memref<!tpu.dma_semaphore, #tpu.memory_space<semaphore_mem>>) src(%dma_wait3A_3776 : memref<1x512xi32, #tpu.memory_space<vmem>>) dst(%dma_wait3A_3773 : memref<1x512xi32, #tpu.memory_space<hbm>>)
      tpu.yield
    }) : () -> ()
    "tpu.region"() ({
      %run_scoped3A = tpu.sem_alloc : memref<!tpu.dma_semaphore, #tpu.memory_space<semaphore_mem>>
      %dma_start3A = arith.constant 6 : i32
      %dma_start3A_3759 = arith.constant 0 : i32
      %dma_start3A_3760 = tpu.memref_slice %arg7[%dma_start3A, %dma_start3A_3759] : memref<7x512xi32, #tpu.memory_space<vmem>> -> memref<1x512xi32, #tpu.memory_space<vmem>>
      %dma_start3A_3761 = arith.constant 6 : i32
      %dma_start3A_3762 = tpu.memref_slice %arg3[%dma_start3A_3761, %mul3A_2] : memref<7x16384xi32, #tpu.memory_space<hbm>> -> memref<1x512xi32, #tpu.memory_space<hbm>>
      %dma_start3A_3763 = arith.constant 6 : i32
      %dma_start3A_3764 = tpu.memref_slice %arg3[%dma_start3A_3763, %mul3A_2] : memref<7x16384xi32, #tpu.memory_space<hbm>> -> memref<1x512xi32, #tpu.memory_space<hbm>>
      %dma_start3A_3765 = arith.constant 6 : i32
      %dma_start3A_3766 = arith.constant 0 : i32
      %dma_start3A_3767 = tpu.memref_slice %arg7[%dma_start3A_3765, %dma_start3A_3766] : memref<7x512xi32, #tpu.memory_space<vmem>> -> memref<1x512xi32, #tpu.memory_space<vmem>>
      tpu.enqueue_dma source(%dma_start3A_3767 : memref<1x512xi32, #tpu.memory_space<vmem>>) target(%dma_start3A_3764 : memref<1x512xi32, #tpu.memory_space<hbm>>) target_semaphore(%run_scoped3A : memref<!tpu.dma_semaphore, #tpu.memory_space<semaphore_mem>>)
      %dma_wait3A = arith.constant 6 : i32
      %dma_wait3A_3768 = arith.constant 0 : i32
      %dma_wait3A_3769 = tpu.memref_slice %arg7[%dma_wait3A, %dma_wait3A_3768] : memref<7x512xi32, #tpu.memory_space<vmem>> -> memref<1x512xi32, #tpu.memory_space<vmem>>
      %dma_wait3A_3770 = arith.constant 6 : i32
      %dma_wait3A_3771 = tpu.memref_slice %arg3[%dma_wait3A_3770, %mul3A_2] : memref<7x16384xi32, #tpu.memory_space<hbm>> -> memref<1x512xi32, #tpu.memory_space<hbm>>
      %dma_wait3A_3772 = arith.constant 6 : i32
      %dma_wait3A_3773 = tpu.memref_slice %arg3[%dma_wait3A_3772, %mul3A_2] : memref<7x16384xi32, #tpu.memory_space<hbm>> -> memref<1x512xi32, #tpu.memory_space<hbm>>
      %dma_wait3A_3774 = arith.constant 6 : i32
      %dma_wait3A_3775 = arith.constant 0 : i32
      %dma_wait3A_3776 = tpu.memref_slice %arg7[%dma_wait3A_3774, %dma_wait3A_3775] : memref<7x512xi32, #tpu.memory_space<vmem>> -> memref<1x512xi32, #tpu.memory_space<vmem>>
      tpu.wait_dma2 semaphore(%run_scoped3A : memref<!tpu.dma_semaphore, #tpu.memory_space<semaphore_mem>>) src(%dma_wait3A_3776 : memref<1x512xi32, #tpu.memory_space<vmem>>) dst(%dma_wait3A_3773 : memref<1x512xi32, #tpu.memory_space<hbm>>)
      tpu.yield
    }) : () -> ()
    return
  }
}

</mosaic_0001>

<sc_bundles>
// kernel: kernel.3.cloned.1.call-start
scs
__scs_entry_jumppad:
0x0: {  	(pc) =	sbr.rel $0x88, $3  }
0x1: {  	(tag) =	ssettag $0x0;
	lr =	simm.s32 $0x1  }
0x2: {  	[smem:$0x3F9F] =	sst lr;
	_ =	strace $0xD0000000  }
0x3: {  	_ = 	snop  }
0x4: {  	_ = 	snop  }
0x5: {  	_ = 	snop  }
0x6: {  	_ = 	snop  }
0x7: {  	_ = 	snop  }
__scs_overlays_trampoline_lowered:
0x8: {  	[smem:$0x3FAE] =	sst s0  }
0x9: {  	[smem:$0x3FAF] =	sst s1  }
0xa: {  	[smem:$0x3FB0] =	sst s2  }
0xb: {  	[smem:$0x3FB1] =	sst s3  }
0xc: {  	[smem:$0x3FB2] =	sst s4  }
0xd: {  	[smem:$0x3FB3] =	sst s5  }
0xe: {  	[smem:$0x3FB4] =	sst s6  }
0xf: {  	[smem:$0x3FB5] =	sst s7  }
0x10: {  	[smem:$0x3FB6] =	sst s8  }
0x11: {  	[smem:$0x3FB7] =	sst s9;
	s0 =	simm.s32 @!p0 $0x0  }
0x12: {  	s1 =	sld [smem:$0x3F9D];
	s0 =	simm.s32 @p0 $0x1  }
0x13: {  	[smem:$0x3FB8] =	sst s0;
	s0 =	simm.s32 @!p1 $0x0  }
0x14: {  	s2 =	sld [smem:$0x3F9C];
	s0 =	simm.s32 @p1 $0x1  }
0x15: {  	[smem:$0x3FB9] =	sst s0;
	s0 =	simm.s32 @!p2 $0x0  }
0x16: {  	s3 =	sld [smem:$0x3FDB];
	s0 =	simm.s32 @p2 $0x1  }
0x17: {  	s4 =	simm.s32 $0x1BF5;
	[smem:$0x3FBB] =	sst s0  }
0x18: {  	s0 =	sld [smem:$0x3F9E];
	_ =	swait.ge [sflag:s4], $0x0  }
0x19: {  	s7 =	sld [smem:$0x3F9F]  }
0x1a: {  	s8 =	sadd.s32 $0xFFFFE003, lr  }
0x1b: {  	s9 =	sadd.s32 $0xFFFFFEF7, lr;
	s5 =	simm.s32 $0xFFFFFFFF;
	p2 =	slt.u32 s8, $0xFFFFF086  }
0x1c: {  	p1 =	slt.u32 s9, $0xF7A;
	s5 =	simm.s32 @!p2 $0x0  }
0x1d: {  	s5 =	simm.s32 @p1 $0x1;
	p0 =	seq.s32 s7, s2  }
0x1e: {  	s7 =	smul.u32 @!p0 $0xF7A, s2;
	p2 =	seq.s32 @!p0 s5, $0x0  }
0x1f: {  	s9 =	smul.u32 $0xF7A, s1;
	s8 =	simm.s32 @!p0 $0x1BF5;
	p2 =	por !p2, p0  }
0x20: {  	[sflag:s8] =	ssyncset.s32 @!p0 $0xFFFFF086;
	s6 =	sadd.s32 @!p0 s3, s7;
	s7 =	simm.s32 @!p0 $0x108  }
0x21: {  	s3 =	sadd.s32 s3, s9;
	s6 =	sadd.s32 @!p0 $0x88, s6;
	s7 =	simm.s32 @p2 $0x1082  }
0x22: {  	[simem:s7], [sflag:s8] =	dma.local @!p0 [hbm:s6], $0xF7A  }
0x23: {  	s9 =	sor.u32 $0xD0000000, s2;
	s6 =	simm.s32 $0x108;
	_ =	swait.ge @!p0 [sflag:s8], $0x0  }
0x24: {  	s3 =	sadd.s32 $0x88, s3;
	s6 =	simm.s32 @!p1 $0x1082;
	[sflag:s4] =	ssyncset.s32 $0xFFFFF086  }
0x25: {  	[simem:s6], [sflag:s4] =	dma.local [hbm:s3], $0xF7A  }
0x26: {  	[smem:$0x3F9F] =	sst s1;
	(tag) =	ssettag s2;
	_ =	strace s9  }
0x27: {  	s1 =	sld [smem:$0x3FAF]  }
0x28: {  	s2 =	sld [smem:$0x3FB0]  }
0x29: {  	s4 =	sld [smem:$0x3FB2]  }
0x2a: {  	p0 =	seq.s32 s5, $0x0;
	s5 =	sld [smem:$0x3FB3]  }
0x2b: {  	s6 =	sld [smem:$0x3FB4]  }
0x2c: {  	s7 =	sld [smem:$0x3FB5]  }
0x2d: {  	s3 =	simm.s32 $0x108;
	s8 =	sld [smem:$0x3FB6]  }
0x2e: {  	s3 =	simm.s32 @!p0 $0x1082;
	s9 =	sld [smem:$0x3FB7]  }
0x2f: {  	lr =	sadd.s32 s0, s3;
	s0 =	sld [smem:$0x3FAE]  }
0x30: {  	s3 =	sld [smem:$0x3FB1]  }
0x31: {  	[smem:$0x3FBA] =	sst s10  }
0x32: {  	s10 =	sld [smem:$0x3FB8];
	_ =	sdelay $0x3  }
0x33: {  	p0 =	seq.s32 s10, $0x1;
	s10 =	sld [smem:$0x3FBA];
	_ =	sdelay $0x3  }
0x34: {  	[smem:$0x3FBA] =	sst s10  }
0x35: {  	s10 =	sld [smem:$0x3FB9];
	_ =	sdelay $0x3  }
0x36: {  	p1 =	seq.s32 s10, $0x1;
	s10 =	sld [smem:$0x3FBA];
	_ =	sdelay $0x3  }
0x37: {  	[smem:$0x3FBA] =	sst s10  }
0x38: {  	s10 =	sld [smem:$0x3FBB]  }
0x39: {  	_ = 	snop;
	(pc) =	sbr.ind lr, $3  }
0x3a: {  	_ = 	snop  }
0x3b: {  	_ = 	snop  }
0x3c: {  	p2 =	seq.s32 s10, $0x1;
	s10 =	sld [smem:$0x3FBA]  }
0x3d: {  	_ =	shalt  }
0x3e: {  	_ =	shalt  }
0x3f: {  	_ =	shalt  }
0x40: {  	_ =	shalt  }
0x41: {  	_ =	shalt  }
0x42: {  	_ =	shalt  }
0x43: {  	_ =	shalt  }
0x44: {  	_ =	shalt  }
0x45: {  	_ =	shalt  }
0x46: {  	_ =	shalt  }
0x47: {  	_ =	shalt  }
0x48: {  	_ =	shalt  }
0x49: {  	_ =	shalt  }
0x4a: {  	_ =	shalt  }
0x4b: {  	_ =	shalt  }
0x4c: {  	_ =	shalt  }
0x4d: {  	_ =	shalt  }
0x4e: {  	_ =	shalt  }
0x4f: {  	_ =	shalt  }
0x50: {  	_ =	shalt  }
0x51: {  	_ =	shalt  }
0x52: {  	_ =	shalt  }
0x53: {  	_ =	shalt  }
0x54: {  	_ =	shalt  }
0x55: {  	_ =	shalt  }
0x56: {  	_ =	shalt  }
0x57: {  	_ =	shalt  }
0x58: {  	_ =	shalt  }
0x59: {  	_ =	shalt  }
0x5a: {  	_ =	shalt  }
0x5b: {  	_ =	shalt  }
0x5c: {  	_ =	shalt  }
0x5d: {  	_ =	shalt  }
0x5e: {  	_ =	shalt  }
0x5f: {  	_ =	shalt  }
0x60: {  	_ =	shalt  }
0x61: {  	_ =	shalt  }
0x62: {  	_ =	shalt  }
0x63: {  	_ =	shalt  }
0x64: {  	_ =	shalt  }
0x65: {  	_ =	shalt  }
0x66: {  	_ =	shalt  }
0x67: {  	_ =	shalt  }
0x68: {  	_ =	shalt  }
0x69: {  	_ =	shalt  }
0x6a: {  	_ =	shalt  }
0x6b: {  	_ =	shalt  }
0x6c: {  	_ =	shalt  }
0x6d: {  	_ =	shalt  }
0x6e: {  	_ =	shalt  }
0x6f: {  	_ =	shalt  }
0x70: {  	_ =	shalt  }
0x71: {  	_ =	shalt  }
0x72: {  	_ =	shalt  }
0x73: {  	_ =	shalt  }
0x74: {  	_ =	shalt  }
0x75: {  	_ =	shalt  }
0x76: {  	_ =	shalt  }
0x77: {  	_ =	shalt  }
0x78: {  	_ =	shalt  }
0x79: {  	_ =	shalt  }
0x7a: {  	_ =	shalt  }
0x7b: {  	_ =	shalt  }
0x7c: {  	_ =	shalt  }
0x7d: {  	_ =	shalt  }
0x7e: {  	_ =	shalt  }
0x7f: {  	_ =	shalt  }
0x80: {  	_ =	shalt  }
0x81: {  	_ =	shalt  }
0x82: {  	_ =	shalt  }
0x83: {  	_ =	shalt  }
0x84: {  	_ =	shalt  }
0x85: {  	_ =	shalt  }
0x86: {  	_ =	shalt  }
0x87: {  	_ =	shalt  }
.Lfunc_end0:
.L_simem_size_0:
called_computation_lowered:
.L_overlay_start_0:
0x88: {  	s2 =	sld [smem:$0x3FD9]  }
0x89: {  	s3 =	sld [smem:$0x3FFE];
	_ =	sdelay $0x1  }
0x8a: {  	s1 =	srdreg.scid  }
0x8b: {  	s0 =	sand.u32 $0x1, s1  }
0x8c: {  	s16 =	sshll.u32 s0, $0xA;
	s2 =	sadd.s32 s3, s2  }
0x8d: {  	s2 =	sadd.s32 s2, s16  }
0x8e: {  	[smem:$0x3FC6] =	sst s2  }
0x8f: {  	_ = 	snop  }
0x90: {  	(tm) =	ssettm $0x1  }
0x91: {  	s17 =	sld [smem:$0x3FFB];
	_ =	sdelay $0x3  }
0x92: {  	_ =	strace s17  }
0x93: {  	s2 =	sld [smem:$0x3FFC];
	_ =	sdelay $0x3  }
0x94: {  	_ =	strace s2  }
0x95: {  	s2 =	sld [smem:$0x3FFD];
	_ =	sdelay $0x3  }
0x96: {  	_ =	strace s2  }
0x97: {  	_ =	strace $0x8FFFFFFF  }
0x98: {  	s18 =	sld [smem:$0x3FDB];
	_ =	sdelay $0x1  }
0x99: {  	s19 =	simm.s32 $_scs_section_size  }
0x9a: {  	s4 =	simm.s32 $_size__tile_overlayer_lowered;
	s5 =	simm.s32 $_tile_overlayer_lowered  }
0x9b: {  	s22 =	simm.s32 $0x1BFF;
	s21 =	sshll.u32 s5, $0x1;
	s2 =	sadd.s32 s19, s18  }
0x9c: {  	s6 =	simm.s32 $0x0;
	s20 =	sshll.u32 s4, $0x1;
	s4 =	sadd.s32 s21, s2  }
0x9d: {  	[timem:s6], [sflag:s22] =	dma.local [hbm:s4], s20  }
0x9e: {  	_ =	swait.ge [sflag:s22], s20  }
0x9f: {  	s3 =	ssub.s32 $0x0, s20;
	[sflag:s22] =	ssyncset.done $0x0  }
0xa0: {  	[sflag:s22] =	ssyncadd.s32 s3;
	_ =	sdelay $0x1  }
0xa1: {  	s23 =	simm.s32 $0x1B8B  }
0xa2: {  	_ =	swait.ge [sflag:s23], $0x1  }
0xa3: {  	[sflag:s23] =	ssyncset.done $0x0  }
0xa4: {  	s25 =	simm.s32 $0x1B8E;
	s24 =	sld [smem:$0x3FFE];
	[sflag:s23] =	ssyncadd.s32 $0xFFFFFFFF  }
0xa5: {  	s26 =	simm.s32 $execute0_lowered;
	[smem:$0x3FD2] =	sst s25  }
0xa6: {  	s4 =	sshll.u32 s26, $0x1;
	_ =	strace $0x80000046;
	[dreg:$0x1] =	wrdreg $0xFFFFFFFF  }
0xa7: {  	s28 =	simm.s32 $_size_execute0_lowered;
	s2 =	sadd.s32 s2, s4;
	[dreg:$0x0] =	wrdreg $0x0  }
0xa8: {  	s4 =	sshll.u32 s28, $0x1;
	[dreg:$0x2] =	wrdreg s2  }
0xa9: {  	[dreg:$0x3] =	wrdreg s4  }
0xaa: {  	[dreg:$0x4] =	wrdreg $0xC0  }
0xab: {  	_ =	task [dreg:s6], $0x5FFFF  }
0xac: {  	[dreg:$0x1] =	wrdreg $0xFFFFFFFF  }
0xad: {  	[dreg:$0x0] =	wrdreg $0x60  }
0xae: {  	[dreg:$0x2] =	wrdreg s24  }
0xaf: {  	[dreg:$0x3] =	wrdreg $0x1A800  }
0xb0: {  	[dreg:$0x4] =	wrdreg $0x9  }
0xb1: {  	_ =	task.clear_ibuf [dreg:s6], $0x5FFFF;
	_ =	strace $0x90000046  }
0xb2: {  	s29 =	simm.s32 $0x9;
	_ =	strace $0x80000048  }
0xb3: {  	_ =	swait.ge [sflag:s29], $0x1  }
0xb4: {  	[sflag:s29] =	ssyncadd.s32 $0xFFFFFFFF  }
0xb5: {  	_ =	strace $0x90000048  }
0xb6: {  	_ =	sfence  }
0xb7: {  	s30 =	sld [smem:$0x0];
	_ =	sdelay $0x2  }
0xb8: {  	s31 =	sshll.u32 s1, $0xD;
	s1 =	sshrl.u32 s1, $0x2  }
0xb9: {  	s3 =	sand.u32 $0x4000, s31;
	s1 =	sadd.s32 s1, s30  }
0xba: {  	s0 =	sor.u32 s3, s0;
	s1 =	sshll.u32 s1, $0x11  }
0xbb: {  	s0 =	sor.u32 s1, s0  }
0xbc: {  	s0 =	sadd.s32 $0x8F2B, s0  }
0xbd: {  	[sflag:s0] =	ssyncadd.remote.s32 $0x1  }
0xbe: {  	_ =	sfence.sel $0xFFFF  }
0xbf: {  	[dreg:$0x0] =	wrdreg $0xFFFFFFFF;
	(pc) =	sbr.abs _section_cstart, $3  }
0xc0: {  	[dreg:$0x1] =	wrdreg $0xFFFFFFFF  }
0xc1: {  	_ =	task.clear_ibuf [dreg:s6], $0x2FFFF;
	_ =	strace $0x9FFFFFFF  }
0xc2: {  	(tm) =	ssettm $0x7FFFFFFF  }
0xc3: {  	_ =	shalt  }
tec
execute0_lowered:
.L_overlay_start_1:
0x0: {  	(tag) =	ssettag $0x1  }
0x1: {  	s5 =	rddreg [dreg:$0x0]  }
0x2: {  	s2 =	rddreg [dreg:$0x1];
	s3 =	srdreg.scid  }
0x3: {  	s0 =	rddreg [dreg:$0x2];
	s1 =	stileid.u32;
	s6 =	sand.u32 $0x1, s3  }
0x4: {  	s3 =	simm.s32 $0x0;
	s19 =	sadd.s32 $0x600, s5;
	s9 =	sshll.u32 s1, $0x7  }
0x5: {  	[smem:$0x7FF] =	sst s3;
	s9 =	sadd.s32 s19, s9  }
0x6: {  	s22 =	simm.s32 $0x1680;
	_ =	strace $0x80000047;
	[dreg:$0x3] =	wrdreg s9  }
0x7: {  	s23 =	simm.s32 $0x200;
	[dreg:$0x7] =	wrdreg s22  }
0x8: {  	s24 =	simm.s32 $0x400;
	[dreg:$0x8] =	wrdreg s23  }
0x9: {  	s25 =	simm.s32 $0x1600;
	[dreg:$0x9] =	wrdreg s24  }
0xa: {  	s26 =	simm.s32 $0x1A90;
	[dreg:$0xa] =	wrdreg s25  }
0xb: {  	s28 =	simm.s32 $0x600;
	[dreg:$0xb] =	wrdreg s26  }
0xc: {  	s30 =	simm.s32 $0xA00;
	[dreg:$0xc] =	wrdreg s28  }
0xd: {  	s31 =	simm.s32 $0xE00;
	[dreg:$0xe] =	wrdreg s30  }
0xe: {  	s12 =	simm.s32 $0xE80;
	[dreg:$0xf] =	wrdreg s31  }
0xf: {  	s13 =	simm.s32 $0x1280;
	[dreg:$0x13] =	wrdreg s12  }
0x10: {  	s14 =	simm.s32 $0x700;
	[dreg:$0x14] =	wrdreg s13  }
0x11: {  	s15 =	simm.s32 $0xB00;
	[dreg:$0x15] =	wrdreg s14  }
0x12: {  	s16 =	simm.s32 $0xF00;
	[dreg:$0x16] =	wrdreg s15  }
0x13: {  	s17 =	simm.s32 $0x1300;
	[dreg:$0x17] =	wrdreg s16  }
0x14: {  	s18 =	simm.s32 $0x780;
	[dreg:$0x18] =	wrdreg s17  }
0x15: {  	s9 =	simm.s32 $0x680;
	[dreg:$0x19] =	wrdreg s18  }
0x16: {  	s7 =	sshll.u32 s1, $0x9;
	s23 =	simm.s32 $0x800;
	[dreg:$0x11] =	wrdreg s9  }
0x17: {  	s4 =	sshll.u32 s6, $0xD;
	s24 =	simm.s32 $0xC00;
	[dreg:$0x1d] =	wrdreg s23  }
0x18: {  	s6 =	ssub.s32 $0x2, s6;
	s25 =	simm.s32 $0x1000;
	[dreg:$0x1e] =	wrdreg s24  }
0x19: {  	s8 =	sor.u32 s7, s4;
	s26 =	simm.s32 $0x1400;
	[dreg:$0x1f] =	wrdreg s25  }
0x1a: {  	s7 =	sshrl.u32 s7, $0x2;
	s28 =	simm.s32 $0x880;
	[smem:$0x7F7] =	sst s26  }
0x1b: {  	s22 =	sshrl.u32 s6, $0x1;
	s13 =	simm.s32 $0xC80;
	[smem:$0x7F8] =	sst s28  }
0x1c: {  	s30 =	simm.s32 $0x1480;
	s14 =	simm.s32 $0x900;
	[smem:$0x7F9] =	sst s13  }
0x1d: {  	s31 =	simm.s32 $0xD00;
	s15 =	simm.s32 $0x1500;
	[smem:$0x7FB] =	sst s30  }
0x1e: {  	s10 =	sshrl.u32 s8, $0x3;
	s7 =	sadd.s32 s7, s2;
	[smem:$0x7FC] =	sst s14  }
0x1f: {  	s11 =	sadd.s32 s8, s5;
	s8 =	simm.s32 $0x1200;
	[smem:$0x7FD] =	sst s31  }
0x20: {  	s12 =	ssub.s32 s6, s22;
	s13 =	simm.s32 $0x1;
	[dreg:$0x6] =	wrdreg s7  }
0x21: {  	s4 =	sadd.s32 s19, s10;
	[dreg:$0x10] =	wrdreg s8;
	s10 =	simm.s32 $0xA80  }
0x22: {  	s14 =	simm.s32 $0x1100;
	s19 =	simm.s32 $0xB80;
	[dreg:$0x12] =	wrdreg s10  }
0x23: {  	s5 =	sadd.s32 $0x1E00, s11;
	s20 =	sadd.s32 $0x800, s4;
	[dreg:$0x1a] =	wrdreg s19  }
0x24: {  	s6 =	sadd.s32 $0x1E10, s11;
	s21 =	sadd.s32 $0x1000, s4;
	[dreg:$0x4] =	wrdreg s20  }
0x25: {  	s7 =	sadd.s32 $0x1E20, s11;
	s29 =	sadd.s32 $0x80, s5;
	[dreg:$0x5] =	wrdreg s21  }
0x26: {  	s8 =	sadd.s32 $0x1E30, s11;
	[dreg:$0xd] =	wrdreg s29;
	s20 =	simm.s32 $0xF80  }
0x27: {  	s9 =	sadd.s32 $0x1E40, s11;
	s21 =	simm.s32 $0x1380;
	[dreg:$0x1b] =	wrdreg s20  }
0x28: {  	s12 =	smax.u32 s12, $0x1;
	s29 =	simm.s32 $0x1080;
	[dreg:$0x1c] =	wrdreg s21  }
0x29: {  	v0 =	vimm.s32 $0x0;
	v1 =	vimm.s32 $0x1;
	s10 =	sadd.s32 $0x1E50, s11;
	s11 =	sadd.s32 $0x1E60, s11;
	[smem:$0x7FA] =	sst s29  }
.LBB2_1:
0x2a: {  	s16 =	rddreg [dreg:$0x3]  }
0x2b: {  	s17 =	rddreg [dreg:$0x7]  }
0x2c: {  	[tilespmem:s17], [sflag:$0x1] =	stream.linear.gather [hbm4b:s16+s3], $0x400, $0x38;
	[tilespmem:$0x2290] =	vst v63  }
0x2d: {  	_ =	swait.ge [sflag:s13], $0x400  }
0x2e: {  	[sflag:s13] =	ssyncset.done $0x0  }
0x2f: {  	[sflag:s13] =	ssyncadd.s32 $0xFFFFFC00  }
0x30: {  	[tilespmem:s3], [sflag:$0x1] =	stream.linear.gather [hbm4b:s4+s3], $0x200, $0x38;
	[tilespmem:$0x2290] =	vst v63  }
0x31: {  	_ =	swait.ge [sflag:s13], $0x200  }
0x32: {  	s18 =	rddreg [dreg:$0x4];
	[sflag:s13] =	ssyncset.done $0x0  }
0x33: {  	s19 =	rddreg [dreg:$0x8];
	[sflag:s13] =	ssyncadd.s32 $0xFFFFFE00  }
0x34: {  	[tilespmem:s19], [sflag:$0x1] =	stream.linear.gather [hbm4b:s18+s3], $0x200, $0x38;
	[tilespmem:$0x2290] =	vst v63  }
0x35: {  	_ =	swait.ge [sflag:s13], $0x200  }
0x36: {  	[sflag:s13] =	ssyncset.done $0x0  }
0x37: {  	s20 =	rddreg [dreg:$0x5]  }
0x38: {  	s21 =	rddreg [dreg:$0x9];
	[sflag:s13] =	ssyncadd.s32 $0xFFFFFE00  }
0x39: {  	[tilespmem:s21], [sflag:$0x1] =	stream.linear.gather [hbm4b:s20+s3], $0x200, $0x38;
	[tilespmem:$0x2290] =	vst v63  }
0x3a: {  	_ =	swait.ge [sflag:s13], $0x200  }
0x3b: {  	[sflag:s13] =	ssyncset.done $0x0  }
0x3c: {  	[sflag:s13] =	ssyncadd.s32 $0xFFFFFE00  }
0x3d: {  	v2 =	vld [tilespmem:$0x1680]  }
0x3e: {  	v3 =	vld [tilespmem:$0x1690]  }
0x3f: {  	v4 =	vld [tilespmem:$0x16A0]  }
0x40: {  	v5 =	vld [tilespmem:$0x16B0]  }
0x41: {  	v6 =	vld [tilespmem:$0x16C0]  }
0x42: {  	v7 =	vld [tilespmem:$0x16D0]  }
0x43: {  	v8 =	vld [tilespmem:$0x16E0];
	vm0 =	vclass.f32 v2, $0xFC;
	vm1 =	vclass.f32 v3, $0xFC  }
0x44: {  	v9 =	vld [tilespmem:$0x16F0];
	vm7 =	vclass.f32 v4, $0xFC;
	v2 =	vnsel vm0, $0x0, v2;
	v3 =	vnsel vm1, $0x0, v3  }
0x45: {  	v55 =	vld [tilespmem:$0x1700];
	vm8 =	vclass.f32 v5, $0xFC;
	v2 =	vmin.f32 v2, v3;
	v3 =	vnsel vm7, $0x0, v4  }
0x46: {  	v56 =	vld [tilespmem:$0x1710];
	vm9 =	vclass.f32 v6, $0xFC;
	v2 =	vmin.f32 v2, v3;
	v3 =	vnsel vm8, $0x0, v5  }
0x47: {  	v57 =	vld [tilespmem:$0x1720];
	vm10 =	vclass.f32 v7, $0xFC;
	v2 =	vmin.f32 v2, v3;
	v3 =	vnsel vm9, $0x0, v6  }
0x48: {  	v58 =	vld [tilespmem:$0x1730];
	vm11 =	vclass.f32 v8, $0xFC;
	v2 =	vmin.f32 v2, v3;
	v3 =	vnsel vm10, $0x0, v7  }
0x49: {  	v59 =	vld [tilespmem:$0x1740];
	vm12 =	vclass.f32 v9, $0xFC;
	v2 =	vmin.f32 v2, v3;
	v3 =	vnsel vm11, $0x0, v8  }
0x4a: {  	v60 =	vld [tilespmem:$0x1750];
	vm13 =	vclass.f32 v55, $0xFC;
	v2 =	vmin.f32 v2, v3;
	v3 =	vnsel vm12, $0x0, v9  }
0x4b: {  	v61 =	vld [tilespmem:$0x1760];
	vm14 =	vclass.f32 v56, $0xFC;
	v2 =	vmin.f32 v2, v3;
	v3 =	vnsel vm13, $0x0, v55  }
0x4c: {  	v62 =	vld [tilespmem:$0x1770];
	vm15 =	vclass.f32 v57, $0xFC;
	v2 =	vmin.f32 v2, v3;
	v3 =	vnsel vm14, $0x0, v56  }
0x4d: {  	v63 =	vld [tilespmem:$0x1780];
	vm4 =	vclass.f32 v58, $0xFC;
	v2 =	vmin.f32 v2, v3;
	v3 =	vnsel vm15, $0x0, v57  }
0x4e: {  	v12 =	vld [tilespmem:$0x1790];
	vm5 =	vclass.f32 v59, $0xFC;
	v2 =	vmin.f32 v2, v3;
	v3 =	vnsel vm4, $0x0, v58  }
0x4f: {  	v13 =	vld [tilespmem:$0x17A0];
	vm6 =	vclass.f32 v60, $0xFC;
	v2 =	vmin.f32 v2, v3;
	v3 =	vnsel vm5, $0x0, v59  }
0x50: {  	v14 =	vld [tilespmem:$0x17B0];
	vm7 =	vclass.f32 v61, $0xFC;
	v2 =	vmin.f32 v2, v3;
	v3 =	vnsel vm6, $0x0, v60  }
0x51: {  	v15 =	vld [tilespmem:$0x17C0];
	vm8 =	vclass.f32 v62, $0xFC;
	v2 =	vmin.f32 v2, v3;
	v3 =	vnsel vm7, $0x0, v61  }
0x52: {  	v16 =	vld [tilespmem:$0x17D0];
	vm9 =	vclass.f32 v63, $0xFC;
	v2 =	vmin.f32 v2, v3;
	v3 =	vnsel vm8, $0x0, v62  }
0x53: {  	v17 =	vld [tilespmem:$0x17E0];
	vm10 =	vclass.f32 v12, $0xFC;
	v2 =	vmin.f32 v2, v3;
	v3 =	vnsel vm9, $0x0, v63  }
0x54: {  	v18 =	vld [tilespmem:$0x17F0];
	vm11 =	vclass.f32 v13, $0xFC;
	v2 =	vmin.f32 v2, v3;
	v3 =	vnsel vm10, $0x0, v12  }
0x55: {  	v19 =	vld [tilespmem:$0x1800];
	vm12 =	vclass.f32 v14, $0xFC;
	v2 =	vmin.f32 v2, v3;
	v3 =	vnsel vm11, $0x0, v13  }
0x56: {  	v20 =	vld [tilespmem:$0x1810];
	vm13 =	vclass.f32 v15, $0xFC;
	v2 =	vmin.f32 v2, v3;
	v3 =	vnsel vm12, $0x0, v14  }
0x57: {  	v21 =	vld [tilespmem:$0x1820];
	vm14 =	vclass.f32 v16, $0xFC;
	v2 =	vmin.f32 v2, v3;
	v3 =	vnsel vm13, $0x0, v15  }
0x58: {  	v22 =	vld [tilespmem:$0x1830];
	vm15 =	vclass.f32 v17, $0xFC;
	v2 =	vmin.f32 v2, v3;
	v3 =	vnsel vm14, $0x0, v16  }
0x59: {  	v23 =	vld [tilespmem:$0x1840];
	vm4 =	vclass.f32 v18, $0xFC;
	v2 =	vmin.f32 v2, v3;
	v3 =	vnsel vm15, $0x0, v17  }
0x5a: {  	v24 =	vld [tilespmem:$0x1850];
	vm5 =	vclass.f32 v19, $0xFC;
	v2 =	vmin.f32 v2, v3;
	v3 =	vnsel vm4, $0x0, v18  }
0x5b: {  	v25 =	vld [tilespmem:$0x1860];
	vm6 =	vclass.f32 v20, $0xFC;
	v2 =	vmin.f32 v2, v3;
	v3 =	vnsel vm5, $0x0, v19  }
0x5c: {  	v26 =	vld [tilespmem:$0x1870];
	vm7 =	vclass.f32 v21, $0xFC;
	v2 =	vmin.f32 v2, v3;
	v3 =	vnsel vm6, $0x0, v20  }
0x5d: {  	v27 =	vld [tilespmem:$0x1880];
	vm8 =	vclass.f32 v22, $0xFC;
	v2 =	vmin.f32 v2, v3;
	v3 =	vnsel vm7, $0x0, v21  }
0x5e: {  	v28 =	vld [tilespmem:$0x1890];
	vm9 =	vclass.f32 v23, $0xFC;
	v2 =	vmin.f32 v2, v3;
	v3 =	vnsel vm8, $0x0, v22  }
0x5f: {  	v29 =	vld [tilespmem:$0x18A0];
	vm10 =	vclass.f32 v24, $0xFC;
	v2 =	vmin.f32 v2, v3;
	v3 =	vnsel vm9, $0x0, v23  }
0x60: {  	v30 =	vld [tilespmem:$0x18B0];
	vm11 =	vclass.f32 v25, $0xFC;
	v2 =	vmin.f32 v2, v3;
	v3 =	vnsel vm10, $0x0, v24  }
0x61: {  	v31 =	vld [tilespmem:$0x18C0];
	vm12 =	vclass.f32 v26, $0xFC;
	v2 =	vmin.f32 v2, v3;
	v3 =	vnsel vm11, $0x0, v25  }
0x62: {  	v32 =	vld [tilespmem:$0x18D0];
	vm13 =	vclass.f32 v27, $0xFC;
	v2 =	vmin.f32 v2, v3;
	v3 =	vnsel vm12, $0x0, v26  }
0x63: {  	v33 =	vld [tilespmem:$0x18E0];
	vm14 =	vclass.f32 v28, $0xFC;
	v2 =	vmin.f32 v2, v3;
	v3 =	vnsel vm13, $0x0, v27  }
0x64: {  	v34 =	vld [tilespmem:$0x18F0];
	vm15 =	vclass.f32 v29, $0xFC;
	v2 =	vmin.f32 v2, v3;
	v3 =	vnsel vm14, $0x0, v28  }
0x65: {  	v35 =	vld [tilespmem:$0x1900];
	vm4 =	vclass.f32 v30, $0xFC;
	v2 =	vmin.f32 v2, v3;
	v3 =	vnsel vm15, $0x0, v29  }
0x66: {  	v36 =	vld [tilespmem:$0x1910];
	vm5 =	vclass.f32 v31, $0xFC;
	v2 =	vmin.f32 v2, v3;
	v3 =	vnsel vm4, $0x0, v30  }
0x67: {  	v37 =	vld [tilespmem:$0x1920];
	vm6 =	vclass.f32 v32, $0xFC;
	v2 =	vmin.f32 v2, v3;
	v3 =	vnsel vm5, $0x0, v31  }
0x68: {  	v38 =	vld [tilespmem:$0x1930];
	vm7 =	vclass.f32 v33, $0xFC;
	v2 =	vmin.f32 v2, v3;
	v3 =	vnsel vm6, $0x0, v32  }
0x69: {  	v39 =	vld [tilespmem:$0x1940];
	vm8 =	vclass.f32 v34, $0xFC;
	v2 =	vmin.f32 v2, v3;
	v3 =	vnsel vm7, $0x0, v33  }
0x6a: {  	v40 =	vld [tilespmem:$0x1950];
	vm9 =	vclass.f32 v35, $0xFC;
	v2 =	vmin.f32 v2, v3;
	v3 =	vnsel vm8, $0x0, v34  }
0x6b: {  	v41 =	vld [tilespmem:$0x1960];
	vm10 =	vclass.f32 v36, $0xFC;
	v2 =	vmin.f32 v2, v3;
	v3 =	vnsel vm9, $0x0, v35  }
0x6c: {  	v42 =	vld [tilespmem:$0x1970];
	vm11 =	vclass.f32 v37, $0xFC;
	v2 =	vmin.f32 v2, v3;
	v3 =	vnsel vm10, $0x0, v36  }
0x6d: {  	v43 =	vld [tilespmem:$0x1980];
	vm12 =	vclass.f32 v38, $0xFC;
	v2 =	vmin.f32 v2, v3;
	v3 =	vnsel vm11, $0x0, v37  }
0x6e: {  	v44 =	vld [tilespmem:$0x1990];
	vm13 =	vclass.f32 v39, $0xFC;
	v2 =	vmin.f32 v2, v3;
	v3 =	vnsel vm12, $0x0, v38  }
0x6f: {  	v45 =	vld [tilespmem:$0x19A0];
	vm14 =	vclass.f32 v40, $0xFC;
	v2 =	vmin.f32 v2, v3;
	v3 =	vnsel vm13, $0x0, v39  }
0x70: {  	v46 =	vld [tilespmem:$0x19B0];
	vm15 =	vclass.f32 v41, $0xFC;
	v2 =	vmin.f32 v2, v3;
	v3 =	vnsel vm14, $0x0, v40  }
0x71: {  	v47 =	vld [tilespmem:$0x19C0];
	vm4 =	vclass.f32 v42, $0xFC;
	v2 =	vmin.f32 v2, v3;
	v3 =	vnsel vm15, $0x0, v41  }
0x72: {  	v48 =	vld [tilespmem:$0x19D0];
	vm5 =	vclass.f32 v43, $0xFC;
	v2 =	vmin.f32 v2, v3;
	v3 =	vnsel vm4, $0x0, v42  }
0x73: {  	v49 =	vld [tilespmem:$0x19E0];
	vm6 =	vclass.f32 v44, $0xFC;
	v2 =	vmin.f32 v2, v3;
	v3 =	vnsel vm5, $0x0, v43  }
0x74: {  	v50 =	vld [tilespmem:$0x19F0];
	vm7 =	vclass.f32 v45, $0xFC;
	v2 =	vmin.f32 v2, v3;
	v3 =	vnsel vm6, $0x0, v44  }
0x75: {  	v51 =	vld [tilespmem:$0x1A00];
	vm8 =	vclass.f32 v46, $0xFC;
	v2 =	vmin.f32 v2, v3;
	v3 =	vnsel vm7, $0x0, v45  }
0x76: {  	v52 =	vld [tilespmem:$0x1A10];
	vm9 =	vclass.f32 v47, $0xFC;
	v2 =	vmin.f32 v2, v3;
	v3 =	vnsel vm8, $0x0, v46  }
0x77: {  	v53 =	vld [tilespmem:$0x1A20];
	vm10 =	vclass.f32 v48, $0xFC;
	v2 =	vmin.f32 v2, v3;
	v3 =	vnsel vm9, $0x0, v47  }
0x78: {  	v54 =	vld [tilespmem:$0x1A30];
	vm11 =	vclass.f32 v49, $0xFC;
	v2 =	vmin.f32 v2, v3;
	v3 =	vnsel vm10, $0x0, v48  }
0x79: {  	v55 =	vld [tilespmem:$0x1A40];
	vm12 =	vclass.f32 v50, $0xFC;
	v2 =	vmin.f32 v2, v3;
	v3 =	vnsel vm11, $0x0, v49  }
0x7a: {  	v56 =	vld [tilespmem:$0x1A50];
	vm13 =	vclass.f32 v51, $0xFC;
	v2 =	vmin.f32 v2, v3;
	v3 =	vnsel vm12, $0x0, v50  }
0x7b: {  	v57 =	vld [tilespmem:$0x1A60];
	vm14 =	vclass.f32 v52, $0xFC;
	v2 =	vmin.f32 v2, v3;
	v3 =	vnsel vm13, $0x0, v51  }
0x7c: {  	v58 =	vld [tilespmem:$0x1A70];
	vm15 =	vclass.f32 v53, $0xFC;
	v2 =	vmin.f32 v2, v3;
	v3 =	vnsel vm14, $0x0, v52  }
0x7d: {  	vm4 =	vclass.f32 v54, $0xFC;
	v2 =	vmin.f32 v2, v3;
	v3 =	vnsel vm15, $0x0, v53  }
0x7e: {  	vm5 =	vclass.f32 v55, $0xFC;
	v2 =	vmin.f32 v2, v3;
	v3 =	vnsel vm4, $0x0, v54  }
0x7f: {  	vm6 =	vclass.f32 v56, $0xFC;
	v2 =	vmin.f32 v2, v3;
	v3 =	vnsel vm5, $0x0, v55  }
0x80: {  	vm7 =	vclass.f32 v57, $0xFC;
	v2 =	vmin.f32 v2, v3;
	v3 =	vnsel vm6, $0x0, v56  }
0x81: {  	vm8 =	vclass.f32 v58, $0xFC;
	v2 =	vmin.f32 v2, v3;
	v3 =	vnsel vm7, $0x0, v57  }
0x82: {  	v2 =	vmin.f32 v2, v3;
	v3 =	vnsel vm8, $0x0, v58  }
0x83: {  	s22 =	rddreg [dreg:$0x6];
	v2 =	vmin.f32 v2, v3  }
0x84: {  	s23 =	rddreg [dreg:$0xa];
	[tilespmem:$0x1600] =	vst v2  }
0x85: {  	[spmem:s22] =	stream.linear.scatter [tilespmem:s23], [sflag:$0x1], $0x10, $0x38;
	[tilespmem:$0x2290] =	vst v63  }
0x86: {  	_ =	swait.ge [sflag:s13], $0x10  }
0x87: {  	[sflag:s13] =	ssyncset.done $0x0  }
0x88: {  	[sflag:s13] =	ssyncadd.s32 $0xFFFFFFF0  }
0x89: {  	[bflag:$0x0] =	sbarrier.arrive $0xFFFF  }
0x8a: {  	s24 =	rddreg [dreg:$0xb]  }
0x8b: {  	[tilespmem:s24], [sflag:$0x1] =	stream.linear.gather [spmem:s2], $0x800, $0x38;
	[tilespmem:$0x2290] =	vst v63  }
0x8c: {  	_ =	swait.ge [sflag:s13], $0x800  }
0x8d: {  	[sflag:s13] =	ssyncset.done $0x0  }
0x8e: {  	[sflag:s13] =	ssyncadd.s32 $0xFFFFF800  }
0x8f: {  	v2 =	vld [tilespmem:$0x1A90]  }
0x90: {  	v3 =	vld [tilespmem:$0x1B10]  }
0x91: {  	v59 =	vld [tilespmem:$0x1B90]  }
0x92: {  	v60 =	vld [tilespmem:$0x1C10]  }
0x93: {  	v61 =	vld [tilespmem:$0x1C90]  }
0x94: {  	v62 =	vld [tilespmem:$0x1D10]  }
0x95: {  	v2 =	vmin.f32 v2, v3;
	v3 =	vld [tilespmem:$0x1D90]  }
0x96: {  	v63 =	vld [tilespmem:$0x1E10];
	v2 =	vmin.f32 v2, v59  }
0x97: {  	v9 =	vld [tilespmem:$0x1E90];
	v2 =	vmin.f32 v2, v60  }
0x98: {  	v10 =	vld [tilespmem:$0x1F10];
	v2 =	vmin.f32 v2, v61  }
0x99: {  	v11 =	vld [tilespmem:$0x1F90];
	v2 =	vmin.f32 v2, v62  }
0x9a: {  	v2 =	vmin.f32 v2, v3;
	v3 =	vld [tilespmem:$0x2010]  }
0x9b: {  	v12 =	vld [tilespmem:$0x2090];
	v2 =	vmin.f32 v2, v63  }
0x9c: {  	v13 =	vld [tilespmem:$0x2110];
	v2 =	vmin.f32 v2, v9  }
0x9d: {  	v14 =	vld [tilespmem:$0x2190];
	v2 =	vmin.f32 v2, v10  }
0x9e: {  	v15 =	vld [tilespmem:$0x2210];
	v2 =	vmin.f32 v2, v11  }
0x9f: {  	v2 =	vmin.f32 v2, v3  }
0xa0: {  	v2 =	vmin.f32 v2, v12  }
0xa1: {  	v2 =	vmin.f32 v2, v13  }
0xa2: {  	v2 =	vmin.f32 v2, v14  }
0xa3: {  	v2 =	vmin.f32 v2, v15  }
0xa4: {  	[tilespmem:$0x1600] =	vst v2  }
0xa5: {  	[tilespmem:$0x1610] =	vst v2  }
0xa6: {  	v3 =	vld [tilespmem:$0x1608];
	_ =	sdelay $0x4  }
0xa7: {  	v2 =	vmin.f32 v2, v3  }
0xa8: {  	[tilespmem:$0x1600] =	vst v2  }
0xa9: {  	[tilespmem:$0x1610] =	vst v2  }
0xaa: {  	v3 =	vld [tilespmem:$0x1604];
	_ =	sdelay $0x4  }
0xab: {  	v2 =	vmin.f32 v2, v3  }
0xac: {  	[tilespmem:$0x1600] =	vst v2  }
0xad: {  	[tilespmem:$0x1610] =	vst v2  }
0xae: {  	[tilespmem:$0x600] =	vst v1;
	v3 =	vld [tilespmem:$0x1602]  }
0xaf: {  	[tilespmem:$0x610] =	vst v1  }
0xb0: {  	v16 =	vld [tilespmem:$0x0];
	[tilespmem:$0x620] =	vst v1  }
0xb1: {  	v17 =	vld [tilespmem:$0x200];
	[tilespmem:$0x630] =	vst v1  }
0xb2: {  	v18 =	vld [tilespmem:$0x400];
	[tilespmem:$0x640] =	vst v1  }
0xb3: {  	v19 =	vld [tilespmem:$0x210];
	[tilespmem:$0x650] =	vst v1;
	v2 =	vmin.f32 v2, v3  }
0xb4: {  	v20 =	vld [tilespmem:$0x410];
	[tilespmem:$0x1600] =	vst v2  }
0xb5: {  	[tilespmem:$0x1610] =	vst v2  }
0xb6: {  	[tilespmem:$0x660] =	vst v1;
	v3 =	vld [tilespmem:$0x1601]  }
0xb7: {  	[tilespmem:$0x670] =	vst v1;
	vm9 =	vclass.f32 v16, $0xFC;
	vm2 =	vclass.f32 v17, $0xFC  }
0xb8: {  	[tilespmem:$0xA00] =	vst v1;
	vm3 =	vclass.f32 v18, $0x303;
	vm4 =	vgt.f32 v16, $5.000000000e-01;
	vm5 =	vge.f32 v17, $8.999999760e-01  }
0xb9: {  	[tilespmem:$0xA10] =	vst v1;
	vm10 =	vlt.f32 v18, $8.999999760e-01;
	vm14 =	vclass.f32 v19, $0xFC;
	vm15 =	vclass.f32 v20, $0x303  }
0xba: {  	v22 =	vld [tilespmem:$0x220];
	[tilespmem:$0xA20] =	vst v1;
	vm6 =	vge.f32 v19, $8.999999760e-01;
	vm1 =	vmand vm9, vm4;
	vm2 =	vmand vm2, vm5  }
0xbb: {  	[tilespmem:$0xA30] =	vst v1;
	vm3 =	vmor vm3, vm10;
	vm11 =	vmneg vm1;
	v2 =	vmin.f32 v2, v3;
	v3 =	vld [tilespmem:$0x10]  }
0xbc: {  	v23 =	vld [tilespmem:$0x420];
	[tilespmem:$0xA40] =	vst v1;
	vm9 =	vlt.f32 v20, $8.999999760e-01;
	vm4 =	vmand vm3, vm11;
	vm0 =	vgt.f32 v2, $5.000000000e-01  }
0xbd: {  	v21 =	vsel vm4, $0x1, v0;
	vm4 =	vmand vm14, vm6;
	[tilespmem:$0x1600] =	vst v2;
	vm2 =	vmand vm0, vm2  }
0xbe: {  	[tilespmem:$0x1610] =	vst v2;
	v2 =	vsel vm1, $0x1, v0;
	vm4 =	vmand vm0, vm4;
	vm2 =	vmneg vm2  }
0xbf: {  	[tilespmem:$0xA50] =	vst v1;
	vm4 =	vmneg vm4;
	vm2 =	vmand vm3, vm2;
	vm3 =	vmor vm15, vm9  }
0xc0: {  	v26 =	vld [tilespmem:$0x230];
	[tilespmem:$0xA60] =	vst v1;
	vm15 =	vclass.f32 v22, $0xFC;
	vm12 =	vclass.f32 v3, $0xFC;
	vm13 =	vgt.f32 v3, $5.000000000e-01  }
0xc1: {  	[tilespmem:$0xA70] =	vst v1;
	vm9 =	vclass.f32 v23, $0x303;
	vm1 =	vmand vm1, vm2;
	v3 =	vld [tilespmem:$0x20];
	vm2 =	vmand vm12, vm13  }
0xc2: {  	[tilespmem:$0x800] =	vst v2;
	v24 =	vsel vm1, $0x1, v0;
	vm12 =	vmand vm3, vm4;
	vm10 =	vmneg vm2  }
0xc3: {  	v27 =	vld [tilespmem:$0x430];
	[tilespmem:$0x880] =	vst v2;
	v2 =	vsel vm2, $0x1, v0;
	vm1 =	vmand vm2, vm12;
	vm11 =	vmand vm3, vm10  }
0xc4: {  	[tilespmem:$0xE00] =	vst v1;
	vm10 =	vge.f32 v22, $8.999999760e-01;
	v28 =	vsel vm1, $0x1, v0;
	v25 =	vsel vm11, $0x1, v0  }
0xc5: {  	[tilespmem:$0xE10] =	vst v1;
	vm11 =	vlt.f32 v23, $8.999999760e-01;
	vm4 =	vmand vm15, vm10;
	vm10 =	vclass.f32 v26, $0xFC  }
0xc6: {  	v31 =	vld [tilespmem:$0x440];
	[tilespmem:$0xE20] =	vst v1;
	vm13 =	vclass.f32 v3, $0xFC;
	vm14 =	vgt.f32 v3, $5.000000000e-01;
	vm4 =	vmand vm0, vm4  }
0xc7: {  	[tilespmem:$0xE30] =	vst v1;
	v3 =	vld [tilespmem:$0x30];
	vm3 =	vmor vm9, vm11;
	vm2 =	vmand vm13, vm14;
	vm4 =	vmneg vm4  }
0xc8: {  	v30 =	vld [tilespmem:$0x240];
	[tilespmem:$0x810] =	vst v2;
	vm11 =	vclass.f32 v27, $0x303;
	vm12 =	vmneg vm2;
	vm14 =	vmand vm3, vm4  }
0xc9: {  	[tilespmem:$0x890] =	vst v2;
	v2 =	vsel vm2, $0x1, v0;
	vm13 =	vmand vm3, vm12;
	vm1 =	vmand vm2, vm14  }
0xca: {  	[tilespmem:$0xE40] =	vst v1;
	vm12 =	vge.f32 v26, $8.999999760e-01;
	v29 =	vsel vm13, $0x1, v0;
	vm13 =	vlt.f32 v27, $8.999999760e-01  }
0xcb: {  	v35 =	vld [tilespmem:$0x450];
	[tilespmem:$0xE50] =	vst v1;
	vm4 =	vmand vm10, vm12;
	v32 =	vsel vm1, $0x1, v0;
	vm12 =	vclass.f32 v31, $0x303  }
0xcc: {  	[tilespmem:$0xE60] =	vst v1;
	vm15 =	vclass.f32 v3, $0xFC;
	vm9 =	vgt.f32 v3, $5.000000000e-01;
	vm3 =	vmor vm11, vm13  }
0xcd: {  	v34 =	vld [tilespmem:$0x250];
	[tilespmem:$0xE70] =	vst v1;
	vm4 =	vmand vm0, vm4;
	vm11 =	vclass.f32 v30, $0xFC;
	vm2 =	vmand vm15, vm9  }
0xce: {  	[tilespmem:$0x820] =	vst v2;
	v3 =	vld [tilespmem:$0x40];
	vm13 =	vge.f32 v30, $8.999999760e-01;
	vm4 =	vmneg vm4;
	vm14 =	vmneg vm2  }
0xcf: {  	[tilespmem:$0x8A0] =	vst v2;
	v2 =	vsel vm2, $0x1, v0;
	vm8 =	vmand vm3, vm4;
	vm4 =	vmand vm11, vm13  }
0xd0: {  	v39 =	vld [tilespmem:$0x460];
	[tilespmem:$0x1200] =	vst v1;
	vm13 =	vclass.f32 v35, $0x303;
	vm15 =	vmand vm3, vm14;
	vm1 =	vmand vm2, vm8  }
0xd1: {  	[tilespmem:$0x1210] =	vst v1;
	vm14 =	vlt.f32 v31, $8.999999760e-01;
	vm4 =	vmand vm0, vm4;
	v33 =	vsel vm15, $0x1, v0  }
0xd2: {  	[tilespmem:$0x1220] =	vst v1;
	vm3 =	vmor vm12, vm14;
	v36 =	vsel vm1, $0x1, v0;
	vm4 =	vmneg vm4  }
0xd3: {  	v38 =	vld [tilespmem:$0x260];
	[tilespmem:$0x1230] =	vst v1;
	vm12 =	vclass.f32 v34, $0xFC;
	vm9 =	vclass.f32 v3, $0xFC;
	vm10 =	vgt.f32 v3, $5.000000000e-01  }
0xd4: {  	[tilespmem:$0x1240] =	vst v1;
	vm14 =	vge.f32 v34, $8.999999760e-01;
	v3 =	vld [tilespmem:$0x50];
	vm2 =	vmand vm9, vm10;
	vm9 =	vmand vm3, vm4  }
0xd5: {  	[tilespmem:$0x830] =	vst v2;
	vm4 =	vmand vm12, vm14;
	vm14 =	vclass.f32 v39, $0x303;
	vm15 =	vmneg vm2  }
0xd6: {  	v42 =	vld [tilespmem:$0x270];
	[tilespmem:$0x8B0] =	vst v2;
	v2 =	vsel vm2, $0x1, v0;
	vm1 =	vmand vm2, vm9;
	vm4 =	vmand vm0, vm4  }
0xd7: {  	[tilespmem:$0x1250] =	vst v1;
	vm8 =	vmand vm3, vm15;
	vm15 =	vlt.f32 v35, $8.999999760e-01;
	v40 =	vsel vm1, $0x1, v0  }
0xd8: {  	[tilespmem:$0x1260] =	vst v1;
	vm4 =	vmneg vm4;
	v37 =	vsel vm8, $0x1, v0;
	vm3 =	vmor vm13, vm15  }
0xd9: {  	[tilespmem:$0x1270] =	vst v1;
	vm13 =	vclass.f32 v38, $0xFC;
	vm10 =	vclass.f32 v3, $0xFC;
	vm11 =	vgt.f32 v3, $5.000000000e-01;
	v3 =	vld [tilespmem:$0x60]  }
0xda: {  	[tilespmem:$0x680] =	vst v21;
	vm15 =	vge.f32 v38, $8.999999760e-01;
	vm2 =	vmand vm10, vm11;
	vm10 =	vmand vm3, vm4  }
0xdb: {  	v43 =	vld [tilespmem:$0x470];
	[tilespmem:$0x840] =	vst v2;
	vm4 =	vmand vm13, vm15;
	vm15 =	vclass.f32 v42, $0xFC;
	vm8 =	vmneg vm2  }
0xdc: {  	[tilespmem:$0x8C0] =	vst v2;
	v2 =	vsel vm2, $0x1, v0;
	vm1 =	vmand vm2, vm10;
	vm9 =	vmand vm3, vm8  }
0xdd: {  	[tilespmem:$0x700] =	vst v21;
	vm4 =	vmand vm0, vm4;
	v44 =	vsel vm1, $0x1, v0;
	v41 =	vsel vm9, $0x1, v0  }
0xde: {  	v46 =	vld [tilespmem:$0x280];
	[tilespmem:$0x780] =	vst v21;
	vm9 =	vlt.f32 v39, $8.999999760e-01;
	vm11 =	vclass.f32 v3, $0xFC;
	vm12 =	vgt.f32 v3, $5.000000000e-01  }
0xdf: {  	[tilespmem:$0x900] =	vst v24;
	vm4 =	vmneg vm4;
	v3 =	vld [tilespmem:$0x70];
	vm3 =	vmor vm14, vm9;
	vm2 =	vmand vm11, vm12  }
0xe0: {  	[tilespmem:$0x850] =	vst v2;
	vm9 =	vclass.f32 v43, $0x303;
	vm12 =	vmand vm3, vm4;
	vm10 =	vmneg vm2  }
0xe1: {  	v47 =	vld [tilespmem:$0x480];
	[tilespmem:$0x8D0] =	vst v2;
	v2 =	vsel vm2, $0x1, v0;
	vm1 =	vmand vm2, vm12;
	vm11 =	vmand vm3, vm10  }
0xe2: {  	[tilespmem:$0x910] =	vst v28;
	vm10 =	vge.f32 v42, $8.999999760e-01;
	v48 =	vsel vm1, $0x1, v0;
	v45 =	vsel vm11, $0x1, v0  }
0xe3: {  	[tilespmem:$0x690] =	vst v25;
	vm11 =	vlt.f32 v43, $8.999999760e-01;
	vm4 =	vmand vm15, vm10;
	vm10 =	vclass.f32 v46, $0xFC  }
0xe4: {  	v51 =	vld [tilespmem:$0x490];
	[tilespmem:$0x710] =	vst v25;
	vm13 =	vclass.f32 v3, $0xFC;
	vm14 =	vgt.f32 v3, $5.000000000e-01;
	vm4 =	vmand vm0, vm4  }
0xe5: {  	[tilespmem:$0x790] =	vst v25;
	v3 =	vld [tilespmem:$0x80];
	vm3 =	vmor vm9, vm11;
	vm2 =	vmand vm13, vm14;
	vm4 =	vmneg vm4  }
0xe6: {  	v50 =	vld [tilespmem:$0x290];
	[tilespmem:$0x860] =	vst v2;
	vm11 =	vclass.f32 v47, $0x303;
	vm12 =	vmneg vm2;
	vm14 =	vmand vm3, vm4  }
0xe7: {  	[tilespmem:$0x8E0] =	vst v2;
	v2 =	vsel vm2, $0x1, v0;
	vm13 =	vmand vm3, vm12;
	vm1 =	vmand vm2, vm14  }
0xe8: {  	[tilespmem:$0x6A0] =	vst v29;
	vm12 =	vge.f32 v46, $8.999999760e-01;
	v49 =	vsel vm13, $0x1, v0;
	vm13 =	vlt.f32 v47, $8.999999760e-01  }
0xe9: {  	v55 =	vld [tilespmem:$0x4A0];
	[tilespmem:$0x720] =	vst v29;
	vm4 =	vmand vm10, vm12;
	v52 =	vsel vm1, $0x1, v0;
	vm12 =	vclass.f32 v51, $0x303  }
0xea: {  	[tilespmem:$0x7A0] =	vst v29;
	vm15 =	vclass.f32 v3, $0xFC;
	vm9 =	vgt.f32 v3, $5.000000000e-01;
	vm3 =	vmor vm11, vm13  }
0xeb: {  	v54 =	vld [tilespmem:$0x2A0];
	[tilespmem:$0x920] =	vst v32;
	vm4 =	vmand vm0, vm4;
	vm11 =	vclass.f32 v50, $0xFC;
	vm2 =	vmand vm15, vm9  }
0xec: {  	[tilespmem:$0x870] =	vst v2;
	v3 =	vld [tilespmem:$0x90];
	vm13 =	vge.f32 v50, $8.999999760e-01;
	vm4 =	vmneg vm4;
	vm14 =	vmneg vm2  }
0xed: {  	[tilespmem:$0x8F0] =	vst v2;
	v2 =	vsel vm2, $0x1, v0;
	vm8 =	vmand vm3, vm4;
	vm4 =	vmand vm11, vm13  }
0xee: {  	v59 =	vld [tilespmem:$0x4B0];
	[tilespmem:$0x6B0] =	vst v33;
	vm13 =	vclass.f32 v55, $0x303;
	vm15 =	vmand vm3, vm14;
	vm1 =	vmand vm2, vm8  }
0xef: {  	[tilespmem:$0x730] =	vst v33;
	vm14 =	vlt.f32 v51, $8.999999760e-01;
	vm4 =	vmand vm0, vm4;
	v53 =	vsel vm15, $0x1, v0  }
0xf0: {  	[tilespmem:$0x7B0] =	vst v33;
	vm3 =	vmor vm12, vm14;
	v56 =	vsel vm1, $0x1, v0;
	vm4 =	vmneg vm4  }
0xf1: {  	v58 =	vld [tilespmem:$0x2B0];
	[tilespmem:$0x930] =	vst v36;
	vm12 =	vclass.f32 v54, $0xFC;
	vm9 =	vclass.f32 v3, $0xFC;
	vm10 =	vgt.f32 v3, $5.000000000e-01  }
0xf2: {  	[tilespmem:$0x940] =	vst v40;
	vm14 =	vge.f32 v54, $8.999999760e-01;
	v3 =	vld [tilespmem:$0xA0];
	vm2 =	vmand vm9, vm10;
	vm9 =	vmand vm3, vm4  }
0xf3: {  	[tilespmem:$0xC00] =	vst v2;
	vm4 =	vmand vm12, vm14;
	vm14 =	vclass.f32 v59, $0x303;
	vm15 =	vmneg vm2  }
0xf4: {  	v62 =	vld [tilespmem:$0x2C0];
	[tilespmem:$0xC80] =	vst v2;
	v2 =	vsel vm2, $0x1, v0;
	vm1 =	vmand vm2, vm9;
	vm4 =	vmand vm0, vm4  }
0xf5: {  	[tilespmem:$0x6C0] =	vst v37;
	vm8 =	vmand vm3, vm15;
	vm15 =	vlt.f32 v55, $8.999999760e-01;
	v60 =	vsel vm1, $0x1, v0  }
0xf6: {  	[tilespmem:$0x740] =	vst v37;
	vm4 =	vmneg vm4;
	v57 =	vsel vm8, $0x1, v0;
	vm3 =	vmor vm13, vm15  }
0xf7: {  	[tilespmem:$0x7C0] =	vst v37;
	vm13 =	vclass.f32 v58, $0xFC;
	vm10 =	vclass.f32 v3, $0xFC;
	vm11 =	vgt.f32 v3, $5.000000000e-01;
	v3 =	vld [tilespmem:$0xB0]  }
0xf8: {  	[tilespmem:$0x950] =	vst v44;
	vm15 =	vge.f32 v58, $8.999999760e-01;
	vm2 =	vmand vm10, vm11;
	vm10 =	vmand vm3, vm4  }
0xf9: {  	v63 =	vld [tilespmem:$0x4C0];
	[tilespmem:$0xC10] =	vst v2;
	vm4 =	vmand vm13, vm15;
	vm15 =	vclass.f32 v62, $0xFC;
	vm8 =	vmneg vm2  }
0xfa: {  	[tilespmem:$0xC90] =	vst v2;
	v2 =	vsel vm2, $0x1, v0;
	vm1 =	vmand vm2, vm10;
	vm9 =	vmand vm3, vm8  }
0xfb: {  	[tilespmem:$0x6D0] =	vst v41;
	vm4 =	vmand vm0, vm4;
	v9 =	vsel vm1, $0x1, v0;
	v61 =	vsel vm9, $0x1, v0  }
0xfc: {  	v11 =	vld [tilespmem:$0x2D0];
	[tilespmem:$0x750] =	vst v41;
	vm9 =	vlt.f32 v59, $8.999999760e-01;
	vm11 =	vclass.f32 v3, $0xFC;
	vm12 =	vgt.f32 v3, $5.000000000e-01  }
0xfd: {  	[tilespmem:$0x7D0] =	vst v41;
	vm4 =	vmneg vm4;
	v3 =	vld [tilespmem:$0xC0];
	vm3 =	vmor vm14, vm9;
	vm2 =	vmand vm11, vm12  }
0xfe: {  	[tilespmem:$0xC20] =	vst v2;
	vm9 =	vclass.f32 v63, $0x303;
	vm12 =	vmand vm3, vm4;
	vm10 =	vmneg vm2  }
0xff: {  	v12 =	vld [tilespmem:$0x4D0];
	[tilespmem:$0xCA0] =	vst v2;
	v2 =	vsel vm2, $0x1, v0;
	vm1 =	vmand vm2, vm12;
	vm11 =	vmand vm3, vm10  }
0x100: {  	[tilespmem:$0x960] =	vst v48;
	vm10 =	vge.f32 v62, $8.999999760e-01;
	v13 =	vsel vm1, $0x1, v0;
	v10 =	vsel vm11, $0x1, v0  }
0x101: {  	[tilespmem:$0x6E0] =	vst v45;
	vm11 =	vlt.f32 v63, $8.999999760e-01;
	vm4 =	vmand vm15, vm10;
	vm10 =	vclass.f32 v11, $0xFC  }
0x102: {  	v16 =	vld [tilespmem:$0x4E0];
	[tilespmem:$0x760] =	vst v45;
	vm13 =	vclass.f32 v3, $0xFC;
	vm14 =	vgt.f32 v3, $5.000000000e-01;
	vm4 =	vmand vm0, vm4  }
0x103: {  	[tilespmem:$0x7E0] =	vst v45;
	v3 =	vld [tilespmem:$0xD0];
	vm3 =	vmor vm9, vm11;
	vm2 =	vmand vm13, vm14;
	vm4 =	vmneg vm4  }
0x104: {  	v15 =	vld [tilespmem:$0x2E0];
	[tilespmem:$0xC30] =	vst v2;
	vm11 =	vclass.f32 v12, $0x303;
	vm12 =	vmneg vm2;
	vm14 =	vmand vm3, vm4  }
0x105: {  	[tilespmem:$0xCB0] =	vst v2;
	v2 =	vsel vm2, $0x1, v0;
	vm13 =	vmand vm3, vm12;
	vm1 =	vmand vm2, vm14  }
0x106: {  	[tilespmem:$0x6F0] =	vst v49;
	vm12 =	vge.f32 v11, $8.999999760e-01;
	v14 =	vsel vm13, $0x1, v0;
	vm13 =	vlt.f32 v12, $8.999999760e-01  }
0x107: {  	v20 =	vld [tilespmem:$0x4F0];
	[tilespmem:$0x770] =	vst v49;
	vm4 =	vmand vm10, vm12;
	v17 =	vsel vm1, $0x1, v0;
	vm12 =	vclass.f32 v16, $0x303  }
0x108: {  	[tilespmem:$0x7F0] =	vst v49;
	vm15 =	vclass.f32 v3, $0xFC;
	vm9 =	vgt.f32 v3, $5.000000000e-01;
	vm3 =	vmor vm11, vm13  }
0x109: {  	v19 =	vld [tilespmem:$0x2F0];
	[tilespmem:$0x970] =	vst v52;
	vm4 =	vmand vm0, vm4;
	vm11 =	vclass.f32 v15, $0xFC;
	vm2 =	vmand vm15, vm9  }
0x10a: {  	[tilespmem:$0xC40] =	vst v2;
	v3 =	vld [tilespmem:$0xE0];
	vm13 =	vge.f32 v15, $8.999999760e-01;
	vm4 =	vmneg vm4;
	vm14 =	vmneg vm2  }
0x10b: {  	[tilespmem:$0xCC0] =	vst v2;
	v2 =	vsel vm2, $0x1, v0;
	vm8 =	vmand vm3, vm4;
	vm4 =	vmand vm11, vm13  }
0x10c: {  	v24 =	vld [tilespmem:$0x500];
	[tilespmem:$0xA80] =	vst v53;
	vm13 =	vclass.f32 v20, $0x303;
	vm15 =	vmand vm3, vm14;
	vm1 =	vmand vm2, vm8  }
0x10d: {  	[tilespmem:$0xB00] =	vst v53;
	vm14 =	vlt.f32 v16, $8.999999760e-01;
	vm4 =	vmand vm0, vm4;
	v18 =	vsel vm15, $0x1, v0  }
0x10e: {  	[tilespmem:$0xB80] =	vst v53;
	vm3 =	vmor vm12, vm14;
	v21 =	vsel vm1, $0x1, v0;
	vm4 =	vmneg vm4  }
0x10f: {  	v23 =	vld [tilespmem:$0x300];
	[tilespmem:$0xD00] =	vst v56;
	vm12 =	vclass.f32 v19, $0xFC;
	vm9 =	vclass.f32 v3, $0xFC;
	vm10 =	vgt.f32 v3, $5.000000000e-01  }
0x110: {  	[tilespmem:$0xD10] =	vst v60;
	vm14 =	vge.f32 v19, $8.999999760e-01;
	v3 =	vld [tilespmem:$0xF0];
	vm2 =	vmand vm9, vm10;
	vm9 =	vmand vm3, vm4  }
0x111: {  	[tilespmem:$0xC50] =	vst v2;
	vm4 =	vmand vm12, vm14;
	vm14 =	vclass.f32 v24, $0x303;
	vm15 =	vmneg vm2  }
0x112: {  	v27 =	vld [tilespmem:$0x310];
	[tilespmem:$0xCD0] =	vst v2;
	v2 =	vsel vm2, $0x1, v0;
	vm1 =	vmand vm2, vm9;
	vm4 =	vmand vm0, vm4  }
0x113: {  	[tilespmem:$0xA90] =	vst v57;
	vm8 =	vmand vm3, vm15;
	vm15 =	vlt.f32 v20, $8.999999760e-01;
	v25 =	vsel vm1, $0x1, v0  }
0x114: {  	[tilespmem:$0xB10] =	vst v57;
	vm4 =	vmneg vm4;
	v22 =	vsel vm8, $0x1, v0;
	vm3 =	vmor vm13, vm15  }
0x115: {  	[tilespmem:$0xB90] =	vst v57;
	vm13 =	vclass.f32 v23, $0xFC;
	vm10 =	vclass.f32 v3, $0xFC;
	vm11 =	vgt.f32 v3, $5.000000000e-01;
	v3 =	vld [tilespmem:$0x100]  }
0x116: {  	[tilespmem:$0xD20] =	vst v9;
	vm15 =	vge.f32 v23, $8.999999760e-01;
	vm2 =	vmand vm10, vm11;
	vm10 =	vmand vm3, vm4  }
0x117: {  	v28 =	vld [tilespmem:$0x510];
	[tilespmem:$0xC60] =	vst v2;
	vm4 =	vmand vm13, vm15;
	vm15 =	vclass.f32 v27, $0xFC;
	vm8 =	vmneg vm2  }
0x118: {  	[tilespmem:$0xCE0] =	vst v2;
	v2 =	vsel vm2, $0x1, v0;
	vm1 =	vmand vm2, vm10;
	vm9 =	vmand vm3, vm8  }
0x119: {  	[tilespmem:$0xAA0] =	vst v61;
	vm4 =	vmand vm0, vm4;
	v29 =	vsel vm1, $0x1, v0;
	v26 =	vsel vm9, $0x1, v0  }
0x11a: {  	v31 =	vld [tilespmem:$0x320];
	[tilespmem:$0xB20] =	vst v61;
	vm9 =	vlt.f32 v24, $8.999999760e-01;
	vm11 =	vclass.f32 v3, $0xFC;
	vm12 =	vgt.f32 v3, $5.000000000e-01  }
0x11b: {  	[tilespmem:$0xBA0] =	vst v61;
	vm4 =	vmneg vm4;
	v3 =	vld [tilespmem:$0x110];
	vm3 =	vmor vm14, vm9;
	vm2 =	vmand vm11, vm12  }
0x11c: {  	[tilespmem:$0xC70] =	vst v2;
	vm9 =	vclass.f32 v28, $0x303;
	vm12 =	vmand vm3, vm4;
	vm10 =	vmneg vm2  }
0x11d: {  	v32 =	vld [tilespmem:$0x520];
	[tilespmem:$0xCF0] =	vst v2;
	v2 =	vsel vm2, $0x1, v0;
	vm1 =	vmand vm2, vm12;
	vm11 =	vmand vm3, vm10  }
0x11e: {  	[tilespmem:$0xD30] =	vst v13;
	vm10 =	vge.f32 v27, $8.999999760e-01;
	v33 =	vsel vm1, $0x1, v0;
	v30 =	vsel vm11, $0x1, v0  }
0x11f: {  	[tilespmem:$0xAB0] =	vst v10;
	vm11 =	vlt.f32 v28, $8.999999760e-01;
	vm4 =	vmand vm15, vm10;
	vm10 =	vclass.f32 v31, $0xFC  }
0x120: {  	[tilespmem:$0xB30] =	vst v10;
	vm13 =	vclass.f32 v3, $0xFC;
	vm14 =	vgt.f32 v3, $5.000000000e-01;
	v3 =	vld [tilespmem:$0x120];
	vm4 =	vmand vm0, vm4  }
0x121: {  	v35 =	vld [tilespmem:$0x330];
	[tilespmem:$0xBB0] =	vst v10;
	vm3 =	vmor vm9, vm11;
	vm2 =	vmand vm13, vm14;
	vm4 =	vmneg vm4  }
0x122: {  	[tilespmem:$0x1000] =	vst v2;
	vm11 =	vclass.f32 v32, $0x303;
	vm12 =	vmneg vm2;
	vm14 =	vmand vm3, vm4  }
0x123: {  	v36 =	vld [tilespmem:$0x530];
	[tilespmem:$0x1080] =	vst v2;
	v2 =	vsel vm2, $0x1, v0;
	vm13 =	vmand vm3, vm12;
	vm1 =	vmand vm2, vm14  }
0x124: {  	[tilespmem:$0xAC0] =	vst v14;
	vm12 =	vge.f32 v31, $8.999999760e-01;
	v34 =	vsel vm13, $0x1, v0;
	vm13 =	vlt.f32 v32, $8.999999760e-01  }
0x125: {  	[tilespmem:$0xB40] =	vst v14;
	vm4 =	vmand vm10, vm12;
	vm15 =	vclass.f32 v3, $0xFC;
	vm9 =	vgt.f32 v3, $5.000000000e-01;
	v3 =	vld [tilespmem:$0x130]  }
0x126: {  	[tilespmem:$0xBC0] =	vst v14;
	v37 =	vsel vm1, $0x1, v0;
	vm10 =	vclass.f32 v35, $0xFC;
	vm2 =	vmand vm15, vm9  }
0x127: {  	v39 =	vld [tilespmem:$0x540];
	[tilespmem:$0xD40] =	vst v17;
	vm3 =	vmor vm11, vm13;
	vm4 =	vmand vm0, vm4;
	vm14 =	vmneg vm2  }
0x128: {  	[tilespmem:$0x1010] =	vst v2;
	vm11 =	vclass.f32 v36, $0x303;
	vm4 =	vmneg vm4;
	vm15 =	vmand vm3, vm14  }
0x129: {  	[tilespmem:$0x1090] =	vst v2;
	vm13 =	vlt.f32 v36, $8.999999760e-01;
	vm8 =	vmand vm3, vm4;
	v2 =	vsel vm15, $0x1, v0  }
0x12a: {  	vm14 =	vge.f32 v35, $8.999999760e-01;
	[tilespmem:$0xEA0] =	vst v2;
	vm9 =	vclass.f32 v3, $0xFC;
	vm12 =	vgt.f32 v3, $5.000000000e-01;
	v3 =	vld [tilespmem:$0x140]  }
0x12b: {  	v38 =	vsel vm2, $0x1, v0;
	vm4 =	vmor vm11, vm13;
	vm3 =	vmand vm10, vm14;
	[tilespmem:$0xF20] =	vst v2  }
0x12c: {  	vm13 =	vlt.f32 v39, $8.999999760e-01;
	vm1 =	vmand vm2, vm8;
	[tilespmem:$0xFA0] =	vst v2;
	v2 =	vld [tilespmem:$0x340];
	vm3 =	vmand vm0, vm3  }
0x12d: {  	[tilespmem:$0xAD0] =	vst v18;
	v40 =	vsel vm1, $0x1, v0;
	vm2 =	vmand vm9, vm12;
	vm8 =	vmneg vm3  }
0x12e: {  	[tilespmem:$0xB50] =	vst v18;
	vm12 =	vclass.f32 v39, $0x303;
	vm15 =	vmneg vm2;
	vm1 =	vmand vm4, vm8  }
0x12f: {  	[tilespmem:$0xBD0] =	vst v18;
	vm9 =	vclass.f32 v3, $0xFC;
	vm10 =	vgt.f32 v3, $5.000000000e-01;
	v3 =	vsel vm2, $0x1, v0  }
0x130: {  	v42 =	vld [tilespmem:$0x550];
	vm7 =	vmand vm4, vm15;
	vm1 =	vmand vm2, vm1;
	vm4 =	vmor vm12, vm13;
	[tilespmem:$0x1030] =	vst v3  }
0x131: {  	vm11 =	vclass.f32 v2, $0xFC;
	vm14 =	vge.f32 v2, $8.999999760e-01;
	vm3 =	vmand vm9, vm10;
	[tilespmem:$0x10B0] =	vst v3;
	v3 =	vld [tilespmem:$0x150]  }
0x132: {  	[tilespmem:$0xD50] =	vst v21;
	v41 =	vsel vm7, $0x1, v0;
	vm5 =	vmand vm11, vm14;
	vm15 =	vmneg vm3  }
0x133: {  	[tilespmem:$0xD60] =	vst v25;
	v2 =	vsel vm1, $0x1, v0;
	vm1 =	vmand vm0, vm5;
	vm7 =	vmand vm4, vm15  }
0x134: {  	v43 =	vld [tilespmem:$0x350];
	[tilespmem:$0x1130] =	vst v2;
	vm1 =	vmneg vm1;
	v2 =	vsel vm7, $0x1, v0  }
0x135: {  	vm10 =	vclass.f32 v42, $0x303;
	vm1 =	vmand vm4, vm1;
	[tilespmem:$0xEC0] =	vst v2  }
0x136: {  	[tilespmem:$0xF40] =	vst v2;
	vm1 =	vmand vm3, vm1;
	vm8 =	vclass.f32 v3, $0xFC;
	vm9 =	vgt.f32 v3, $5.000000000e-01  }
0x137: {  	vm11 =	vlt.f32 v42, $8.999999760e-01;
	[tilespmem:$0xFC0] =	vst v2;
	v3 =	vsel vm1, $0x1, v0;
	vm2 =	vmand vm8, vm9  }
0x138: {  	vm12 =	vmor vm10, vm11;
	v2 =	vsel vm3, $0x1, v0;
	[tilespmem:$0x1140] =	vst v3;
	v3 =	vld [tilespmem:$0x160];
	vm13 =	vmneg vm2  }
0x139: {  	v44 =	vld [tilespmem:$0x560];
	vm14 =	vclass.f32 v43, $0xFC;
	vm15 =	vge.f32 v43, $8.999999760e-01;
	[tilespmem:$0x1040] =	vst v2;
	vm3 =	vmand vm12, vm13  }
0x13a: {  	vm4 =	vmand vm14, vm15;
	[tilespmem:$0x10C0] =	vst v2;
	v2 =	vsel vm3, $0x1, v0  }
0x13b: {  	vm7 =	vmand vm0, vm4;
	[tilespmem:$0xED0] =	vst v2  }
0x13c: {  	vm3 =	vmneg vm7;
	[tilespmem:$0xF50] =	vst v2  }
0x13d: {  	[tilespmem:$0xFD0] =	vst v2;
	v2 =	vld [tilespmem:$0x360];
	vm8 =	vclass.f32 v3, $0xFC;
	vm9 =	vgt.f32 v3, $5.000000000e-01;
	v3 =	vsel vm2, $0x1, v0  }
0x13e: {  	vm10 =	vclass.f32 v44, $0x303;
	vm1 =	vmand vm12, vm3;
	[tilespmem:$0x1050] =	vst v3  }
0x13f: {  	vm11 =	vlt.f32 v44, $8.999999760e-01;
	vm1 =	vmand vm2, vm1;
	vm2 =	vmand vm8, vm9;
	[tilespmem:$0x10D0] =	vst v3;
	v3 =	vld [tilespmem:$0x170]  }
0x140: {  	[tilespmem:$0xAE0] =	vst v22;
	vm12 =	vmor vm10, vm11;
	vm13 =	vmneg vm2  }
0x141: {  	v46 =	vld [tilespmem:$0x570];
	[tilespmem:$0xB60] =	vst v22;
	vm3 =	vmand vm12, vm13  }
0x142: {  	[tilespmem:$0xBE0] =	vst v22;
	vm14 =	vclass.f32 v2, $0xFC;
	vm15 =	vge.f32 v2, $8.999999760e-01;
	v2 =	vsel vm3, $0x1, v0  }
0x143: {  	vm4 =	vmand vm14, vm15;
	[tilespmem:$0xEE0] =	vst v2  }
0x144: {  	[tilespmem:$0xF60] =	vst v2;
	vm7 =	vmand vm0, vm4;
	vm8 =	vclass.f32 v3, $0xFC  }
0x145: {  	[tilespmem:$0xFE0] =	vst v2;
	v2 =	vld [tilespmem:$0x370];
	vm9 =	vgt.f32 v3, $5.000000000e-01;
	v3 =	vsel vm2, $0x1, v0;
	vm3 =	vmneg vm7  }
0x146: {  	vm10 =	vclass.f32 v46, $0x303;
	v45 =	vsel vm1, $0x1, v0;
	[tilespmem:$0x1060] =	vst v3;
	vm1 =	vmand vm12, vm3  }
0x147: {  	vm11 =	vlt.f32 v46, $8.999999760e-01;
	[tilespmem:$0x10E0] =	vst v3;
	v3 =	vld [tilespmem:$0x180];
	vm1 =	vmand vm2, vm1;
	vm2 =	vmand vm8, vm9  }
0x148: {  	[tilespmem:$0xD70] =	vst v29;
	vm12 =	vmor vm10, vm11;
	vm13 =	vmneg vm2  }
0x149: {  	v48 =	vld [tilespmem:$0x580];
	[tilespmem:$0xAF0] =	vst v26;
	vm3 =	vmand vm12, vm13  }
0x14a: {  	[tilespmem:$0xB70] =	vst v26;
	vm14 =	vclass.f32 v2, $0xFC;
	vm15 =	vge.f32 v2, $8.999999760e-01;
	v2 =	vsel vm3, $0x1, v0  }
0x14b: {  	vm4 =	vmand vm14, vm15;
	[tilespmem:$0xEF0] =	vst v2  }
0x14c: {  	vm7 =	vmand vm0, vm4;
	vm8 =	vclass.f32 v3, $0xFC;
	[tilespmem:$0xF70] =	vst v2  }
0x14d: {  	vm9 =	vgt.f32 v3, $5.000000000e-01;
	v3 =	vsel vm2, $0x1, v0;
	vm3 =	vmneg vm7;
	[tilespmem:$0xFF0] =	vst v2;
	v2 =	vld [tilespmem:$0x380]  }
0x14e: {  	vm10 =	vclass.f32 v48, $0x303;
	v47 =	vsel vm1, $0x1, v0;
	[tilespmem:$0x1070] =	vst v3;
	vm1 =	vmand vm12, vm3  }
0x14f: {  	vm11 =	vlt.f32 v48, $8.999999760e-01;
	[tilespmem:$0x10F0] =	vst v3;
	v3 =	vld [tilespmem:$0x190];
	vm1 =	vmand vm2, vm1;
	vm2 =	vmand vm8, vm9  }
0x150: {  	[tilespmem:$0xBF0] =	vst v26;
	vm12 =	vmor vm10, vm11;
	vm13 =	vmneg vm2  }
0x151: {  	v50 =	vld [tilespmem:$0x590];
	[tilespmem:$0x1100] =	vst v33;
	vm3 =	vmand vm12, vm13  }
0x152: {  	[tilespmem:$0xE80] =	vst v30;
	vm14 =	vclass.f32 v2, $0xFC;
	vm15 =	vge.f32 v2, $8.999999760e-01;
	v2 =	vsel vm3, $0x1, v0  }
0x153: {  	vm4 =	vmand vm14, vm15;
	[tilespmem:$0x1280] =	vst v2  }
0x154: {  	vm9 =	vclass.f32 v3, $0xFC;
	[tilespmem:$0x1300] =	vst v2;
	vm8 =	vmand vm0, vm4  }
0x155: {  	vm10 =	vgt.f32 v3, $5.000000000e-01;
	v3 =	vsel vm2, $0x1, v0;
	[tilespmem:$0x1380] =	vst v2;
	v2 =	vld [tilespmem:$0x390];
	vm3 =	vmneg vm8  }
0x156: {  	vm11 =	vclass.f32 v50, $0x303;
	v49 =	vsel vm1, $0x1, v0;
	[tilespmem:$0x1400] =	vst v3;
	vm1 =	vmand vm12, vm3  }
0x157: {  	[tilespmem:$0x1480] =	vst v3;
	v3 =	vld [tilespmem:$0x1A0];
	vm12 =	vlt.f32 v50, $8.999999760e-01;
	vm1 =	vmand vm2, vm1;
	vm2 =	vmand vm9, vm10  }
0x158: {  	[tilespmem:$0xF00] =	vst v30;
	vm13 =	vmor vm11, vm12;
	vm14 =	vmneg vm2  }
0x159: {  	v52 =	vld [tilespmem:$0x5A0];
	[tilespmem:$0xF80] =	vst v30;
	vm3 =	vmand vm13, vm14  }
0x15a: {  	[tilespmem:$0xE90] =	vst v34;
	vm15 =	vclass.f32 v2, $0xFC;
	vm8 =	vge.f32 v2, $8.999999760e-01;
	v2 =	vsel vm3, $0x1, v0  }
0x15b: {  	vm4 =	vmand vm15, vm8;
	[tilespmem:$0x1290] =	vst v2  }
0x15c: {  	vm10 =	vclass.f32 v3, $0xFC;
	vm9 =	vmand vm0, vm4;
	[tilespmem:$0x1310] =	vst v2  }
0x15d: {  	vm11 =	vgt.f32 v3, $5.000000000e-01;
	v3 =	vsel vm2, $0x1, v0;
	vm3 =	vmneg vm9;
	[tilespmem:$0x1390] =	vst v2;
	v2 =	vld [tilespmem:$0x3A0]  }
0x15e: {  	vm12 =	vclass.f32 v52, $0x303;
	v51 =	vsel vm1, $0x1, v0;
	[tilespmem:$0x1410] =	vst v3;
	vm1 =	vmand vm13, vm3  }
0x15f: {  	[tilespmem:$0x1490] =	vst v3;
	v3 =	vld [tilespmem:$0x1B0];
	vm13 =	vlt.f32 v52, $8.999999760e-01;
	vm1 =	vmand vm2, vm1;
	vm2 =	vmand vm10, vm11  }
0x160: {  	[tilespmem:$0xF10] =	vst v34;
	vm14 =	vmor vm12, vm13;
	vm15 =	vmneg vm2  }
0x161: {  	v54 =	vld [tilespmem:$0x5B0];
	[tilespmem:$0xF90] =	vst v34;
	vm3 =	vmand vm14, vm15  }
0x162: {  	[tilespmem:$0x1110] =	vst v37;
	vm8 =	vclass.f32 v2, $0xFC;
	vm9 =	vge.f32 v2, $8.999999760e-01;
	v2 =	vsel vm3, $0x1, v0  }
0x163: {  	vm4 =	vmand vm8, vm9;
	[tilespmem:$0x12A0] =	vst v2  }
0x164: {  	vm11 =	vclass.f32 v3, $0xFC;
	[tilespmem:$0x1320] =	vst v2;
	vm10 =	vmand vm0, vm4  }
0x165: {  	vm12 =	vgt.f32 v3, $5.000000000e-01;
	v3 =	vsel vm2, $0x1, v0;
	[tilespmem:$0x13A0] =	vst v2;
	v2 =	vld [tilespmem:$0x3B0];
	vm3 =	vmneg vm10  }
0x166: {  	vm13 =	vclass.f32 v54, $0x303;
	v53 =	vsel vm1, $0x1, v0;
	[tilespmem:$0x1420] =	vst v3;
	vm1 =	vmand vm14, vm3  }
0x167: {  	[tilespmem:$0x14A0] =	vst v3;
	v3 =	vld [tilespmem:$0x1C0];
	vm14 =	vlt.f32 v54, $8.999999760e-01;
	vm1 =	vmand vm2, vm1;
	vm2 =	vmand vm11, vm12  }
0x168: {  	[tilespmem:$0x1020] =	vst v38;
	vm15 =	vmor vm13, vm14;
	vm8 =	vmneg vm2  }
0x169: {  	v56 =	vld [tilespmem:$0x5C0];
	[tilespmem:$0x10A0] =	vst v38;
	vm3 =	vmand vm15, vm8  }
0x16a: {  	[tilespmem:$0x1120] =	vst v40;
	vm9 =	vclass.f32 v2, $0xFC;
	vm10 =	vge.f32 v2, $8.999999760e-01;
	v2 =	vsel vm3, $0x1, v0  }
0x16b: {  	vm4 =	vmand vm9, vm10;
	[tilespmem:$0x12B0] =	vst v2  }
0x16c: {  	vm12 =	vclass.f32 v3, $0xFC;
	vm11 =	vmand vm0, vm4;
	[tilespmem:$0x1330] =	vst v2  }
0x16d: {  	vm13 =	vgt.f32 v3, $5.000000000e-01;
	v3 =	vsel vm2, $0x1, v0;
	vm3 =	vmneg vm11;
	[tilespmem:$0x13B0] =	vst v2;
	v2 =	vld [tilespmem:$0x3C0]  }
0x16e: {  	vm14 =	vclass.f32 v56, $0x303;
	v55 =	vsel vm1, $0x1, v0;
	[tilespmem:$0x1430] =	vst v3;
	vm1 =	vmand vm15, vm3  }
0x16f: {  	[tilespmem:$0x14B0] =	vst v3;
	v3 =	vld [tilespmem:$0x1D0];
	vm15 =	vlt.f32 v56, $8.999999760e-01;
	vm1 =	vmand vm2, vm1;
	vm2 =	vmand vm12, vm13  }
0x170: {  	[tilespmem:$0xEB0] =	vst v41;
	vm8 =	vmor vm14, vm15;
	vm9 =	vmneg vm2  }
0x171: {  	v58 =	vld [tilespmem:$0x5D0];
	[tilespmem:$0xF30] =	vst v41;
	vm3 =	vmand vm8, vm9  }
0x172: {  	[tilespmem:$0xFB0] =	vst v41;
	vm10 =	vclass.f32 v2, $0xFC;
	vm11 =	vge.f32 v2, $8.999999760e-01;
	v2 =	vsel vm3, $0x1, v0  }
0x173: {  	vm4 =	vmand vm10, vm11;
	[tilespmem:$0x12C0] =	vst v2  }
0x174: {  	vm13 =	vclass.f32 v3, $0xFC;
	[tilespmem:$0x1340] =	vst v2;
	vm12 =	vmand vm0, vm4  }
0x175: {  	vm14 =	vgt.f32 v3, $5.000000000e-01;
	v3 =	vsel vm2, $0x1, v0;
	[tilespmem:$0x13C0] =	vst v2;
	v2 =	vld [tilespmem:$0x3D0];
	vm3 =	vmneg vm12  }
0x176: {  	vm15 =	vclass.f32 v58, $0x303;
	v57 =	vsel vm1, $0x1, v0;
	[tilespmem:$0x1440] =	vst v3;
	vm1 =	vmand vm8, vm3  }
0x177: {  	[tilespmem:$0x14C0] =	vst v3;
	v3 =	vld [tilespmem:$0x1E0];
	vm8 =	vlt.f32 v58, $8.999999760e-01;
	vm1 =	vmand vm2, vm1;
	vm2 =	vmand vm13, vm14  }
0x178: {  	v60 =	vld [tilespmem:$0x5E0];
	[tilespmem:$0x1150] =	vst v45;
	vm9 =	vmor vm15, vm8;
	vm10 =	vmneg vm2  }
0x179: {  	[tilespmem:$0x1160] =	vst v47;
	vm3 =	vmand vm9, vm10  }
0x17a: {  	[tilespmem:$0x1170] =	vst v49;
	vm11 =	vclass.f32 v2, $0xFC;
	vm12 =	vge.f32 v2, $8.999999760e-01;
	v2 =	vsel vm3, $0x1, v0  }
0x17b: {  	vm4 =	vmand vm11, vm12;
	[tilespmem:$0x12D0] =	vst v2  }
0x17c: {  	vm14 =	vclass.f32 v3, $0xFC;
	vm13 =	vmand vm0, vm4;
	[tilespmem:$0x1350] =	vst v2  }
0x17d: {  	vm15 =	vgt.f32 v3, $5.000000000e-01;
	vm8 =	vclass.f32 v60, $0x303;
	vm3 =	vmneg vm13;
	[tilespmem:$0x13D0] =	vst v2;
	v2 =	vld [tilespmem:$0x3E0]  }
0x17e: {  	[tilespmem:$0x1500] =	vst v51;
	v59 =	vsel vm1, $0x1, v0;
	v3 =	vsel vm2, $0x1, v0;
	vm1 =	vmand vm9, vm3  }
0x17f: {  	[tilespmem:$0x1510] =	vst v53;
	vm9 =	vlt.f32 v60, $8.999999760e-01;
	vm1 =	vmand vm2, vm1;
	vm2 =	vmand vm14, vm15  }
0x180: {  	[tilespmem:$0x1450] =	vst v3;
	vm10 =	vmor vm8, vm9;
	vm11 =	vmneg vm2  }
0x181: {  	[tilespmem:$0x14D0] =	vst v3;
	v3 =	vld [tilespmem:$0x1F0];
	vm3 =	vmand vm10, vm11  }
0x182: {  	[tilespmem:$0x1520] =	vst v55;
	vm12 =	vclass.f32 v2, $0xFC;
	vm13 =	vge.f32 v2, $8.999999760e-01;
	v2 =	vsel vm3, $0x1, v0  }
0x183: {  	v62 =	vld [tilespmem:$0x5F0];
	[tilespmem:$0x12E0] =	vst v2  }
0x184: {  	[tilespmem:$0x1360] =	vst v2  }
0x185: {  	[tilespmem:$0x13E0] =	vst v2;
	v2 =	vld [tilespmem:$0x3F0]  }
0x186: {  	[tilespmem:$0x1530] =	vst v57;
	v61 =	vsel vm1, $0x1, v0;
	vm15 =	vclass.f32 v3, $0xFC;
	vm4 =	vmand vm12, vm13  }
0x187: {  	[tilespmem:$0x1540] =	vst v59;
	vm8 =	vgt.f32 v3, $5.000000000e-01;
	v3 =	vsel vm2, $0x1, v0;
	vm14 =	vmand vm0, vm4  }
0x188: {  	[tilespmem:$0x1460] =	vst v3;
	vm9 =	vmand vm15, vm8;
	vm11 =	vlt.f32 v62, $8.999999760e-01;
	vm3 =	vmneg vm14  }
0x189: {  	[tilespmem:$0x14E0] =	vst v3;
	v3 =	vsel vm9, $0x1, v0;
	vm13 =	vmneg vm9;
	vm1 =	vmand vm10, vm3  }
0x18a: {  	[tilespmem:$0x1550] =	vst v61;
	vm10 =	vclass.f32 v62, $0x303;
	vm14 =	vclass.f32 v2, $0xFC;
	vm15 =	vge.f32 v2, $8.999999760e-01  }
0x18b: {  	[tilespmem:$0x1470] =	vst v3;
	vm1 =	vmand vm2, vm1;
	vm12 =	vmor vm10, vm11;
	vm4 =	vmand vm14, vm15  }
0x18c: {  	[tilespmem:$0x14F0] =	vst v3;
	v63 =	vsel vm1, $0x1, v0;
	vm3 =	vmand vm12, vm13;
	vm0 =	vmand vm0, vm4  }
0x18d: {  	[tilespmem:$0x1560] =	vst v63;
	v2 =	vsel vm3, $0x1, v0;
	vm0 =	vmneg vm0  }
0x18e: {  	[tilespmem:$0x12F0] =	vst v2;
	vm0 =	vmand vm12, vm0  }
0x18f: {  	[tilespmem:$0x1370] =	vst v2;
	vm0 =	vmand vm9, vm0  }
0x190: {  	s25 =	rddreg [dreg:$0xc];
	[tilespmem:$0x13F0] =	vst v2;
	v2 =	vsel vm0, $0x1, v0  }
0x191: {  	s26 =	rddreg [dreg:$0xd];
	[tilespmem:$0x1570] =	vst v2  }
0x192: {  	[hbm4b:s5+s3] =	stream.linear.scatter [tilespmem:s25], [sflag:$0x1], $0x80, $0x38;
	[tilespmem:$0x2290] =	vst v63  }
0x193: {  	s18 =	rddreg [dreg:$0xe]  }
0x194: {  	[hbm4b:s26+s3] =	stream.linear.scatter [tilespmem:s18], [sflag:$0x1], $0x80, $0x38;
	[tilespmem:$0x2290] =	vst v63  }
0x195: {  	s29 =	sadd.s32 $0x100, s5;
	s28 =	rddreg [dreg:$0xf]  }
0x196: {  	[hbm4b:s29+s3] =	stream.linear.scatter [tilespmem:s28], [sflag:$0x1], $0x80, $0x38;
	[tilespmem:$0x2290] =	vst v63  }
0x197: {  	s31 =	sadd.s32 $0x180, s5;
	s30 =	rddreg [dreg:$0x10]  }
0x198: {  	[hbm4b:s31+s3] =	stream.linear.scatter [tilespmem:s30], [sflag:$0x1], $0x80, $0x38;
	[tilespmem:$0x2290] =	vst v63  }
0x199: {  	_ =	swait.ge [sflag:s13], $0x200  }
0x19a: {  	[sflag:s13] =	ssyncset.done $0x0  }
0x19b: {  	s17 =	rddreg [dreg:$0x11];
	[sflag:s13] =	ssyncadd.s32 $0xFFFFFE00  }
0x19c: {  	[hbm4b:s6+s3] =	stream.linear.scatter [tilespmem:s17], [sflag:$0x1], $0x80, $0x38;
	[tilespmem:$0x2290] =	vst v63  }
0x19d: {  	s19 =	sadd.s32 $0x80, s6;
	s18 =	rddreg [dreg:$0x12]  }
0x19e: {  	[hbm4b:s19+s3] =	stream.linear.scatter [tilespmem:s18], [sflag:$0x1], $0x80, $0x38;
	[tilespmem:$0x2290] =	vst v63  }
0x19f: {  	s21 =	sadd.s32 $0x100, s6;
	s20 =	rddreg [dreg:$0x13]  }
0x1a0: {  	[hbm4b:s21+s3] =	stream.linear.scatter [tilespmem:s20], [sflag:$0x1], $0x80, $0x38;
	[tilespmem:$0x2290] =	vst v63  }
0x1a1: {  	s23 =	sadd.s32 $0x180, s6;
	s22 =	rddreg [dreg:$0x14]  }
0x1a2: {  	[hbm4b:s23+s3] =	stream.linear.scatter [tilespmem:s22], [sflag:$0x1], $0x80, $0x38;
	[tilespmem:$0x2290] =	vst v63  }
0x1a3: {  	_ =	swait.ge [sflag:s13], $0x200  }
0x1a4: {  	[sflag:s13] =	ssyncset.done $0x0  }
0x1a5: {  	s24 =	rddreg [dreg:$0x15];
	[sflag:s13] =	ssyncadd.s32 $0xFFFFFE00  }
0x1a6: {  	[hbm4b:s7+s3] =	stream.linear.scatter [tilespmem:s24], [sflag:$0x1], $0x80, $0x38;
	[tilespmem:$0x2290] =	vst v63  }
0x1a7: {  	s26 =	sadd.s32 $0x80, s7;
	s25 =	rddreg [dreg:$0x16]  }
0x1a8: {  	[hbm4b:s26+s3] =	stream.linear.scatter [tilespmem:s25], [sflag:$0x1], $0x80, $0x38;
	[tilespmem:$0x2290] =	vst v63  }
0x1a9: {  	s29 =	sadd.s32 $0x100, s7;
	s28 =	rddreg [dreg:$0x17]  }
0x1aa: {  	[hbm4b:s29+s3] =	stream.linear.scatter [tilespmem:s28], [sflag:$0x1], $0x80, $0x38;
	[tilespmem:$0x2290] =	vst v63  }
0x1ab: {  	s31 =	sadd.s32 $0x180, s7;
	s30 =	rddreg [dreg:$0x18]  }
0x1ac: {  	[hbm4b:s31+s3] =	stream.linear.scatter [tilespmem:s30], [sflag:$0x1], $0x80, $0x38;
	[tilespmem:$0x2290] =	vst v63  }
0x1ad: {  	_ =	swait.ge [sflag:s13], $0x200  }
0x1ae: {  	[sflag:s13] =	ssyncset.done $0x0  }
0x1af: {  	s18 =	rddreg [dreg:$0x19];
	[sflag:s13] =	ssyncadd.s32 $0xFFFFFE00  }
0x1b0: {  	[hbm4b:s8+s3] =	stream.linear.scatter [tilespmem:s18], [sflag:$0x1], $0x80, $0x38;
	[tilespmem:$0x2290] =	vst v63  }
0x1b1: {  	s20 =	sadd.s32 $0x80, s8;
	s19 =	rddreg [dreg:$0x1a]  }
0x1b2: {  	[hbm4b:s20+s3] =	stream.linear.scatter [tilespmem:s19], [sflag:$0x1], $0x80, $0x38;
	[tilespmem:$0x2290] =	vst v63  }
0x1b3: {  	s22 =	sadd.s32 $0x100, s8;
	s21 =	rddreg [dreg:$0x1b]  }
0x1b4: {  	[hbm4b:s22+s3] =	stream.linear.scatter [tilespmem:s21], [sflag:$0x1], $0x80, $0x38;
	[tilespmem:$0x2290] =	vst v63  }
0x1b5: {  	s24 =	sadd.s32 $0x180, s8;
	s23 =	rddreg [dreg:$0x1c]  }
0x1b6: {  	[hbm4b:s24+s3] =	stream.linear.scatter [tilespmem:s23], [sflag:$0x1], $0x80, $0x38;
	[tilespmem:$0x2290] =	vst v63  }
0x1b7: {  	_ =	swait.ge [sflag:s13], $0x200  }
0x1b8: {  	s25 =	rddreg [dreg:$0x1d];
	[sflag:s13] =	ssyncset.done $0x0  }
0x1b9: {  	s26 =	rddreg [dreg:$0x1e];
	[sflag:s13] =	ssyncadd.s32 $0xFFFFFE00  }
0x1ba: {  	[hbm4b:s9+s3] =	stream.linear.scatter [tilespmem:s25], [sflag:$0x1], $0x80, $0x38;
	[tilespmem:$0x2290] =	vst v63  }
0x1bb: {  	s28 =	sadd.s32 $0x80, s9;
	s29 =	rddreg [dreg:$0x1f]  }
0x1bc: {  	[hbm4b:s28+s3] =	stream.linear.scatter [tilespmem:s26], [sflag:$0x1], $0x80, $0x38;
	[tilespmem:$0x2290] =	vst v63  }
0x1bd: {  	s30 =	sadd.s32 $0x100, s9;
	s31 =	sld [smem:$0x7F7]  }
0x1be: {  	[hbm4b:s30+s3] =	stream.linear.scatter [tilespmem:s29], [sflag:$0x1], $0x80, $0x38;
	[tilespmem:$0x2290] =	vst v63  }
0x1bf: {  	s18 =	sadd.s32 $0x180, s9  }
0x1c0: {  	[hbm4b:s18+s3] =	stream.linear.scatter [tilespmem:s31], [sflag:$0x1], $0x80, $0x38;
	[tilespmem:$0x2290] =	vst v63  }
0x1c1: {  	_ =	swait.ge [sflag:s13], $0x200  }
0x1c2: {  	s19 =	sld [smem:$0x7F8]  }
0x1c3: {  	[sflag:s13] =	ssyncset.done $0x0  }
0x1c4: {  	s20 =	sld [smem:$0x7F9];
	[sflag:s13] =	ssyncadd.s32 $0xFFFFFE00  }
0x1c5: {  	[hbm4b:s10+s3] =	stream.linear.scatter [tilespmem:s19], [sflag:$0x1], $0x80, $0x38;
	[tilespmem:$0x2290] =	vst v63  }
0x1c6: {  	s21 =	sadd.s32 $0x80, s10;
	s22 =	sld [smem:$0x7FA]  }
0x1c7: {  	[hbm4b:s21+s3] =	stream.linear.scatter [tilespmem:s20], [sflag:$0x1], $0x80, $0x38;
	[tilespmem:$0x2290] =	vst v63  }
0x1c8: {  	s23 =	sadd.s32 $0x100, s10;
	s24 =	sld [smem:$0x7FB]  }
0x1c9: {  	[hbm4b:s23+s3] =	stream.linear.scatter [tilespmem:s22], [sflag:$0x1], $0x80, $0x38;
	[tilespmem:$0x2290] =	vst v63  }
0x1ca: {  	s25 =	sadd.s32 $0x180, s10  }
0x1cb: {  	[hbm4b:s25+s3] =	stream.linear.scatter [tilespmem:s24], [sflag:$0x1], $0x80, $0x38;
	[tilespmem:$0x2290] =	vst v63  }
0x1cc: {  	_ =	swait.ge [sflag:s13], $0x200  }
0x1cd: {  	s26 =	sld [smem:$0x7FC]  }
0x1ce: {  	[sflag:s13] =	ssyncset.done $0x0  }
0x1cf: {  	s28 =	sld [smem:$0x7FD];
	[sflag:s13] =	ssyncadd.s32 $0xFFFFFE00  }
0x1d0: {  	[hbm4b:s11+s3] =	stream.linear.scatter [tilespmem:s26], [sflag:$0x1], $0x100, $0x38;
	[tilespmem:$0x2290] =	vst v63  }
0x1d1: {  	s29 =	sadd.s32 $0x80, s11  }
0x1d2: {  	[hbm4b:s29+s3] =	stream.linear.scatter [tilespmem:s28], [sflag:$0x1], $0x100, $0x38;
	[tilespmem:$0x2290] =	vst v63  }
0x1d3: {  	p0 =	sne.s32 s12, $0x1;
	s30 =	sadd.s32 $0x100, s11  }
0x1d4: {  	[hbm4b:s30+s3] =	stream.linear.scatter [tilespmem:s14], [sflag:$0x1], $0x100, $0x38;
	[tilespmem:$0x2290] =	vst v63  }
.Ltmp0:
0x1d5: {  	s31 =	sadd.s32 $0x180, s11;
	(pc) =	sbr.rel @p0 .LBB2_1-.Ltmp0, $4  }
0x1d6: {  	[hbm4b:s31+s3] =	stream.linear.scatter [tilespmem:s15], [sflag:$0x1], $0x100, $0x38;
	[tilespmem:$0x2290] =	vst v63  }
0x1d7: {  	_ =	swait.ge [sflag:s13], $0x400  }
0x1d8: {  	[sflag:s13] =	ssyncset.done $0x0  }
0x1d9: {  	s12 =	sadd.s32 $0xFFFFFFFF, s12;
	[sflag:s13] =	ssyncadd.s32 $0xFFFFFC00  }
0x1da: {  	_ =	sfence.sel $0x180000  }
0x1db: {  	[bflag:$0x0] =	sbarrier.arrive $0xFFFF  }
0x1dc: {  	p0 =	sne.s32 s1, $0x0;
	_ =	strace $0x90000047  }
0x1dd: {  	s0 =	sadd.s32 @!p0 $0x100000, s0;
	[bflag:$0x2] =	sbarrier.arrive $0xFFFF  }
0x1de: {  	[sflag:s0] =	ssyncadd.tile.s32 @!p0 $0x1;
	_ =	shalt  }
.Lfunc_end2:
_tile_overlayer_lowered:
.L_overlay_start_2:
0x1df: {  	(tag) =	ssettag $0x2  }
0x1e0: {  	s0 =	rddreg [dreg:$0x0];
	s2 =	stileid.u32  }
0x1e1: {  	s1 =	rddreg [dreg:$0x1];
	p0 =	sne.s32 s2, $0x0  }
0x1e2: {  	s3 =	rddreg [dreg:$0x2];
	[bflag:$0x3] =	sbarrier.arrive $0xFFFF;
	s2 =	simm.s32 @!p0 $0x1C01  }
0x1e3: {  	[timem:s3], [sflag:s2] =	dma.local @!p0 [hbm:s0], s1  }
0x1e4: {  	s0 =	simm.s32 @!p0 $0x1  }
0x1e5: {  	_ =	swait.ge @!p0 [sflag:s0], s1  }
0x1e6: {  	s1 =	ssub.s32 @!p0 $0x0, s1;
	[sflag:s0] =	ssyncset.done @!p0 $0x0  }
0x1e7: {  	[sflag:s0] =	ssyncadd.s32 @!p0 s1  }
0x1e8: {  	[bflag:$0x3] =	sbarrier.arrive $0xFFFF  }
0x1e9: {  	_ =	shalt  }

</sc_bundles>
